<compile_context>
chip_gen: v7x
topology: tpu7x:2x2x1
jax: 0.10.2.dev20260603
libtpu: 0.0.44.dev20260713+nightly
codegen_flags: <defaults>
</compile_context>

<pallas_src>
import jax
import jax.numpy as jnp
from jax import lax
from jax.experimental import pallas as pl
from jax.experimental.pallas import tpu as pltpu
from jax.experimental.pallas import tpu_sc as plsc

B = 16384
L = 200
E = 18
EP = 24
NC = 2
NS = 16
NW = NC * NS
RPW = B // NW
UNIT = 4
UENT = UNIT * L
BLK = 64
UPB = BLK // UNIT
NBLK = RPW // BLK
SH = 256
FLAT = RPW * E


def _phase_uid(w, uid72, uid_g, uid_out, ubuf, remv, sem):
    pltpu.sync_copy(uid_g.at[w], remv)
    pltpu.async_copy(uid72.at[remv], ubuf, sem).wait()
    pltpu.sync_copy(ubuf, uid_out.at[w])


def _phase_singles(w, mid_t, cat_t, mid_idx, cat_idx, mid_out, cat_out,
                   sbuf_a, remv, acc, sem):
    def pack_single(src):
        def row(r, carry):
            v0 = src[r, pl.ds(0, 16)]
            v1 = src[r, pl.ds(2, 16)]
            acc[pl.ds(18 * r, 16)] = v0
            acc[pl.ds(18 * r + 2, 16)] = v1
            return carry
        lax.fori_loop(0, RPW, row, 0)

    for tbl, idx_hbm, out in ((mid_t, mid_idx, mid_out),
                              (cat_t, cat_idx, cat_out)):
        pltpu.sync_copy(idx_hbm.at[w], remv)
        pltpu.async_copy(tbl.at[remv], sbuf_a, sem).wait()
        pack_single(sbuf_a)
        pltpu.sync_copy(acc.at[pl.ds(0, FLAT)], out.at[w])


def _phase_sim(w, cat_t, id1_idx, id2_idx, sim_out,
               sbuf_a, sbuf_b, remv, idxblk, acc, sem):
    pltpu.sync_copy(id1_idx.at[w], remv)
    cp1 = pltpu.async_copy(cat_t.at[remv], sbuf_a, sem)
    pltpu.sync_copy(id2_idx.at[w], idxblk.at[0, pl.ds(0, RPW)])
    cp2 = pltpu.async_copy(cat_t.at[idxblk.at[0, pl.ds(0, RPW)]], sbuf_b, sem)
    cp1.wait()
    cp2.wait()

    def sim_row(r, carry):
        a0 = sbuf_a[r, pl.ds(0, 16)]
        b0 = sbuf_b[r, pl.ds(0, 16)]
        a1 = sbuf_a[r, pl.ds(2, 16)]
        b1 = sbuf_b[r, pl.ds(2, 16)]
        acc[pl.ds(18 * r, 16)] = a0 + b0 + a0 * b0
        acc[pl.ds(18 * r + 2, 16)] = a1 + b1 + a1 * b1
        return carry

    lax.fori_loop(0, RPW, sim_row, 0)
    pltpu.sync_copy(acc.at[pl.ds(0, FLAT)], sim_out.at[w])


def _phase_his(w, mid_t, cat_t, mid_his, cat_his, hmid_out, hcat_out,
               idxblk, hrows, acc, sem, sem2):
    z16 = jnp.zeros((16,), jnp.float32)
    sems = (sem, sem2)
    for tbl, his_hbm, out in ((mid_t, mid_his, hmid_out),
                              (cat_t, cat_his, hcat_out)):
        def block_body(blk, bcarry, tbl=tbl, his_hbm=his_hbm):
            pltpu.sync_copy(his_hbm.at[w, blk], idxblk)
            pltpu.async_copy(tbl.at[idxblk.at[0]], hrows.at[0], sems[0])

            def unit_pair(u2, carry, tbl=tbl, blk=blk):
                for p in (0, 1):
                    u = 2 * u2 + p

                    @pl.when(u + 1 < UPB)
                    def _(tbl=tbl, u=u, p=p):
                        pltpu.async_copy(tbl.at[idxblk.at[u + 1]],
                                         hrows.at[1 - p], sems[1 - p])

                    pltpu.make_async_copy(tbl.at[idxblk.at[u]],
                                          hrows.at[p], sems[p]).wait()

                    for q in range(UNIT):
                        def accum(l8, ab, p=p, q=q):
                            a, b = ab
                            base = q * L + l8 * 8
                            lo = [hrows[p, base + i, pl.ds(0, 16)]
                                  for i in range(8)]
                            hi = [hrows[p, base + i, pl.ds(8, 16)]
                                  for i in range(8)]
                            lo = [lo[0] + lo[1], lo[2] + lo[3],
                                  lo[4] + lo[5], lo[6] + lo[7]]
                            hi = [hi[0] + hi[1], hi[2] + hi[3],
                                  hi[4] + hi[5], hi[6] + hi[7]]
                            lo = [lo[0] + lo[1], lo[2] + lo[3]]
                            hi = [hi[0] + hi[1], hi[2] + hi[3]]
                            return (a + (lo[0] + lo[1]),
                                    b + (hi[0] + hi[1]))
                        a, b = lax.fori_loop(0, L // 8, accum, (z16, z16))
                        r = blk * BLK + u * UNIT + q
                        acc[pl.ds(18 * r, 16)] = a
                        acc[pl.ds(18 * r + 8, 16)] = b
                return carry

            lax.fori_loop(0, UPB // 2, unit_pair, 0)
            return bcarry

        lax.fori_loop(0, NBLK, block_body, 0)
        pltpu.sync_copy(acc.at[pl.ds(0, FLAT)], out.at[w])


def _sc_body(uid72, mid_t, cat_t,
             uid_g, mid_idx, cat_idx, id1_idx, id2_idx,
             mid_his, cat_his,
             uid_out, mid_out, cat_out, sim_out, hmid_out, hcat_out,
             ubuf, sbuf_a, sbuf_b, remv, idxblk, hrows, acc, sem, sem2):
    c = lax.axis_index("c")
    s = lax.axis_index("s")
    w = s * NC + c
    _phase_uid(w, uid72, uid_g, uid_out, ubuf, remv, sem)
    _phase_singles(w, mid_t, cat_t, mid_idx, cat_idx, mid_out, cat_out,
                   sbuf_a, remv, acc, sem)
    _phase_sim(w, cat_t, id1_idx, id2_idx, sim_out,
               sbuf_a, sbuf_b, remv, idxblk, acc, sem)
    _phase_his(w, mid_t, cat_t, mid_his, cat_his, hmid_out, hcat_out,
               idxblk, hrows, acc, sem, sem2)


def _mlp_body(u72_ref, rem_ref, m_ref, c_ref, hm_ref, hc_ref,
              w1u, w1m, w1c, w1hm, w1hc, b1, w2, b2, w3, b3, y_ref):
    f32 = jnp.float32
    u72 = u72_ref[...]
    rem = rem_ref[...]
    u = u72[:, 0:18]
    for cshift in (18, 36, 54):
        u = jnp.where(rem == cshift, u72[:, cshift:cshift + 18], u)
    h = (jnp.dot(u, w1u[...], preferred_element_type=f32)
         + jnp.dot(m_ref[...], w1m[...], preferred_element_type=f32)
         + jnp.dot(c_ref[...], w1c[...], preferred_element_type=f32)
         + jnp.dot(hm_ref[...], w1hm[...], preferred_element_type=f32)
         + jnp.dot(hc_ref[...], w1hc[...], preferred_element_type=f32)
         + b1[...])
    h = jnp.maximum(h, 0.0)
    h = jnp.dot(h, w2[...], preferred_element_type=f32) + b2[...]
    h = jnp.maximum(h, 0.0)
    y_ref[...] = jnp.dot(h, w3[...], preferred_element_type=f32) + b3[...]


def _run_mlp(u72, rem, m, c, hm, hc, W1, b1, W2, b2, W3, b3):
    bB = 2048
    emb_spec = pl.BlockSpec((bB, E), lambda i: (i, 0))

    def full(shape):
        return pl.BlockSpec(shape, lambda i: tuple(0 for _ in shape))

    w1s = [W1[k * E:(k + 1) * E, :] for k in range(5)]
    return pl.pallas_call(
        _mlp_body,
        grid=(B // bB,),
        in_specs=[pl.BlockSpec((bB, 72), lambda i: (i, 0)),
                  pl.BlockSpec((bB, 1), lambda i: (i, 0))]
        + [emb_spec] * 4 + [full((E, 200))] * 5
        + [full((1, 200)), full((200, 80)), full((1, 80)),
           full((80, 1)), full((1, 1))],
        out_specs=pl.BlockSpec((bB, 1), lambda i: (i, 0)),
        out_shape=jax.ShapeDtypeStruct((B, 1), jnp.float32),
    )(u72, rem, m, c, hm, hc, *w1s, b1.reshape(1, 200), W2, b2.reshape(1, 80),
      W3, b3.reshape(1, 1))


def kernel(uid_batch_ph, mid_batch_ph, mid_his_batch_ph, cat_batch_ph,
           cat_his_batch_ph, mask, seq_len_ph, target_ph, lr, cat_id_1,
           cat_id_2, sim_target, uid_table, mid_table, cat_table,
           W1, b1, W2, b2, W3, b3):
    i32 = jnp.int32
    f32 = jnp.float32
    uid = uid_batch_ph.astype(i32)
    uid_g = (uid >> 2).reshape(NW, RPW)
    uid_r = (18 * (uid & 3)).reshape(B, 1)
    mid_i = mid_batch_ph.astype(i32).reshape(NW, RPW)
    cat_i = cat_batch_ph.astype(i32).reshape(NW, RPW)
    id1_i = cat_id_1.astype(i32).reshape(NW, RPW)
    id2_i = cat_id_2.astype(i32).reshape(NW, RPW)
    mid_h = mid_his_batch_ph.astype(i32).reshape(NW, NBLK, UPB, UENT)
    cat_h = cat_his_batch_ph.astype(i32).reshape(NW, NBLK, UPB, UENT)

    pad = [(0, 0), (0, EP - E)]
    uid72 = uid_table.reshape(-1, 72)
    mid24 = jnp.pad(mid_table, pad)
    cat24 = jnp.pad(cat_table, pad)

    out_flat = jax.ShapeDtypeStruct((NW, FLAT), f32)
    sc = pl.kernel(
        _sc_body,
        out_type=[jax.ShapeDtypeStruct((NW, RPW, 72), f32)] + [out_flat] * 5,
        mesh=plsc.VectorSubcoreMesh(core_axis_name="c", subcore_axis_name="s",
                                    num_cores=NC, num_subcores=NS),
        scratch_types=[
            pltpu.VMEM((RPW, 72), f32),
            pltpu.VMEM((RPW, EP), f32),
            pltpu.VMEM((RPW, EP), f32),
            pltpu.VMEM((RPW,), i32),
            pltpu.VMEM((UPB, UENT), i32),
            pltpu.VMEM((2, UENT, EP), f32),
            pltpu.VMEM((FLAT + 16,), f32),
            pltpu.SemaphoreType.DMA,
            pltpu.SemaphoreType.DMA,
        ],
        compiler_params=pltpu.CompilerParams(use_tc_tiling_on_sc=False),
    )
    uid_e, mid_e, cat_e, sim, hmid, hcat = sc(
        uid72, mid24, cat24,
        uid_g, mid_i, cat_i, id1_i, id2_i, mid_h, cat_h)

    y = _run_mlp(uid_e.reshape(B, 72), uid_r, mid_e.reshape(B, E),
                 cat_e.reshape(B, E), hmid.reshape(B, E), hcat.reshape(B, E),
                 W1, b1, W2, b2, W3, b3)
    return (y, sim.reshape(B, E))

# --- scband reference (transcript-rebuilt; emitter-appended) ---
"""Pipeline reference for scband-model-dnn-sim-deep-kernel-gp-61761629716925 (READ-ONLY COPY).

The authoritative reference and input builder live on the scoring server;
editing this copy changes nothing except your own understanding.
"""

import jax, jax.numpy as jnp
import numpy as np

B = 16384
L = 200
E = 18
N_UID = 1000000
N_MID = 1000000
N_CAT = 100000


def setup_inputs(seed: int = 0) -> dict:
    key = jax.random.key(seed)
    ks = jax.random.split(key, 20)
    inp = {}
    inp["uid_batch_ph"] = jax.random.randint(ks[0], (B,), 0, N_UID)
    inp["mid_batch_ph"] = jax.random.randint(ks[1], (B,), 0, N_MID)
    inp["mid_his_batch_ph"] = jax.random.randint(ks[2], (B, L), 0, N_MID)
    inp["cat_batch_ph"] = jax.random.randint(ks[3], (B,), 0, N_CAT)
    inp["cat_his_batch_ph"] = jax.random.randint(ks[4], (B, L), 0, N_CAT)
    inp["mask"] = jnp.ones((B, L), dtype=jnp.float32)
    inp["seq_len_ph"] = jax.random.randint(ks[5], (B,), 0, L)
    inp["target_ph"] = jnp.zeros((B, 2), dtype=jnp.float32)
    inp["lr"] = jnp.zeros((1,), dtype=jnp.float32)
    inp["cat_id_1"] = jax.random.randint(ks[6], (B,), 0, N_CAT)
    inp["cat_id_2"] = jax.random.randint(ks[7], (B,), 0, N_CAT)
    inp["sim_target"] = jnp.zeros((B,), dtype=jnp.float32)
    # learned parameters
    inp["uid_table"] = jax.random.normal(ks[8], (N_UID, E), dtype=jnp.float32) * 0.02
    inp["mid_table"] = jax.random.normal(ks[9], (N_MID, E), dtype=jnp.float32) * 0.02
    inp["cat_table"] = jax.random.normal(ks[10], (N_CAT, E), dtype=jnp.float32) * 0.02
    inp["W1"] = jax.random.normal(ks[11], (90, 200), dtype=jnp.float32) * 0.05
    inp["b1"] = jnp.zeros((200,), dtype=jnp.float32)
    inp["W2"] = jax.random.normal(ks[12], (200, 80), dtype=jnp.float32) * 0.05
    inp["b2"] = jnp.zeros((80,), dtype=jnp.float32)
    inp["W3"] = jax.random.normal(ks[13], (80, 1), dtype=jnp.float32) * 0.05
    inp["b3"] = jnp.zeros((1,), dtype=jnp.float32)
    return inp


def reference(uid_batch_ph, mid_batch_ph, mid_his_batch_ph, cat_batch_ph, cat_his_batch_ph,
              mask, seq_len_ph, target_ph, lr, cat_id_1, cat_id_2, sim_target,
              uid_table, mid_table, cat_table, W1, b1, W2, b2, W3, b3):
    uid_emb = jnp.take(uid_table, uid_batch_ph, axis=0)              # (B, E)
    mid_emb = jnp.take(mid_table, mid_batch_ph, axis=0)              # (B, E)
    mid_his_emb = jnp.take(mid_table, mid_his_batch_ph, axis=0)      # (B, L, E)
    cat_emb = jnp.take(cat_table, cat_batch_ph, axis=0)              # (B, E)
    cat_his_emb = jnp.take(cat_table, cat_his_batch_ph, axis=0)      # (B, L, E)
    item_eb = jnp.concatenate([mid_emb, cat_emb], axis=1)            # (B, 2E)
    item_his_eb = jnp.concatenate([mid_his_emb, cat_his_emb], axis=2)  # (B, L, 2E)
    item_his_eb_sum = jnp.sum(item_his_eb, axis=1)                   # (B, 2E)
    inp = jnp.concatenate([uid_emb, item_eb, item_his_eb_sum], axis=1)  # (B, 90)
    h = jax.nn.relu(inp @ W1 + b1)
    h = jax.nn.relu(h @ W2 + b2)
    y_logits = h @ W3 + b3                                           # (B, 1)
    id1 = jnp.take(cat_table, cat_id_1, axis=0)                      # (B, E)
    id2 = jnp.take(cat_table, cat_id_2, axis=0)                      # (B, E)
    sim_input = id1 + id2 + id1 * id2                                # (B, E)
    return (y_logits, sim_input)

if __name__ == "__main__":
    import jax
    _d = setup_inputs()
    print(jax.jit(kernel)(*tuple(_d.values())))

</pallas_src>

<mosaic_0001>
#map = affine_map<(d0, d1) -> (0, 0)>
#map1 = affine_map<(d0, d1) -> (0, 0, 0, 0)>
#map2 = affine_map<(d0, d1) -> (0, 0, 0)>
module attributes {stable_mosaic.version = 14 : i64} {
  func.func @_sc_body(%arg0: i32, %arg1: i32, %arg2: memref<250000x72xf32, #tpu.memory_space<hbm>>, %arg3: memref<1000000x24xf32, #tpu.memory_space<hbm>>, %arg4: memref<100000x24xf32, #tpu.memory_space<hbm>>, %arg5: memref<32x512xi32, #tpu.memory_space<hbm>>, %arg6: memref<32x512xi32, #tpu.memory_space<hbm>>, %arg7: memref<32x512xi32, #tpu.memory_space<hbm>>, %arg8: memref<32x512xi32, #tpu.memory_space<hbm>>, %arg9: memref<32x512xi32, #tpu.memory_space<hbm>>, %arg10: memref<32x8x16x800xi32, #tpu.memory_space<hbm>>, %arg11: memref<32x8x16x800xi32, #tpu.memory_space<hbm>>, %arg12: memref<32x512x72xf32, #tpu.memory_space<hbm>>, %arg13: memref<32x9216xf32, #tpu.memory_space<hbm>>, %arg14: memref<32x9216xf32, #tpu.memory_space<hbm>>, %arg15: memref<32x9216xf32, #tpu.memory_space<hbm>>, %arg16: memref<32x9216xf32, #tpu.memory_space<hbm>>, %arg17: memref<32x9216xf32, #tpu.memory_space<hbm>>, %arg18: memref<512x72xf32, #tpu.memory_space<vmem>>, %arg19: memref<512x24xf32, #tpu.memory_space<vmem>>, %arg20: memref<512x24xf32, #tpu.memory_space<vmem>>, %arg21: memref<512xi32, #tpu.memory_space<vmem>>, %arg22: memref<16x800xi32, #tpu.memory_space<vmem>>, %arg23: memref<2x800x24xf32, #tpu.memory_space<vmem>>, %arg24: memref<9232xf32, #tpu.memory_space<vmem>>, %arg25: memref<!tpu.dma_semaphore, #tpu.memory_space<semaphore_mem>>, %arg26: memref<!tpu.dma_semaphore, #tpu.memory_space<semaphore_mem>>) attributes {dimension_semantics = [#tpu.dimension_semantics<core_parallel>, #tpu.dimension_semantics<subcore_parallel>], iteration_bounds = array<i64: 2, 16>, scalar_prefetch = 0 : i64, scratch_operands = 9 : i64, tpu.core_type = #tpu.core_type<sc_vector_subcore>, window_params = [{transform_indices = #map}, {transform_indices = #map}, {transform_indices = #map}, {transform_indices = #map}, {transform_indices = #map}, {transform_indices = #map}, {transform_indices = #map}, {transform_indices = #map}, {transform_indices = #map1}, {transform_indices = #map1}, {transform_indices = #map2}, {transform_indices = #map}, {transform_indices = #map}, {transform_indices = #map}, {transform_indices = #map}, {transform_indices = #map}]} {
    %mul3A = arith.constant 2 : i32
    %mul3A_0 = arith.muli %arg1, %mul3A : i32
    %add3A = arith.addi %mul3A_0, %arg0 : i32
    "tpu.region"() ({
      %run_scoped3A_67 = tpu.sem_alloc : memref<!tpu.dma_semaphore, #tpu.memory_space<semaphore_mem>>
      %dma_start3A_68 = arith.constant 0 : i32
      %dma_start3A_69 = tpu.memref_slice %arg5[%add3A, %dma_start3A_68] : memref<32x512xi32, #tpu.memory_space<hbm>> -> memref<1x512xi32, #tpu.memory_space<hbm>>
      %dma_start3A_70 = tpu.memref_squeeze %dma_start3A_69 : memref<1x512xi32, #tpu.memory_space<hbm>> -> memref<512xi32, #tpu.memory_space<hbm>>
      %dma_start3A_71 = arith.constant 0 : i32
      %dma_start3A_72 = tpu.memref_slice %arg5[%add3A, %dma_start3A_71] : memref<32x512xi32, #tpu.memory_space<hbm>> -> memref<1x512xi32, #tpu.memory_space<hbm>>
      %dma_start3A_73 = tpu.memref_squeeze %dma_start3A_72 : memref<1x512xi32, #tpu.memory_space<hbm>> -> memref<512xi32, #tpu.memory_space<hbm>>
      tpu.enqueue_dma source(%dma_start3A_73 : memref<512xi32, #tpu.memory_space<hbm>>) target(%arg21 : memref<512xi32, #tpu.memory_space<vmem>>) target_semaphore(%run_scoped3A_67 : memref<!tpu.dma_semaphore, #tpu.memory_space<semaphore_mem>>)
      %dma_wait3A_74 = arith.constant 0 : i32
      %dma_wait3A_75 = tpu.memref_slice %arg5[%add3A, %dma_wait3A_74] : memref<32x512xi32, #tpu.memory_space<hbm>> -> memref<1x512xi32, #tpu.memory_space<hbm>>
      %dma_wait3A_76 = tpu.memref_squeeze %dma_wait3A_75 : memref<1x512xi32, #tpu.memory_space<hbm>> -> memref<512xi32, #tpu.memory_space<hbm>>
      %dma_wait3A_77 = arith.constant 0 : i32
      %dma_wait3A_78 = tpu.memref_slice %arg5[%add3A, %dma_wait3A_77] : memref<32x512xi32, #tpu.memory_space<hbm>> -> memref<1x512xi32, #tpu.memory_space<hbm>>
      %dma_wait3A_79 = tpu.memref_squeeze %dma_wait3A_78 : memref<1x512xi32, #tpu.memory_space<hbm>> -> memref<512xi32, #tpu.memory_space<hbm>>
      tpu.wait_dma2 semaphore(%run_scoped3A_67 : memref<!tpu.dma_semaphore, #tpu.memory_space<semaphore_mem>>) src(%dma_wait3A_79 : memref<512xi32, #tpu.memory_space<hbm>>) dst(%arg21 : memref<512xi32, #tpu.memory_space<vmem>>)
      tpu.yield
    }) : () -> ()
    %dma_start3A = arith.constant 0 : i32
    %dma_start3A_1 = arith.constant 0 : i32
    %dma_start3A_2 = tpu.memref_slice %arg2[%dma_start3A, %dma_start3A_1] : memref<250000x72xf32, #tpu.memory_space<hbm>> -> memref<250000x72xf32, #tpu.memory_space<hbm>>
    tpu.enqueue_indirect_dma source(%dma_start3A_2 : memref<250000x72xf32, #tpu.memory_space<hbm>>) target(%arg18 : memref<512x72xf32, #tpu.memory_space<vmem>>) offsets(%arg21 : memref<512xi32, #tpu.memory_space<vmem>>) semaphore(%arg25 : memref<!tpu.dma_semaphore, #tpu.memory_space<semaphore_mem>>)
    %dma_wait3A = arith.constant 0 : i32
    %dma_wait3A_3 = arith.constant 0 : i32
    %dma_wait3A_4 = tpu.memref_slice %arg2[%dma_wait3A, %dma_wait3A_3] : memref<250000x72xf32, #tpu.memory_space<hbm>> -> memref<250000x72xf32, #tpu.memory_space<hbm>>
    tpu.wait_indirect_dma semaphore(%arg25 : memref<!tpu.dma_semaphore, #tpu.memory_space<semaphore_mem>>) src(%dma_wait3A_4 : memref<250000x72xf32, #tpu.memory_space<hbm>>) dst(%arg18 : memref<512x72xf32, #tpu.memory_space<vmem>>)
    "tpu.region"() ({
      %run_scoped3A_67 = tpu.sem_alloc : memref<!tpu.dma_semaphore, #tpu.memory_space<semaphore_mem>>
      %dma_start3A_68 = arith.constant 0 : i32
      %dma_start3A_69 = arith.constant 0 : i32
      %dma_start3A_70 = tpu.memref_slice %arg12[%add3A, %dma_start3A_68, %dma_start3A_69] : memref<32x512x72xf32, #tpu.memory_space<hbm>> -> memref<1x512x72xf32, #tpu.memory_space<hbm>>
      %dma_start3A_71 = tpu.memref_squeeze %dma_start3A_70 : memref<1x512x72xf32, #tpu.memory_space<hbm>> -> memref<512x72xf32, #tpu.memory_space<hbm>>
      %dma_start3A_72 = arith.constant 0 : i32
      %dma_start3A_73 = arith.constant 0 : i32
      %dma_start3A_74 = tpu.memref_slice %arg12[%add3A, %dma_start3A_72, %dma_start3A_73] : memref<32x512x72xf32, #tpu.memory_space<hbm>> -> memref<1x512x72xf32, #tpu.memory_space<hbm>>
      %dma_start3A_75 = tpu.memref_squeeze %dma_start3A_74 : memref<1x512x72xf32, #tpu.memory_space<hbm>> -> memref<512x72xf32, #tpu.memory_space<hbm>>
      tpu.enqueue_dma source(%arg18 : memref<512x72xf32, #tpu.memory_space<vmem>>) target(%dma_start3A_75 : memref<512x72xf32, #tpu.memory_space<hbm>>) target_semaphore(%run_scoped3A_67 : memref<!tpu.dma_semaphore, #tpu.memory_space<semaphore_mem>>)
      %dma_wait3A_76 = arith.constant 0 : i32
      %dma_wait3A_77 = arith.constant 0 : i32
      %dma_wait3A_78 = tpu.memref_slice %arg12[%add3A, %dma_wait3A_76, %dma_wait3A_77] : memref<32x512x72xf32, #tpu.memory_space<hbm>> -> memref<1x512x72xf32, #tpu.memory_space<hbm>>
      %dma_wait3A_79 = tpu.memref_squeeze %dma_wait3A_78 : memref<1x512x72xf32, #tpu.memory_space<hbm>> -> memref<512x72xf32, #tpu.memory_space<hbm>>
      %dma_wait3A_80 = arith.constant 0 : i32
      %dma_wait3A_81 = arith.constant 0 : i32
      %dma_wait3A_82 = tpu.memref_slice %arg12[%add3A, %dma_wait3A_80, %dma_wait3A_81] : memref<32x512x72xf32, #tpu.memory_space<hbm>> -> memref<1x512x72xf32, #tpu.memory_space<hbm>>
      %dma_wait3A_83 = tpu.memref_squeeze %dma_wait3A_82 : memref<1x512x72xf32, #tpu.memory_space<hbm>> -> memref<512x72xf32, #tpu.memory_space<hbm>>
      tpu.wait_dma2 semaphore(%run_scoped3A_67 : memref<!tpu.dma_semaphore, #tpu.memory_space<semaphore_mem>>) src(%arg18 : memref<512x72xf32, #tpu.memory_space<vmem>>) dst(%dma_wait3A_83 : memref<512x72xf32, #tpu.memory_space<hbm>>)
      tpu.yield
    }) : () -> ()
    "tpu.region"() ({
      %run_scoped3A_67 = tpu.sem_alloc : memref<!tpu.dma_semaphore, #tpu.memory_space<semaphore_mem>>
      %dma_start3A_68 = arith.constant 0 : i32
      %dma_start3A_69 = tpu.memref_slice %arg6[%add3A, %dma_start3A_68] : memref<32x512xi32, #tpu.memory_space<hbm>> -> memref<1x512xi32, #tpu.memory_space<hbm>>
      %dma_start3A_70 = tpu.memref_squeeze %dma_start3A_69 : memref<1x512xi32, #tpu.memory_space<hbm>> -> memref<512xi32, #tpu.memory_space<hbm>>
      %dma_start3A_71 = arith.constant 0 : i32
      %dma_start3A_72 = tpu.memref_slice %arg6[%add3A, %dma_start3A_71] : memref<32x512xi32, #tpu.memory_space<hbm>> -> memref<1x512xi32, #tpu.memory_space<hbm>>
      %dma_start3A_73 = tpu.memref_squeeze %dma_start3A_72 : memref<1x512xi32, #tpu.memory_space<hbm>> -> memref<512xi32, #tpu.memory_space<hbm>>
      tpu.enqueue_dma source(%dma_start3A_73 : memref<512xi32, #tpu.memory_space<hbm>>) target(%arg21 : memref<512xi32, #tpu.memory_space<vmem>>) target_semaphore(%run_scoped3A_67 : memref<!tpu.dma_semaphore, #tpu.memory_space<semaphore_mem>>)
      %dma_wait3A_74 = arith.constant 0 : i32
      %dma_wait3A_75 = tpu.memref_slice %arg6[%add3A, %dma_wait3A_74] : memref<32x512xi32, #tpu.memory_space<hbm>> -> memref<1x512xi32, #tpu.memory_space<hbm>>
      %dma_wait3A_76 = tpu.memref_squeeze %dma_wait3A_75 : memref<1x512xi32, #tpu.memory_space<hbm>> -> memref<512xi32, #tpu.memory_space<hbm>>
      %dma_wait3A_77 = arith.constant 0 : i32
      %dma_wait3A_78 = tpu.memref_slice %arg6[%add3A, %dma_wait3A_77] : memref<32x512xi32, #tpu.memory_space<hbm>> -> memref<1x512xi32, #tpu.memory_space<hbm>>
      %dma_wait3A_79 = tpu.memref_squeeze %dma_wait3A_78 : memref<1x512xi32, #tpu.memory_space<hbm>> -> memref<512xi32, #tpu.memory_space<hbm>>
      tpu.wait_dma2 semaphore(%run_scoped3A_67 : memref<!tpu.dma_semaphore, #tpu.memory_space<semaphore_mem>>) src(%dma_wait3A_79 : memref<512xi32, #tpu.memory_space<hbm>>) dst(%arg21 : memref<512xi32, #tpu.memory_space<vmem>>)
      tpu.yield
    }) : () -> ()
    %dma_start3A_5 = arith.constant 0 : i32
    %dma_start3A_6 = arith.constant 0 : i32
    %dma_start3A_7 = tpu.memref_slice %arg3[%dma_start3A_5, %dma_start3A_6] : memref<1000000x24xf32, #tpu.memory_space<hbm>> -> memref<1000000x24xf32, #tpu.memory_space<hbm>>
    tpu.enqueue_indirect_dma source(%dma_start3A_7 : memref<1000000x24xf32, #tpu.memory_space<hbm>>) target(%arg19 : memref<512x24xf32, #tpu.memory_space<vmem>>) offsets(%arg21 : memref<512xi32, #tpu.memory_space<vmem>>) semaphore(%arg25 : memref<!tpu.dma_semaphore, #tpu.memory_space<semaphore_mem>>)
    %dma_wait3A_8 = arith.constant 0 : i32
    %dma_wait3A_9 = arith.constant 0 : i32
    %dma_wait3A_10 = tpu.memref_slice %arg3[%dma_wait3A_8, %dma_wait3A_9] : memref<1000000x24xf32, #tpu.memory_space<hbm>> -> memref<1000000x24xf32, #tpu.memory_space<hbm>>
    tpu.wait_indirect_dma semaphore(%arg25 : memref<!tpu.dma_semaphore, #tpu.memory_space<semaphore_mem>>) src(%dma_wait3A_10 : memref<1000000x24xf32, #tpu.memory_space<hbm>>) dst(%arg19 : memref<512x24xf32, #tpu.memory_space<vmem>>)
    %scan3A = arith.constant 0 : i32
    %scan3A_11 = arith.constant 0 : i32
    %scan3A_12 = arith.constant 512 : i32
    %scan3A_13 = arith.addi %scan3A_11, %scan3A_12 : i32
    %scan3A_14 = arith.constant 1 : i32
    scf.for %scan3A_67 = %scan3A_11 to %scan3A_13 step %scan3A_14  : i32 {
      %get3A = arith.index_cast %scan3A_67 : i32 to index
      %get3A_68 = arith.constant 0 : index
      %get3A_69 = tpu.vector_load %arg19[%get3A, %get3A_68] {strides = array<i32>} : memref<512x24xf32, #tpu.memory_space<vmem>>, vector<1x16xf32>,
      %get3A_70 = vector.shape_cast %get3A_69 : vector<1x16xf32> to vector<16xf32>
      %get3A_71 = arith.index_cast %scan3A_67 : i32 to index
      %get3A_72 = arith.constant 2 : index
      %get3A_73 = tpu.vector_load %arg19[%get3A_71, %get3A_72] {strides = array<i32>} : memref<512x24xf32, #tpu.memory_space<vmem>>, vector<1x16xf32>,
      %get3A_74 = vector.shape_cast %get3A_73 : vector<1x16xf32> to vector<16xf32>
      %mul3A_75 = arith.constant 18 : i32
      %mul3A_76 = arith.muli %mul3A_75, %scan3A_67 : i32
      %swap3A = arith.index_cast %mul3A_76 : i32 to index
      %swap3A_77 = tpu.vector_load %arg24[%swap3A] {strides = array<i32>} : memref<9232xf32, #tpu.memory_space<vmem>>, vector<16xf32>,
      %swap3A_78 = vector.shape_cast %swap3A_77 : vector<16xf32> to vector<16xf32>
      %swap3A_79 = vector.shape_cast %get3A_70 : vector<16xf32> to vector<16xf32>
      tpu.vector_store %arg24[%swap3A], %swap3A_79 {strides = array<i32>} : memref<9232xf32, #tpu.memory_space<vmem>>, vector<16xf32>,
      %mul3A_80 = arith.constant 18 : i32
      %mul3A_81 = arith.muli %mul3A_80, %scan3A_67 : i32
      %add3A_82 = arith.constant 2 : i32
      %add3A_83 = arith.addi %mul3A_81, %add3A_82 : i32
      %swap3A_84 = arith.index_cast %add3A_83 : i32 to index
      %swap3A_85 = tpu.vector_load %arg24[%swap3A_84] {strides = array<i32>} : memref<9232xf32, #tpu.memory_space<vmem>>, vector<16xf32>,
      %swap3A_86 = vector.shape_cast %swap3A_85 : vector<16xf32> to vector<16xf32>
      %swap3A_87 = vector.shape_cast %get3A_74 : vector<16xf32> to vector<16xf32>
      tpu.vector_store %arg24[%swap3A_84], %swap3A_87 {strides = array<i32>} : memref<9232xf32, #tpu.memory_space<vmem>>, vector<16xf32>,
    }
    %scan3A_15 = arith.constant 512 : i32
    "tpu.region"() ({
      %run_scoped3A_67 = tpu.sem_alloc : memref<!tpu.dma_semaphore, #tpu.memory_space<semaphore_mem>>
      %dma_start3A_68 = arith.constant 0 : i32
      %dma_start3A_69 = tpu.memref_slice %arg24[%dma_start3A_68] : memref<9232xf32, #tpu.memory_space<vmem>> -> memref<9216xf32, #tpu.memory_space<vmem>>
      %dma_start3A_70 = arith.constant 0 : i32
      %dma_start3A_71 = tpu.memref_slice %arg13[%add3A, %dma_start3A_70] : memref<32x9216xf32, #tpu.memory_space<hbm>> -> memref<1x9216xf32, #tpu.memory_space<hbm>>
      %dma_start3A_72 = tpu.memref_squeeze %dma_start3A_71 : memref<1x9216xf32, #tpu.memory_space<hbm>> -> memref<9216xf32, #tpu.memory_space<hbm>>
      %dma_start3A_73 = arith.constant 0 : i32
      %dma_start3A_74 = tpu.memref_slice %arg13[%add3A, %dma_start3A_73] : memref<32x9216xf32, #tpu.memory_space<hbm>> -> memref<1x9216xf32, #tpu.memory_space<hbm>>
      %dma_start3A_75 = tpu.memref_squeeze %dma_start3A_74 : memref<1x9216xf32, #tpu.memory_space<hbm>> -> memref<9216xf32, #tpu.memory_space<hbm>>
      %dma_start3A_76 = arith.constant 0 : i32
      %dma_start3A_77 = tpu.memref_slice %arg24[%dma_start3A_76] : memref<9232xf32, #tpu.memory_space<vmem>> -> memref<9216xf32, #tpu.memory_space<vmem>>
      tpu.enqueue_dma source(%dma_start3A_77 : memref<9216xf32, #tpu.memory_space<vmem>>) target(%dma_start3A_75 : memref<9216xf32, #tpu.memory_space<hbm>>) target_semaphore(%run_scoped3A_67 : memref<!tpu.dma_semaphore, #tpu.memory_space<semaphore_mem>>)
      %dma_wait3A_78 = arith.constant 0 : i32
      %dma_wait3A_79 = tpu.memref_slice %arg24[%dma_wait3A_78] : memref<9232xf32, #tpu.memory_space<vmem>> -> memref<9216xf32, #tpu.memory_space<vmem>>
      %dma_wait3A_80 = arith.constant 0 : i32
      %dma_wait3A_81 = tpu.memref_slice %arg13[%add3A, %dma_wait3A_80] : memref<32x9216xf32, #tpu.memory_space<hbm>> -> memref<1x9216xf32, #tpu.memory_space<hbm>>
      %dma_wait3A_82 = tpu.memref_squeeze %dma_wait3A_81 : memref<1x9216xf32, #tpu.memory_space<hbm>> -> memref<9216xf32, #tpu.memory_space<hbm>>
      %dma_wait3A_83 = arith.constant 0 : i32
      %dma_wait3A_84 = tpu.memref_slice %arg13[%add3A, %dma_wait3A_83] : memref<32x9216xf32, #tpu.memory_space<hbm>> -> memref<1x9216xf32, #tpu.memory_space<hbm>>
      %dma_wait3A_85 = tpu.memref_squeeze %dma_wait3A_84 : memref<1x9216xf32, #tpu.memory_space<hbm>> -> memref<9216xf32, #tpu.memory_space<hbm>>
      %dma_wait3A_86 = arith.constant 0 : i32
      %dma_wait3A_87 = tpu.memref_slice %arg24[%dma_wait3A_86] : memref<9232xf32, #tpu.memory_space<vmem>> -> memref<9216xf32, #tpu.memory_space<vmem>>
      tpu.wait_dma2 semaphore(%run_scoped3A_67 : memref<!tpu.dma_semaphore, #tpu.memory_space<semaphore_mem>>) src(%dma_wait3A_87 : memref<9216xf32, #tpu.memory_space<vmem>>) dst(%dma_wait3A_85 : memref<9216xf32, #tpu.memory_space<hbm>>)
      tpu.yield
    }) : () -> ()
    "tpu.region"() ({
      %run_scoped3A_67 = tpu.sem_alloc : memref<!tpu.dma_semaphore, #tpu.memory_space<semaphore_mem>>
      %dma_start3A_68 = arith.constant 0 : i32
      %dma_start3A_69 = tpu.memref_slice %arg7[%add3A, %dma_start3A_68] : memref<32x512xi32, #tpu.memory_space<hbm>> -> memref<1x512xi32, #tpu.memory_space<hbm>>
      %dma_start3A_70 = tpu.memref_squeeze %dma_start3A_69 : memref<1x512xi32, #tpu.memory_space<hbm>> -> memref<512xi32, #tpu.memory_space<hbm>>
      %dma_start3A_71 = arith.constant 0 : i32
      %dma_start3A_72 = tpu.memref_slice %arg7[%add3A, %dma_start3A_71] : memref<32x512xi32, #tpu.memory_space<hbm>> -> memref<1x512xi32, #tpu.memory_space<hbm>>
      %dma_start3A_73 = tpu.memref_squeeze %dma_start3A_72 : memref<1x512xi32, #tpu.memory_space<hbm>> -> memref<512xi32, #tpu.memory_space<hbm>>
      tpu.enqueue_dma source(%dma_start3A_73 : memref<512xi32, #tpu.memory_space<hbm>>) target(%arg21 : memref<512xi32, #tpu.memory_space<vmem>>) target_semaphore(%run_scoped3A_67 : memref<!tpu.dma_semaphore, #tpu.memory_space<semaphore_mem>>)
      %dma_wait3A_74 = arith.constant 0 : i32
      %dma_wait3A_75 = tpu.memref_slice %arg7[%add3A, %dma_wait3A_74] : memref<32x512xi32, #tpu.memory_space<hbm>> -> memref<1x512xi32, #tpu.memory_space<hbm>>
      %dma_wait3A_76 = tpu.memref_squeeze %dma_wait3A_75 : memref<1x512xi32, #tpu.memory_space<hbm>> -> memref<512xi32, #tpu.memory_space<hbm>>
      %dma_wait3A_77 = arith.constant 0 : i32
      %dma_wait3A_78 = tpu.memref_slice %arg7[%add3A, %dma_wait3A_77] : memref<32x512xi32, #tpu.memory_space<hbm>> -> memref<1x512xi32, #tpu.memory_space<hbm>>
      %dma_wait3A_79 = tpu.memref_squeeze %dma_wait3A_78 : memref<1x512xi32, #tpu.memory_space<hbm>> -> memref<512xi32, #tpu.memory_space<hbm>>
      tpu.wait_dma2 semaphore(%run_scoped3A_67 : memref<!tpu.dma_semaphore, #tpu.memory_space<semaphore_mem>>) src(%dma_wait3A_79 : memref<512xi32, #tpu.memory_space<hbm>>) dst(%arg21 : memref<512xi32, #tpu.memory_space<vmem>>)
      tpu.yield
    }) : () -> ()
    %dma_start3A_16 = arith.constant 0 : i32
    %dma_start3A_17 = arith.constant 0 : i32
    %dma_start3A_18 = tpu.memref_slice %arg4[%dma_start3A_16, %dma_start3A_17] : memref<100000x24xf32, #tpu.memory_space<hbm>> -> memref<100000x24xf32, #tpu.memory_space<hbm>>
    tpu.enqueue_indirect_dma source(%dma_start3A_18 : memref<100000x24xf32, #tpu.memory_space<hbm>>) target(%arg19 : memref<512x24xf32, #tpu.memory_space<vmem>>) offsets(%arg21 : memref<512xi32, #tpu.memory_space<vmem>>) semaphore(%arg25 : memref<!tpu.dma_semaphore, #tpu.memory_space<semaphore_mem>>)
    %dma_wait3A_19 = arith.constant 0 : i32
    %dma_wait3A_20 = arith.constant 0 : i32
    %dma_wait3A_21 = tpu.memref_slice %arg4[%dma_wait3A_19, %dma_wait3A_20] : memref<100000x24xf32, #tpu.memory_space<hbm>> -> memref<100000x24xf32, #tpu.memory_space<hbm>>
    tpu.wait_indirect_dma semaphore(%arg25 : memref<!tpu.dma_semaphore, #tpu.memory_space<semaphore_mem>>) src(%dma_wait3A_21 : memref<100000x24xf32, #tpu.memory_space<hbm>>) dst(%arg19 : memref<512x24xf32, #tpu.memory_space<vmem>>)
    %scan3A_22 = arith.constant 0 : i32
    %scan3A_23 = arith.constant 0 : i32
    %scan3A_24 = arith.constant 512 : i32
    %scan3A_25 = arith.addi %scan3A_23, %scan3A_24 : i32
    %scan3A_26 = arith.constant 1 : i32
    scf.for %scan3A_67 = %scan3A_23 to %scan3A_25 step %scan3A_26  : i32 {
      %get3A = arith.index_cast %scan3A_67 : i32 to index
      %get3A_68 = arith.constant 0 : index
      %get3A_69 = tpu.vector_load %arg19[%get3A, %get3A_68] {strides = array<i32>} : memref<512x24xf32, #tpu.memory_space<vmem>>, vector<1x16xf32>,
      %get3A_70 = vector.shape_cast %get3A_69 : vector<1x16xf32> to vector<16xf32>
      %get3A_71 = arith.index_cast %scan3A_67 : i32 to index
      %get3A_72 = arith.constant 2 : index
      %get3A_73 = tpu.vector_load %arg19[%get3A_71, %get3A_72] {strides = array<i32>} : memref<512x24xf32, #tpu.memory_space<vmem>>, vector<1x16xf32>,
      %get3A_74 = vector.shape_cast %get3A_73 : vector<1x16xf32> to vector<16xf32>
      %mul3A_75 = arith.constant 18 : i32
      %mul3A_76 = arith.muli %mul3A_75, %scan3A_67 : i32
      %swap3A = arith.index_cast %mul3A_76 : i32 to index
      %swap3A_77 = tpu.vector_load %arg24[%swap3A] {strides = array<i32>} : memref<9232xf32, #tpu.memory_space<vmem>>, vector<16xf32>,
      %swap3A_78 = vector.shape_cast %swap3A_77 : vector<16xf32> to vector<16xf32>
      %swap3A_79 = vector.shape_cast %get3A_70 : vector<16xf32> to vector<16xf32>
      tpu.vector_store %arg24[%swap3A], %swap3A_79 {strides = array<i32>} : memref<9232xf32, #tpu.memory_space<vmem>>, vector<16xf32>,
      %mul3A_80 = arith.constant 18 : i32
      %mul3A_81 = arith.muli %mul3A_80, %scan3A_67 : i32
      %add3A_82 = arith.constant 2 : i32
      %add3A_83 = arith.addi %mul3A_81, %add3A_82 : i32
      %swap3A_84 = arith.index_cast %add3A_83 : i32 to index
      %swap3A_85 = tpu.vector_load %arg24[%swap3A_84] {strides = array<i32>} : memref<9232xf32, #tpu.memory_space<vmem>>, vector<16xf32>,
      %swap3A_86 = vector.shape_cast %swap3A_85 : vector<16xf32> to vector<16xf32>
      %swap3A_87 = vector.shape_cast %get3A_74 : vector<16xf32> to vector<16xf32>
      tpu.vector_store %arg24[%swap3A_84], %swap3A_87 {strides = array<i32>} : memref<9232xf32, #tpu.memory_space<vmem>>, vector<16xf32>,
    }
    %scan3A_27 = arith.constant 512 : i32
    "tpu.region"() ({
      %run_scoped3A_67 = tpu.sem_alloc : memref<!tpu.dma_semaphore, #tpu.memory_space<semaphore_mem>>
      %dma_start3A_68 = arith.constant 0 : i32
      %dma_start3A_69 = tpu.memref_slice %arg24[%dma_start3A_68] : memref<9232xf32, #tpu.memory_space<vmem>> -> memref<9216xf32, #tpu.memory_space<vmem>>
      %dma_start3A_70 = arith.constant 0 : i32
      %dma_start3A_71 = tpu.memref_slice %arg14[%add3A, %dma_start3A_70] : memref<32x9216xf32, #tpu.memory_space<hbm>> -> memref<1x9216xf32, #tpu.memory_space<hbm>>
      %dma_start3A_72 = tpu.memref_squeeze %dma_start3A_71 : memref<1x9216xf32, #tpu.memory_space<hbm>> -> memref<9216xf32, #tpu.memory_space<hbm>>
      %dma_start3A_73 = arith.constant 0 : i32
      %dma_start3A_74 = tpu.memref_slice %arg14[%add3A, %dma_start3A_73] : memref<32x9216xf32, #tpu.memory_space<hbm>> -> memref<1x9216xf32, #tpu.memory_space<hbm>>
      %dma_start3A_75 = tpu.memref_squeeze %dma_start3A_74 : memref<1x9216xf32, #tpu.memory_space<hbm>> -> memref<9216xf32, #tpu.memory_space<hbm>>
      %dma_start3A_76 = arith.constant 0 : i32
      %dma_start3A_77 = tpu.memref_slice %arg24[%dma_start3A_76] : memref<9232xf32, #tpu.memory_space<vmem>> -> memref<9216xf32, #tpu.memory_space<vmem>>
      tpu.enqueue_dma source(%dma_start3A_77 : memref<9216xf32, #tpu.memory_space<vmem>>) target(%dma_start3A_75 : memref<9216xf32, #tpu.memory_space<hbm>>) target_semaphore(%run_scoped3A_67 : memref<!tpu.dma_semaphore, #tpu.memory_space<semaphore_mem>>)
      %dma_wait3A_78 = arith.constant 0 : i32
      %dma_wait3A_79 = tpu.memref_slice %arg24[%dma_wait3A_78] : memref<9232xf32, #tpu.memory_space<vmem>> -> memref<9216xf32, #tpu.memory_space<vmem>>
      %dma_wait3A_80 = arith.constant 0 : i32
      %dma_wait3A_81 = tpu.memref_slice %arg14[%add3A, %dma_wait3A_80] : memref<32x9216xf32, #tpu.memory_space<hbm>> -> memref<1x9216xf32, #tpu.memory_space<hbm>>
      %dma_wait3A_82 = tpu.memref_squeeze %dma_wait3A_81 : memref<1x9216xf32, #tpu.memory_space<hbm>> -> memref<9216xf32, #tpu.memory_space<hbm>>
      %dma_wait3A_83 = arith.constant 0 : i32
      %dma_wait3A_84 = tpu.memref_slice %arg14[%add3A, %dma_wait3A_83] : memref<32x9216xf32, #tpu.memory_space<hbm>> -> memref<1x9216xf32, #tpu.memory_space<hbm>>
      %dma_wait3A_85 = tpu.memref_squeeze %dma_wait3A_84 : memref<1x9216xf32, #tpu.memory_space<hbm>> -> memref<9216xf32, #tpu.memory_space<hbm>>
      %dma_wait3A_86 = arith.constant 0 : i32
      %dma_wait3A_87 = tpu.memref_slice %arg24[%dma_wait3A_86] : memref<9232xf32, #tpu.memory_space<vmem>> -> memref<9216xf32, #tpu.memory_space<vmem>>
      tpu.wait_dma2 semaphore(%run_scoped3A_67 : memref<!tpu.dma_semaphore, #tpu.memory_space<semaphore_mem>>) src(%dma_wait3A_87 : memref<9216xf32, #tpu.memory_space<vmem>>) dst(%dma_wait3A_85 : memref<9216xf32, #tpu.memory_space<hbm>>)
      tpu.yield
    }) : () -> ()
    "tpu.region"() ({
      %run_scoped3A_67 = tpu.sem_alloc : memref<!tpu.dma_semaphore, #tpu.memory_space<semaphore_mem>>
      %dma_start3A_68 = arith.constant 0 : i32
      %dma_start3A_69 = tpu.memref_slice %arg8[%add3A, %dma_start3A_68] : memref<32x512xi32, #tpu.memory_space<hbm>> -> memref<1x512xi32, #tpu.memory_space<hbm>>
      %dma_start3A_70 = tpu.memref_squeeze %dma_start3A_69 : memref<1x512xi32, #tpu.memory_space<hbm>> -> memref<512xi32, #tpu.memory_space<hbm>>
      %dma_start3A_71 = arith.constant 0 : i32
      %dma_start3A_72 = tpu.memref_slice %arg8[%add3A, %dma_start3A_71] : memref<32x512xi32, #tpu.memory_space<hbm>> -> memref<1x512xi32, #tpu.memory_space<hbm>>
      %dma_start3A_73 = tpu.memref_squeeze %dma_start3A_72 : memref<1x512xi32, #tpu.memory_space<hbm>> -> memref<512xi32, #tpu.memory_space<hbm>>
      tpu.enqueue_dma source(%dma_start3A_73 : memref<512xi32, #tpu.memory_space<hbm>>) target(%arg21 : memref<512xi32, #tpu.memory_space<vmem>>) target_semaphore(%run_scoped3A_67 : memref<!tpu.dma_semaphore, #tpu.memory_space<semaphore_mem>>)
      %dma_wait3A_74 = arith.constant 0 : i32
      %dma_wait3A_75 = tpu.memref_slice %arg8[%add3A, %dma_wait3A_74] : memref<32x512xi32, #tpu.memory_space<hbm>> -> memref<1x512xi32, #tpu.memory_space<hbm>>
      %dma_wait3A_76 = tpu.memref_squeeze %dma_wait3A_75 : memref<1x512xi32, #tpu.memory_space<hbm>> -> memref<512xi32, #tpu.memory_space<hbm>>
      %dma_wait3A_77 = arith.constant 0 : i32
      %dma_wait3A_78 = tpu.memref_slice %arg8[%add3A, %dma_wait3A_77] : memref<32x512xi32, #tpu.memory_space<hbm>> -> memref<1x512xi32, #tpu.memory_space<hbm>>
      %dma_wait3A_79 = tpu.memref_squeeze %dma_wait3A_78 : memref<1x512xi32, #tpu.memory_space<hbm>> -> memref<512xi32, #tpu.memory_space<hbm>>
      tpu.wait_dma2 semaphore(%run_scoped3A_67 : memref<!tpu.dma_semaphore, #tpu.memory_space<semaphore_mem>>) src(%dma_wait3A_79 : memref<512xi32, #tpu.memory_space<hbm>>) dst(%arg21 : memref<512xi32, #tpu.memory_space<vmem>>)
      tpu.yield
    }) : () -> ()
    %dma_start3A_28 = arith.constant 0 : i32
    %dma_start3A_29 = arith.constant 0 : i32
    %dma_start3A_30 = tpu.memref_slice %arg4[%dma_start3A_28, %dma_start3A_29] : memref<100000x24xf32, #tpu.memory_space<hbm>> -> memref<100000x24xf32, #tpu.memory_space<hbm>>
    tpu.enqueue_indirect_dma source(%dma_start3A_30 : memref<100000x24xf32, #tpu.memory_space<hbm>>) target(%arg19 : memref<512x24xf32, #tpu.memory_space<vmem>>) offsets(%arg21 : memref<512xi32, #tpu.memory_space<vmem>>) semaphore(%arg25 : memref<!tpu.dma_semaphore, #tpu.memory_space<semaphore_mem>>)
    %run_scoped3A = arith.constant 0 : i32
    "tpu.region"() ({
      %run_scoped3A_67 = tpu.sem_alloc : memref<!tpu.dma_semaphore, #tpu.memory_space<semaphore_mem>>
      %dma_start3A_68 = arith.constant 0 : i32
      %dma_start3A_69 = tpu.memref_slice %arg22[%run_scoped3A, %dma_start3A_68] : memref<16x800xi32, #tpu.memory_space<vmem>> -> memref<1x512xi32, #tpu.memory_space<vmem>>
      %dma_start3A_70 = tpu.memref_squeeze %dma_start3A_69 : memref<1x512xi32, #tpu.memory_space<vmem>> -> memref<512xi32, #tpu.memory_space<vmem>>
      %dma_start3A_71 = arith.constant 0 : i32
      %dma_start3A_72 = tpu.memref_slice %arg9[%add3A, %dma_start3A_71] : memref<32x512xi32, #tpu.memory_space<hbm>> -> memref<1x512xi32, #tpu.memory_space<hbm>>
      %dma_start3A_73 = tpu.memref_squeeze %dma_start3A_72 : memref<1x512xi32, #tpu.memory_space<hbm>> -> memref<512xi32, #tpu.memory_space<hbm>>
      %dma_start3A_74 = arith.constant 0 : i32
      %dma_start3A_75 = tpu.memref_slice %arg22[%run_scoped3A, %dma_start3A_74] : memref<16x800xi32, #tpu.memory_space<vmem>> -> memref<1x512xi32, #tpu.memory_space<vmem>>
      %dma_start3A_76 = tpu.memref_squeeze %dma_start3A_75 : memref<1x512xi32, #tpu.memory_space<vmem>> -> memref<512xi32, #tpu.memory_space<vmem>>
      %dma_start3A_77 = arith.constant 0 : i32
      %dma_start3A_78 = tpu.memref_slice %arg9[%add3A, %dma_start3A_77] : memref<32x512xi32, #tpu.memory_space<hbm>> -> memref<1x512xi32, #tpu.memory_space<hbm>>
      %dma_start3A_79 = tpu.memref_squeeze %dma_start3A_78 : memref<1x512xi32, #tpu.memory_space<hbm>> -> memref<512xi32, #tpu.memory_space<hbm>>
      tpu.enqueue_dma source(%dma_start3A_79 : memref<512xi32, #tpu.memory_space<hbm>>) target(%dma_start3A_76 : memref<512xi32, #tpu.memory_space<vmem>>) target_semaphore(%run_scoped3A_67 : memref<!tpu.dma_semaphore, #tpu.memory_space<semaphore_mem>>)
      %dma_wait3A_80 = arith.constant 0 : i32
      %dma_wait3A_81 = tpu.memref_slice %arg22[%run_scoped3A, %dma_wait3A_80] : memref<16x800xi32, #tpu.memory_space<vmem>> -> memref<1x512xi32, #tpu.memory_space<vmem>>
      %dma_wait3A_82 = tpu.memref_squeeze %dma_wait3A_81 : memref<1x512xi32, #tpu.memory_space<vmem>> -> memref<512xi32, #tpu.memory_space<vmem>>
      %dma_wait3A_83 = arith.constant 0 : i32
      %dma_wait3A_84 = tpu.memref_slice %arg9[%add3A, %dma_wait3A_83] : memref<32x512xi32, #tpu.memory_space<hbm>> -> memref<1x512xi32, #tpu.memory_space<hbm>>
      %dma_wait3A_85 = tpu.memref_squeeze %dma_wait3A_84 : memref<1x512xi32, #tpu.memory_space<hbm>> -> memref<512xi32, #tpu.memory_space<hbm>>
      %dma_wait3A_86 = arith.constant 0 : i32
      %dma_wait3A_87 = tpu.memref_slice %arg22[%run_scoped3A, %dma_wait3A_86] : memref<16x800xi32, #tpu.memory_space<vmem>> -> memref<1x512xi32, #tpu.memory_space<vmem>>
      %dma_wait3A_88 = tpu.memref_squeeze %dma_wait3A_87 : memref<1x512xi32, #tpu.memory_space<vmem>> -> memref<512xi32, #tpu.memory_space<vmem>>
      %dma_wait3A_89 = arith.constant 0 : i32
      %dma_wait3A_90 = tpu.memref_slice %arg9[%add3A, %dma_wait3A_89] : memref<32x512xi32, #tpu.memory_space<hbm>> -> memref<1x512xi32, #tpu.memory_space<hbm>>
      %dma_wait3A_91 = tpu.memref_squeeze %dma_wait3A_90 : memref<1x512xi32, #tpu.memory_space<hbm>> -> memref<512xi32, #tpu.memory_space<hbm>>
      tpu.wait_dma2 semaphore(%run_scoped3A_67 : memref<!tpu.dma_semaphore, #tpu.memory_space<semaphore_mem>>) src(%dma_wait3A_91 : memref<512xi32, #tpu.memory_space<hbm>>) dst(%dma_wait3A_88 : memref<512xi32, #tpu.memory_space<vmem>>)
      tpu.yield
    }) : () -> ()
    %dma_start3A_31 = arith.constant 0 : i32
    %dma_start3A_32 = arith.constant 0 : i32
    %dma_start3A_33 = tpu.memref_slice %arg22[%dma_start3A_31, %dma_start3A_32] : memref<16x800xi32, #tpu.memory_space<vmem>> -> memref<1x512xi32, #tpu.memory_space<vmem>>
    %dma_start3A_34 = tpu.memref_squeeze %dma_start3A_33 : memref<1x512xi32, #tpu.memory_space<vmem>> -> memref<512xi32, #tpu.memory_space<vmem>>
    %dma_start3A_35 = arith.constant 0 : i32
    %dma_start3A_36 = arith.constant 0 : i32
    %dma_start3A_37 = tpu.memref_slice %arg4[%dma_start3A_35, %dma_start3A_36] : memref<100000x24xf32, #tpu.memory_space<hbm>> -> memref<100000x24xf32, #tpu.memory_space<hbm>>
    tpu.enqueue_indirect_dma source(%dma_start3A_37 : memref<100000x24xf32, #tpu.memory_space<hbm>>) target(%arg20 : memref<512x24xf32, #tpu.memory_space<vmem>>) offsets(%dma_start3A_34 : memref<512xi32, #tpu.memory_space<vmem>>) semaphore(%arg25 : memref<!tpu.dma_semaphore, #tpu.memory_space<semaphore_mem>>)
    %dma_wait3A_38 = arith.constant 0 : i32
    %dma_wait3A_39 = arith.constant 0 : i32
    %dma_wait3A_40 = tpu.memref_slice %arg4[%dma_wait3A_38, %dma_wait3A_39] : memref<100000x24xf32, #tpu.memory_space<hbm>> -> memref<100000x24xf32, #tpu.memory_space<hbm>>
    tpu.wait_indirect_dma semaphore(%arg25 : memref<!tpu.dma_semaphore, #tpu.memory_space<semaphore_mem>>) src(%dma_wait3A_40 : memref<100000x24xf32, #tpu.memory_space<hbm>>) dst(%arg19 : memref<512x24xf32, #tpu.memory_space<vmem>>)
    %dma_wait3A_41 = arith.constant 0 : i32
    %dma_wait3A_42 = arith.constant 0 : i32
    %dma_wait3A_43 = tpu.memref_slice %arg22[%dma_wait3A_41, %dma_wait3A_42] : memref<16x800xi32, #tpu.memory_space<vmem>> -> memref<1x512xi32, #tpu.memory_space<vmem>>
    %dma_wait3A_44 = tpu.memref_squeeze %dma_wait3A_43 : memref<1x512xi32, #tpu.memory_space<vmem>> -> memref<512xi32, #tpu.memory_space<vmem>>
    %dma_wait3A_45 = arith.constant 0 : i32
    %dma_wait3A_46 = arith.constant 0 : i32
    %dma_wait3A_47 = tpu.memref_slice %arg4[%dma_wait3A_45, %dma_wait3A_46] : memref<100000x24xf32, #tpu.memory_space<hbm>> -> memref<100000x24xf32, #tpu.memory_space<hbm>>
    tpu.wait_indirect_dma semaphore(%arg25 : memref<!tpu.dma_semaphore, #tpu.memory_space<semaphore_mem>>) src(%dma_wait3A_47 : memref<100000x24xf32, #tpu.memory_space<hbm>>) dst(%arg20 : memref<512x24xf32, #tpu.memory_space<vmem>>)
    %scan3A_48 = arith.constant 0 : i32
    %scan3A_49 = arith.constant 0 : i32
    %scan3A_50 = arith.constant 512 : i32
    %scan3A_51 = arith.addi %scan3A_49, %scan3A_50 : i32
    %scan3A_52 = arith.constant 1 : i32
    scf.for %scan3A_67 = %scan3A_49 to %scan3A_51 step %scan3A_52  : i32 {
      %get3A = arith.index_cast %scan3A_67 : i32 to index
      %get3A_68 = arith.constant 0 : index
      %get3A_69 = tpu.vector_load %arg19[%get3A, %get3A_68] {strides = array<i32>} : memref<512x24xf32, #tpu.memory_space<vmem>>, vector<1x16xf32>,
      %get3A_70 = vector.shape_cast %get3A_69 : vector<1x16xf32> to vector<16xf32>
      %get3A_71 = arith.index_cast %scan3A_67 : i32 to index
      %get3A_72 = arith.constant 0 : index
      %get3A_73 = tpu.vector_load %arg20[%get3A_71, %get3A_72] {strides = array<i32>} : memref<512x24xf32, #tpu.memory_space<vmem>>, vector<1x16xf32>,
      %get3A_74 = vector.shape_cast %get3A_73 : vector<1x16xf32> to vector<16xf32>
      %get3A_75 = arith.index_cast %scan3A_67 : i32 to index
      %get3A_76 = arith.constant 2 : index
      %get3A_77 = tpu.vector_load %arg19[%get3A_75, %get3A_76] {strides = array<i32>} : memref<512x24xf32, #tpu.memory_space<vmem>>, vector<1x16xf32>,
      %get3A_78 = vector.shape_cast %get3A_77 : vector<1x16xf32> to vector<16xf32>
      %get3A_79 = arith.index_cast %scan3A_67 : i32 to index
      %get3A_80 = arith.constant 2 : index
      %get3A_81 = tpu.vector_load %arg20[%get3A_79, %get3A_80] {strides = array<i32>} : memref<512x24xf32, #tpu.memory_space<vmem>>, vector<1x16xf32>,
      %get3A_82 = vector.shape_cast %get3A_81 : vector<1x16xf32> to vector<16xf32>
      %add3A_83 = arith.addf %get3A_70, %get3A_74 : vector<16xf32>
      %mul3A_84 = arith.mulf %get3A_70, %get3A_74 : vector<16xf32>
      %add3A_85 = arith.addf %add3A_83, %mul3A_84 : vector<16xf32>
      %mul3A_86 = arith.constant 18 : i32
      %mul3A_87 = arith.muli %mul3A_86, %scan3A_67 : i32
      %swap3A = arith.index_cast %mul3A_87 : i32 to index
      %swap3A_88 = tpu.vector_load %arg24[%swap3A] {strides = array<i32>} : memref<9232xf32, #tpu.memory_space<vmem>>, vector<16xf32>,
      %swap3A_89 = vector.shape_cast %swap3A_88 : vector<16xf32> to vector<16xf32>
      %swap3A_90 = vector.shape_cast %add3A_85 : vector<16xf32> to vector<16xf32>
      tpu.vector_store %arg24[%swap3A], %swap3A_90 {strides = array<i32>} : memref<9232xf32, #tpu.memory_space<vmem>>, vector<16xf32>,
      %add3A_91 = arith.addf %get3A_78, %get3A_82 : vector<16xf32>
      %mul3A_92 = arith.mulf %get3A_78, %get3A_82 : vector<16xf32>
      %add3A_93 = arith.addf %add3A_91, %mul3A_92 : vector<16xf32>
      %mul3A_94 = arith.constant 18 : i32
      %mul3A_95 = arith.muli %mul3A_94, %scan3A_67 : i32
      %add3A_96 = arith.constant 2 : i32
      %add3A_97 = arith.addi %mul3A_95, %add3A_96 : i32
      %swap3A_98 = arith.index_cast %add3A_97 : i32 to index
      %swap3A_99 = tpu.vector_load %arg24[%swap3A_98] {strides = array<i32>} : memref<9232xf32, #tpu.memory_space<vmem>>, vector<16xf32>,
      %swap3A_100 = vector.shape_cast %swap3A_99 : vector<16xf32> to vector<16xf32>
      %swap3A_101 = vector.shape_cast %add3A_93 : vector<16xf32> to vector<16xf32>
      tpu.vector_store %arg24[%swap3A_98], %swap3A_101 {strides = array<i32>} : memref<9232xf32, #tpu.memory_space<vmem>>, vector<16xf32>,
    }
    %scan3A_53 = arith.constant 512 : i32
    "tpu.region"() ({
      %run_scoped3A_67 = tpu.sem_alloc : memref<!tpu.dma_semaphore, #tpu.memory_space<semaphore_mem>>
      %dma_start3A_68 = arith.constant 0 : i32
      %dma_start3A_69 = tpu.memref_slice %arg24[%dma_start3A_68] : memref<9232xf32, #tpu.memory_space<vmem>> -> memref<9216xf32, #tpu.memory_space<vmem>>
      %dma_start3A_70 = arith.constant 0 : i32
      %dma_start3A_71 = tpu.memref_slice %arg15[%add3A, %dma_start3A_70] : memref<32x9216xf32, #tpu.memory_space<hbm>> -> memref<1x9216xf32, #tpu.memory_space<hbm>>
      %dma_start3A_72 = tpu.memref_squeeze %dma_start3A_71 : memref<1x9216xf32, #tpu.memory_space<hbm>> -> memref<9216xf32, #tpu.memory_space<hbm>>
      %dma_start3A_73 = arith.constant 0 : i32
      %dma_start3A_74 = tpu.memref_slice %arg15[%add3A, %dma_start3A_73] : memref<32x9216xf32, #tpu.memory_space<hbm>> -> memref<1x9216xf32, #tpu.memory_space<hbm>>
      %dma_start3A_75 = tpu.memref_squeeze %dma_start3A_74 : memref<1x9216xf32, #tpu.memory_space<hbm>> -> memref<9216xf32, #tpu.memory_space<hbm>>
      %dma_start3A_76 = arith.constant 0 : i32
      %dma_start3A_77 = tpu.memref_slice %arg24[%dma_start3A_76] : memref<9232xf32, #tpu.memory_space<vmem>> -> memref<9216xf32, #tpu.memory_space<vmem>>
      tpu.enqueue_dma source(%dma_start3A_77 : memref<9216xf32, #tpu.memory_space<vmem>>) target(%dma_start3A_75 : memref<9216xf32, #tpu.memory_space<hbm>>) target_semaphore(%run_scoped3A_67 : memref<!tpu.dma_semaphore, #tpu.memory_space<semaphore_mem>>)
      %dma_wait3A_78 = arith.constant 0 : i32
      %dma_wait3A_79 = tpu.memref_slice %arg24[%dma_wait3A_78] : memref<9232xf32, #tpu.memory_space<vmem>> -> memref<9216xf32, #tpu.memory_space<vmem>>
      %dma_wait3A_80 = arith.constant 0 : i32
      %dma_wait3A_81 = tpu.memref_slice %arg15[%add3A, %dma_wait3A_80] : memref<32x9216xf32, #tpu.memory_space<hbm>> -> memref<1x9216xf32, #tpu.memory_space<hbm>>
      %dma_wait3A_82 = tpu.memref_squeeze %dma_wait3A_81 : memref<1x9216xf32, #tpu.memory_space<hbm>> -> memref<9216xf32, #tpu.memory_space<hbm>>
      %dma_wait3A_83 = arith.constant 0 : i32
      %dma_wait3A_84 = tpu.memref_slice %arg15[%add3A, %dma_wait3A_83] : memref<32x9216xf32, #tpu.memory_space<hbm>> -> memref<1x9216xf32, #tpu.memory_space<hbm>>
      %dma_wait3A_85 = tpu.memref_squeeze %dma_wait3A_84 : memref<1x9216xf32, #tpu.memory_space<hbm>> -> memref<9216xf32, #tpu.memory_space<hbm>>
      %dma_wait3A_86 = arith.constant 0 : i32
      %dma_wait3A_87 = tpu.memref_slice %arg24[%dma_wait3A_86] : memref<9232xf32, #tpu.memory_space<vmem>> -> memref<9216xf32, #tpu.memory_space<vmem>>
      tpu.wait_dma2 semaphore(%run_scoped3A_67 : memref<!tpu.dma_semaphore, #tpu.memory_space<semaphore_mem>>) src(%dma_wait3A_87 : memref<9216xf32, #tpu.memory_space<vmem>>) dst(%dma_wait3A_85 : memref<9216xf32, #tpu.memory_space<hbm>>)
      tpu.yield
    }) : () -> ()
    %broadcast_in_dim3A = arith.constant 0.000000e+00 : f32
    %broadcast_in_dim3A_54 = vector.broadcast %broadcast_in_dim3A : f32 to vector<16xf32>
    %scan3A_55 = arith.constant 0 : i32
    %scan3A_56 = arith.constant 0 : i32
    %scan3A_57 = arith.constant 8 : i32
    %scan3A_58 = arith.addi %scan3A_56, %scan3A_57 : i32
    %scan3A_59 = arith.constant 1 : i32
    scf.for %scan3A_67 = %scan3A_56 to %scan3A_58 step %scan3A_59  : i32 {
      "tpu.region"() ({
        %run_scoped3A_86 = tpu.sem_alloc : memref<!tpu.dma_semaphore, #tpu.memory_space<semaphore_mem>>
        %dma_start3A_87 = arith.constant 0 : i32
        %dma_start3A_88 = arith.constant 0 : i32
        %dma_start3A_89 = tpu.memref_slice %arg10[%add3A, %scan3A_67, %dma_start3A_87, %dma_start3A_88] : memref<32x8x16x800xi32, #tpu.memory_space<hbm>> -> memref<1x1x16x800xi32, #tpu.memory_space<hbm>>
        %dma_start3A_90 = tpu.memref_squeeze %dma_start3A_89 : memref<1x1x16x800xi32, #tpu.memory_space<hbm>> -> memref<16x800xi32, #tpu.memory_space<hbm>>
        %dma_start3A_91 = arith.constant 0 : i32
        %dma_start3A_92 = arith.constant 0 : i32
        %dma_start3A_93 = tpu.memref_slice %arg10[%add3A, %scan3A_67, %dma_start3A_91, %dma_start3A_92] : memref<32x8x16x800xi32, #tpu.memory_space<hbm>> -> memref<1x1x16x800xi32, #tpu.memory_space<hbm>>
        %dma_start3A_94 = tpu.memref_squeeze %dma_start3A_93 : memref<1x1x16x800xi32, #tpu.memory_space<hbm>> -> memref<16x800xi32, #tpu.memory_space<hbm>>
        tpu.enqueue_dma source(%dma_start3A_94 : memref<16x800xi32, #tpu.memory_space<hbm>>) target(%arg22 : memref<16x800xi32, #tpu.memory_space<vmem>>) target_semaphore(%run_scoped3A_86 : memref<!tpu.dma_semaphore, #tpu.memory_space<semaphore_mem>>)
        %dma_wait3A_95 = arith.constant 0 : i32
        %dma_wait3A_96 = arith.constant 0 : i32
        %dma_wait3A_97 = tpu.memref_slice %arg10[%add3A, %scan3A_67, %dma_wait3A_95, %dma_wait3A_96] : memref<32x8x16x800xi32, #tpu.memory_space<hbm>> -> memref<1x1x16x800xi32, #tpu.memory_space<hbm>>
        %dma_wait3A_98 = tpu.memref_squeeze %dma_wait3A_97 : memref<1x1x16x800xi32, #tpu.memory_space<hbm>> -> memref<16x800xi32, #tpu.memory_space<hbm>>
        %dma_wait3A_99 = arith.constant 0 : i32
        %dma_wait3A_100 = arith.constant 0 : i32
        %dma_wait3A_101 = tpu.memref_slice %arg10[%add3A, %scan3A_67, %dma_wait3A_99, %dma_wait3A_100] : memref<32x8x16x800xi32, #tpu.memory_space<hbm>> -> memref<1x1x16x800xi32, #tpu.memory_space<hbm>>
        %dma_wait3A_102 = tpu.memref_squeeze %dma_wait3A_101 : memref<1x1x16x800xi32, #tpu.memory_space<hbm>> -> memref<16x800xi32, #tpu.memory_space<hbm>>
        tpu.wait_dma2 semaphore(%run_scoped3A_86 : memref<!tpu.dma_semaphore, #tpu.memory_space<semaphore_mem>>) src(%dma_wait3A_102 : memref<16x800xi32, #tpu.memory_space<hbm>>) dst(%arg22 : memref<16x800xi32, #tpu.memory_space<vmem>>)
        tpu.yield
      }) : () -> ()
      %dma_start3A_68 = arith.constant 0 : i32
      %dma_start3A_69 = arith.constant 0 : i32
      %dma_start3A_70 = arith.constant 0 : i32
      %dma_start3A_71 = arith.constant 0 : i32
      %dma_start3A_72 = tpu.memref_slice %arg23[%dma_start3A_69, %dma_start3A_70, %dma_start3A_71] : memref<2x800x24xf32, #tpu.memory_space<vmem>> -> memref<1x800x24xf32, #tpu.memory_space<vmem>>
      %dma_start3A_73 = tpu.memref_squeeze %dma_start3A_72 : memref<1x800x24xf32, #tpu.memory_space<vmem>> -> memref<800x24xf32, #tpu.memory_space<vmem>>
      %dma_start3A_74 = arith.constant 0 : i32
      %dma_start3A_75 = tpu.memref_slice %arg22[%dma_start3A_68, %dma_start3A_74] : memref<16x800xi32, #tpu.memory_space<vmem>> -> memref<1x800xi32, #tpu.memory_space<vmem>>
      %dma_start3A_76 = tpu.memref_squeeze %dma_start3A_75 : memref<1x800xi32, #tpu.memory_space<vmem>> -> memref<800xi32, #tpu.memory_space<vmem>>
      %dma_start3A_77 = arith.constant 0 : i32
      %dma_start3A_78 = arith.constant 0 : i32
      %dma_start3A_79 = tpu.memref_slice %arg3[%dma_start3A_77, %dma_start3A_78] : memref<1000000x24xf32, #tpu.memory_space<hbm>> -> memref<1000000x24xf32, #tpu.memory_space<hbm>>
      tpu.enqueue_indirect_dma source(%dma_start3A_79 : memref<1000000x24xf32, #tpu.memory_space<hbm>>) target(%dma_start3A_73 : memref<800x24xf32, #tpu.memory_space<vmem>>) offsets(%dma_start3A_76 : memref<800xi32, #tpu.memory_space<vmem>>) semaphore(%arg25 : memref<!tpu.dma_semaphore, #tpu.memory_space<semaphore_mem>>)
      %scan3A_80 = arith.constant 0 : i32
      %scan3A_81 = arith.constant 0 : i32
      %scan3A_82 = arith.constant 8 : i32
      %scan3A_83 = arith.addi %scan3A_81, %scan3A_82 : i32
      %scan3A_84 = arith.constant 1 : i32
      scf.for %scan3A_86 = %scan3A_81 to %scan3A_83 step %scan3A_84  : i32 {
        %mul3A_87 = arith.constant 2 : i32
        %mul3A_88 = arith.muli %mul3A_87, %scan3A_86 : i32
        %add3A_89 = arith.constant 0 : i32
        %add3A_90 = arith.addi %mul3A_88, %add3A_89 : i32
        %add3A_91 = arith.constant 1 : i32
        %add3A_92 = arith.addi %add3A_90, %add3A_91 : i32
        %lt3A = arith.constant 16 : i32
        %lt3A_93 = arith.cmpi slt, %add3A_92, %lt3A : i32
        %convert_element_type3A = arith.extui %lt3A_93 : i1 to i32
        %cond3A = arith.constant 0 : i32
        %cond3A_94 = arith.cmpi ne, %convert_element_type3A, %cond3A : i32
        scf.if %cond3A_94 {
          %add3A_343 = arith.constant 1 : i32
          %add3A_344 = arith.addi %add3A_90, %add3A_343 : i32
          %dma_start3A_345 = arith.constant 1 : i32
          %dma_start3A_346 = arith.constant 0 : i32
          %dma_start3A_347 = arith.constant 0 : i32
          %dma_start3A_348 = tpu.memref_slice %arg23[%dma_start3A_345, %dma_start3A_346, %dma_start3A_347] : memref<2x800x24xf32, #tpu.memory_space<vmem>> -> memref<1x800x24xf32, #tpu.memory_space<vmem>>
          %dma_start3A_349 = tpu.memref_squeeze %dma_start3A_348 : memref<1x800x24xf32, #tpu.memory_space<vmem>> -> memref<800x24xf32, #tpu.memory_space<vmem>>
          %dma_start3A_350 = arith.constant 0 : i32
          %dma_start3A_351 = tpu.memref_slice %arg22[%add3A_344, %dma_start3A_350] : memref<16x800xi32, #tpu.memory_space<vmem>> -> memref<1x800xi32, #tpu.memory_space<vmem>>
          %dma_start3A_352 = tpu.memref_squeeze %dma_start3A_351 : memref<1x800xi32, #tpu.memory_space<vmem>> -> memref<800xi32, #tpu.memory_space<vmem>>
          %dma_start3A_353 = arith.constant 0 : i32
          %dma_start3A_354 = arith.constant 0 : i32
          %dma_start3A_355 = tpu.memref_slice %arg3[%dma_start3A_353, %dma_start3A_354] : memref<1000000x24xf32, #tpu.memory_space<hbm>> -> memref<1000000x24xf32, #tpu.memory_space<hbm>>
          tpu.enqueue_indirect_dma source(%dma_start3A_355 : memref<1000000x24xf32, #tpu.memory_space<hbm>>) target(%dma_start3A_349 : memref<800x24xf32, #tpu.memory_space<vmem>>) offsets(%dma_start3A_352 : memref<800xi32, #tpu.memory_space<vmem>>) semaphore(%arg26 : memref<!tpu.dma_semaphore, #tpu.memory_space<semaphore_mem>>)
        } else {
        }
        %dma_wait3A_95 = arith.constant 0 : i32
        %dma_wait3A_96 = arith.constant 0 : i32
        %dma_wait3A_97 = arith.constant 0 : i32
        %dma_wait3A_98 = tpu.memref_slice %arg23[%dma_wait3A_95, %dma_wait3A_96, %dma_wait3A_97] : memref<2x800x24xf32, #tpu.memory_space<vmem>> -> memref<1x800x24xf32, #tpu.memory_space<vmem>>
        %dma_wait3A_99 = tpu.memref_squeeze %dma_wait3A_98 : memref<1x800x24xf32, #tpu.memory_space<vmem>> -> memref<800x24xf32, #tpu.memory_space<vmem>>
        %dma_wait3A_100 = arith.constant 0 : i32
        %dma_wait3A_101 = tpu.memref_slice %arg22[%add3A_90, %dma_wait3A_100] : memref<16x800xi32, #tpu.memory_space<vmem>> -> memref<1x800xi32, #tpu.memory_space<vmem>>
        %dma_wait3A_102 = tpu.memref_squeeze %dma_wait3A_101 : memref<1x800xi32, #tpu.memory_space<vmem>> -> memref<800xi32, #tpu.memory_space<vmem>>
        %dma_wait3A_103 = arith.constant 0 : i32
        %dma_wait3A_104 = arith.constant 0 : i32
        %dma_wait3A_105 = tpu.memref_slice %arg3[%dma_wait3A_103, %dma_wait3A_104] : memref<1000000x24xf32, #tpu.memory_space<hbm>> -> memref<1000000x24xf32, #tpu.memory_space<hbm>>
        tpu.wait_indirect_dma semaphore(%arg25 : memref<!tpu.dma_semaphore, #tpu.memory_space<semaphore_mem>>) src(%dma_wait3A_105 : memref<1000000x24xf32, #tpu.memory_space<hbm>>) dst(%dma_wait3A_99 : memref<800x24xf32, #tpu.memory_space<vmem>>)
        %scan3A_106 = arith.constant 0 : i32
        %scan3A_107 = arith.constant 25 : i32
        %scan3A_108 = arith.addi %scan3A_106, %scan3A_107 : i32
        %scan3A_109 = arith.constant 1 : i32
        %scan3A_110:2 = scf.for %scan3A_343 = %scan3A_106 to %scan3A_108 step %scan3A_109 iter_args(%scan3A_344 = %broadcast_in_dim3A_54, %scan3A_345 = %broadcast_in_dim3A_54) -> (vector<16xf32>, vector<16xf32>)  : i32 {
          %mul3A_346 = arith.constant 8 : i32
          %mul3A_347 = arith.muli %scan3A_343, %mul3A_346 : i32
          %add3A_348 = arith.constant 0 : i32
          %add3A_349 = arith.addi %add3A_348, %mul3A_347 : i32
          %add3A_350 = arith.constant 0 : i32
          %add3A_351 = arith.addi %add3A_349, %add3A_350 : i32
          %get3A = arith.constant 0 : i32
          %get3A_352 = arith.index_cast %get3A : i32 to index
          %get3A_353 = arith.index_cast %add3A_351 : i32 to index
          %get3A_354 = arith.constant 0 : index
          %get3A_355 = tpu.vector_load %arg23[%get3A_352, %get3A_353, %get3A_354] {strides = array<i32>} : memref<2x800x24xf32, #tpu.memory_space<vmem>>, vector<1x1x16xf32>,
          %get3A_356 = vector.shape_cast %get3A_355 : vector<1x1x16xf32> to vector<16xf32>
          %add3A_357 = arith.constant 1 : i32
          %add3A_358 = arith.addi %add3A_349, %add3A_357 : i32
          %get3A_359 = arith.constant 0 : i32
          %get3A_360 = arith.index_cast %get3A_359 : i32 to index
          %get3A_361 = arith.index_cast %add3A_358 : i32 to index
          %get3A_362 = arith.constant 0 : index
          %get3A_363 = tpu.vector_load %arg23[%get3A_360, %get3A_361, %get3A_362] {strides = array<i32>} : memref<2x800x24xf32, #tpu.memory_space<vmem>>, vector<1x1x16xf32>,
          %get3A_364 = vector.shape_cast %get3A_363 : vector<1x1x16xf32> to vector<16xf32>
          %add3A_365 = arith.constant 2 : i32
          %add3A_366 = arith.addi %add3A_349, %add3A_365 : i32
          %get3A_367 = arith.constant 0 : i32
          %get3A_368 = arith.index_cast %get3A_367 : i32 to index
          %get3A_369 = arith.index_cast %add3A_366 : i32 to index
          %get3A_370 = arith.constant 0 : index
          %get3A_371 = tpu.vector_load %arg23[%get3A_368, %get3A_369, %get3A_370] {strides = array<i32>} : memref<2x800x24xf32, #tpu.memory_space<vmem>>, vector<1x1x16xf32>,
          %get3A_372 = vector.shape_cast %get3A_371 : vector<1x1x16xf32> to vector<16xf32>
          %add3A_373 = arith.constant 3 : i32
          %add3A_374 = arith.addi %add3A_349, %add3A_373 : i32
          %get3A_375 = arith.constant 0 : i32
          %get3A_376 = arith.index_cast %get3A_375 : i32 to index
          %get3A_377 = arith.index_cast %add3A_374 : i32 to index
          %get3A_378 = arith.constant 0 : index
          %get3A_379 = tpu.vector_load %arg23[%get3A_376, %get3A_377, %get3A_378] {strides = array<i32>} : memref<2x800x24xf32, #tpu.memory_space<vmem>>, vector<1x1x16xf32>,
          %get3A_380 = vector.shape_cast %get3A_379 : vector<1x1x16xf32> to vector<16xf32>
          %add3A_381 = arith.constant 4 : i32
          %add3A_382 = arith.addi %add3A_349, %add3A_381 : i32
          %get3A_383 = arith.constant 0 : i32
          %get3A_384 = arith.index_cast %get3A_383 : i32 to index
          %get3A_385 = arith.index_cast %add3A_382 : i32 to index
          %get3A_386 = arith.constant 0 : index
          %get3A_387 = tpu.vector_load %arg23[%get3A_384, %get3A_385, %get3A_386] {strides = array<i32>} : memref<2x800x24xf32, #tpu.memory_space<vmem>>, vector<1x1x16xf32>,
          %get3A_388 = vector.shape_cast %get3A_387 : vector<1x1x16xf32> to vector<16xf32>
          %add3A_389 = arith.constant 5 : i32
          %add3A_390 = arith.addi %add3A_349, %add3A_389 : i32
          %get3A_391 = arith.constant 0 : i32
          %get3A_392 = arith.index_cast %get3A_391 : i32 to index
          %get3A_393 = arith.index_cast %add3A_390 : i32 to index
          %get3A_394 = arith.constant 0 : index
          %get3A_395 = tpu.vector_load %arg23[%get3A_392, %get3A_393, %get3A_394] {strides = array<i32>} : memref<2x800x24xf32, #tpu.memory_space<vmem>>, vector<1x1x16xf32>,
          %get3A_396 = vector.shape_cast %get3A_395 : vector<1x1x16xf32> to vector<16xf32>
          %add3A_397 = arith.constant 6 : i32
          %add3A_398 = arith.addi %add3A_349, %add3A_397 : i32
          %get3A_399 = arith.constant 0 : i32
          %get3A_400 = arith.index_cast %get3A_399 : i32 to index
          %get3A_401 = arith.index_cast %add3A_398 : i32 to index
          %get3A_402 = arith.constant 0 : index
          %get3A_403 = tpu.vector_load %arg23[%get3A_400, %get3A_401, %get3A_402] {strides = array<i32>} : memref<2x800x24xf32, #tpu.memory_space<vmem>>, vector<1x1x16xf32>,
          %get3A_404 = vector.shape_cast %get3A_403 : vector<1x1x16xf32> to vector<16xf32>
          %add3A_405 = arith.constant 7 : i32
          %add3A_406 = arith.addi %add3A_349, %add3A_405 : i32
          %get3A_407 = arith.constant 0 : i32
          %get3A_408 = arith.index_cast %get3A_407 : i32 to index
          %get3A_409 = arith.index_cast %add3A_406 : i32 to index
          %get3A_410 = arith.constant 0 : index
          %get3A_411 = tpu.vector_load %arg23[%get3A_408, %get3A_409, %get3A_410] {strides = array<i32>} : memref<2x800x24xf32, #tpu.memory_space<vmem>>, vector<1x1x16xf32>,
          %get3A_412 = vector.shape_cast %get3A_411 : vector<1x1x16xf32> to vector<16xf32>
          %add3A_413 = arith.constant 0 : i32
          %add3A_414 = arith.addi %add3A_349, %add3A_413 : i32
          %get3A_415 = arith.constant 0 : i32
          %get3A_416 = arith.index_cast %get3A_415 : i32 to index
          %get3A_417 = arith.index_cast %add3A_414 : i32 to index
          %get3A_418 = arith.constant 8 : index
          %get3A_419 = tpu.vector_load %arg23[%get3A_416, %get3A_417, %get3A_418] {strides = array<i32>} : memref<2x800x24xf32, #tpu.memory_space<vmem>>, vector<1x1x16xf32>,
          %get3A_420 = vector.shape_cast %get3A_419 : vector<1x1x16xf32> to vector<16xf32>
          %add3A_421 = arith.constant 1 : i32
          %add3A_422 = arith.addi %add3A_349, %add3A_421 : i32
          %get3A_423 = arith.constant 0 : i32
          %get3A_424 = arith.index_cast %get3A_423 : i32 to index
          %get3A_425 = arith.index_cast %add3A_422 : i32 to index
          %get3A_426 = arith.constant 8 : index
          %get3A_427 = tpu.vector_load %arg23[%get3A_424, %get3A_425, %get3A_426] {strides = array<i32>} : memref<2x800x24xf32, #tpu.memory_space<vmem>>, vector<1x1x16xf32>,
          %get3A_428 = vector.shape_cast %get3A_427 : vector<1x1x16xf32> to vector<16xf32>
          %add3A_429 = arith.constant 2 : i32
          %add3A_430 = arith.addi %add3A_349, %add3A_429 : i32
          %get3A_431 = arith.constant 0 : i32
          %get3A_432 = arith.index_cast %get3A_431 : i32 to index
          %get3A_433 = arith.index_cast %add3A_430 : i32 to index
          %get3A_434 = arith.constant 8 : index
          %get3A_435 = tpu.vector_load %arg23[%get3A_432, %get3A_433, %get3A_434] {strides = array<i32>} : memref<2x800x24xf32, #tpu.memory_space<vmem>>, vector<1x1x16xf32>,
          %get3A_436 = vector.shape_cast %get3A_435 : vector<1x1x16xf32> to vector<16xf32>
          %add3A_437 = arith.constant 3 : i32
          %add3A_438 = arith.addi %add3A_349, %add3A_437 : i32
          %get3A_439 = arith.constant 0 : i32
          %get3A_440 = arith.index_cast %get3A_439 : i32 to index
          %get3A_441 = arith.index_cast %add3A_438 : i32 to index
          %get3A_442 = arith.constant 8 : index
          %get3A_443 = tpu.vector_load %arg23[%get3A_440, %get3A_441, %get3A_442] {strides = array<i32>} : memref<2x800x24xf32, #tpu.memory_space<vmem>>, vector<1x1x16xf32>,
          %get3A_444 = vector.shape_cast %get3A_443 : vector<1x1x16xf32> to vector<16xf32>
          %add3A_445 = arith.constant 4 : i32
          %add3A_446 = arith.addi %add3A_349, %add3A_445 : i32
          %get3A_447 = arith.constant 0 : i32
          %get3A_448 = arith.index_cast %get3A_447 : i32 to index
          %get3A_449 = arith.index_cast %add3A_446 : i32 to index
          %get3A_450 = arith.constant 8 : index
          %get3A_451 = tpu.vector_load %arg23[%get3A_448, %get3A_449, %get3A_450] {strides = array<i32>} : memref<2x800x24xf32, #tpu.memory_space<vmem>>, vector<1x1x16xf32>,
          %get3A_452 = vector.shape_cast %get3A_451 : vector<1x1x16xf32> to vector<16xf32>
          %add3A_453 = arith.constant 5 : i32
          %add3A_454 = arith.addi %add3A_349, %add3A_453 : i32
          %get3A_455 = arith.constant 0 : i32
          %get3A_456 = arith.index_cast %get3A_455 : i32 to index
          %get3A_457 = arith.index_cast %add3A_454 : i32 to index
          %get3A_458 = arith.constant 8 : index
          %get3A_459 = tpu.vector_load %arg23[%get3A_456, %get3A_457, %get3A_458] {strides = array<i32>} : memref<2x800x24xf32, #tpu.memory_space<vmem>>, vector<1x1x16xf32>,
          %get3A_460 = vector.shape_cast %get3A_459 : vector<1x1x16xf32> to vector<16xf32>
          %add3A_461 = arith.constant 6 : i32
          %add3A_462 = arith.addi %add3A_349, %add3A_461 : i32
          %get3A_463 = arith.constant 0 : i32
          %get3A_464 = arith.index_cast %get3A_463 : i32 to index
          %get3A_465 = arith.index_cast %add3A_462 : i32 to index
          %get3A_466 = arith.constant 8 : index
          %get3A_467 = tpu.vector_load %arg23[%get3A_464, %get3A_465, %get3A_466] {strides = array<i32>} : memref<2x800x24xf32, #tpu.memory_space<vmem>>, vector<1x1x16xf32>,
          %get3A_468 = vector.shape_cast %get3A_467 : vector<1x1x16xf32> to vector<16xf32>
          %add3A_469 = arith.constant 7 : i32
          %add3A_470 = arith.addi %add3A_349, %add3A_469 : i32
          %get3A_471 = arith.constant 0 : i32
          %get3A_472 = arith.index_cast %get3A_471 : i32 to index
          %get3A_473 = arith.index_cast %add3A_470 : i32 to index
          %get3A_474 = arith.constant 8 : index
          %get3A_475 = tpu.vector_load %arg23[%get3A_472, %get3A_473, %get3A_474] {strides = array<i32>} : memref<2x800x24xf32, #tpu.memory_space<vmem>>, vector<1x1x16xf32>,
          %get3A_476 = vector.shape_cast %get3A_475 : vector<1x1x16xf32> to vector<16xf32>
          %add3A_477 = arith.addf %get3A_356, %get3A_364 : vector<16xf32>
          %add3A_478 = arith.addf %get3A_372, %get3A_380 : vector<16xf32>
          %add3A_479 = arith.addf %get3A_388, %get3A_396 : vector<16xf32>
          %add3A_480 = arith.addf %get3A_404, %get3A_412 : vector<16xf32>
          %add3A_481 = arith.addf %get3A_420, %get3A_428 : vector<16xf32>
          %add3A_482 = arith.addf %get3A_436, %get3A_444 : vector<16xf32>
          %add3A_483 = arith.addf %get3A_452, %get3A_460 : vector<16xf32>
          %add3A_484 = arith.addf %get3A_468, %get3A_476 : vector<16xf32>
          %add3A_485 = arith.addf %add3A_477, %add3A_478 : vector<16xf32>
          %add3A_486 = arith.addf %add3A_479, %add3A_480 : vector<16xf32>
          %add3A_487 = arith.addf %add3A_481, %add3A_482 : vector<16xf32>
          %add3A_488 = arith.addf %add3A_483, %add3A_484 : vector<16xf32>
          %add3A_489 = arith.addf %add3A_485, %add3A_486 : vector<16xf32>
          %add3A_490 = arith.addf %scan3A_344, %add3A_489 : vector<16xf32>
          %add3A_491 = arith.addf %add3A_487, %add3A_488 : vector<16xf32>
          %add3A_492 = arith.addf %scan3A_345, %add3A_491 : vector<16xf32>
          scf.yield %add3A_490, %add3A_492 : vector<16xf32>, vector<16xf32>
        }
        %scan3A_111 = arith.constant 25 : i32
        %mul3A_112 = arith.constant 64 : i32
        %mul3A_113 = arith.muli %scan3A_67, %mul3A_112 : i32
        %mul3A_114 = arith.constant 4 : i32
        %mul3A_115 = arith.muli %add3A_90, %mul3A_114 : i32
        %add3A_116 = arith.addi %mul3A_113, %mul3A_115 : i32
        %add3A_117 = arith.constant 0 : i32
        %add3A_118 = arith.addi %add3A_116, %add3A_117 : i32
        %mul3A_119 = arith.constant 18 : i32
        %mul3A_120 = arith.muli %mul3A_119, %add3A_118 : i32
        %swap3A = arith.index_cast %mul3A_120 : i32 to index
        %swap3A_121 = tpu.vector_load %arg24[%swap3A] {strides = array<i32>} : memref<9232xf32, #tpu.memory_space<vmem>>, vector<16xf32>,
        %swap3A_122 = vector.shape_cast %swap3A_121 : vector<16xf32> to vector<16xf32>
        %swap3A_123 = vector.shape_cast %scan3A_110#0 : vector<16xf32> to vector<16xf32>
        tpu.vector_store %arg24[%swap3A], %swap3A_123 {strides = array<i32>} : memref<9232xf32, #tpu.memory_space<vmem>>, vector<16xf32>,
        %mul3A_124 = arith.constant 18 : i32
        %mul3A_125 = arith.muli %mul3A_124, %add3A_118 : i32
        %add3A_126 = arith.constant 8 : i32
        %add3A_127 = arith.addi %mul3A_125, %add3A_126 : i32
        %swap3A_128 = arith.index_cast %add3A_127 : i32 to index
        %swap3A_129 = tpu.vector_load %arg24[%swap3A_128] {strides = array<i32>} : memref<9232xf32, #tpu.memory_space<vmem>>, vector<16xf32>,
        %swap3A_130 = vector.shape_cast %swap3A_129 : vector<16xf32> to vector<16xf32>
        %swap3A_131 = vector.shape_cast %scan3A_110#1 : vector<16xf32> to vector<16xf32>
        tpu.vector_store %arg24[%swap3A_128], %swap3A_131 {strides = array<i32>} : memref<9232xf32, #tpu.memory_space<vmem>>, vector<16xf32>,
        %scan3A_132 = arith.constant 0 : i32
        %scan3A_133 = arith.constant 25 : i32
        %scan3A_134 = arith.addi %scan3A_132, %scan3A_133 : i32
        %scan3A_135 = arith.constant 1 : i32
        %scan3A_136:2 = scf.for %scan3A_343 = %scan3A_132 to %scan3A_134 step %scan3A_135 iter_args(%scan3A_344 = %broadcast_in_dim3A_54, %scan3A_345 = %broadcast_in_dim3A_54) -> (vector<16xf32>, vector<16xf32>)  : i32 {
          %mul3A_346 = arith.constant 8 : i32
          %mul3A_347 = arith.muli %scan3A_343, %mul3A_346 : i32
          %add3A_348 = arith.constant 200 : i32
          %add3A_349 = arith.addi %add3A_348, %mul3A_347 : i32
          %add3A_350 = arith.constant 0 : i32
          %add3A_351 = arith.addi %add3A_349, %add3A_350 : i32
          %get3A = arith.constant 0 : i32
          %get3A_352 = arith.index_cast %get3A : i32 to index
          %get3A_353 = arith.index_cast %add3A_351 : i32 to index
          %get3A_354 = arith.constant 0 : index
          %get3A_355 = tpu.vector_load %arg23[%get3A_352, %get3A_353, %get3A_354] {strides = array<i32>} : memref<2x800x24xf32, #tpu.memory_space<vmem>>, vector<1x1x16xf32>,
          %get3A_356 = vector.shape_cast %get3A_355 : vector<1x1x16xf32> to vector<16xf32>
          %add3A_357 = arith.constant 1 : i32
          %add3A_358 = arith.addi %add3A_349, %add3A_357 : i32
          %get3A_359 = arith.constant 0 : i32
          %get3A_360 = arith.index_cast %get3A_359 : i32 to index
          %get3A_361 = arith.index_cast %add3A_358 : i32 to index
          %get3A_362 = arith.constant 0 : index
          %get3A_363 = tpu.vector_load %arg23[%get3A_360, %get3A_361, %get3A_362] {strides = array<i32>} : memref<2x800x24xf32, #tpu.memory_space<vmem>>, vector<1x1x16xf32>,
          %get3A_364 = vector.shape_cast %get3A_363 : vector<1x1x16xf32> to vector<16xf32>
          %add3A_365 = arith.constant 2 : i32
          %add3A_366 = arith.addi %add3A_349, %add3A_365 : i32
          %get3A_367 = arith.constant 0 : i32
          %get3A_368 = arith.index_cast %get3A_367 : i32 to index
          %get3A_369 = arith.index_cast %add3A_366 : i32 to index
          %get3A_370 = arith.constant 0 : index
          %get3A_371 = tpu.vector_load %arg23[%get3A_368, %get3A_369, %get3A_370] {strides = array<i32>} : memref<2x800x24xf32, #tpu.memory_space<vmem>>, vector<1x1x16xf32>,
          %get3A_372 = vector.shape_cast %get3A_371 : vector<1x1x16xf32> to vector<16xf32>
          %add3A_373 = arith.constant 3 : i32
          %add3A_374 = arith.addi %add3A_349, %add3A_373 : i32
          %get3A_375 = arith.constant 0 : i32
          %get3A_376 = arith.index_cast %get3A_375 : i32 to index
          %get3A_377 = arith.index_cast %add3A_374 : i32 to index
          %get3A_378 = arith.constant 0 : index
          %get3A_379 = tpu.vector_load %arg23[%get3A_376, %get3A_377, %get3A_378] {strides = array<i32>} : memref<2x800x24xf32, #tpu.memory_space<vmem>>, vector<1x1x16xf32>,
          %get3A_380 = vector.shape_cast %get3A_379 : vector<1x1x16xf32> to vector<16xf32>
          %add3A_381 = arith.constant 4 : i32
          %add3A_382 = arith.addi %add3A_349, %add3A_381 : i32
          %get3A_383 = arith.constant 0 : i32
          %get3A_384 = arith.index_cast %get3A_383 : i32 to index
          %get3A_385 = arith.index_cast %add3A_382 : i32 to index
          %get3A_386 = arith.constant 0 : index
          %get3A_387 = tpu.vector_load %arg23[%get3A_384, %get3A_385, %get3A_386] {strides = array<i32>} : memref<2x800x24xf32, #tpu.memory_space<vmem>>, vector<1x1x16xf32>,
          %get3A_388 = vector.shape_cast %get3A_387 : vector<1x1x16xf32> to vector<16xf32>
          %add3A_389 = arith.constant 5 : i32
          %add3A_390 = arith.addi %add3A_349, %add3A_389 : i32
          %get3A_391 = arith.constant 0 : i32
          %get3A_392 = arith.index_cast %get3A_391 : i32 to index
          %get3A_393 = arith.index_cast %add3A_390 : i32 to index
          %get3A_394 = arith.constant 0 : index
          %get3A_395 = tpu.vector_load %arg23[%get3A_392, %get3A_393, %get3A_394] {strides = array<i32>} : memref<2x800x24xf32, #tpu.memory_space<vmem>>, vector<1x1x16xf32>,
          %get3A_396 = vector.shape_cast %get3A_395 : vector<1x1x16xf32> to vector<16xf32>
          %add3A_397 = arith.constant 6 : i32
          %add3A_398 = arith.addi %add3A_349, %add3A_397 : i32
          %get3A_399 = arith.constant 0 : i32
          %get3A_400 = arith.index_cast %get3A_399 : i32 to index
          %get3A_401 = arith.index_cast %add3A_398 : i32 to index
          %get3A_402 = arith.constant 0 : index
          %get3A_403 = tpu.vector_load %arg23[%get3A_400, %get3A_401, %get3A_402] {strides = array<i32>} : memref<2x800x24xf32, #tpu.memory_space<vmem>>, vector<1x1x16xf32>,
          %get3A_404 = vector.shape_cast %get3A_403 : vector<1x1x16xf32> to vector<16xf32>
          %add3A_405 = arith.constant 7 : i32
          %add3A_406 = arith.addi %add3A_349, %add3A_405 : i32
          %get3A_407 = arith.constant 0 : i32
          %get3A_408 = arith.index_cast %get3A_407 : i32 to index
          %get3A_409 = arith.index_cast %add3A_406 : i32 to index
          %get3A_410 = arith.constant 0 : index
          %get3A_411 = tpu.vector_load %arg23[%get3A_408, %get3A_409, %get3A_410] {strides = array<i32>} : memref<2x800x24xf32, #tpu.memory_space<vmem>>, vector<1x1x16xf32>,
          %get3A_412 = vector.shape_cast %get3A_411 : vector<1x1x16xf32> to vector<16xf32>
          %add3A_413 = arith.constant 0 : i32
          %add3A_414 = arith.addi %add3A_349, %add3A_413 : i32
          %get3A_415 = arith.constant 0 : i32
          %get3A_416 = arith.index_cast %get3A_415 : i32 to index
          %get3A_417 = arith.index_cast %add3A_414 : i32 to index
          %get3A_418 = arith.constant 8 : index
          %get3A_419 = tpu.vector_load %arg23[%get3A_416, %get3A_417, %get3A_418] {strides = array<i32>} : memref<2x800x24xf32, #tpu.memory_space<vmem>>, vector<1x1x16xf32>,
          %get3A_420 = vector.shape_cast %get3A_419 : vector<1x1x16xf32> to vector<16xf32>
          %add3A_421 = arith.constant 1 : i32
          %add3A_422 = arith.addi %add3A_349, %add3A_421 : i32
          %get3A_423 = arith.constant 0 : i32
          %get3A_424 = arith.index_cast %get3A_423 : i32 to index
          %get3A_425 = arith.index_cast %add3A_422 : i32 to index
          %get3A_426 = arith.constant 8 : index
          %get3A_427 = tpu.vector_load %arg23[%get3A_424, %get3A_425, %get3A_426] {strides = array<i32>} : memref<2x800x24xf32, #tpu.memory_space<vmem>>, vector<1x1x16xf32>,
          %get3A_428 = vector.shape_cast %get3A_427 : vector<1x1x16xf32> to vector<16xf32>
          %add3A_429 = arith.constant 2 : i32
          %add3A_430 = arith.addi %add3A_349, %add3A_429 : i32
          %get3A_431 = arith.constant 0 : i32
          %get3A_432 = arith.index_cast %get3A_431 : i32 to index
          %get3A_433 = arith.index_cast %add3A_430 : i32 to index
          %get3A_434 = arith.constant 8 : index
          %get3A_435 = tpu.vector_load %arg23[%get3A_432, %get3A_433, %get3A_434] {strides = array<i32>} : memref<2x800x24xf32, #tpu.memory_space<vmem>>, vector<1x1x16xf32>,
          %get3A_436 = vector.shape_cast %get3A_435 : vector<1x1x16xf32> to vector<16xf32>
          %add3A_437 = arith.constant 3 : i32
          %add3A_438 = arith.addi %add3A_349, %add3A_437 : i32
          %get3A_439 = arith.constant 0 : i32
          %get3A_440 = arith.index_cast %get3A_439 : i32 to index
          %get3A_441 = arith.index_cast %add3A_438 : i32 to index
          %get3A_442 = arith.constant 8 : index
          %get3A_443 = tpu.vector_load %arg23[%get3A_440, %get3A_441, %get3A_442] {strides = array<i32>} : memref<2x800x24xf32, #tpu.memory_space<vmem>>, vector<1x1x16xf32>,
          %get3A_444 = vector.shape_cast %get3A_443 : vector<1x1x16xf32> to vector<16xf32>
          %add3A_445 = arith.constant 4 : i32
          %add3A_446 = arith.addi %add3A_349, %add3A_445 : i32
          %get3A_447 = arith.constant 0 : i32
          %get3A_448 = arith.index_cast %get3A_447 : i32 to index
          %get3A_449 = arith.index_cast %add3A_446 : i32 to index
          %get3A_450 = arith.constant 8 : index
          %get3A_451 = tpu.vector_load %arg23[%get3A_448, %get3A_449, %get3A_450] {strides = array<i32>} : memref<2x800x24xf32, #tpu.memory_space<vmem>>, vector<1x1x16xf32>,
          %get3A_452 = vector.shape_cast %get3A_451 : vector<1x1x16xf32> to vector<16xf32>
          %add3A_453 = arith.constant 5 : i32
          %add3A_454 = arith.addi %add3A_349, %add3A_453 : i32
          %get3A_455 = arith.constant 0 : i32
          %get3A_456 = arith.index_cast %get3A_455 : i32 to index
          %get3A_457 = arith.index_cast %add3A_454 : i32 to index
          %get3A_458 = arith.constant 8 : index
          %get3A_459 = tpu.vector_load %arg23[%get3A_456, %get3A_457, %get3A_458] {strides = array<i32>} : memref<2x800x24xf32, #tpu.memory_space<vmem>>, vector<1x1x16xf32>,
          %get3A_460 = vector.shape_cast %get3A_459 : vector<1x1x16xf32> to vector<16xf32>
          %add3A_461 = arith.constant 6 : i32
          %add3A_462 = arith.addi %add3A_349, %add3A_461 : i32
          %get3A_463 = arith.constant 0 : i32
          %get3A_464 = arith.index_cast %get3A_463 : i32 to index
          %get3A_465 = arith.index_cast %add3A_462 : i32 to index
          %get3A_466 = arith.constant 8 : index
          %get3A_467 = tpu.vector_load %arg23[%get3A_464, %get3A_465, %get3A_466] {strides = array<i32>} : memref<2x800x24xf32, #tpu.memory_space<vmem>>, vector<1x1x16xf32>,
          %get3A_468 = vector.shape_cast %get3A_467 : vector<1x1x16xf32> to vector<16xf32>
          %add3A_469 = arith.constant 7 : i32
          %add3A_470 = arith.addi %add3A_349, %add3A_469 : i32
          %get3A_471 = arith.constant 0 : i32
          %get3A_472 = arith.index_cast %get3A_471 : i32 to index
          %get3A_473 = arith.index_cast %add3A_470 : i32 to index
          %get3A_474 = arith.constant 8 : index
          %get3A_475 = tpu.vector_load %arg23[%get3A_472, %get3A_473, %get3A_474] {strides = array<i32>} : memref<2x800x24xf32, #tpu.memory_space<vmem>>, vector<1x1x16xf32>,
          %get3A_476 = vector.shape_cast %get3A_475 : vector<1x1x16xf32> to vector<16xf32>
          %add3A_477 = arith.addf %get3A_356, %get3A_364 : vector<16xf32>
          %add3A_478 = arith.addf %get3A_372, %get3A_380 : vector<16xf32>
          %add3A_479 = arith.addf %get3A_388, %get3A_396 : vector<16xf32>
          %add3A_480 = arith.addf %get3A_404, %get3A_412 : vector<16xf32>
          %add3A_481 = arith.addf %get3A_420, %get3A_428 : vector<16xf32>
          %add3A_482 = arith.addf %get3A_436, %get3A_444 : vector<16xf32>
          %add3A_483 = arith.addf %get3A_452, %get3A_460 : vector<16xf32>
          %add3A_484 = arith.addf %get3A_468, %get3A_476 : vector<16xf32>
          %add3A_485 = arith.addf %add3A_477, %add3A_478 : vector<16xf32>
          %add3A_486 = arith.addf %add3A_479, %add3A_480 : vector<16xf32>
          %add3A_487 = arith.addf %add3A_481, %add3A_482 : vector<16xf32>
          %add3A_488 = arith.addf %add3A_483, %add3A_484 : vector<16xf32>
          %add3A_489 = arith.addf %add3A_485, %add3A_486 : vector<16xf32>
          %add3A_490 = arith.addf %scan3A_344, %add3A_489 : vector<16xf32>
          %add3A_491 = arith.addf %add3A_487, %add3A_488 : vector<16xf32>
          %add3A_492 = arith.addf %scan3A_345, %add3A_491 : vector<16xf32>
          scf.yield %add3A_490, %add3A_492 : vector<16xf32>, vector<16xf32>
        }
        %scan3A_137 = arith.constant 25 : i32
        %mul3A_138 = arith.constant 64 : i32
        %mul3A_139 = arith.muli %scan3A_67, %mul3A_138 : i32
        %mul3A_140 = arith.constant 4 : i32
        %mul3A_141 = arith.muli %add3A_90, %mul3A_140 : i32
        %add3A_142 = arith.addi %mul3A_139, %mul3A_141 : i32
        %add3A_143 = arith.constant 1 : i32
        %add3A_144 = arith.addi %add3A_142, %add3A_143 : i32
        %mul3A_145 = arith.constant 18 : i32
        %mul3A_146 = arith.muli %mul3A_145, %add3A_144 : i32
        %swap3A_147 = arith.index_cast %mul3A_146 : i32 to index
        %swap3A_148 = tpu.vector_load %arg24[%swap3A_147] {strides = array<i32>} : memref<9232xf32, #tpu.memory_space<vmem>>, vector<16xf32>,
        %swap3A_149 = vector.shape_cast %swap3A_148 : vector<16xf32> to vector<16xf32>
        %swap3A_150 = vector.shape_cast %scan3A_136#0 : vector<16xf32> to vector<16xf32>
        tpu.vector_store %arg24[%swap3A_147], %swap3A_150 {strides = array<i32>} : memref<9232xf32, #tpu.memory_space<vmem>>, vector<16xf32>,
        %mul3A_151 = arith.constant 18 : i32
        %mul3A_152 = arith.muli %mul3A_151, %add3A_144 : i32
        %add3A_153 = arith.constant 8 : i32
        %add3A_154 = arith.addi %mul3A_152, %add3A_153 : i32
        %swap3A_155 = arith.index_cast %add3A_154 : i32 to index
        %swap3A_156 = tpu.vector_load %arg24[%swap3A_155] {strides = array<i32>} : memref<9232xf32, #tpu.memory_space<vmem>>, vector<16xf32>,
        %swap3A_157 = vector.shape_cast %swap3A_156 : vector<16xf32> to vector<16xf32>
        %swap3A_158 = vector.shape_cast %scan3A_136#1 : vector<16xf32> to vector<16xf32>
        tpu.vector_store %arg24[%swap3A_155], %swap3A_158 {strides = array<i32>} : memref<9232xf32, #tpu.memory_space<vmem>>, vector<16xf32>,
        %scan3A_159 = arith.constant 0 : i32
        %scan3A_160 = arith.constant 25 : i32
        %scan3A_161 = arith.addi %scan3A_159, %scan3A_160 : i32
        %scan3A_162 = arith.constant 1 : i32
        %scan3A_163:2 = scf.for %scan3A_343 = %scan3A_159 to %scan3A_161 step %scan3A_162 iter_args(%scan3A_344 = %broadcast_in_dim3A_54, %scan3A_345 = %broadcast_in_dim3A_54) -> (vector<16xf32>, vector<16xf32>)  : i32 {
          %mul3A_346 = arith.constant 8 : i32
          %mul3A_347 = arith.muli %scan3A_343, %mul3A_346 : i32
          %add3A_348 = arith.constant 400 : i32
          %add3A_349 = arith.addi %add3A_348, %mul3A_347 : i32
          %add3A_350 = arith.constant 0 : i32
          %add3A_351 = arith.addi %add3A_349, %add3A_350 : i32
          %get3A = arith.constant 0 : i32
          %get3A_352 = arith.index_cast %get3A : i32 to index
          %get3A_353 = arith.index_cast %add3A_351 : i32 to index
          %get3A_354 = arith.constant 0 : index
          %get3A_355 = tpu.vector_load %arg23[%get3A_352, %get3A_353, %get3A_354] {strides = array<i32>} : memref<2x800x24xf32, #tpu.memory_space<vmem>>, vector<1x1x16xf32>,
          %get3A_356 = vector.shape_cast %get3A_355 : vector<1x1x16xf32> to vector<16xf32>
          %add3A_357 = arith.constant 1 : i32
          %add3A_358 = arith.addi %add3A_349, %add3A_357 : i32
          %get3A_359 = arith.constant 0 : i32
          %get3A_360 = arith.index_cast %get3A_359 : i32 to index
          %get3A_361 = arith.index_cast %add3A_358 : i32 to index
          %get3A_362 = arith.constant 0 : index
          %get3A_363 = tpu.vector_load %arg23[%get3A_360, %get3A_361, %get3A_362] {strides = array<i32>} : memref<2x800x24xf32, #tpu.memory_space<vmem>>, vector<1x1x16xf32>,
          %get3A_364 = vector.shape_cast %get3A_363 : vector<1x1x16xf32> to vector<16xf32>
          %add3A_365 = arith.constant 2 : i32
          %add3A_366 = arith.addi %add3A_349, %add3A_365 : i32
          %get3A_367 = arith.constant 0 : i32
          %get3A_368 = arith.index_cast %get3A_367 : i32 to index
          %get3A_369 = arith.index_cast %add3A_366 : i32 to index
          %get3A_370 = arith.constant 0 : index
          %get3A_371 = tpu.vector_load %arg23[%get3A_368, %get3A_369, %get3A_370] {strides = array<i32>} : memref<2x800x24xf32, #tpu.memory_space<vmem>>, vector<1x1x16xf32>,
          %get3A_372 = vector.shape_cast %get3A_371 : vector<1x1x16xf32> to vector<16xf32>
          %add3A_373 = arith.constant 3 : i32
          %add3A_374 = arith.addi %add3A_349, %add3A_373 : i32
          %get3A_375 = arith.constant 0 : i32
          %get3A_376 = arith.index_cast %get3A_375 : i32 to index
          %get3A_377 = arith.index_cast %add3A_374 : i32 to index
          %get3A_378 = arith.constant 0 : index
          %get3A_379 = tpu.vector_load %arg23[%get3A_376, %get3A_377, %get3A_378] {strides = array<i32>} : memref<2x800x24xf32, #tpu.memory_space<vmem>>, vector<1x1x16xf32>,
          %get3A_380 = vector.shape_cast %get3A_379 : vector<1x1x16xf32> to vector<16xf32>
          %add3A_381 = arith.constant 4 : i32
          %add3A_382 = arith.addi %add3A_349, %add3A_381 : i32
          %get3A_383 = arith.constant 0 : i32
          %get3A_384 = arith.index_cast %get3A_383 : i32 to index
          %get3A_385 = arith.index_cast %add3A_382 : i32 to index
          %get3A_386 = arith.constant 0 : index
          %get3A_387 = tpu.vector_load %arg23[%get3A_384, %get3A_385, %get3A_386] {strides = array<i32>} : memref<2x800x24xf32, #tpu.memory_space<vmem>>, vector<1x1x16xf32>,
          %get3A_388 = vector.shape_cast %get3A_387 : vector<1x1x16xf32> to vector<16xf32>
          %add3A_389 = arith.constant 5 : i32
          %add3A_390 = arith.addi %add3A_349, %add3A_389 : i32
          %get3A_391 = arith.constant 0 : i32
          %get3A_392 = arith.index_cast %get3A_391 : i32 to index
          %get3A_393 = arith.index_cast %add3A_390 : i32 to index
          %get3A_394 = arith.constant 0 : index
          %get3A_395 = tpu.vector_load %arg23[%get3A_392, %get3A_393, %get3A_394] {strides = array<i32>} : memref<2x800x24xf32, #tpu.memory_space<vmem>>, vector<1x1x16xf32>,
          %get3A_396 = vector.shape_cast %get3A_395 : vector<1x1x16xf32> to vector<16xf32>
          %add3A_397 = arith.constant 6 : i32
          %add3A_398 = arith.addi %add3A_349, %add3A_397 : i32
          %get3A_399 = arith.constant 0 : i32
          %get3A_400 = arith.index_cast %get3A_399 : i32 to index
          %get3A_401 = arith.index_cast %add3A_398 : i32 to index
          %get3A_402 = arith.constant 0 : index
          %get3A_403 = tpu.vector_load %arg23[%get3A_400, %get3A_401, %get3A_402] {strides = array<i32>} : memref<2x800x24xf32, #tpu.memory_space<vmem>>, vector<1x1x16xf32>,
          %get3A_404 = vector.shape_cast %get3A_403 : vector<1x1x16xf32> to vector<16xf32>
          %add3A_405 = arith.constant 7 : i32
          %add3A_406 = arith.addi %add3A_349, %add3A_405 : i32
          %get3A_407 = arith.constant 0 : i32
          %get3A_408 = arith.index_cast %get3A_407 : i32 to index
          %get3A_409 = arith.index_cast %add3A_406 : i32 to index
          %get3A_410 = arith.constant 0 : index
          %get3A_411 = tpu.vector_load %arg23[%get3A_408, %get3A_409, %get3A_410] {strides = array<i32>} : memref<2x800x24xf32, #tpu.memory_space<vmem>>, vector<1x1x16xf32>,
          %get3A_412 = vector.shape_cast %get3A_411 : vector<1x1x16xf32> to vector<16xf32>
          %add3A_413 = arith.constant 0 : i32
          %add3A_414 = arith.addi %add3A_349, %add3A_413 : i32
          %get3A_415 = arith.constant 0 : i32
          %get3A_416 = arith.index_cast %get3A_415 : i32 to index
          %get3A_417 = arith.index_cast %add3A_414 : i32 to index
          %get3A_418 = arith.constant 8 : index
          %get3A_419 = tpu.vector_load %arg23[%get3A_416, %get3A_417, %get3A_418] {strides = array<i32>} : memref<2x800x24xf32, #tpu.memory_space<vmem>>, vector<1x1x16xf32>,
          %get3A_420 = vector.shape_cast %get3A_419 : vector<1x1x16xf32> to vector<16xf32>
          %add3A_421 = arith.constant 1 : i32
          %add3A_422 = arith.addi %add3A_349, %add3A_421 : i32
          %get3A_423 = arith.constant 0 : i32
          %get3A_424 = arith.index_cast %get3A_423 : i32 to index
          %get3A_425 = arith.index_cast %add3A_422 : i32 to index
          %get3A_426 = arith.constant 8 : index
          %get3A_427 = tpu.vector_load %arg23[%get3A_424, %get3A_425, %get3A_426] {strides = array<i32>} : memref<2x800x24xf32, #tpu.memory_space<vmem>>, vector<1x1x16xf32>,
          %get3A_428 = vector.shape_cast %get3A_427 : vector<1x1x16xf32> to vector<16xf32>
          %add3A_429 = arith.constant 2 : i32
          %add3A_430 = arith.addi %add3A_349, %add3A_429 : i32
          %get3A_431 = arith.constant 0 : i32
          %get3A_432 = arith.index_cast %get3A_431 : i32 to index
          %get3A_433 = arith.index_cast %add3A_430 : i32 to index
          %get3A_434 = arith.constant 8 : index
          %get3A_435 = tpu.vector_load %arg23[%get3A_432, %get3A_433, %get3A_434] {strides = array<i32>} : memref<2x800x24xf32, #tpu.memory_space<vmem>>, vector<1x1x16xf32>,
          %get3A_436 = vector.shape_cast %get3A_435 : vector<1x1x16xf32> to vector<16xf32>
          %add3A_437 = arith.constant 3 : i32
          %add3A_438 = arith.addi %add3A_349, %add3A_437 : i32
          %get3A_439 = arith.constant 0 : i32
          %get3A_440 = arith.index_cast %get3A_439 : i32 to index
          %get3A_441 = arith.index_cast %add3A_438 : i32 to index
          %get3A_442 = arith.constant 8 : index
          %get3A_443 = tpu.vector_load %arg23[%get3A_440, %get3A_441, %get3A_442] {strides = array<i32>} : memref<2x800x24xf32, #tpu.memory_space<vmem>>, vector<1x1x16xf32>,
          %get3A_444 = vector.shape_cast %get3A_443 : vector<1x1x16xf32> to vector<16xf32>
          %add3A_445 = arith.constant 4 : i32
          %add3A_446 = arith.addi %add3A_349, %add3A_445 : i32
          %get3A_447 = arith.constant 0 : i32
          %get3A_448 = arith.index_cast %get3A_447 : i32 to index
          %get3A_449 = arith.index_cast %add3A_446 : i32 to index
          %get3A_450 = arith.constant 8 : index
          %get3A_451 = tpu.vector_load %arg23[%get3A_448, %get3A_449, %get3A_450] {strides = array<i32>} : memref<2x800x24xf32, #tpu.memory_space<vmem>>, vector<1x1x16xf32>,
          %get3A_452 = vector.shape_cast %get3A_451 : vector<1x1x16xf32> to vector<16xf32>
          %add3A_453 = arith.constant 5 : i32
          %add3A_454 = arith.addi %add3A_349, %add3A_453 : i32
          %get3A_455 = arith.constant 0 : i32
          %get3A_456 = arith.index_cast %get3A_455 : i32 to index
          %get3A_457 = arith.index_cast %add3A_454 : i32 to index
          %get3A_458 = arith.constant 8 : index
          %get3A_459 = tpu.vector_load %arg23[%get3A_456, %get3A_457, %get3A_458] {strides = array<i32>} : memref<2x800x24xf32, #tpu.memory_space<vmem>>, vector<1x1x16xf32>,
          %get3A_460 = vector.shape_cast %get3A_459 : vector<1x1x16xf32> to vector<16xf32>
          %add3A_461 = arith.constant 6 : i32
          %add3A_462 = arith.addi %add3A_349, %add3A_461 : i32
          %get3A_463 = arith.constant 0 : i32
          %get3A_464 = arith.index_cast %get3A_463 : i32 to index
          %get3A_465 = arith.index_cast %add3A_462 : i32 to index
          %get3A_466 = arith.constant 8 : index
          %get3A_467 = tpu.vector_load %arg23[%get3A_464, %get3A_465, %get3A_466] {strides = array<i32>} : memref<2x800x24xf32, #tpu.memory_space<vmem>>, vector<1x1x16xf32>,
          %get3A_468 = vector.shape_cast %get3A_467 : vector<1x1x16xf32> to vector<16xf32>
          %add3A_469 = arith.constant 7 : i32
          %add3A_470 = arith.addi %add3A_349, %add3A_469 : i32
          %get3A_471 = arith.constant 0 : i32
          %get3A_472 = arith.index_cast %get3A_471 : i32 to index
          %get3A_473 = arith.index_cast %add3A_470 : i32 to index
          %get3A_474 = arith.constant 8 : index
          %get3A_475 = tpu.vector_load %arg23[%get3A_472, %get3A_473, %get3A_474] {strides = array<i32>} : memref<2x800x24xf32, #tpu.memory_space<vmem>>, vector<1x1x16xf32>,
          %get3A_476 = vector.shape_cast %get3A_475 : vector<1x1x16xf32> to vector<16xf32>
          %add3A_477 = arith.addf %get3A_356, %get3A_364 : vector<16xf32>
          %add3A_478 = arith.addf %get3A_372, %get3A_380 : vector<16xf32>
          %add3A_479 = arith.addf %get3A_388, %get3A_396 : vector<16xf32>
          %add3A_480 = arith.addf %get3A_404, %get3A_412 : vector<16xf32>
          %add3A_481 = arith.addf %get3A_420, %get3A_428 : vector<16xf32>
          %add3A_482 = arith.addf %get3A_436, %get3A_444 : vector<16xf32>
          %add3A_483 = arith.addf %get3A_452, %get3A_460 : vector<16xf32>
          %add3A_484 = arith.addf %get3A_468, %get3A_476 : vector<16xf32>
          %add3A_485 = arith.addf %add3A_477, %add3A_478 : vector<16xf32>
          %add3A_486 = arith.addf %add3A_479, %add3A_480 : vector<16xf32>
          %add3A_487 = arith.addf %add3A_481, %add3A_482 : vector<16xf32>
          %add3A_488 = arith.addf %add3A_483, %add3A_484 : vector<16xf32>
          %add3A_489 = arith.addf %add3A_485, %add3A_486 : vector<16xf32>
          %add3A_490 = arith.addf %scan3A_344, %add3A_489 : vector<16xf32>
          %add3A_491 = arith.addf %add3A_487, %add3A_488 : vector<16xf32>
          %add3A_492 = arith.addf %scan3A_345, %add3A_491 : vector<16xf32>
          scf.yield %add3A_490, %add3A_492 : vector<16xf32>, vector<16xf32>
        }
        %scan3A_164 = arith.constant 25 : i32
        %mul3A_165 = arith.constant 64 : i32
        %mul3A_166 = arith.muli %scan3A_67, %mul3A_165 : i32
        %mul3A_167 = arith.constant 4 : i32
        %mul3A_168 = arith.muli %add3A_90, %mul3A_167 : i32
        %add3A_169 = arith.addi %mul3A_166, %mul3A_168 : i32
        %add3A_170 = arith.constant 2 : i32
        %add3A_171 = arith.addi %add3A_169, %add3A_170 : i32
        %mul3A_172 = arith.constant 18 : i32
        %mul3A_173 = arith.muli %mul3A_172, %add3A_171 : i32
        %swap3A_174 = arith.index_cast %mul3A_173 : i32 to index
        %swap3A_175 = tpu.vector_load %arg24[%swap3A_174] {strides = array<i32>} : memref<9232xf32, #tpu.memory_space<vmem>>, vector<16xf32>,
        %swap3A_176 = vector.shape_cast %swap3A_175 : vector<16xf32> to vector<16xf32>
        %swap3A_177 = vector.shape_cast %scan3A_163#0 : vector<16xf32> to vector<16xf32>
        tpu.vector_store %arg24[%swap3A_174], %swap3A_177 {strides = array<i32>} : memref<9232xf32, #tpu.memory_space<vmem>>, vector<16xf32>,
        %mul3A_178 = arith.constant 18 : i32
        %mul3A_179 = arith.muli %mul3A_178, %add3A_171 : i32
        %add3A_180 = arith.constant 8 : i32
        %add3A_181 = arith.addi %mul3A_179, %add3A_180 : i32
        %swap3A_182 = arith.index_cast %add3A_181 : i32 to index
        %swap3A_183 = tpu.vector_load %arg24[%swap3A_182] {strides = array<i32>} : memref<9232xf32, #tpu.memory_space<vmem>>, vector<16xf32>,
        %swap3A_184 = vector.shape_cast %swap3A_183 : vector<16xf32> to vector<16xf32>
        %swap3A_185 = vector.shape_cast %scan3A_163#1 : vector<16xf32> to vector<16xf32>
        tpu.vector_store %arg24[%swap3A_182], %swap3A_185 {strides = array<i32>} : memref<9232xf32, #tpu.memory_space<vmem>>, vector<16xf32>,
        %scan3A_186 = arith.constant 0 : i32
        %scan3A_187 = arith.constant 25 : i32
        %scan3A_188 = arith.addi %scan3A_186, %scan3A_187 : i32
        %scan3A_189 = arith.constant 1 : i32
        %scan3A_190:2 = scf.for %scan3A_343 = %scan3A_186 to %scan3A_188 step %scan3A_189 iter_args(%scan3A_344 = %broadcast_in_dim3A_54, %scan3A_345 = %broadcast_in_dim3A_54) -> (vector<16xf32>, vector<16xf32>)  : i32 {
          %mul3A_346 = arith.constant 8 : i32
          %mul3A_347 = arith.muli %scan3A_343, %mul3A_346 : i32
          %add3A_348 = arith.constant 600 : i32
          %add3A_349 = arith.addi %add3A_348, %mul3A_347 : i32
          %add3A_350 = arith.constant 0 : i32
          %add3A_351 = arith.addi %add3A_349, %add3A_350 : i32
          %get3A = arith.constant 0 : i32
          %get3A_352 = arith.index_cast %get3A : i32 to index
          %get3A_353 = arith.index_cast %add3A_351 : i32 to index
          %get3A_354 = arith.constant 0 : index
          %get3A_355 = tpu.vector_load %arg23[%get3A_352, %get3A_353, %get3A_354] {strides = array<i32>} : memref<2x800x24xf32, #tpu.memory_space<vmem>>, vector<1x1x16xf32>,
          %get3A_356 = vector.shape_cast %get3A_355 : vector<1x1x16xf32> to vector<16xf32>
          %add3A_357 = arith.constant 1 : i32
          %add3A_358 = arith.addi %add3A_349, %add3A_357 : i32
          %get3A_359 = arith.constant 0 : i32
          %get3A_360 = arith.index_cast %get3A_359 : i32 to index
          %get3A_361 = arith.index_cast %add3A_358 : i32 to index
          %get3A_362 = arith.constant 0 : index
          %get3A_363 = tpu.vector_load %arg23[%get3A_360, %get3A_361, %get3A_362] {strides = array<i32>} : memref<2x800x24xf32, #tpu.memory_space<vmem>>, vector<1x1x16xf32>,
          %get3A_364 = vector.shape_cast %get3A_363 : vector<1x1x16xf32> to vector<16xf32>
          %add3A_365 = arith.constant 2 : i32
          %add3A_366 = arith.addi %add3A_349, %add3A_365 : i32
          %get3A_367 = arith.constant 0 : i32
          %get3A_368 = arith.index_cast %get3A_367 : i32 to index
          %get3A_369 = arith.index_cast %add3A_366 : i32 to index
          %get3A_370 = arith.constant 0 : index
          %get3A_371 = tpu.vector_load %arg23[%get3A_368, %get3A_369, %get3A_370] {strides = array<i32>} : memref<2x800x24xf32, #tpu.memory_space<vmem>>, vector<1x1x16xf32>,
          %get3A_372 = vector.shape_cast %get3A_371 : vector<1x1x16xf32> to vector<16xf32>
          %add3A_373 = arith.constant 3 : i32
          %add3A_374 = arith.addi %add3A_349, %add3A_373 : i32
          %get3A_375 = arith.constant 0 : i32
          %get3A_376 = arith.index_cast %get3A_375 : i32 to index
          %get3A_377 = arith.index_cast %add3A_374 : i32 to index
          %get3A_378 = arith.constant 0 : index
          %get3A_379 = tpu.vector_load %arg23[%get3A_376, %get3A_377, %get3A_378] {strides = array<i32>} : memref<2x800x24xf32, #tpu.memory_space<vmem>>, vector<1x1x16xf32>,
          %get3A_380 = vector.shape_cast %get3A_379 : vector<1x1x16xf32> to vector<16xf32>
          %add3A_381 = arith.constant 4 : i32
          %add3A_382 = arith.addi %add3A_349, %add3A_381 : i32
          %get3A_383 = arith.constant 0 : i32
          %get3A_384 = arith.index_cast %get3A_383 : i32 to index
          %get3A_385 = arith.index_cast %add3A_382 : i32 to index
          %get3A_386 = arith.constant 0 : index
          %get3A_387 = tpu.vector_load %arg23[%get3A_384, %get3A_385, %get3A_386] {strides = array<i32>} : memref<2x800x24xf32, #tpu.memory_space<vmem>>, vector<1x1x16xf32>,
          %get3A_388 = vector.shape_cast %get3A_387 : vector<1x1x16xf32> to vector<16xf32>
          %add3A_389 = arith.constant 5 : i32
          %add3A_390 = arith.addi %add3A_349, %add3A_389 : i32
          %get3A_391 = arith.constant 0 : i32
          %get3A_392 = arith.index_cast %get3A_391 : i32 to index
          %get3A_393 = arith.index_cast %add3A_390 : i32 to index
          %get3A_394 = arith.constant 0 : index
          %get3A_395 = tpu.vector_load %arg23[%get3A_392, %get3A_393, %get3A_394] {strides = array<i32>} : memref<2x800x24xf32, #tpu.memory_space<vmem>>, vector<1x1x16xf32>,
          %get3A_396 = vector.shape_cast %get3A_395 : vector<1x1x16xf32> to vector<16xf32>
          %add3A_397 = arith.constant 6 : i32
          %add3A_398 = arith.addi %add3A_349, %add3A_397 : i32
          %get3A_399 = arith.constant 0 : i32
          %get3A_400 = arith.index_cast %get3A_399 : i32 to index
          %get3A_401 = arith.index_cast %add3A_398 : i32 to index
          %get3A_402 = arith.constant 0 : index
          %get3A_403 = tpu.vector_load %arg23[%get3A_400, %get3A_401, %get3A_402] {strides = array<i32>} : memref<2x800x24xf32, #tpu.memory_space<vmem>>, vector<1x1x16xf32>,
          %get3A_404 = vector.shape_cast %get3A_403 : vector<1x1x16xf32> to vector<16xf32>
          %add3A_405 = arith.constant 7 : i32
          %add3A_406 = arith.addi %add3A_349, %add3A_405 : i32
          %get3A_407 = arith.constant 0 : i32
          %get3A_408 = arith.index_cast %get3A_407 : i32 to index
          %get3A_409 = arith.index_cast %add3A_406 : i32 to index
          %get3A_410 = arith.constant 0 : index
          %get3A_411 = tpu.vector_load %arg23[%get3A_408, %get3A_409, %get3A_410] {strides = array<i32>} : memref<2x800x24xf32, #tpu.memory_space<vmem>>, vector<1x1x16xf32>,
          %get3A_412 = vector.shape_cast %get3A_411 : vector<1x1x16xf32> to vector<16xf32>
          %add3A_413 = arith.constant 0 : i32
          %add3A_414 = arith.addi %add3A_349, %add3A_413 : i32
          %get3A_415 = arith.constant 0 : i32
          %get3A_416 = arith.index_cast %get3A_415 : i32 to index
          %get3A_417 = arith.index_cast %add3A_414 : i32 to index
          %get3A_418 = arith.constant 8 : index
          %get3A_419 = tpu.vector_load %arg23[%get3A_416, %get3A_417, %get3A_418] {strides = array<i32>} : memref<2x800x24xf32, #tpu.memory_space<vmem>>, vector<1x1x16xf32>,
          %get3A_420 = vector.shape_cast %get3A_419 : vector<1x1x16xf32> to vector<16xf32>
          %add3A_421 = arith.constant 1 : i32
          %add3A_422 = arith.addi %add3A_349, %add3A_421 : i32
          %get3A_423 = arith.constant 0 : i32
          %get3A_424 = arith.index_cast %get3A_423 : i32 to index
          %get3A_425 = arith.index_cast %add3A_422 : i32 to index
          %get3A_426 = arith.constant 8 : index
          %get3A_427 = tpu.vector_load %arg23[%get3A_424, %get3A_425, %get3A_426] {strides = array<i32>} : memref<2x800x24xf32, #tpu.memory_space<vmem>>, vector<1x1x16xf32>,
          %get3A_428 = vector.shape_cast %get3A_427 : vector<1x1x16xf32> to vector<16xf32>
          %add3A_429 = arith.constant 2 : i32
          %add3A_430 = arith.addi %add3A_349, %add3A_429 : i32
          %get3A_431 = arith.constant 0 : i32
          %get3A_432 = arith.index_cast %get3A_431 : i32 to index
          %get3A_433 = arith.index_cast %add3A_430 : i32 to index
          %get3A_434 = arith.constant 8 : index
          %get3A_435 = tpu.vector_load %arg23[%get3A_432, %get3A_433, %get3A_434] {strides = array<i32>} : memref<2x800x24xf32, #tpu.memory_space<vmem>>, vector<1x1x16xf32>,
          %get3A_436 = vector.shape_cast %get3A_435 : vector<1x1x16xf32> to vector<16xf32>
          %add3A_437 = arith.constant 3 : i32
          %add3A_438 = arith.addi %add3A_349, %add3A_437 : i32
          %get3A_439 = arith.constant 0 : i32
          %get3A_440 = arith.index_cast %get3A_439 : i32 to index
          %get3A_441 = arith.index_cast %add3A_438 : i32 to index
          %get3A_442 = arith.constant 8 : index
          %get3A_443 = tpu.vector_load %arg23[%get3A_440, %get3A_441, %get3A_442] {strides = array<i32>} : memref<2x800x24xf32, #tpu.memory_space<vmem>>, vector<1x1x16xf32>,
          %get3A_444 = vector.shape_cast %get3A_443 : vector<1x1x16xf32> to vector<16xf32>
          %add3A_445 = arith.constant 4 : i32
          %add3A_446 = arith.addi %add3A_349, %add3A_445 : i32
          %get3A_447 = arith.constant 0 : i32
          %get3A_448 = arith.index_cast %get3A_447 : i32 to index
          %get3A_449 = arith.index_cast %add3A_446 : i32 to index
          %get3A_450 = arith.constant 8 : index
          %get3A_451 = tpu.vector_load %arg23[%get3A_448, %get3A_449, %get3A_450] {strides = array<i32>} : memref<2x800x24xf32, #tpu.memory_space<vmem>>, vector<1x1x16xf32>,
          %get3A_452 = vector.shape_cast %get3A_451 : vector<1x1x16xf32> to vector<16xf32>
          %add3A_453 = arith.constant 5 : i32
          %add3A_454 = arith.addi %add3A_349, %add3A_453 : i32
          %get3A_455 = arith.constant 0 : i32
          %get3A_456 = arith.index_cast %get3A_455 : i32 to index
          %get3A_457 = arith.index_cast %add3A_454 : i32 to index
          %get3A_458 = arith.constant 8 : index
          %get3A_459 = tpu.vector_load %arg23[%get3A_456, %get3A_457, %get3A_458] {strides = array<i32>} : memref<2x800x24xf32, #tpu.memory_space<vmem>>, vector<1x1x16xf32>,
          %get3A_460 = vector.shape_cast %get3A_459 : vector<1x1x16xf32> to vector<16xf32>
          %add3A_461 = arith.constant 6 : i32
          %add3A_462 = arith.addi %add3A_349, %add3A_461 : i32
          %get3A_463 = arith.constant 0 : i32
          %get3A_464 = arith.index_cast %get3A_463 : i32 to index
          %get3A_465 = arith.index_cast %add3A_462 : i32 to index
          %get3A_466 = arith.constant 8 : index
          %get3A_467 = tpu.vector_load %arg23[%get3A_464, %get3A_465, %get3A_466] {strides = array<i32>} : memref<2x800x24xf32, #tpu.memory_space<vmem>>, vector<1x1x16xf32>,
          %get3A_468 = vector.shape_cast %get3A_467 : vector<1x1x16xf32> to vector<16xf32>
          %add3A_469 = arith.constant 7 : i32
          %add3A_470 = arith.addi %add3A_349, %add3A_469 : i32
          %get3A_471 = arith.constant 0 : i32
          %get3A_472 = arith.index_cast %get3A_471 : i32 to index
          %get3A_473 = arith.index_cast %add3A_470 : i32 to index
          %get3A_474 = arith.constant 8 : index
          %get3A_475 = tpu.vector_load %arg23[%get3A_472, %get3A_473, %get3A_474] {strides = array<i32>} : memref<2x800x24xf32, #tpu.memory_space<vmem>>, vector<1x1x16xf32>,
          %get3A_476 = vector.shape_cast %get3A_475 : vector<1x1x16xf32> to vector<16xf32>
          %add3A_477 = arith.addf %get3A_356, %get3A_364 : vector<16xf32>
          %add3A_478 = arith.addf %get3A_372, %get3A_380 : vector<16xf32>
          %add3A_479 = arith.addf %get3A_388, %get3A_396 : vector<16xf32>
          %add3A_480 = arith.addf %get3A_404, %get3A_412 : vector<16xf32>
          %add3A_481 = arith.addf %get3A_420, %get3A_428 : vector<16xf32>
          %add3A_482 = arith.addf %get3A_436, %get3A_444 : vector<16xf32>
          %add3A_483 = arith.addf %get3A_452, %get3A_460 : vector<16xf32>
          %add3A_484 = arith.addf %get3A_468, %get3A_476 : vector<16xf32>
          %add3A_485 = arith.addf %add3A_477, %add3A_478 : vector<16xf32>
          %add3A_486 = arith.addf %add3A_479, %add3A_480 : vector<16xf32>
          %add3A_487 = arith.addf %add3A_481, %add3A_482 : vector<16xf32>
          %add3A_488 = arith.addf %add3A_483, %add3A_484 : vector<16xf32>
          %add3A_489 = arith.addf %add3A_485, %add3A_486 : vector<16xf32>
          %add3A_490 = arith.addf %scan3A_344, %add3A_489 : vector<16xf32>
          %add3A_491 = arith.addf %add3A_487, %add3A_488 : vector<16xf32>
          %add3A_492 = arith.addf %scan3A_345, %add3A_491 : vector<16xf32>
          scf.yield %add3A_490, %add3A_492 : vector<16xf32>, vector<16xf32>
        }
        %scan3A_191 = arith.constant 25 : i32
        %mul3A_192 = arith.constant 64 : i32
        %mul3A_193 = arith.muli %scan3A_67, %mul3A_192 : i32
        %mul3A_194 = arith.constant 4 : i32
        %mul3A_195 = arith.muli %add3A_90, %mul3A_194 : i32
        %add3A_196 = arith.addi %mul3A_193, %mul3A_195 : i32
        %add3A_197 = arith.constant 3 : i32
        %add3A_198 = arith.addi %add3A_196, %add3A_197 : i32
        %mul3A_199 = arith.constant 18 : i32
        %mul3A_200 = arith.muli %mul3A_199, %add3A_198 : i32
        %swap3A_201 = arith.index_cast %mul3A_200 : i32 to index
        %swap3A_202 = tpu.vector_load %arg24[%swap3A_201] {strides = array<i32>} : memref<9232xf32, #tpu.memory_space<vmem>>, vector<16xf32>,
        %swap3A_203 = vector.shape_cast %swap3A_202 : vector<16xf32> to vector<16xf32>
        %swap3A_204 = vector.shape_cast %scan3A_190#0 : vector<16xf32> to vector<16xf32>
        tpu.vector_store %arg24[%swap3A_201], %swap3A_204 {strides = array<i32>} : memref<9232xf32, #tpu.memory_space<vmem>>, vector<16xf32>,
        %mul3A_205 = arith.constant 18 : i32
        %mul3A_206 = arith.muli %mul3A_205, %add3A_198 : i32
        %add3A_207 = arith.constant 8 : i32
        %add3A_208 = arith.addi %mul3A_206, %add3A_207 : i32
        %swap3A_209 = arith.index_cast %add3A_208 : i32 to index
        %swap3A_210 = tpu.vector_load %arg24[%swap3A_209] {strides = array<i32>} : memref<9232xf32, #tpu.memory_space<vmem>>, vector<16xf32>,
        %swap3A_211 = vector.shape_cast %swap3A_210 : vector<16xf32> to vector<16xf32>
        %swap3A_212 = vector.shape_cast %scan3A_190#1 : vector<16xf32> to vector<16xf32>
        tpu.vector_store %arg24[%swap3A_209], %swap3A_212 {strides = array<i32>} : memref<9232xf32, #tpu.memory_space<vmem>>, vector<16xf32>,
        %mul3A_213 = arith.constant 2 : i32
        %mul3A_214 = arith.muli %mul3A_213, %scan3A_86 : i32
        %add3A_215 = arith.constant 1 : i32
        %add3A_216 = arith.addi %mul3A_214, %add3A_215 : i32
        %add3A_217 = arith.constant 1 : i32
        %add3A_218 = arith.addi %add3A_216, %add3A_217 : i32
        %lt3A_219 = arith.constant 16 : i32
        %lt3A_220 = arith.cmpi slt, %add3A_218, %lt3A_219 : i32
        %convert_element_type3A_221 = arith.extui %lt3A_220 : i1 to i32
        %cond3A_222 = arith.constant 0 : i32
        %cond3A_223 = arith.cmpi ne, %convert_element_type3A_221, %cond3A_222 : i32
        scf.if %cond3A_223 {
          %add3A_343 = arith.constant 1 : i32
          %add3A_344 = arith.addi %add3A_216, %add3A_343 : i32
          %dma_start3A_345 = arith.constant 0 : i32
          %dma_start3A_346 = arith.constant 0 : i32
          %dma_start3A_347 = arith.constant 0 : i32
          %dma_start3A_348 = tpu.memref_slice %arg23[%dma_start3A_345, %dma_start3A_346, %dma_start3A_347] : memref<2x800x24xf32, #tpu.memory_space<vmem>> -> memref<1x800x24xf32, #tpu.memory_space<vmem>>
          %dma_start3A_349 = tpu.memref_squeeze %dma_start3A_348 : memref<1x800x24xf32, #tpu.memory_space<vmem>> -> memref<800x24xf32, #tpu.memory_space<vmem>>
          %dma_start3A_350 = arith.constant 0 : i32
          %dma_start3A_351 = tpu.memref_slice %arg22[%add3A_344, %dma_start3A_350] : memref<16x800xi32, #tpu.memory_space<vmem>> -> memref<1x800xi32, #tpu.memory_space<vmem>>
          %dma_start3A_352 = tpu.memref_squeeze %dma_start3A_351 : memref<1x800xi32, #tpu.memory_space<vmem>> -> memref<800xi32, #tpu.memory_space<vmem>>
          %dma_start3A_353 = arith.constant 0 : i32
          %dma_start3A_354 = arith.constant 0 : i32
          %dma_start3A_355 = tpu.memref_slice %arg3[%dma_start3A_353, %dma_start3A_354] : memref<1000000x24xf32, #tpu.memory_space<hbm>> -> memref<1000000x24xf32, #tpu.memory_space<hbm>>
          tpu.enqueue_indirect_dma source(%dma_start3A_355 : memref<1000000x24xf32, #tpu.memory_space<hbm>>) target(%dma_start3A_349 : memref<800x24xf32, #tpu.memory_space<vmem>>) offsets(%dma_start3A_352 : memref<800xi32, #tpu.memory_space<vmem>>) semaphore(%arg25 : memref<!tpu.dma_semaphore, #tpu.memory_space<semaphore_mem>>)
        } else {
        }
        %dma_wait3A_224 = arith.constant 1 : i32
        %dma_wait3A_225 = arith.constant 0 : i32
        %dma_wait3A_226 = arith.constant 0 : i32
        %dma_wait3A_227 = tpu.memref_slice %arg23[%dma_wait3A_224, %dma_wait3A_225, %dma_wait3A_226] : memref<2x800x24xf32, #tpu.memory_space<vmem>> -> memref<1x800x24xf32, #tpu.memory_space<vmem>>
        %dma_wait3A_228 = tpu.memref_squeeze %dma_wait3A_227 : memref<1x800x24xf32, #tpu.memory_space<vmem>> -> memref<800x24xf32, #tpu.memory_space<vmem>>
        %dma_wait3A_229 = arith.constant 0 : i32
        %dma_wait3A_230 = tpu.memref_slice %arg22[%add3A_216, %dma_wait3A_229] : memref<16x800xi32, #tpu.memory_space<vmem>> -> memref<1x800xi32, #tpu.memory_space<vmem>>
        %dma_wait3A_231 = tpu.memref_squeeze %dma_wait3A_230 : memref<1x800xi32, #tpu.memory_space<vmem>> -> memref<800xi32, #tpu.memory_space<vmem>>
        %dma_wait3A_232 = arith.constant 0 : i32
        %dma_wait3A_233 = arith.constant 0 : i32
        %dma_wait3A_234 = tpu.memref_slice %arg3[%dma_wait3A_232, %dma_wait3A_233] : memref<1000000x24xf32, #tpu.memory_space<hbm>> -> memref<1000000x24xf32, #tpu.memory_space<hbm>>
        tpu.wait_indirect_dma semaphore(%arg26 : memref<!tpu.dma_semaphore, #tpu.memory_space<semaphore_mem>>) src(%dma_wait3A_234 : memref<1000000x24xf32, #tpu.memory_space<hbm>>) dst(%dma_wait3A_228 : memref<800x24xf32, #tpu.memory_space<vmem>>)
        %scan3A_235 = arith.constant 0 : i32
        %scan3A_236 = arith.constant 25 : i32
        %scan3A_237 = arith.addi %scan3A_235, %scan3A_236 : i32
        %scan3A_238 = arith.constant 1 : i32
        %scan3A_239:2 = scf.for %scan3A_343 = %scan3A_235 to %scan3A_237 step %scan3A_238 iter_args(%scan3A_344 = %broadcast_in_dim3A_54, %scan3A_345 = %broadcast_in_dim3A_54) -> (vector<16xf32>, vector<16xf32>)  : i32 {
          %mul3A_346 = arith.constant 8 : i32
          %mul3A_347 = arith.muli %scan3A_343, %mul3A_346 : i32
          %add3A_348 = arith.constant 0 : i32
          %add3A_349 = arith.addi %add3A_348, %mul3A_347 : i32
          %add3A_350 = arith.constant 0 : i32
          %add3A_351 = arith.addi %add3A_349, %add3A_350 : i32
          %get3A = arith.constant 1 : i32
          %get3A_352 = arith.index_cast %get3A : i32 to index
          %get3A_353 = arith.index_cast %add3A_351 : i32 to index
          %get3A_354 = arith.constant 0 : index
          %get3A_355 = tpu.vector_load %arg23[%get3A_352, %get3A_353, %get3A_354] {strides = array<i32>} : memref<2x800x24xf32, #tpu.memory_space<vmem>>, vector<1x1x16xf32>,
          %get3A_356 = vector.shape_cast %get3A_355 : vector<1x1x16xf32> to vector<16xf32>
          %add3A_357 = arith.constant 1 : i32
          %add3A_358 = arith.addi %add3A_349, %add3A_357 : i32
          %get3A_359 = arith.constant 1 : i32
          %get3A_360 = arith.index_cast %get3A_359 : i32 to index
          %get3A_361 = arith.index_cast %add3A_358 : i32 to index
          %get3A_362 = arith.constant 0 : index
          %get3A_363 = tpu.vector_load %arg23[%get3A_360, %get3A_361, %get3A_362] {strides = array<i32>} : memref<2x800x24xf32, #tpu.memory_space<vmem>>, vector<1x1x16xf32>,
          %get3A_364 = vector.shape_cast %get3A_363 : vector<1x1x16xf32> to vector<16xf32>
          %add3A_365 = arith.constant 2 : i32
          %add3A_366 = arith.addi %add3A_349, %add3A_365 : i32
          %get3A_367 = arith.constant 1 : i32
          %get3A_368 = arith.index_cast %get3A_367 : i32 to index
          %get3A_369 = arith.index_cast %add3A_366 : i32 to index
          %get3A_370 = arith.constant 0 : index
          %get3A_371 = tpu.vector_load %arg23[%get3A_368, %get3A_369, %get3A_370] {strides = array<i32>} : memref<2x800x24xf32, #tpu.memory_space<vmem>>, vector<1x1x16xf32>,
          %get3A_372 = vector.shape_cast %get3A_371 : vector<1x1x16xf32> to vector<16xf32>
          %add3A_373 = arith.constant 3 : i32
          %add3A_374 = arith.addi %add3A_349, %add3A_373 : i32
          %get3A_375 = arith.constant 1 : i32
          %get3A_376 = arith.index_cast %get3A_375 : i32 to index
          %get3A_377 = arith.index_cast %add3A_374 : i32 to index
          %get3A_378 = arith.constant 0 : index
          %get3A_379 = tpu.vector_load %arg23[%get3A_376, %get3A_377, %get3A_378] {strides = array<i32>} : memref<2x800x24xf32, #tpu.memory_space<vmem>>, vector<1x1x16xf32>,
          %get3A_380 = vector.shape_cast %get3A_379 : vector<1x1x16xf32> to vector<16xf32>
          %add3A_381 = arith.constant 4 : i32
          %add3A_382 = arith.addi %add3A_349, %add3A_381 : i32
          %get3A_383 = arith.constant 1 : i32
          %get3A_384 = arith.index_cast %get3A_383 : i32 to index
          %get3A_385 = arith.index_cast %add3A_382 : i32 to index
          %get3A_386 = arith.constant 0 : index
          %get3A_387 = tpu.vector_load %arg23[%get3A_384, %get3A_385, %get3A_386] {strides = array<i32>} : memref<2x800x24xf32, #tpu.memory_space<vmem>>, vector<1x1x16xf32>,
          %get3A_388 = vector.shape_cast %get3A_387 : vector<1x1x16xf32> to vector<16xf32>
          %add3A_389 = arith.constant 5 : i32
          %add3A_390 = arith.addi %add3A_349, %add3A_389 : i32
          %get3A_391 = arith.constant 1 : i32
          %get3A_392 = arith.index_cast %get3A_391 : i32 to index
          %get3A_393 = arith.index_cast %add3A_390 : i32 to index
          %get3A_394 = arith.constant 0 : index
          %get3A_395 = tpu.vector_load %arg23[%get3A_392, %get3A_393, %get3A_394] {strides = array<i32>} : memref<2x800x24xf32, #tpu.memory_space<vmem>>, vector<1x1x16xf32>,
          %get3A_396 = vector.shape_cast %get3A_395 : vector<1x1x16xf32> to vector<16xf32>
          %add3A_397 = arith.constant 6 : i32
          %add3A_398 = arith.addi %add3A_349, %add3A_397 : i32
          %get3A_399 = arith.constant 1 : i32
          %get3A_400 = arith.index_cast %get3A_399 : i32 to index
          %get3A_401 = arith.index_cast %add3A_398 : i32 to index
          %get3A_402 = arith.constant 0 : index
          %get3A_403 = tpu.vector_load %arg23[%get3A_400, %get3A_401, %get3A_402] {strides = array<i32>} : memref<2x800x24xf32, #tpu.memory_space<vmem>>, vector<1x1x16xf32>,
          %get3A_404 = vector.shape_cast %get3A_403 : vector<1x1x16xf32> to vector<16xf32>
          %add3A_405 = arith.constant 7 : i32
          %add3A_406 = arith.addi %add3A_349, %add3A_405 : i32
          %get3A_407 = arith.constant 1 : i32
          %get3A_408 = arith.index_cast %get3A_407 : i32 to index
          %get3A_409 = arith.index_cast %add3A_406 : i32 to index
          %get3A_410 = arith.constant 0 : index
          %get3A_411 = tpu.vector_load %arg23[%get3A_408, %get3A_409, %get3A_410] {strides = array<i32>} : memref<2x800x24xf32, #tpu.memory_space<vmem>>, vector<1x1x16xf32>,
          %get3A_412 = vector.shape_cast %get3A_411 : vector<1x1x16xf32> to vector<16xf32>
          %add3A_413 = arith.constant 0 : i32
          %add3A_414 = arith.addi %add3A_349, %add3A_413 : i32
          %get3A_415 = arith.constant 1 : i32
          %get3A_416 = arith.index_cast %get3A_415 : i32 to index
          %get3A_417 = arith.index_cast %add3A_414 : i32 to index
          %get3A_418 = arith.constant 8 : index
          %get3A_419 = tpu.vector_load %arg23[%get3A_416, %get3A_417, %get3A_418] {strides = array<i32>} : memref<2x800x24xf32, #tpu.memory_space<vmem>>, vector<1x1x16xf32>,
          %get3A_420 = vector.shape_cast %get3A_419 : vector<1x1x16xf32> to vector<16xf32>
          %add3A_421 = arith.constant 1 : i32
          %add3A_422 = arith.addi %add3A_349, %add3A_421 : i32
          %get3A_423 = arith.constant 1 : i32
          %get3A_424 = arith.index_cast %get3A_423 : i32 to index
          %get3A_425 = arith.index_cast %add3A_422 : i32 to index
          %get3A_426 = arith.constant 8 : index
          %get3A_427 = tpu.vector_load %arg23[%get3A_424, %get3A_425, %get3A_426] {strides = array<i32>} : memref<2x800x24xf32, #tpu.memory_space<vmem>>, vector<1x1x16xf32>,
          %get3A_428 = vector.shape_cast %get3A_427 : vector<1x1x16xf32> to vector<16xf32>
          %add3A_429 = arith.constant 2 : i32
          %add3A_430 = arith.addi %add3A_349, %add3A_429 : i32
          %get3A_431 = arith.constant 1 : i32
          %get3A_432 = arith.index_cast %get3A_431 : i32 to index
          %get3A_433 = arith.index_cast %add3A_430 : i32 to index
          %get3A_434 = arith.constant 8 : index
          %get3A_435 = tpu.vector_load %arg23[%get3A_432, %get3A_433, %get3A_434] {strides = array<i32>} : memref<2x800x24xf32, #tpu.memory_space<vmem>>, vector<1x1x16xf32>,
          %get3A_436 = vector.shape_cast %get3A_435 : vector<1x1x16xf32> to vector<16xf32>
          %add3A_437 = arith.constant 3 : i32
          %add3A_438 = arith.addi %add3A_349, %add3A_437 : i32
          %get3A_439 = arith.constant 1 : i32
          %get3A_440 = arith.index_cast %get3A_439 : i32 to index
          %get3A_441 = arith.index_cast %add3A_438 : i32 to index
          %get3A_442 = arith.constant 8 : index
          %get3A_443 = tpu.vector_load %arg23[%get3A_440, %get3A_441, %get3A_442] {strides = array<i32>} : memref<2x800x24xf32, #tpu.memory_space<vmem>>, vector<1x1x16xf32>,
          %get3A_444 = vector.shape_cast %get3A_443 : vector<1x1x16xf32> to vector<16xf32>
          %add3A_445 = arith.constant 4 : i32
          %add3A_446 = arith.addi %add3A_349, %add3A_445 : i32
          %get3A_447 = arith.constant 1 : i32
          %get3A_448 = arith.index_cast %get3A_447 : i32 to index
          %get3A_449 = arith.index_cast %add3A_446 : i32 to index
          %get3A_450 = arith.constant 8 : index
          %get3A_451 = tpu.vector_load %arg23[%get3A_448, %get3A_449, %get3A_450] {strides = array<i32>} : memref<2x800x24xf32, #tpu.memory_space<vmem>>, vector<1x1x16xf32>,
          %get3A_452 = vector.shape_cast %get3A_451 : vector<1x1x16xf32> to vector<16xf32>
          %add3A_453 = arith.constant 5 : i32
          %add3A_454 = arith.addi %add3A_349, %add3A_453 : i32
          %get3A_455 = arith.constant 1 : i32
          %get3A_456 = arith.index_cast %get3A_455 : i32 to index
          %get3A_457 = arith.index_cast %add3A_454 : i32 to index
          %get3A_458 = arith.constant 8 : index
          %get3A_459 = tpu.vector_load %arg23[%get3A_456, %get3A_457, %get3A_458] {strides = array<i32>} : memref<2x800x24xf32, #tpu.memory_space<vmem>>, vector<1x1x16xf32>,
          %get3A_460 = vector.shape_cast %get3A_459 : vector<1x1x16xf32> to vector<16xf32>
          %add3A_461 = arith.constant 6 : i32
          %add3A_462 = arith.addi %add3A_349, %add3A_461 : i32
          %get3A_463 = arith.constant 1 : i32
          %get3A_464 = arith.index_cast %get3A_463 : i32 to index
          %get3A_465 = arith.index_cast %add3A_462 : i32 to index
          %get3A_466 = arith.constant 8 : index
          %get3A_467 = tpu.vector_load %arg23[%get3A_464, %get3A_465, %get3A_466] {strides = array<i32>} : memref<2x800x24xf32, #tpu.memory_space<vmem>>, vector<1x1x16xf32>,
          %get3A_468 = vector.shape_cast %get3A_467 : vector<1x1x16xf32> to vector<16xf32>
          %add3A_469 = arith.constant 7 : i32
          %add3A_470 = arith.addi %add3A_349, %add3A_469 : i32
          %get3A_471 = arith.constant 1 : i32
          %get3A_472 = arith.index_cast %get3A_471 : i32 to index
          %get3A_473 = arith.index_cast %add3A_470 : i32 to index
          %get3A_474 = arith.constant 8 : index
          %get3A_475 = tpu.vector_load %arg23[%get3A_472, %get3A_473, %get3A_474] {strides = array<i32>} : memref<2x800x24xf32, #tpu.memory_space<vmem>>, vector<1x1x16xf32>,
          %get3A_476 = vector.shape_cast %get3A_475 : vector<1x1x16xf32> to vector<16xf32>
          %add3A_477 = arith.addf %get3A_356, %get3A_364 : vector<16xf32>
          %add3A_478 = arith.addf %get3A_372, %get3A_380 : vector<16xf32>
          %add3A_479 = arith.addf %get3A_388, %get3A_396 : vector<16xf32>
          %add3A_480 = arith.addf %get3A_404, %get3A_412 : vector<16xf32>
          %add3A_481 = arith.addf %get3A_420, %get3A_428 : vector<16xf32>
          %add3A_482 = arith.addf %get3A_436, %get3A_444 : vector<16xf32>
          %add3A_483 = arith.addf %get3A_452, %get3A_460 : vector<16xf32>
          %add3A_484 = arith.addf %get3A_468, %get3A_476 : vector<16xf32>
          %add3A_485 = arith.addf %add3A_477, %add3A_478 : vector<16xf32>
          %add3A_486 = arith.addf %add3A_479, %add3A_480 : vector<16xf32>
          %add3A_487 = arith.addf %add3A_481, %add3A_482 : vector<16xf32>
          %add3A_488 = arith.addf %add3A_483, %add3A_484 : vector<16xf32>
          %add3A_489 = arith.addf %add3A_485, %add3A_486 : vector<16xf32>
          %add3A_490 = arith.addf %scan3A_344, %add3A_489 : vector<16xf32>
          %add3A_491 = arith.addf %add3A_487, %add3A_488 : vector<16xf32>
          %add3A_492 = arith.addf %scan3A_345, %add3A_491 : vector<16xf32>
          scf.yield %add3A_490, %add3A_492 : vector<16xf32>, vector<16xf32>
        }
        %scan3A_240 = arith.constant 25 : i32
        %mul3A_241 = arith.constant 64 : i32
        %mul3A_242 = arith.muli %scan3A_67, %mul3A_241 : i32
        %mul3A_243 = arith.constant 4 : i32
        %mul3A_244 = arith.muli %add3A_216, %mul3A_243 : i32
        %add3A_245 = arith.addi %mul3A_242, %mul3A_244 : i32
        %add3A_246 = arith.constant 0 : i32
        %add3A_247 = arith.addi %add3A_245, %add3A_246 : i32
        %mul3A_248 = arith.constant 18 : i32
        %mul3A_249 = arith.muli %mul3A_248, %add3A_247 : i32
        %swap3A_250 = arith.index_cast %mul3A_249 : i32 to index
        %swap3A_251 = tpu.vector_load %arg24[%swap3A_250] {strides = array<i32>} : memref<9232xf32, #tpu.memory_space<vmem>>, vector<16xf32>,
        %swap3A_252 = vector.shape_cast %swap3A_251 : vector<16xf32> to vector<16xf32>
        %swap3A_253 = vector.shape_cast %scan3A_239#0 : vector<16xf32> to vector<16xf32>
        tpu.vector_store %arg24[%swap3A_250], %swap3A_253 {strides = array<i32>} : memref<9232xf32, #tpu.memory_space<vmem>>, vector<16xf32>,
        %mul3A_254 = arith.constant 18 : i32
        %mul3A_255 = arith.muli %mul3A_254, %add3A_247 : i32
        %add3A_256 = arith.constant 8 : i32
        %add3A_257 = arith.addi %mul3A_255, %add3A_256 : i32
        %swap3A_258 = arith.index_cast %add3A_257 : i32 to index
        %swap3A_259 = tpu.vector_load %arg24[%swap3A_258] {strides = array<i32>} : memref<9232xf32, #tpu.memory_space<vmem>>, vector<16xf32>,
        %swap3A_260 = vector.shape_cast %swap3A_259 : vector<16xf32> to vector<16xf32>
        %swap3A_261 = vector.shape_cast %scan3A_239#1 : vector<16xf32> to vector<16xf32>
        tpu.vector_store %arg24[%swap3A_258], %swap3A_261 {strides = array<i32>} : memref<9232xf32, #tpu.memory_space<vmem>>, vector<16xf32>,
        %scan3A_262 = arith.constant 0 : i32
        %scan3A_263 = arith.constant 25 : i32
        %scan3A_264 = arith.addi %scan3A_262, %scan3A_263 : i32
        %scan3A_265 = arith.constant 1 : i32
        %scan3A_266:2 = scf.for %scan3A_343 = %scan3A_262 to %scan3A_264 step %scan3A_265 iter_args(%scan3A_344 = %broadcast_in_dim3A_54, %scan3A_345 = %broadcast_in_dim3A_54) -> (vector<16xf32>, vector<16xf32>)  : i32 {
          %mul3A_346 = arith.constant 8 : i32
          %mul3A_347 = arith.muli %scan3A_343, %mul3A_346 : i32
          %add3A_348 = arith.constant 200 : i32
          %add3A_349 = arith.addi %add3A_348, %mul3A_347 : i32
          %add3A_350 = arith.constant 0 : i32
          %add3A_351 = arith.addi %add3A_349, %add3A_350 : i32
          %get3A = arith.constant 1 : i32
          %get3A_352 = arith.index_cast %get3A : i32 to index
          %get3A_353 = arith.index_cast %add3A_351 : i32 to index
          %get3A_354 = arith.constant 0 : index
          %get3A_355 = tpu.vector_load %arg23[%get3A_352, %get3A_353, %get3A_354] {strides = array<i32>} : memref<2x800x24xf32, #tpu.memory_space<vmem>>, vector<1x1x16xf32>,
          %get3A_356 = vector.shape_cast %get3A_355 : vector<1x1x16xf32> to vector<16xf32>
          %add3A_357 = arith.constant 1 : i32
          %add3A_358 = arith.addi %add3A_349, %add3A_357 : i32
          %get3A_359 = arith.constant 1 : i32
          %get3A_360 = arith.index_cast %get3A_359 : i32 to index
          %get3A_361 = arith.index_cast %add3A_358 : i32 to index
          %get3A_362 = arith.constant 0 : index
          %get3A_363 = tpu.vector_load %arg23[%get3A_360, %get3A_361, %get3A_362] {strides = array<i32>} : memref<2x800x24xf32, #tpu.memory_space<vmem>>, vector<1x1x16xf32>,
          %get3A_364 = vector.shape_cast %get3A_363 : vector<1x1x16xf32> to vector<16xf32>
          %add3A_365 = arith.constant 2 : i32
          %add3A_366 = arith.addi %add3A_349, %add3A_365 : i32
          %get3A_367 = arith.constant 1 : i32
          %get3A_368 = arith.index_cast %get3A_367 : i32 to index
          %get3A_369 = arith.index_cast %add3A_366 : i32 to index
          %get3A_370 = arith.constant 0 : index
          %get3A_371 = tpu.vector_load %arg23[%get3A_368, %get3A_369, %get3A_370] {strides = array<i32>} : memref<2x800x24xf32, #tpu.memory_space<vmem>>, vector<1x1x16xf32>,
          %get3A_372 = vector.shape_cast %get3A_371 : vector<1x1x16xf32> to vector<16xf32>
          %add3A_373 = arith.constant 3 : i32
          %add3A_374 = arith.addi %add3A_349, %add3A_373 : i32
          %get3A_375 = arith.constant 1 : i32
          %get3A_376 = arith.index_cast %get3A_375 : i32 to index
          %get3A_377 = arith.index_cast %add3A_374 : i32 to index
          %get3A_378 = arith.constant 0 : index
          %get3A_379 = tpu.vector_load %arg23[%get3A_376, %get3A_377, %get3A_378] {strides = array<i32>} : memref<2x800x24xf32, #tpu.memory_space<vmem>>, vector<1x1x16xf32>,
          %get3A_380 = vector.shape_cast %get3A_379 : vector<1x1x16xf32> to vector<16xf32>
          %add3A_381 = arith.constant 4 : i32
          %add3A_382 = arith.addi %add3A_349, %add3A_381 : i32
          %get3A_383 = arith.constant 1 : i32
          %get3A_384 = arith.index_cast %get3A_383 : i32 to index
          %get3A_385 = arith.index_cast %add3A_382 : i32 to index
          %get3A_386 = arith.constant 0 : index
          %get3A_387 = tpu.vector_load %arg23[%get3A_384, %get3A_385, %get3A_386] {strides = array<i32>} : memref<2x800x24xf32, #tpu.memory_space<vmem>>, vector<1x1x16xf32>,
          %get3A_388 = vector.shape_cast %get3A_387 : vector<1x1x16xf32> to vector<16xf32>
          %add3A_389 = arith.constant 5 : i32
          %add3A_390 = arith.addi %add3A_349, %add3A_389 : i32
          %get3A_391 = arith.constant 1 : i32
          %get3A_392 = arith.index_cast %get3A_391 : i32 to index
          %get3A_393 = arith.index_cast %add3A_390 : i32 to index
          %get3A_394 = arith.constant 0 : index
          %get3A_395 = tpu.vector_load %arg23[%get3A_392, %get3A_393, %get3A_394] {strides = array<i32>} : memref<2x800x24xf32, #tpu.memory_space<vmem>>, vector<1x1x16xf32>,
          %get3A_396 = vector.shape_cast %get3A_395 : vector<1x1x16xf32> to vector<16xf32>
          %add3A_397 = arith.constant 6 : i32
          %add3A_398 = arith.addi %add3A_349, %add3A_397 : i32
          %get3A_399 = arith.constant 1 : i32
          %get3A_400 = arith.index_cast %get3A_399 : i32 to index
          %get3A_401 = arith.index_cast %add3A_398 : i32 to index
          %get3A_402 = arith.constant 0 : index
          %get3A_403 = tpu.vector_load %arg23[%get3A_400, %get3A_401, %get3A_402] {strides = array<i32>} : memref<2x800x24xf32, #tpu.memory_space<vmem>>, vector<1x1x16xf32>,
          %get3A_404 = vector.shape_cast %get3A_403 : vector<1x1x16xf32> to vector<16xf32>
          %add3A_405 = arith.constant 7 : i32
          %add3A_406 = arith.addi %add3A_349, %add3A_405 : i32
          %get3A_407 = arith.constant 1 : i32
          %get3A_408 = arith.index_cast %get3A_407 : i32 to index
          %get3A_409 = arith.index_cast %add3A_406 : i32 to index
          %get3A_410 = arith.constant 0 : index
          %get3A_411 = tpu.vector_load %arg23[%get3A_408, %get3A_409, %get3A_410] {strides = array<i32>} : memref<2x800x24xf32, #tpu.memory_space<vmem>>, vector<1x1x16xf32>,
          %get3A_412 = vector.shape_cast %get3A_411 : vector<1x1x16xf32> to vector<16xf32>
          %add3A_413 = arith.constant 0 : i32
          %add3A_414 = arith.addi %add3A_349, %add3A_413 : i32
          %get3A_415 = arith.constant 1 : i32
          %get3A_416 = arith.index_cast %get3A_415 : i32 to index
          %get3A_417 = arith.index_cast %add3A_414 : i32 to index
          %get3A_418 = arith.constant 8 : index
          %get3A_419 = tpu.vector_load %arg23[%get3A_416, %get3A_417, %get3A_418] {strides = array<i32>} : memref<2x800x24xf32, #tpu.memory_space<vmem>>, vector<1x1x16xf32>,
          %get3A_420 = vector.shape_cast %get3A_419 : vector<1x1x16xf32> to vector<16xf32>
          %add3A_421 = arith.constant 1 : i32
          %add3A_422 = arith.addi %add3A_349, %add3A_421 : i32
          %get3A_423 = arith.constant 1 : i32
          %get3A_424 = arith.index_cast %get3A_423 : i32 to index
          %get3A_425 = arith.index_cast %add3A_422 : i32 to index
          %get3A_426 = arith.constant 8 : index
          %get3A_427 = tpu.vector_load %arg23[%get3A_424, %get3A_425, %get3A_426] {strides = array<i32>} : memref<2x800x24xf32, #tpu.memory_space<vmem>>, vector<1x1x16xf32>,
          %get3A_428 = vector.shape_cast %get3A_427 : vector<1x1x16xf32> to vector<16xf32>
          %add3A_429 = arith.constant 2 : i32
          %add3A_430 = arith.addi %add3A_349, %add3A_429 : i32
          %get3A_431 = arith.constant 1 : i32
          %get3A_432 = arith.index_cast %get3A_431 : i32 to index
          %get3A_433 = arith.index_cast %add3A_430 : i32 to index
          %get3A_434 = arith.constant 8 : index
          %get3A_435 = tpu.vector_load %arg23[%get3A_432, %get3A_433, %get3A_434] {strides = array<i32>} : memref<2x800x24xf32, #tpu.memory_space<vmem>>, vector<1x1x16xf32>,
          %get3A_436 = vector.shape_cast %get3A_435 : vector<1x1x16xf32> to vector<16xf32>
          %add3A_437 = arith.constant 3 : i32
          %add3A_438 = arith.addi %add3A_349, %add3A_437 : i32
          %get3A_439 = arith.constant 1 : i32
          %get3A_440 = arith.index_cast %get3A_439 : i32 to index
          %get3A_441 = arith.index_cast %add3A_438 : i32 to index
          %get3A_442 = arith.constant 8 : index
          %get3A_443 = tpu.vector_load %arg23[%get3A_440, %get3A_441, %get3A_442] {strides = array<i32>} : memref<2x800x24xf32, #tpu.memory_space<vmem>>, vector<1x1x16xf32>,
          %get3A_444 = vector.shape_cast %get3A_443 : vector<1x1x16xf32> to vector<16xf32>
          %add3A_445 = arith.constant 4 : i32
          %add3A_446 = arith.addi %add3A_349, %add3A_445 : i32
          %get3A_447 = arith.constant 1 : i32
          %get3A_448 = arith.index_cast %get3A_447 : i32 to index
          %get3A_449 = arith.index_cast %add3A_446 : i32 to index
          %get3A_450 = arith.constant 8 : index
          %get3A_451 = tpu.vector_load %arg23[%get3A_448, %get3A_449, %get3A_450] {strides = array<i32>} : memref<2x800x24xf32, #tpu.memory_space<vmem>>, vector<1x1x16xf32>,
          %get3A_452 = vector.shape_cast %get3A_451 : vector<1x1x16xf32> to vector<16xf32>
          %add3A_453 = arith.constant 5 : i32
          %add3A_454 = arith.addi %add3A_349, %add3A_453 : i32
          %get3A_455 = arith.constant 1 : i32
          %get3A_456 = arith.index_cast %get3A_455 : i32 to index
          %get3A_457 = arith.index_cast %add3A_454 : i32 to index
          %get3A_458 = arith.constant 8 : index
          %get3A_459 = tpu.vector_load %arg23[%get3A_456, %get3A_457, %get3A_458] {strides = array<i32>} : memref<2x800x24xf32, #tpu.memory_space<vmem>>, vector<1x1x16xf32>,
          %get3A_460 = vector.shape_cast %get3A_459 : vector<1x1x16xf32> to vector<16xf32>
          %add3A_461 = arith.constant 6 : i32
          %add3A_462 = arith.addi %add3A_349, %add3A_461 : i32
          %get3A_463 = arith.constant 1 : i32
          %get3A_464 = arith.index_cast %get3A_463 : i32 to index
          %get3A_465 = arith.index_cast %add3A_462 : i32 to index
          %get3A_466 = arith.constant 8 : index
          %get3A_467 = tpu.vector_load %arg23[%get3A_464, %get3A_465, %get3A_466] {strides = array<i32>} : memref<2x800x24xf32, #tpu.memory_space<vmem>>, vector<1x1x16xf32>,
          %get3A_468 = vector.shape_cast %get3A_467 : vector<1x1x16xf32> to vector<16xf32>
          %add3A_469 = arith.constant 7 : i32
          %add3A_470 = arith.addi %add3A_349, %add3A_469 : i32
          %get3A_471 = arith.constant 1 : i32
          %get3A_472 = arith.index_cast %get3A_471 : i32 to index
          %get3A_473 = arith.index_cast %add3A_470 : i32 to index
          %get3A_474 = arith.constant 8 : index
          %get3A_475 = tpu.vector_load %arg23[%get3A_472, %get3A_473, %get3A_474] {strides = array<i32>} : memref<2x800x24xf32, #tpu.memory_space<vmem>>, vector<1x1x16xf32>,
          %get3A_476 = vector.shape_cast %get3A_475 : vector<1x1x16xf32> to vector<16xf32>
          %add3A_477 = arith.addf %get3A_356, %get3A_364 : vector<16xf32>
          %add3A_478 = arith.addf %get3A_372, %get3A_380 : vector<16xf32>
          %add3A_479 = arith.addf %get3A_388, %get3A_396 : vector<16xf32>
          %add3A_480 = arith.addf %get3A_404, %get3A_412 : vector<16xf32>
          %add3A_481 = arith.addf %get3A_420, %get3A_428 : vector<16xf32>
          %add3A_482 = arith.addf %get3A_436, %get3A_444 : vector<16xf32>
          %add3A_483 = arith.addf %get3A_452, %get3A_460 : vector<16xf32>
          %add3A_484 = arith.addf %get3A_468, %get3A_476 : vector<16xf32>
          %add3A_485 = arith.addf %add3A_477, %add3A_478 : vector<16xf32>
          %add3A_486 = arith.addf %add3A_479, %add3A_480 : vector<16xf32>
          %add3A_487 = arith.addf %add3A_481, %add3A_482 : vector<16xf32>
          %add3A_488 = arith.addf %add3A_483, %add3A_484 : vector<16xf32>
          %add3A_489 = arith.addf %add3A_485, %add3A_486 : vector<16xf32>
          %add3A_490 = arith.addf %scan3A_344, %add3A_489 : vector<16xf32>
          %add3A_491 = arith.addf %add3A_487, %add3A_488 : vector<16xf32>
          %add3A_492 = arith.addf %scan3A_345, %add3A_491 : vector<16xf32>
          scf.yield %add3A_490, %add3A_492 : vector<16xf32>, vector<16xf32>
        }
        %scan3A_267 = arith.constant 25 : i32
        %mul3A_268 = arith.constant 64 : i32
        %mul3A_269 = arith.muli %scan3A_67, %mul3A_268 : i32
        %mul3A_270 = arith.constant 4 : i32
        %mul3A_271 = arith.muli %add3A_216, %mul3A_270 : i32
        %add3A_272 = arith.addi %mul3A_269, %mul3A_271 : i32
        %add3A_273 = arith.constant 1 : i32
        %add3A_274 = arith.addi %add3A_272, %add3A_273 : i32
        %mul3A_275 = arith.constant 18 : i32
        %mul3A_276 = arith.muli %mul3A_275, %add3A_274 : i32
        %swap3A_277 = arith.index_cast %mul3A_276 : i32 to index
        %swap3A_278 = tpu.vector_load %arg24[%swap3A_277] {strides = array<i32>} : memref<9232xf32, #tpu.memory_space<vmem>>, vector<16xf32>,
        %swap3A_279 = vector.shape_cast %swap3A_278 : vector<16xf32> to vector<16xf32>
        %swap3A_280 = vector.shape_cast %scan3A_266#0 : vector<16xf32> to vector<16xf32>
        tpu.vector_store %arg24[%swap3A_277], %swap3A_280 {strides = array<i32>} : memref<9232xf32, #tpu.memory_space<vmem>>, vector<16xf32>,
        %mul3A_281 = arith.constant 18 : i32
        %mul3A_282 = arith.muli %mul3A_281, %add3A_274 : i32
        %add3A_283 = arith.constant 8 : i32
        %add3A_284 = arith.addi %mul3A_282, %add3A_283 : i32
        %swap3A_285 = arith.index_cast %add3A_284 : i32 to index
        %swap3A_286 = tpu.vector_load %arg24[%swap3A_285] {strides = array<i32>} : memref<9232xf32, #tpu.memory_space<vmem>>, vector<16xf32>,
        %swap3A_287 = vector.shape_cast %swap3A_286 : vector<16xf32> to vector<16xf32>
        %swap3A_288 = vector.shape_cast %scan3A_266#1 : vector<16xf32> to vector<16xf32>
        tpu.vector_store %arg24[%swap3A_285], %swap3A_288 {strides = array<i32>} : memref<9232xf32, #tpu.memory_space<vmem>>, vector<16xf32>,
        %scan3A_289 = arith.constant 0 : i32
        %scan3A_290 = arith.constant 25 : i32
        %scan3A_291 = arith.addi %scan3A_289, %scan3A_290 : i32
        %scan3A_292 = arith.constant 1 : i32
        %scan3A_293:2 = scf.for %scan3A_343 = %scan3A_289 to %scan3A_291 step %scan3A_292 iter_args(%scan3A_344 = %broadcast_in_dim3A_54, %scan3A_345 = %broadcast_in_dim3A_54) -> (vector<16xf32>, vector<16xf32>)  : i32 {
          %mul3A_346 = arith.constant 8 : i32
          %mul3A_347 = arith.muli %scan3A_343, %mul3A_346 : i32
          %add3A_348 = arith.constant 400 : i32
          %add3A_349 = arith.addi %add3A_348, %mul3A_347 : i32
          %add3A_350 = arith.constant 0 : i32
          %add3A_351 = arith.addi %add3A_349, %add3A_350 : i32
          %get3A = arith.constant 1 : i32
          %get3A_352 = arith.index_cast %get3A : i32 to index
          %get3A_353 = arith.index_cast %add3A_351 : i32 to index
          %get3A_354 = arith.constant 0 : index
          %get3A_355 = tpu.vector_load %arg23[%get3A_352, %get3A_353, %get3A_354] {strides = array<i32>} : memref<2x800x24xf32, #tpu.memory_space<vmem>>, vector<1x1x16xf32>,
          %get3A_356 = vector.shape_cast %get3A_355 : vector<1x1x16xf32> to vector<16xf32>
          %add3A_357 = arith.constant 1 : i32
          %add3A_358 = arith.addi %add3A_349, %add3A_357 : i32
          %get3A_359 = arith.constant 1 : i32
          %get3A_360 = arith.index_cast %get3A_359 : i32 to index
          %get3A_361 = arith.index_cast %add3A_358 : i32 to index
          %get3A_362 = arith.constant 0 : index
          %get3A_363 = tpu.vector_load %arg23[%get3A_360, %get3A_361, %get3A_362] {strides = array<i32>} : memref<2x800x24xf32, #tpu.memory_space<vmem>>, vector<1x1x16xf32>,
          %get3A_364 = vector.shape_cast %get3A_363 : vector<1x1x16xf32> to vector<16xf32>
          %add3A_365 = arith.constant 2 : i32
          %add3A_366 = arith.addi %add3A_349, %add3A_365 : i32
          %get3A_367 = arith.constant 1 : i32
          %get3A_368 = arith.index_cast %get3A_367 : i32 to index
          %get3A_369 = arith.index_cast %add3A_366 : i32 to index
          %get3A_370 = arith.constant 0 : index
          %get3A_371 = tpu.vector_load %arg23[%get3A_368, %get3A_369, %get3A_370] {strides = array<i32>} : memref<2x800x24xf32, #tpu.memory_space<vmem>>, vector<1x1x16xf32>,
          %get3A_372 = vector.shape_cast %get3A_371 : vector<1x1x16xf32> to vector<16xf32>
          %add3A_373 = arith.constant 3 : i32
          %add3A_374 = arith.addi %add3A_349, %add3A_373 : i32
          %get3A_375 = arith.constant 1 : i32
          %get3A_376 = arith.index_cast %get3A_375 : i32 to index
          %get3A_377 = arith.index_cast %add3A_374 : i32 to index
          %get3A_378 = arith.constant 0 : index
          %get3A_379 = tpu.vector_load %arg23[%get3A_376, %get3A_377, %get3A_378] {strides = array<i32>} : memref<2x800x24xf32, #tpu.memory_space<vmem>>, vector<1x1x16xf32>,
          %get3A_380 = vector.shape_cast %get3A_379 : vector<1x1x16xf32> to vector<16xf32>
          %add3A_381 = arith.constant 4 : i32
          %add3A_382 = arith.addi %add3A_349, %add3A_381 : i32
          %get3A_383 = arith.constant 1 : i32
          %get3A_384 = arith.index_cast %get3A_383 : i32 to index
          %get3A_385 = arith.index_cast %add3A_382 : i32 to index
          %get3A_386 = arith.constant 0 : index
          %get3A_387 = tpu.vector_load %arg23[%get3A_384, %get3A_385, %get3A_386] {strides = array<i32>} : memref<2x800x24xf32, #tpu.memory_space<vmem>>, vector<1x1x16xf32>,
          %get3A_388 = vector.shape_cast %get3A_387 : vector<1x1x16xf32> to vector<16xf32>
          %add3A_389 = arith.constant 5 : i32
          %add3A_390 = arith.addi %add3A_349, %add3A_389 : i32
          %get3A_391 = arith.constant 1 : i32
          %get3A_392 = arith.index_cast %get3A_391 : i32 to index
          %get3A_393 = arith.index_cast %add3A_390 : i32 to index
          %get3A_394 = arith.constant 0 : index
          %get3A_395 = tpu.vector_load %arg23[%get3A_392, %get3A_393, %get3A_394] {strides = array<i32>} : memref<2x800x24xf32, #tpu.memory_space<vmem>>, vector<1x1x16xf32>,
          %get3A_396 = vector.shape_cast %get3A_395 : vector<1x1x16xf32> to vector<16xf32>
          %add3A_397 = arith.constant 6 : i32
          %add3A_398 = arith.addi %add3A_349, %add3A_397 : i32
          %get3A_399 = arith.constant 1 : i32
          %get3A_400 = arith.index_cast %get3A_399 : i32 to index
          %get3A_401 = arith.index_cast %add3A_398 : i32 to index
          %get3A_402 = arith.constant 0 : index
          %get3A_403 = tpu.vector_load %arg23[%get3A_400, %get3A_401, %get3A_402] {strides = array<i32>} : memref<2x800x24xf32, #tpu.memory_space<vmem>>, vector<1x1x16xf32>,
          %get3A_404 = vector.shape_cast %get3A_403 : vector<1x1x16xf32> to vector<16xf32>
          %add3A_405 = arith.constant 7 : i32
          %add3A_406 = arith.addi %add3A_349, %add3A_405 : i32
          %get3A_407 = arith.constant 1 : i32
          %get3A_408 = arith.index_cast %get3A_407 : i32 to index
          %get3A_409 = arith.index_cast %add3A_406 : i32 to index
          %get3A_410 = arith.constant 0 : index
          %get3A_411 = tpu.vector_load %arg23[%get3A_408, %get3A_409, %get3A_410] {strides = array<i32>} : memref<2x800x24xf32, #tpu.memory_space<vmem>>, vector<1x1x16xf32>,
          %get3A_412 = vector.shape_cast %get3A_411 : vector<1x1x16xf32> to vector<16xf32>
          %add3A_413 = arith.constant 0 : i32
          %add3A_414 = arith.addi %add3A_349, %add3A_413 : i32
          %get3A_415 = arith.constant 1 : i32
          %get3A_416 = arith.index_cast %get3A_415 : i32 to index
          %get3A_417 = arith.index_cast %add3A_414 : i32 to index
          %get3A_418 = arith.constant 8 : index
          %get3A_419 = tpu.vector_load %arg23[%get3A_416, %get3A_417, %get3A_418] {strides = array<i32>} : memref<2x800x24xf32, #tpu.memory_space<vmem>>, vector<1x1x16xf32>,
          %get3A_420 = vector.shape_cast %get3A_419 : vector<1x1x16xf32> to vector<16xf32>
          %add3A_421 = arith.constant 1 : i32
          %add3A_422 = arith.addi %add3A_349, %add3A_421 : i32
          %get3A_423 = arith.constant 1 : i32
          %get3A_424 = arith.index_cast %get3A_423 : i32 to index
          %get3A_425 = arith.index_cast %add3A_422 : i32 to index
          %get3A_426 = arith.constant 8 : index
          %get3A_427 = tpu.vector_load %arg23[%get3A_424, %get3A_425, %get3A_426] {strides = array<i32>} : memref<2x800x24xf32, #tpu.memory_space<vmem>>, vector<1x1x16xf32>,
          %get3A_428 = vector.shape_cast %get3A_427 : vector<1x1x16xf32> to vector<16xf32>
          %add3A_429 = arith.constant 2 : i32
          %add3A_430 = arith.addi %add3A_349, %add3A_429 : i32
          %get3A_431 = arith.constant 1 : i32
          %get3A_432 = arith.index_cast %get3A_431 : i32 to index
          %get3A_433 = arith.index_cast %add3A_430 : i32 to index
          %get3A_434 = arith.constant 8 : index
          %get3A_435 = tpu.vector_load %arg23[%get3A_432, %get3A_433, %get3A_434] {strides = array<i32>} : memref<2x800x24xf32, #tpu.memory_space<vmem>>, vector<1x1x16xf32>,
          %get3A_436 = vector.shape_cast %get3A_435 : vector<1x1x16xf32> to vector<16xf32>
          %add3A_437 = arith.constant 3 : i32
          %add3A_438 = arith.addi %add3A_349, %add3A_437 : i32
          %get3A_439 = arith.constant 1 : i32
          %get3A_440 = arith.index_cast %get3A_439 : i32 to index
          %get3A_441 = arith.index_cast %add3A_438 : i32 to index
          %get3A_442 = arith.constant 8 : index
          %get3A_443 = tpu.vector_load %arg23[%get3A_440, %get3A_441, %get3A_442] {strides = array<i32>} : memref<2x800x24xf32, #tpu.memory_space<vmem>>, vector<1x1x16xf32>,
          %get3A_444 = vector.shape_cast %get3A_443 : vector<1x1x16xf32> to vector<16xf32>
          %add3A_445 = arith.constant 4 : i32
          %add3A_446 = arith.addi %add3A_349, %add3A_445 : i32
          %get3A_447 = arith.constant 1 : i32
          %get3A_448 = arith.index_cast %get3A_447 : i32 to index
          %get3A_449 = arith.index_cast %add3A_446 : i32 to index
          %get3A_450 = arith.constant 8 : index
          %get3A_451 = tpu.vector_load %arg23[%get3A_448, %get3A_449, %get3A_450] {strides = array<i32>} : memref<2x800x24xf32, #tpu.memory_space<vmem>>, vector<1x1x16xf32>,
          %get3A_452 = vector.shape_cast %get3A_451 : vector<1x1x16xf32> to vector<16xf32>
          %add3A_453 = arith.constant 5 : i32
          %add3A_454 = arith.addi %add3A_349, %add3A_453 : i32
          %get3A_455 = arith.constant 1 : i32
          %get3A_456 = arith.index_cast %get3A_455 : i32 to index
          %get3A_457 = arith.index_cast %add3A_454 : i32 to index
          %get3A_458 = arith.constant 8 : index
          %get3A_459 = tpu.vector_load %arg23[%get3A_456, %get3A_457, %get3A_458] {strides = array<i32>} : memref<2x800x24xf32, #tpu.memory_space<vmem>>, vector<1x1x16xf32>,
          %get3A_460 = vector.shape_cast %get3A_459 : vector<1x1x16xf32> to vector<16xf32>
          %add3A_461 = arith.constant 6 : i32
          %add3A_462 = arith.addi %add3A_349, %add3A_461 : i32
          %get3A_463 = arith.constant 1 : i32
          %get3A_464 = arith.index_cast %get3A_463 : i32 to index
          %get3A_465 = arith.index_cast %add3A_462 : i32 to index
          %get3A_466 = arith.constant 8 : index
          %get3A_467 = tpu.vector_load %arg23[%get3A_464, %get3A_465, %get3A_466] {strides = array<i32>} : memref<2x800x24xf32, #tpu.memory_space<vmem>>, vector<1x1x16xf32>,
          %get3A_468 = vector.shape_cast %get3A_467 : vector<1x1x16xf32> to vector<16xf32>
          %add3A_469 = arith.constant 7 : i32
          %add3A_470 = arith.addi %add3A_349, %add3A_469 : i32
          %get3A_471 = arith.constant 1 : i32
          %get3A_472 = arith.index_cast %get3A_471 : i32 to index
          %get3A_473 = arith.index_cast %add3A_470 : i32 to index
          %get3A_474 = arith.constant 8 : index
          %get3A_475 = tpu.vector_load %arg23[%get3A_472, %get3A_473, %get3A_474] {strides = array<i32>} : memref<2x800x24xf32, #tpu.memory_space<vmem>>, vector<1x1x16xf32>,
          %get3A_476 = vector.shape_cast %get3A_475 : vector<1x1x16xf32> to vector<16xf32>
          %add3A_477 = arith.addf %get3A_356, %get3A_364 : vector<16xf32>
          %add3A_478 = arith.addf %get3A_372, %get3A_380 : vector<16xf32>
          %add3A_479 = arith.addf %get3A_388, %get3A_396 : vector<16xf32>
          %add3A_480 = arith.addf %get3A_404, %get3A_412 : vector<16xf32>
          %add3A_481 = arith.addf %get3A_420, %get3A_428 : vector<16xf32>
          %add3A_482 = arith.addf %get3A_436, %get3A_444 : vector<16xf32>
          %add3A_483 = arith.addf %get3A_452, %get3A_460 : vector<16xf32>
          %add3A_484 = arith.addf %get3A_468, %get3A_476 : vector<16xf32>
          %add3A_485 = arith.addf %add3A_477, %add3A_478 : vector<16xf32>
          %add3A_486 = arith.addf %add3A_479, %add3A_480 : vector<16xf32>
          %add3A_487 = arith.addf %add3A_481, %add3A_482 : vector<16xf32>
          %add3A_488 = arith.addf %add3A_483, %add3A_484 : vector<16xf32>
          %add3A_489 = arith.addf %add3A_485, %add3A_486 : vector<16xf32>
          %add3A_490 = arith.addf %scan3A_344, %add3A_489 : vector<16xf32>
          %add3A_491 = arith.addf %add3A_487, %add3A_488 : vector<16xf32>
          %add3A_492 = arith.addf %scan3A_345, %add3A_491 : vector<16xf32>
          scf.yield %add3A_490, %add3A_492 : vector<16xf32>, vector<16xf32>
        }
        %scan3A_294 = arith.constant 25 : i32
        %mul3A_295 = arith.constant 64 : i32
        %mul3A_296 = arith.muli %scan3A_67, %mul3A_295 : i32
        %mul3A_297 = arith.constant 4 : i32
        %mul3A_298 = arith.muli %add3A_216, %mul3A_297 : i32
        %add3A_299 = arith.addi %mul3A_296, %mul3A_298 : i32
        %add3A_300 = arith.constant 2 : i32
        %add3A_301 = arith.addi %add3A_299, %add3A_300 : i32
        %mul3A_302 = arith.constant 18 : i32
        %mul3A_303 = arith.muli %mul3A_302, %add3A_301 : i32
        %swap3A_304 = arith.index_cast %mul3A_303 : i32 to index
        %swap3A_305 = tpu.vector_load %arg24[%swap3A_304] {strides = array<i32>} : memref<9232xf32, #tpu.memory_space<vmem>>, vector<16xf32>,
        %swap3A_306 = vector.shape_cast %swap3A_305 : vector<16xf32> to vector<16xf32>
        %swap3A_307 = vector.shape_cast %scan3A_293#0 : vector<16xf32> to vector<16xf32>
        tpu.vector_store %arg24[%swap3A_304], %swap3A_307 {strides = array<i32>} : memref<9232xf32, #tpu.memory_space<vmem>>, vector<16xf32>,
        %mul3A_308 = arith.constant 18 : i32
        %mul3A_309 = arith.muli %mul3A_308, %add3A_301 : i32
        %add3A_310 = arith.constant 8 : i32
        %add3A_311 = arith.addi %mul3A_309, %add3A_310 : i32
        %swap3A_312 = arith.index_cast %add3A_311 : i32 to index
        %swap3A_313 = tpu.vector_load %arg24[%swap3A_312] {strides = array<i32>} : memref<9232xf32, #tpu.memory_space<vmem>>, vector<16xf32>,
        %swap3A_314 = vector.shape_cast %swap3A_313 : vector<16xf32> to vector<16xf32>
        %swap3A_315 = vector.shape_cast %scan3A_293#1 : vector<16xf32> to vector<16xf32>
        tpu.vector_store %arg24[%swap3A_312], %swap3A_315 {strides = array<i32>} : memref<9232xf32, #tpu.memory_space<vmem>>, vector<16xf32>,
        %scan3A_316 = arith.constant 0 : i32
        %scan3A_317 = arith.constant 25 : i32
        %scan3A_318 = arith.addi %scan3A_316, %scan3A_317 : i32
        %scan3A_319 = arith.constant 1 : i32
        %scan3A_320:2 = scf.for %scan3A_343 = %scan3A_316 to %scan3A_318 step %scan3A_319 iter_args(%scan3A_344 = %broadcast_in_dim3A_54, %scan3A_345 = %broadcast_in_dim3A_54) -> (vector<16xf32>, vector<16xf32>)  : i32 {
          %mul3A_346 = arith.constant 8 : i32
          %mul3A_347 = arith.muli %scan3A_343, %mul3A_346 : i32
          %add3A_348 = arith.constant 600 : i32
          %add3A_349 = arith.addi %add3A_348, %mul3A_347 : i32
          %add3A_350 = arith.constant 0 : i32
          %add3A_351 = arith.addi %add3A_349, %add3A_350 : i32
          %get3A = arith.constant 1 : i32
          %get3A_352 = arith.index_cast %get3A : i32 to index
          %get3A_353 = arith.index_cast %add3A_351 : i32 to index
          %get3A_354 = arith.constant 0 : index
          %get3A_355 = tpu.vector_load %arg23[%get3A_352, %get3A_353, %get3A_354] {strides = array<i32>} : memref<2x800x24xf32, #tpu.memory_space<vmem>>, vector<1x1x16xf32>,
          %get3A_356 = vector.shape_cast %get3A_355 : vector<1x1x16xf32> to vector<16xf32>
          %add3A_357 = arith.constant 1 : i32
          %add3A_358 = arith.addi %add3A_349, %add3A_357 : i32
          %get3A_359 = arith.constant 1 : i32
          %get3A_360 = arith.index_cast %get3A_359 : i32 to index
          %get3A_361 = arith.index_cast %add3A_358 : i32 to index
          %get3A_362 = arith.constant 0 : index
          %get3A_363 = tpu.vector_load %arg23[%get3A_360, %get3A_361, %get3A_362] {strides = array<i32>} : memref<2x800x24xf32, #tpu.memory_space<vmem>>, vector<1x1x16xf32>,
          %get3A_364 = vector.shape_cast %get3A_363 : vector<1x1x16xf32> to vector<16xf32>
          %add3A_365 = arith.constant 2 : i32
          %add3A_366 = arith.addi %add3A_349, %add3A_365 : i32
          %get3A_367 = arith.constant 1 : i32
          %get3A_368 = arith.index_cast %get3A_367 : i32 to index
          %get3A_369 = arith.index_cast %add3A_366 : i32 to index
          %get3A_370 = arith.constant 0 : index
          %get3A_371 = tpu.vector_load %arg23[%get3A_368, %get3A_369, %get3A_370] {strides = array<i32>} : memref<2x800x24xf32, #tpu.memory_space<vmem>>, vector<1x1x16xf32>,
          %get3A_372 = vector.shape_cast %get3A_371 : vector<1x1x16xf32> to vector<16xf32>
          %add3A_373 = arith.constant 3 : i32
          %add3A_374 = arith.addi %add3A_349, %add3A_373 : i32
          %get3A_375 = arith.constant 1 : i32
          %get3A_376 = arith.index_cast %get3A_375 : i32 to index
          %get3A_377 = arith.index_cast %add3A_374 : i32 to index
          %get3A_378 = arith.constant 0 : index
          %get3A_379 = tpu.vector_load %arg23[%get3A_376, %get3A_377, %get3A_378] {strides = array<i32>} : memref<2x800x24xf32, #tpu.memory_space<vmem>>, vector<1x1x16xf32>,
          %get3A_380 = vector.shape_cast %get3A_379 : vector<1x1x16xf32> to vector<16xf32>
          %add3A_381 = arith.constant 4 : i32
          %add3A_382 = arith.addi %add3A_349, %add3A_381 : i32
          %get3A_383 = arith.constant 1 : i32
          %get3A_384 = arith.index_cast %get3A_383 : i32 to index
          %get3A_385 = arith.index_cast %add3A_382 : i32 to index
          %get3A_386 = arith.constant 0 : index
          %get3A_387 = tpu.vector_load %arg23[%get3A_384, %get3A_385, %get3A_386] {strides = array<i32>} : memref<2x800x24xf32, #tpu.memory_space<vmem>>, vector<1x1x16xf32>,
          %get3A_388 = vector.shape_cast %get3A_387 : vector<1x1x16xf32> to vector<16xf32>
          %add3A_389 = arith.constant 5 : i32
          %add3A_390 = arith.addi %add3A_349, %add3A_389 : i32
          %get3A_391 = arith.constant 1 : i32
          %get3A_392 = arith.index_cast %get3A_391 : i32 to index
          %get3A_393 = arith.index_cast %add3A_390 : i32 to index
          %get3A_394 = arith.constant 0 : index
          %get3A_395 = tpu.vector_load %arg23[%get3A_392, %get3A_393, %get3A_394] {strides = array<i32>} : memref<2x800x24xf32, #tpu.memory_space<vmem>>, vector<1x1x16xf32>,
          %get3A_396 = vector.shape_cast %get3A_395 : vector<1x1x16xf32> to vector<16xf32>
          %add3A_397 = arith.constant 6 : i32
          %add3A_398 = arith.addi %add3A_349, %add3A_397 : i32
          %get3A_399 = arith.constant 1 : i32
          %get3A_400 = arith.index_cast %get3A_399 : i32 to index
          %get3A_401 = arith.index_cast %add3A_398 : i32 to index
          %get3A_402 = arith.constant 0 : index
          %get3A_403 = tpu.vector_load %arg23[%get3A_400, %get3A_401, %get3A_402] {strides = array<i32>} : memref<2x800x24xf32, #tpu.memory_space<vmem>>, vector<1x1x16xf32>,
          %get3A_404 = vector.shape_cast %get3A_403 : vector<1x1x16xf32> to vector<16xf32>
          %add3A_405 = arith.constant 7 : i32
          %add3A_406 = arith.addi %add3A_349, %add3A_405 : i32
          %get3A_407 = arith.constant 1 : i32
          %get3A_408 = arith.index_cast %get3A_407 : i32 to index
          %get3A_409 = arith.index_cast %add3A_406 : i32 to index
          %get3A_410 = arith.constant 0 : index
          %get3A_411 = tpu.vector_load %arg23[%get3A_408, %get3A_409, %get3A_410] {strides = array<i32>} : memref<2x800x24xf32, #tpu.memory_space<vmem>>, vector<1x1x16xf32>,
          %get3A_412 = vector.shape_cast %get3A_411 : vector<1x1x16xf32> to vector<16xf32>
          %add3A_413 = arith.constant 0 : i32
          %add3A_414 = arith.addi %add3A_349, %add3A_413 : i32
          %get3A_415 = arith.constant 1 : i32
          %get3A_416 = arith.index_cast %get3A_415 : i32 to index
          %get3A_417 = arith.index_cast %add3A_414 : i32 to index
          %get3A_418 = arith.constant 8 : index
          %get3A_419 = tpu.vector_load %arg23[%get3A_416, %get3A_417, %get3A_418] {strides = array<i32>} : memref<2x800x24xf32, #tpu.memory_space<vmem>>, vector<1x1x16xf32>,
          %get3A_420 = vector.shape_cast %get3A_419 : vector<1x1x16xf32> to vector<16xf32>
          %add3A_421 = arith.constant 1 : i32
          %add3A_422 = arith.addi %add3A_349, %add3A_421 : i32
          %get3A_423 = arith.constant 1 : i32
          %get3A_424 = arith.index_cast %get3A_423 : i32 to index
          %get3A_425 = arith.index_cast %add3A_422 : i32 to index
          %get3A_426 = arith.constant 8 : index
          %get3A_427 = tpu.vector_load %arg23[%get3A_424, %get3A_425, %get3A_426] {strides = array<i32>} : memref<2x800x24xf32, #tpu.memory_space<vmem>>, vector<1x1x16xf32>,
          %get3A_428 = vector.shape_cast %get3A_427 : vector<1x1x16xf32> to vector<16xf32>
          %add3A_429 = arith.constant 2 : i32
          %add3A_430 = arith.addi %add3A_349, %add3A_429 : i32
          %get3A_431 = arith.constant 1 : i32
          %get3A_432 = arith.index_cast %get3A_431 : i32 to index
          %get3A_433 = arith.index_cast %add3A_430 : i32 to index
          %get3A_434 = arith.constant 8 : index
          %get3A_435 = tpu.vector_load %arg23[%get3A_432, %get3A_433, %get3A_434] {strides = array<i32>} : memref<2x800x24xf32, #tpu.memory_space<vmem>>, vector<1x1x16xf32>,
          %get3A_436 = vector.shape_cast %get3A_435 : vector<1x1x16xf32> to vector<16xf32>
          %add3A_437 = arith.constant 3 : i32
          %add3A_438 = arith.addi %add3A_349, %add3A_437 : i32
          %get3A_439 = arith.constant 1 : i32
          %get3A_440 = arith.index_cast %get3A_439 : i32 to index
          %get3A_441 = arith.index_cast %add3A_438 : i32 to index
          %get3A_442 = arith.constant 8 : index
          %get3A_443 = tpu.vector_load %arg23[%get3A_440, %get3A_441, %get3A_442] {strides = array<i32>} : memref<2x800x24xf32, #tpu.memory_space<vmem>>, vector<1x1x16xf32>,
          %get3A_444 = vector.shape_cast %get3A_443 : vector<1x1x16xf32> to vector<16xf32>
          %add3A_445 = arith.constant 4 : i32
          %add3A_446 = arith.addi %add3A_349, %add3A_445 : i32
          %get3A_447 = arith.constant 1 : i32
          %get3A_448 = arith.index_cast %get3A_447 : i32 to index
          %get3A_449 = arith.index_cast %add3A_446 : i32 to index
          %get3A_450 = arith.constant 8 : index
          %get3A_451 = tpu.vector_load %arg23[%get3A_448, %get3A_449, %get3A_450] {strides = array<i32>} : memref<2x800x24xf32, #tpu.memory_space<vmem>>, vector<1x1x16xf32>,
          %get3A_452 = vector.shape_cast %get3A_451 : vector<1x1x16xf32> to vector<16xf32>
          %add3A_453 = arith.constant 5 : i32
          %add3A_454 = arith.addi %add3A_349, %add3A_453 : i32
          %get3A_455 = arith.constant 1 : i32
          %get3A_456 = arith.index_cast %get3A_455 : i32 to index
          %get3A_457 = arith.index_cast %add3A_454 : i32 to index
          %get3A_458 = arith.constant 8 : index
          %get3A_459 = tpu.vector_load %arg23[%get3A_456, %get3A_457, %get3A_458] {strides = array<i32>} : memref<2x800x24xf32, #tpu.memory_space<vmem>>, vector<1x1x16xf32>,
          %get3A_460 = vector.shape_cast %get3A_459 : vector<1x1x16xf32> to vector<16xf32>
          %add3A_461 = arith.constant 6 : i32
          %add3A_462 = arith.addi %add3A_349, %add3A_461 : i32
          %get3A_463 = arith.constant 1 : i32
          %get3A_464 = arith.index_cast %get3A_463 : i32 to index
          %get3A_465 = arith.index_cast %add3A_462 : i32 to index
          %get3A_466 = arith.constant 8 : index
          %get3A_467 = tpu.vector_load %arg23[%get3A_464, %get3A_465, %get3A_466] {strides = array<i32>} : memref<2x800x24xf32, #tpu.memory_space<vmem>>, vector<1x1x16xf32>,
          %get3A_468 = vector.shape_cast %get3A_467 : vector<1x1x16xf32> to vector<16xf32>
          %add3A_469 = arith.constant 7 : i32
          %add3A_470 = arith.addi %add3A_349, %add3A_469 : i32
          %get3A_471 = arith.constant 1 : i32
          %get3A_472 = arith.index_cast %get3A_471 : i32 to index
          %get3A_473 = arith.index_cast %add3A_470 : i32 to index
          %get3A_474 = arith.constant 8 : index
          %get3A_475 = tpu.vector_load %arg23[%get3A_472, %get3A_473, %get3A_474] {strides = array<i32>} : memref<2x800x24xf32, #tpu.memory_space<vmem>>, vector<1x1x16xf32>,
          %get3A_476 = vector.shape_cast %get3A_475 : vector<1x1x16xf32> to vector<16xf32>
          %add3A_477 = arith.addf %get3A_356, %get3A_364 : vector<16xf32>
          %add3A_478 = arith.addf %get3A_372, %get3A_380 : vector<16xf32>
          %add3A_479 = arith.addf %get3A_388, %get3A_396 : vector<16xf32>
          %add3A_480 = arith.addf %get3A_404, %get3A_412 : vector<16xf32>
          %add3A_481 = arith.addf %get3A_420, %get3A_428 : vector<16xf32>
          %add3A_482 = arith.addf %get3A_436, %get3A_444 : vector<16xf32>
          %add3A_483 = arith.addf %get3A_452, %get3A_460 : vector<16xf32>
          %add3A_484 = arith.addf %get3A_468, %get3A_476 : vector<16xf32>
          %add3A_485 = arith.addf %add3A_477, %add3A_478 : vector<16xf32>
          %add3A_486 = arith.addf %add3A_479, %add3A_480 : vector<16xf32>
          %add3A_487 = arith.addf %add3A_481, %add3A_482 : vector<16xf32>
          %add3A_488 = arith.addf %add3A_483, %add3A_484 : vector<16xf32>
          %add3A_489 = arith.addf %add3A_485, %add3A_486 : vector<16xf32>
          %add3A_490 = arith.addf %scan3A_344, %add3A_489 : vector<16xf32>
          %add3A_491 = arith.addf %add3A_487, %add3A_488 : vector<16xf32>
          %add3A_492 = arith.addf %scan3A_345, %add3A_491 : vector<16xf32>
          scf.yield %add3A_490, %add3A_492 : vector<16xf32>, vector<16xf32>
        }
        %scan3A_321 = arith.constant 25 : i32
        %mul3A_322 = arith.constant 64 : i32
        %mul3A_323 = arith.muli %scan3A_67, %mul3A_322 : i32
        %mul3A_324 = arith.constant 4 : i32
        %mul3A_325 = arith.muli %add3A_216, %mul3A_324 : i32
        %add3A_326 = arith.addi %mul3A_323, %mul3A_325 : i32
        %add3A_327 = arith.constant 3 : i32
        %add3A_328 = arith.addi %add3A_326, %add3A_327 : i32
        %mul3A_329 = arith.constant 18 : i32
        %mul3A_330 = arith.muli %mul3A_329, %add3A_328 : i32
        %swap3A_331 = arith.index_cast %mul3A_330 : i32 to index
        %swap3A_332 = tpu.vector_load %arg24[%swap3A_331] {strides = array<i32>} : memref<9232xf32, #tpu.memory_space<vmem>>, vector<16xf32>,
        %swap3A_333 = vector.shape_cast %swap3A_332 : vector<16xf32> to vector<16xf32>
        %swap3A_334 = vector.shape_cast %scan3A_320#0 : vector<16xf32> to vector<16xf32>
        tpu.vector_store %arg24[%swap3A_331], %swap3A_334 {strides = array<i32>} : memref<9232xf32, #tpu.memory_space<vmem>>, vector<16xf32>,
        %mul3A_335 = arith.constant 18 : i32
        %mul3A_336 = arith.muli %mul3A_335, %add3A_328 : i32
        %add3A_337 = arith.constant 8 : i32
        %add3A_338 = arith.addi %mul3A_336, %add3A_337 : i32
        %swap3A_339 = arith.index_cast %add3A_338 : i32 to index
        %swap3A_340 = tpu.vector_load %arg24[%swap3A_339] {strides = array<i32>} : memref<9232xf32, #tpu.memory_space<vmem>>, vector<16xf32>,
        %swap3A_341 = vector.shape_cast %swap3A_340 : vector<16xf32> to vector<16xf32>
        %swap3A_342 = vector.shape_cast %scan3A_320#1 : vector<16xf32> to vector<16xf32>
        tpu.vector_store %arg24[%swap3A_339], %swap3A_342 {strides = array<i32>} : memref<9232xf32, #tpu.memory_space<vmem>>, vector<16xf32>,
      }
      %scan3A_85 = arith.constant 8 : i32
    }
    %scan3A_60 = arith.constant 8 : i32
    "tpu.region"() ({
      %run_scoped3A_67 = tpu.sem_alloc : memref<!tpu.dma_semaphore, #tpu.memory_space<semaphore_mem>>
      %dma_start3A_68 = arith.constant 0 : i32
      %dma_start3A_69 = tpu.memref_slice %arg24[%dma_start3A_68] : memref<9232xf32, #tpu.memory_space<vmem>> -> memref<9216xf32, #tpu.memory_space<vmem>>
      %dma_start3A_70 = arith.constant 0 : i32
      %dma_start3A_71 = tpu.memref_slice %arg16[%add3A, %dma_start3A_70] : memref<32x9216xf32, #tpu.memory_space<hbm>> -> memref<1x9216xf32, #tpu.memory_space<hbm>>
      %dma_start3A_72 = tpu.memref_squeeze %dma_start3A_71 : memref<1x9216xf32, #tpu.memory_space<hbm>> -> memref<9216xf32, #tpu.memory_space<hbm>>
      %dma_start3A_73 = arith.constant 0 : i32
      %dma_start3A_74 = tpu.memref_slice %arg16[%add3A, %dma_start3A_73] : memref<32x9216xf32, #tpu.memory_space<hbm>> -> memref<1x9216xf32, #tpu.memory_space<hbm>>
      %dma_start3A_75 = tpu.memref_squeeze %dma_start3A_74 : memref<1x9216xf32, #tpu.memory_space<hbm>> -> memref<9216xf32, #tpu.memory_space<hbm>>
      %dma_start3A_76 = arith.constant 0 : i32
      %dma_start3A_77 = tpu.memref_slice %arg24[%dma_start3A_76] : memref<9232xf32, #tpu.memory_space<vmem>> -> memref<9216xf32, #tpu.memory_space<vmem>>
      tpu.enqueue_dma source(%dma_start3A_77 : memref<9216xf32, #tpu.memory_space<vmem>>) target(%dma_start3A_75 : memref<9216xf32, #tpu.memory_space<hbm>>) target_semaphore(%run_scoped3A_67 : memref<!tpu.dma_semaphore, #tpu.memory_space<semaphore_mem>>)
      %dma_wait3A_78 = arith.constant 0 : i32
      %dma_wait3A_79 = tpu.memref_slice %arg24[%dma_wait3A_78] : memref<9232xf32, #tpu.memory_space<vmem>> -> memref<9216xf32, #tpu.memory_space<vmem>>
      %dma_wait3A_80 = arith.constant 0 : i32
      %dma_wait3A_81 = tpu.memref_slice %arg16[%add3A, %dma_wait3A_80] : memref<32x9216xf32, #tpu.memory_space<hbm>> -> memref<1x9216xf32, #tpu.memory_space<hbm>>
      %dma_wait3A_82 = tpu.memref_squeeze %dma_wait3A_81 : memref<1x9216xf32, #tpu.memory_space<hbm>> -> memref<9216xf32, #tpu.memory_space<hbm>>
      %dma_wait3A_83 = arith.constant 0 : i32
      %dma_wait3A_84 = tpu.memref_slice %arg16[%add3A, %dma_wait3A_83] : memref<32x9216xf32, #tpu.memory_space<hbm>> -> memref<1x9216xf32, #tpu.memory_space<hbm>>
      %dma_wait3A_85 = tpu.memref_squeeze %dma_wait3A_84 : memref<1x9216xf32, #tpu.memory_space<hbm>> -> memref<9216xf32, #tpu.memory_space<hbm>>
      %dma_wait3A_86 = arith.constant 0 : i32
      %dma_wait3A_87 = tpu.memref_slice %arg24[%dma_wait3A_86] : memref<9232xf32, #tpu.memory_space<vmem>> -> memref<9216xf32, #tpu.memory_space<vmem>>
      tpu.wait_dma2 semaphore(%run_scoped3A_67 : memref<!tpu.dma_semaphore, #tpu.memory_space<semaphore_mem>>) src(%dma_wait3A_87 : memref<9216xf32, #tpu.memory_space<vmem>>) dst(%dma_wait3A_85 : memref<9216xf32, #tpu.memory_space<hbm>>)
      tpu.yield
    }) : () -> ()
    %scan3A_61 = arith.constant 0 : i32
    %scan3A_62 = arith.constant 0 : i32
    %scan3A_63 = arith.constant 8 : i32
    %scan3A_64 = arith.addi %scan3A_62, %scan3A_63 : i32
    %scan3A_65 = arith.constant 1 : i32
    scf.for %scan3A_67 = %scan3A_62 to %scan3A_64 step %scan3A_65  : i32 {
      "tpu.region"() ({
        %run_scoped3A_86 = tpu.sem_alloc : memref<!tpu.dma_semaphore, #tpu.memory_space<semaphore_mem>>
        %dma_start3A_87 = arith.constant 0 : i32
        %dma_start3A_88 = arith.constant 0 : i32
        %dma_start3A_89 = tpu.memref_slice %arg11[%add3A, %scan3A_67, %dma_start3A_87, %dma_start3A_88] : memref<32x8x16x800xi32, #tpu.memory_space<hbm>> -> memref<1x1x16x800xi32, #tpu.memory_space<hbm>>
        %dma_start3A_90 = tpu.memref_squeeze %dma_start3A_89 : memref<1x1x16x800xi32, #tpu.memory_space<hbm>> -> memref<16x800xi32, #tpu.memory_space<hbm>>
        %dma_start3A_91 = arith.constant 0 : i32
        %dma_start3A_92 = arith.constant 0 : i32
        %dma_start3A_93 = tpu.memref_slice %arg11[%add3A, %scan3A_67, %dma_start3A_91, %dma_start3A_92] : memref<32x8x16x800xi32, #tpu.memory_space<hbm>> -> memref<1x1x16x800xi32, #tpu.memory_space<hbm>>
        %dma_start3A_94 = tpu.memref_squeeze %dma_start3A_93 : memref<1x1x16x800xi32, #tpu.memory_space<hbm>> -> memref<16x800xi32, #tpu.memory_space<hbm>>
        tpu.enqueue_dma source(%dma_start3A_94 : memref<16x800xi32, #tpu.memory_space<hbm>>) target(%arg22 : memref<16x800xi32, #tpu.memory_space<vmem>>) target_semaphore(%run_scoped3A_86 : memref<!tpu.dma_semaphore, #tpu.memory_space<semaphore_mem>>)
        %dma_wait3A_95 = arith.constant 0 : i32
        %dma_wait3A_96 = arith.constant 0 : i32
        %dma_wait3A_97 = tpu.memref_slice %arg11[%add3A, %scan3A_67, %dma_wait3A_95, %dma_wait3A_96] : memref<32x8x16x800xi32, #tpu.memory_space<hbm>> -> memref<1x1x16x800xi32, #tpu.memory_space<hbm>>
        %dma_wait3A_98 = tpu.memref_squeeze %dma_wait3A_97 : memref<1x1x16x800xi32, #tpu.memory_space<hbm>> -> memref<16x800xi32, #tpu.memory_space<hbm>>
        %dma_wait3A_99 = arith.constant 0 : i32
        %dma_wait3A_100 = arith.constant 0 : i32
        %dma_wait3A_101 = tpu.memref_slice %arg11[%add3A, %scan3A_67, %dma_wait3A_99, %dma_wait3A_100] : memref<32x8x16x800xi32, #tpu.memory_space<hbm>> -> memref<1x1x16x800xi32, #tpu.memory_space<hbm>>
        %dma_wait3A_102 = tpu.memref_squeeze %dma_wait3A_101 : memref<1x1x16x800xi32, #tpu.memory_space<hbm>> -> memref<16x800xi32, #tpu.memory_space<hbm>>
        tpu.wait_dma2 semaphore(%run_scoped3A_86 : memref<!tpu.dma_semaphore, #tpu.memory_space<semaphore_mem>>) src(%dma_wait3A_102 : memref<16x800xi32, #tpu.memory_space<hbm>>) dst(%arg22 : memref<16x800xi32, #tpu.memory_space<vmem>>)
        tpu.yield
      }) : () -> ()
      %dma_start3A_68 = arith.constant 0 : i32
      %dma_start3A_69 = arith.constant 0 : i32
      %dma_start3A_70 = arith.constant 0 : i32
      %dma_start3A_71 = arith.constant 0 : i32
      %dma_start3A_72 = tpu.memref_slice %arg23[%dma_start3A_69, %dma_start3A_70, %dma_start3A_71] : memref<2x800x24xf32, #tpu.memory_space<vmem>> -> memref<1x800x24xf32, #tpu.memory_space<vmem>>
      %dma_start3A_73 = tpu.memref_squeeze %dma_start3A_72 : memref<1x800x24xf32, #tpu.memory_space<vmem>> -> memref<800x24xf32, #tpu.memory_space<vmem>>
      %dma_start3A_74 = arith.constant 0 : i32
      %dma_start3A_75 = tpu.memref_slice %arg22[%dma_start3A_68, %dma_start3A_74] : memref<16x800xi32, #tpu.memory_space<vmem>> -> memref<1x800xi32, #tpu.memory_space<vmem>>
      %dma_start3A_76 = tpu.memref_squeeze %dma_start3A_75 : memref<1x800xi32, #tpu.memory_space<vmem>> -> memref<800xi32, #tpu.memory_space<vmem>>
      %dma_start3A_77 = arith.constant 0 : i32
      %dma_start3A_78 = arith.constant 0 : i32
      %dma_start3A_79 = tpu.memref_slice %arg4[%dma_start3A_77, %dma_start3A_78] : memref<100000x24xf32, #tpu.memory_space<hbm>> -> memref<100000x24xf32, #tpu.memory_space<hbm>>
      tpu.enqueue_indirect_dma source(%dma_start3A_79 : memref<100000x24xf32, #tpu.memory_space<hbm>>) target(%dma_start3A_73 : memref<800x24xf32, #tpu.memory_space<vmem>>) offsets(%dma_start3A_76 : memref<800xi32, #tpu.memory_space<vmem>>) semaphore(%arg25 : memref<!tpu.dma_semaphore, #tpu.memory_space<semaphore_mem>>)
      %scan3A_80 = arith.constant 0 : i32
      %scan3A_81 = arith.constant 0 : i32
      %scan3A_82 = arith.constant 8 : i32
      %scan3A_83 = arith.addi %scan3A_81, %scan3A_82 : i32
      %scan3A_84 = arith.constant 1 : i32
      scf.for %scan3A_86 = %scan3A_81 to %scan3A_83 step %scan3A_84  : i32 {
        %mul3A_87 = arith.constant 2 : i32
        %mul3A_88 = arith.muli %mul3A_87, %scan3A_86 : i32
        %add3A_89 = arith.constant 0 : i32
        %add3A_90 = arith.addi %mul3A_88, %add3A_89 : i32
        %add3A_91 = arith.constant 1 : i32
        %add3A_92 = arith.addi %add3A_90, %add3A_91 : i32
        %lt3A = arith.constant 16 : i32
        %lt3A_93 = arith.cmpi slt, %add3A_92, %lt3A : i32
        %convert_element_type3A = arith.extui %lt3A_93 : i1 to i32
        %cond3A = arith.constant 0 : i32
        %cond3A_94 = arith.cmpi ne, %convert_element_type3A, %cond3A : i32
        scf.if %cond3A_94 {
          %add3A_343 = arith.constant 1 : i32
          %add3A_344 = arith.addi %add3A_90, %add3A_343 : i32
          %dma_start3A_345 = arith.constant 1 : i32
          %dma_start3A_346 = arith.constant 0 : i32
          %dma_start3A_347 = arith.constant 0 : i32
          %dma_start3A_348 = tpu.memref_slice %arg23[%dma_start3A_345, %dma_start3A_346, %dma_start3A_347] : memref<2x800x24xf32, #tpu.memory_space<vmem>> -> memref<1x800x24xf32, #tpu.memory_space<vmem>>
          %dma_start3A_349 = tpu.memref_squeeze %dma_start3A_348 : memref<1x800x24xf32, #tpu.memory_space<vmem>> -> memref<800x24xf32, #tpu.memory_space<vmem>>
          %dma_start3A_350 = arith.constant 0 : i32
          %dma_start3A_351 = tpu.memref_slice %arg22[%add3A_344, %dma_start3A_350] : memref<16x800xi32, #tpu.memory_space<vmem>> -> memref<1x800xi32, #tpu.memory_space<vmem>>
          %dma_start3A_352 = tpu.memref_squeeze %dma_start3A_351 : memref<1x800xi32, #tpu.memory_space<vmem>> -> memref<800xi32, #tpu.memory_space<vmem>>
          %dma_start3A_353 = arith.constant 0 : i32
          %dma_start3A_354 = arith.constant 0 : i32
          %dma_start3A_355 = tpu.memref_slice %arg4[%dma_start3A_353, %dma_start3A_354] : memref<100000x24xf32, #tpu.memory_space<hbm>> -> memref<100000x24xf32, #tpu.memory_space<hbm>>
          tpu.enqueue_indirect_dma source(%dma_start3A_355 : memref<100000x24xf32, #tpu.memory_space<hbm>>) target(%dma_start3A_349 : memref<800x24xf32, #tpu.memory_space<vmem>>) offsets(%dma_start3A_352 : memref<800xi32, #tpu.memory_space<vmem>>) semaphore(%arg26 : memref<!tpu.dma_semaphore, #tpu.memory_space<semaphore_mem>>)
        } else {
        }
        %dma_wait3A_95 = arith.constant 0 : i32
        %dma_wait3A_96 = arith.constant 0 : i32
        %dma_wait3A_97 = arith.constant 0 : i32
        %dma_wait3A_98 = tpu.memref_slice %arg23[%dma_wait3A_95, %dma_wait3A_96, %dma_wait3A_97] : memref<2x800x24xf32, #tpu.memory_space<vmem>> -> memref<1x800x24xf32, #tpu.memory_space<vmem>>
        %dma_wait3A_99 = tpu.memref_squeeze %dma_wait3A_98 : memref<1x800x24xf32, #tpu.memory_space<vmem>> -> memref<800x24xf32, #tpu.memory_space<vmem>>
        %dma_wait3A_100 = arith.constant 0 : i32
        %dma_wait3A_101 = tpu.memref_slice %arg22[%add3A_90, %dma_wait3A_100] : memref<16x800xi32, #tpu.memory_space<vmem>> -> memref<1x800xi32, #tpu.memory_space<vmem>>
        %dma_wait3A_102 = tpu.memref_squeeze %dma_wait3A_101 : memref<1x800xi32, #tpu.memory_space<vmem>> -> memref<800xi32, #tpu.memory_space<vmem>>
        %dma_wait3A_103 = arith.constant 0 : i32
        %dma_wait3A_104 = arith.constant 0 : i32
        %dma_wait3A_105 = tpu.memref_slice %arg4[%dma_wait3A_103, %dma_wait3A_104] : memref<100000x24xf32, #tpu.memory_space<hbm>> -> memref<100000x24xf32, #tpu.memory_space<hbm>>
        tpu.wait_indirect_dma semaphore(%arg25 : memref<!tpu.dma_semaphore, #tpu.memory_space<semaphore_mem>>) src(%dma_wait3A_105 : memref<100000x24xf32, #tpu.memory_space<hbm>>) dst(%dma_wait3A_99 : memref<800x24xf32, #tpu.memory_space<vmem>>)
        %scan3A_106 = arith.constant 0 : i32
        %scan3A_107 = arith.constant 25 : i32
        %scan3A_108 = arith.addi %scan3A_106, %scan3A_107 : i32
        %scan3A_109 = arith.constant 1 : i32
        %scan3A_110:2 = scf.for %scan3A_343 = %scan3A_106 to %scan3A_108 step %scan3A_109 iter_args(%scan3A_344 = %broadcast_in_dim3A_54, %scan3A_345 = %broadcast_in_dim3A_54) -> (vector<16xf32>, vector<16xf32>)  : i32 {
          %mul3A_346 = arith.constant 8 : i32
          %mul3A_347 = arith.muli %scan3A_343, %mul3A_346 : i32
          %add3A_348 = arith.constant 0 : i32
          %add3A_349 = arith.addi %add3A_348, %mul3A_347 : i32
          %add3A_350 = arith.constant 0 : i32
          %add3A_351 = arith.addi %add3A_349, %add3A_350 : i32
          %get3A = arith.constant 0 : i32
          %get3A_352 = arith.index_cast %get3A : i32 to index
          %get3A_353 = arith.index_cast %add3A_351 : i32 to index
          %get3A_354 = arith.constant 0 : index
          %get3A_355 = tpu.vector_load %arg23[%get3A_352, %get3A_353, %get3A_354] {strides = array<i32>} : memref<2x800x24xf32, #tpu.memory_space<vmem>>, vector<1x1x16xf32>,
          %get3A_356 = vector.shape_cast %get3A_355 : vector<1x1x16xf32> to vector<16xf32>
          %add3A_357 = arith.constant 1 : i32
          %add3A_358 = arith.addi %add3A_349, %add3A_357 : i32
          %get3A_359 = arith.constant 0 : i32
          %get3A_360 = arith.index_cast %get3A_359 : i32 to index
          %get3A_361 = arith.index_cast %add3A_358 : i32 to index
          %get3A_362 = arith.constant 0 : index
          %get3A_363 = tpu.vector_load %arg23[%get3A_360, %get3A_361, %get3A_362] {strides = array<i32>} : memref<2x800x24xf32, #tpu.memory_space<vmem>>, vector<1x1x16xf32>,
          %get3A_364 = vector.shape_cast %get3A_363 : vector<1x1x16xf32> to vector<16xf32>
          %add3A_365 = arith.constant 2 : i32
          %add3A_366 = arith.addi %add3A_349, %add3A_365 : i32
          %get3A_367 = arith.constant 0 : i32
          %get3A_368 = arith.index_cast %get3A_367 : i32 to index
          %get3A_369 = arith.index_cast %add3A_366 : i32 to index
          %get3A_370 = arith.constant 0 : index
          %get3A_371 = tpu.vector_load %arg23[%get3A_368, %get3A_369, %get3A_370] {strides = array<i32>} : memref<2x800x24xf32, #tpu.memory_space<vmem>>, vector<1x1x16xf32>,
          %get3A_372 = vector.shape_cast %get3A_371 : vector<1x1x16xf32> to vector<16xf32>
          %add3A_373 = arith.constant 3 : i32
          %add3A_374 = arith.addi %add3A_349, %add3A_373 : i32
          %get3A_375 = arith.constant 0 : i32
          %get3A_376 = arith.index_cast %get3A_375 : i32 to index
          %get3A_377 = arith.index_cast %add3A_374 : i32 to index
          %get3A_378 = arith.constant 0 : index
          %get3A_379 = tpu.vector_load %arg23[%get3A_376, %get3A_377, %get3A_378] {strides = array<i32>} : memref<2x800x24xf32, #tpu.memory_space<vmem>>, vector<1x1x16xf32>,
          %get3A_380 = vector.shape_cast %get3A_379 : vector<1x1x16xf32> to vector<16xf32>
          %add3A_381 = arith.constant 4 : i32
          %add3A_382 = arith.addi %add3A_349, %add3A_381 : i32
          %get3A_383 = arith.constant 0 : i32
          %get3A_384 = arith.index_cast %get3A_383 : i32 to index
          %get3A_385 = arith.index_cast %add3A_382 : i32 to index
          %get3A_386 = arith.constant 0 : index
          %get3A_387 = tpu.vector_load %arg23[%get3A_384, %get3A_385, %get3A_386] {strides = array<i32>} : memref<2x800x24xf32, #tpu.memory_space<vmem>>, vector<1x1x16xf32>,
          %get3A_388 = vector.shape_cast %get3A_387 : vector<1x1x16xf32> to vector<16xf32>
          %add3A_389 = arith.constant 5 : i32
          %add3A_390 = arith.addi %add3A_349, %add3A_389 : i32
          %get3A_391 = arith.constant 0 : i32
          %get3A_392 = arith.index_cast %get3A_391 : i32 to index
          %get3A_393 = arith.index_cast %add3A_390 : i32 to index
          %get3A_394 = arith.constant 0 : index
          %get3A_395 = tpu.vector_load %arg23[%get3A_392, %get3A_393, %get3A_394] {strides = array<i32>} : memref<2x800x24xf32, #tpu.memory_space<vmem>>, vector<1x1x16xf32>,
          %get3A_396 = vector.shape_cast %get3A_395 : vector<1x1x16xf32> to vector<16xf32>
          %add3A_397 = arith.constant 6 : i32
          %add3A_398 = arith.addi %add3A_349, %add3A_397 : i32
          %get3A_399 = arith.constant 0 : i32
          %get3A_400 = arith.index_cast %get3A_399 : i32 to index
          %get3A_401 = arith.index_cast %add3A_398 : i32 to index
          %get3A_402 = arith.constant 0 : index
          %get3A_403 = tpu.vector_load %arg23[%get3A_400, %get3A_401, %get3A_402] {strides = array<i32>} : memref<2x800x24xf32, #tpu.memory_space<vmem>>, vector<1x1x16xf32>,
          %get3A_404 = vector.shape_cast %get3A_403 : vector<1x1x16xf32> to vector<16xf32>
          %add3A_405 = arith.constant 7 : i32
          %add3A_406 = arith.addi %add3A_349, %add3A_405 : i32
          %get3A_407 = arith.constant 0 : i32
          %get3A_408 = arith.index_cast %get3A_407 : i32 to index
          %get3A_409 = arith.index_cast %add3A_406 : i32 to index
          %get3A_410 = arith.constant 0 : index
          %get3A_411 = tpu.vector_load %arg23[%get3A_408, %get3A_409, %get3A_410] {strides = array<i32>} : memref<2x800x24xf32, #tpu.memory_space<vmem>>, vector<1x1x16xf32>,
          %get3A_412 = vector.shape_cast %get3A_411 : vector<1x1x16xf32> to vector<16xf32>
          %add3A_413 = arith.constant 0 : i32
          %add3A_414 = arith.addi %add3A_349, %add3A_413 : i32
          %get3A_415 = arith.constant 0 : i32
          %get3A_416 = arith.index_cast %get3A_415 : i32 to index
          %get3A_417 = arith.index_cast %add3A_414 : i32 to index
          %get3A_418 = arith.constant 8 : index
          %get3A_419 = tpu.vector_load %arg23[%get3A_416, %get3A_417, %get3A_418] {strides = array<i32>} : memref<2x800x24xf32, #tpu.memory_space<vmem>>, vector<1x1x16xf32>,
          %get3A_420 = vector.shape_cast %get3A_419 : vector<1x1x16xf32> to vector<16xf32>
          %add3A_421 = arith.constant 1 : i32
          %add3A_422 = arith.addi %add3A_349, %add3A_421 : i32
          %get3A_423 = arith.constant 0 : i32
          %get3A_424 = arith.index_cast %get3A_423 : i32 to index
          %get3A_425 = arith.index_cast %add3A_422 : i32 to index
          %get3A_426 = arith.constant 8 : index
          %get3A_427 = tpu.vector_load %arg23[%get3A_424, %get3A_425, %get3A_426] {strides = array<i32>} : memref<2x800x24xf32, #tpu.memory_space<vmem>>, vector<1x1x16xf32>,
          %get3A_428 = vector.shape_cast %get3A_427 : vector<1x1x16xf32> to vector<16xf32>
          %add3A_429 = arith.constant 2 : i32
          %add3A_430 = arith.addi %add3A_349, %add3A_429 : i32
          %get3A_431 = arith.constant 0 : i32
          %get3A_432 = arith.index_cast %get3A_431 : i32 to index
          %get3A_433 = arith.index_cast %add3A_430 : i32 to index
          %get3A_434 = arith.constant 8 : index
          %get3A_435 = tpu.vector_load %arg23[%get3A_432, %get3A_433, %get3A_434] {strides = array<i32>} : memref<2x800x24xf32, #tpu.memory_space<vmem>>, vector<1x1x16xf32>,
          %get3A_436 = vector.shape_cast %get3A_435 : vector<1x1x16xf32> to vector<16xf32>
          %add3A_437 = arith.constant 3 : i32
          %add3A_438 = arith.addi %add3A_349, %add3A_437 : i32
          %get3A_439 = arith.constant 0 : i32
          %get3A_440 = arith.index_cast %get3A_439 : i32 to index
          %get3A_441 = arith.index_cast %add3A_438 : i32 to index
          %get3A_442 = arith.constant 8 : index
          %get3A_443 = tpu.vector_load %arg23[%get3A_440, %get3A_441, %get3A_442] {strides = array<i32>} : memref<2x800x24xf32, #tpu.memory_space<vmem>>, vector<1x1x16xf32>,
          %get3A_444 = vector.shape_cast %get3A_443 : vector<1x1x16xf32> to vector<16xf32>
          %add3A_445 = arith.constant 4 : i32
          %add3A_446 = arith.addi %add3A_349, %add3A_445 : i32
          %get3A_447 = arith.constant 0 : i32
          %get3A_448 = arith.index_cast %get3A_447 : i32 to index
          %get3A_449 = arith.index_cast %add3A_446 : i32 to index
          %get3A_450 = arith.constant 8 : index
          %get3A_451 = tpu.vector_load %arg23[%get3A_448, %get3A_449, %get3A_450] {strides = array<i32>} : memref<2x800x24xf32, #tpu.memory_space<vmem>>, vector<1x1x16xf32>,
          %get3A_452 = vector.shape_cast %get3A_451 : vector<1x1x16xf32> to vector<16xf32>
          %add3A_453 = arith.constant 5 : i32
          %add3A_454 = arith.addi %add3A_349, %add3A_453 : i32
          %get3A_455 = arith.constant 0 : i32
          %get3A_456 = arith.index_cast %get3A_455 : i32 to index
          %get3A_457 = arith.index_cast %add3A_454 : i32 to index
          %get3A_458 = arith.constant 8 : index
          %get3A_459 = tpu.vector_load %arg23[%get3A_456, %get3A_457, %get3A_458] {strides = array<i32>} : memref<2x800x24xf32, #tpu.memory_space<vmem>>, vector<1x1x16xf32>,
          %get3A_460 = vector.shape_cast %get3A_459 : vector<1x1x16xf32> to vector<16xf32>
          %add3A_461 = arith.constant 6 : i32
          %add3A_462 = arith.addi %add3A_349, %add3A_461 : i32
          %get3A_463 = arith.constant 0 : i32
          %get3A_464 = arith.index_cast %get3A_463 : i32 to index
          %get3A_465 = arith.index_cast %add3A_462 : i32 to index
          %get3A_466 = arith.constant 8 : index
          %get3A_467 = tpu.vector_load %arg23[%get3A_464, %get3A_465, %get3A_466] {strides = array<i32>} : memref<2x800x24xf32, #tpu.memory_space<vmem>>, vector<1x1x16xf32>,
          %get3A_468 = vector.shape_cast %get3A_467 : vector<1x1x16xf32> to vector<16xf32>
          %add3A_469 = arith.constant 7 : i32
          %add3A_470 = arith.addi %add3A_349, %add3A_469 : i32
          %get3A_471 = arith.constant 0 : i32
          %get3A_472 = arith.index_cast %get3A_471 : i32 to index
          %get3A_473 = arith.index_cast %add3A_470 : i32 to index
          %get3A_474 = arith.constant 8 : index
          %get3A_475 = tpu.vector_load %arg23[%get3A_472, %get3A_473, %get3A_474] {strides = array<i32>} : memref<2x800x24xf32, #tpu.memory_space<vmem>>, vector<1x1x16xf32>,
          %get3A_476 = vector.shape_cast %get3A_475 : vector<1x1x16xf32> to vector<16xf32>
          %add3A_477 = arith.addf %get3A_356, %get3A_364 : vector<16xf32>
          %add3A_478 = arith.addf %get3A_372, %get3A_380 : vector<16xf32>
          %add3A_479 = arith.addf %get3A_388, %get3A_396 : vector<16xf32>
          %add3A_480 = arith.addf %get3A_404, %get3A_412 : vector<16xf32>
          %add3A_481 = arith.addf %get3A_420, %get3A_428 : vector<16xf32>
          %add3A_482 = arith.addf %get3A_436, %get3A_444 : vector<16xf32>
          %add3A_483 = arith.addf %get3A_452, %get3A_460 : vector<16xf32>
          %add3A_484 = arith.addf %get3A_468, %get3A_476 : vector<16xf32>
          %add3A_485 = arith.addf %add3A_477, %add3A_478 : vector<16xf32>
          %add3A_486 = arith.addf %add3A_479, %add3A_480 : vector<16xf32>
          %add3A_487 = arith.addf %add3A_481, %add3A_482 : vector<16xf32>
          %add3A_488 = arith.addf %add3A_483, %add3A_484 : vector<16xf32>
          %add3A_489 = arith.addf %add3A_485, %add3A_486 : vector<16xf32>
          %add3A_490 = arith.addf %scan3A_344, %add3A_489 : vector<16xf32>
          %add3A_491 = arith.addf %add3A_487, %add3A_488 : vector<16xf32>
          %add3A_492 = arith.addf %scan3A_345, %add3A_491 : vector<16xf32>
          scf.yield %add3A_490, %add3A_492 : vector<16xf32>, vector<16xf32>
        }
        %scan3A_111 = arith.constant 25 : i32
        %mul3A_112 = arith.constant 64 : i32
        %mul3A_113 = arith.muli %scan3A_67, %mul3A_112 : i32
        %mul3A_114 = arith.constant 4 : i32
        %mul3A_115 = arith.muli %add3A_90, %mul3A_114 : i32
        %add3A_116 = arith.addi %mul3A_113, %mul3A_115 : i32
        %add3A_117 = arith.constant 0 : i32
        %add3A_118 = arith.addi %add3A_116, %add3A_117 : i32
        %mul3A_119 = arith.constant 18 : i32
        %mul3A_120 = arith.muli %mul3A_119, %add3A_118 : i32
        %swap3A = arith.index_cast %mul3A_120 : i32 to index
        %swap3A_121 = tpu.vector_load %arg24[%swap3A] {strides = array<i32>} : memref<9232xf32, #tpu.memory_space<vmem>>, vector<16xf32>,
        %swap3A_122 = vector.shape_cast %swap3A_121 : vector<16xf32> to vector<16xf32>
        %swap3A_123 = vector.shape_cast %scan3A_110#0 : vector<16xf32> to vector<16xf32>
        tpu.vector_store %arg24[%swap3A], %swap3A_123 {strides = array<i32>} : memref<9232xf32, #tpu.memory_space<vmem>>, vector<16xf32>,
        %mul3A_124 = arith.constant 18 : i32
        %mul3A_125 = arith.muli %mul3A_124, %add3A_118 : i32
        %add3A_126 = arith.constant 8 : i32
        %add3A_127 = arith.addi %mul3A_125, %add3A_126 : i32
        %swap3A_128 = arith.index_cast %add3A_127 : i32 to index
        %swap3A_129 = tpu.vector_load %arg24[%swap3A_128] {strides = array<i32>} : memref<9232xf32, #tpu.memory_space<vmem>>, vector<16xf32>,
        %swap3A_130 = vector.shape_cast %swap3A_129 : vector<16xf32> to vector<16xf32>
        %swap3A_131 = vector.shape_cast %scan3A_110#1 : vector<16xf32> to vector<16xf32>
        tpu.vector_store %arg24[%swap3A_128], %swap3A_131 {strides = array<i32>} : memref<9232xf32, #tpu.memory_space<vmem>>, vector<16xf32>,
        %scan3A_132 = arith.constant 0 : i32
        %scan3A_133 = arith.constant 25 : i32
        %scan3A_134 = arith.addi %scan3A_132, %scan3A_133 : i32
        %scan3A_135 = arith.constant 1 : i32
        %scan3A_136:2 = scf.for %scan3A_343 = %scan3A_132 to %scan3A_134 step %scan3A_135 iter_args(%scan3A_344 = %broadcast_in_dim3A_54, %scan3A_345 = %broadcast_in_dim3A_54) -> (vector<16xf32>, vector<16xf32>)  : i32 {
          %mul3A_346 = arith.constant 8 : i32
          %mul3A_347 = arith.muli %scan3A_343, %mul3A_346 : i32
          %add3A_348 = arith.constant 200 : i32
          %add3A_349 = arith.addi %add3A_348, %mul3A_347 : i32
          %add3A_350 = arith.constant 0 : i32
          %add3A_351 = arith.addi %add3A_349, %add3A_350 : i32
          %get3A = arith.constant 0 : i32
          %get3A_352 = arith.index_cast %get3A : i32 to index
          %get3A_353 = arith.index_cast %add3A_351 : i32 to index
          %get3A_354 = arith.constant 0 : index
          %get3A_355 = tpu.vector_load %arg23[%get3A_352, %get3A_353, %get3A_354] {strides = array<i32>} : memref<2x800x24xf32, #tpu.memory_space<vmem>>, vector<1x1x16xf32>,
          %get3A_356 = vector.shape_cast %get3A_355 : vector<1x1x16xf32> to vector<16xf32>
          %add3A_357 = arith.constant 1 : i32
          %add3A_358 = arith.addi %add3A_349, %add3A_357 : i32
          %get3A_359 = arith.constant 0 : i32
          %get3A_360 = arith.index_cast %get3A_359 : i32 to index
          %get3A_361 = arith.index_cast %add3A_358 : i32 to index
          %get3A_362 = arith.constant 0 : index
          %get3A_363 = tpu.vector_load %arg23[%get3A_360, %get3A_361, %get3A_362] {strides = array<i32>} : memref<2x800x24xf32, #tpu.memory_space<vmem>>, vector<1x1x16xf32>,
          %get3A_364 = vector.shape_cast %get3A_363 : vector<1x1x16xf32> to vector<16xf32>
          %add3A_365 = arith.constant 2 : i32
          %add3A_366 = arith.addi %add3A_349, %add3A_365 : i32
          %get3A_367 = arith.constant 0 : i32
          %get3A_368 = arith.index_cast %get3A_367 : i32 to index
          %get3A_369 = arith.index_cast %add3A_366 : i32 to index
          %get3A_370 = arith.constant 0 : index
          %get3A_371 = tpu.vector_load %arg23[%get3A_368, %get3A_369, %get3A_370] {strides = array<i32>} : memref<2x800x24xf32, #tpu.memory_space<vmem>>, vector<1x1x16xf32>,
          %get3A_372 = vector.shape_cast %get3A_371 : vector<1x1x16xf32> to vector<16xf32>
          %add3A_373 = arith.constant 3 : i32
          %add3A_374 = arith.addi %add3A_349, %add3A_373 : i32
          %get3A_375 = arith.constant 0 : i32
          %get3A_376 = arith.index_cast %get3A_375 : i32 to index
          %get3A_377 = arith.index_cast %add3A_374 : i32 to index
          %get3A_378 = arith.constant 0 : index
          %get3A_379 = tpu.vector_load %arg23[%get3A_376, %get3A_377, %get3A_378] {strides = array<i32>} : memref<2x800x24xf32, #tpu.memory_space<vmem>>, vector<1x1x16xf32>,
          %get3A_380 = vector.shape_cast %get3A_379 : vector<1x1x16xf32> to vector<16xf32>
          %add3A_381 = arith.constant 4 : i32
          %add3A_382 = arith.addi %add3A_349, %add3A_381 : i32
          %get3A_383 = arith.constant 0 : i32
          %get3A_384 = arith.index_cast %get3A_383 : i32 to index
          %get3A_385 = arith.index_cast %add3A_382 : i32 to index
          %get3A_386 = arith.constant 0 : index
          %get3A_387 = tpu.vector_load %arg23[%get3A_384, %get3A_385, %get3A_386] {strides = array<i32>} : memref<2x800x24xf32, #tpu.memory_space<vmem>>, vector<1x1x16xf32>,
          %get3A_388 = vector.shape_cast %get3A_387 : vector<1x1x16xf32> to vector<16xf32>
          %add3A_389 = arith.constant 5 : i32
          %add3A_390 = arith.addi %add3A_349, %add3A_389 : i32
          %get3A_391 = arith.constant 0 : i32
          %get3A_392 = arith.index_cast %get3A_391 : i32 to index
          %get3A_393 = arith.index_cast %add3A_390 : i32 to index
          %get3A_394 = arith.constant 0 : index
          %get3A_395 = tpu.vector_load %arg23[%get3A_392, %get3A_393, %get3A_394] {strides = array<i32>} : memref<2x800x24xf32, #tpu.memory_space<vmem>>, vector<1x1x16xf32>,
          %get3A_396 = vector.shape_cast %get3A_395 : vector<1x1x16xf32> to vector<16xf32>
          %add3A_397 = arith.constant 6 : i32
          %add3A_398 = arith.addi %add3A_349, %add3A_397 : i32
          %get3A_399 = arith.constant 0 : i32
          %get3A_400 = arith.index_cast %get3A_399 : i32 to index
          %get3A_401 = arith.index_cast %add3A_398 : i32 to index
          %get3A_402 = arith.constant 0 : index
          %get3A_403 = tpu.vector_load %arg23[%get3A_400, %get3A_401, %get3A_402] {strides = array<i32>} : memref<2x800x24xf32, #tpu.memory_space<vmem>>, vector<1x1x16xf32>,
          %get3A_404 = vector.shape_cast %get3A_403 : vector<1x1x16xf32> to vector<16xf32>
          %add3A_405 = arith.constant 7 : i32
          %add3A_406 = arith.addi %add3A_349, %add3A_405 : i32
          %get3A_407 = arith.constant 0 : i32
          %get3A_408 = arith.index_cast %get3A_407 : i32 to index
          %get3A_409 = arith.index_cast %add3A_406 : i32 to index
          %get3A_410 = arith.constant 0 : index
          %get3A_411 = tpu.vector_load %arg23[%get3A_408, %get3A_409, %get3A_410] {strides = array<i32>} : memref<2x800x24xf32, #tpu.memory_space<vmem>>, vector<1x1x16xf32>,
          %get3A_412 = vector.shape_cast %get3A_411 : vector<1x1x16xf32> to vector<16xf32>
          %add3A_413 = arith.constant 0 : i32
          %add3A_414 = arith.addi %add3A_349, %add3A_413 : i32
          %get3A_415 = arith.constant 0 : i32
          %get3A_416 = arith.index_cast %get3A_415 : i32 to index
          %get3A_417 = arith.index_cast %add3A_414 : i32 to index
          %get3A_418 = arith.constant 8 : index
          %get3A_419 = tpu.vector_load %arg23[%get3A_416, %get3A_417, %get3A_418] {strides = array<i32>} : memref<2x800x24xf32, #tpu.memory_space<vmem>>, vector<1x1x16xf32>,
          %get3A_420 = vector.shape_cast %get3A_419 : vector<1x1x16xf32> to vector<16xf32>
          %add3A_421 = arith.constant 1 : i32
          %add3A_422 = arith.addi %add3A_349, %add3A_421 : i32
          %get3A_423 = arith.constant 0 : i32
          %get3A_424 = arith.index_cast %get3A_423 : i32 to index
          %get3A_425 = arith.index_cast %add3A_422 : i32 to index
          %get3A_426 = arith.constant 8 : index
          %get3A_427 = tpu.vector_load %arg23[%get3A_424, %get3A_425, %get3A_426] {strides = array<i32>} : memref<2x800x24xf32, #tpu.memory_space<vmem>>, vector<1x1x16xf32>,
          %get3A_428 = vector.shape_cast %get3A_427 : vector<1x1x16xf32> to vector<16xf32>
          %add3A_429 = arith.constant 2 : i32
          %add3A_430 = arith.addi %add3A_349, %add3A_429 : i32
          %get3A_431 = arith.constant 0 : i32
          %get3A_432 = arith.index_cast %get3A_431 : i32 to index
          %get3A_433 = arith.index_cast %add3A_430 : i32 to index
          %get3A_434 = arith.constant 8 : index
          %get3A_435 = tpu.vector_load %arg23[%get3A_432, %get3A_433, %get3A_434] {strides = array<i32>} : memref<2x800x24xf32, #tpu.memory_space<vmem>>, vector<1x1x16xf32>,
          %get3A_436 = vector.shape_cast %get3A_435 : vector<1x1x16xf32> to vector<16xf32>
          %add3A_437 = arith.constant 3 : i32
          %add3A_438 = arith.addi %add3A_349, %add3A_437 : i32
          %get3A_439 = arith.constant 0 : i32
          %get3A_440 = arith.index_cast %get3A_439 : i32 to index
          %get3A_441 = arith.index_cast %add3A_438 : i32 to index
          %get3A_442 = arith.constant 8 : index
          %get3A_443 = tpu.vector_load %arg23[%get3A_440, %get3A_441, %get3A_442] {strides = array<i32>} : memref<2x800x24xf32, #tpu.memory_space<vmem>>, vector<1x1x16xf32>,
          %get3A_444 = vector.shape_cast %get3A_443 : vector<1x1x16xf32> to vector<16xf32>
          %add3A_445 = arith.constant 4 : i32
          %add3A_446 = arith.addi %add3A_349, %add3A_445 : i32
          %get3A_447 = arith.constant 0 : i32
          %get3A_448 = arith.index_cast %get3A_447 : i32 to index
          %get3A_449 = arith.index_cast %add3A_446 : i32 to index
          %get3A_450 = arith.constant 8 : index
          %get3A_451 = tpu.vector_load %arg23[%get3A_448, %get3A_449, %get3A_450] {strides = array<i32>} : memref<2x800x24xf32, #tpu.memory_space<vmem>>, vector<1x1x16xf32>,
          %get3A_452 = vector.shape_cast %get3A_451 : vector<1x1x16xf32> to vector<16xf32>
          %add3A_453 = arith.constant 5 : i32
          %add3A_454 = arith.addi %add3A_349, %add3A_453 : i32
          %get3A_455 = arith.constant 0 : i32
          %get3A_456 = arith.index_cast %get3A_455 : i32 to index
          %get3A_457 = arith.index_cast %add3A_454 : i32 to index
          %get3A_458 = arith.constant 8 : index
          %get3A_459 = tpu.vector_load %arg23[%get3A_456, %get3A_457, %get3A_458] {strides = array<i32>} : memref<2x800x24xf32, #tpu.memory_space<vmem>>, vector<1x1x16xf32>,
          %get3A_460 = vector.shape_cast %get3A_459 : vector<1x1x16xf32> to vector<16xf32>
          %add3A_461 = arith.constant 6 : i32
          %add3A_462 = arith.addi %add3A_349, %add3A_461 : i32
          %get3A_463 = arith.constant 0 : i32
          %get3A_464 = arith.index_cast %get3A_463 : i32 to index
          %get3A_465 = arith.index_cast %add3A_462 : i32 to index
          %get3A_466 = arith.constant 8 : index
          %get3A_467 = tpu.vector_load %arg23[%get3A_464, %get3A_465, %get3A_466] {strides = array<i32>} : memref<2x800x24xf32, #tpu.memory_space<vmem>>, vector<1x1x16xf32>,
          %get3A_468 = vector.shape_cast %get3A_467 : vector<1x1x16xf32> to vector<16xf32>
          %add3A_469 = arith.constant 7 : i32
          %add3A_470 = arith.addi %add3A_349, %add3A_469 : i32
          %get3A_471 = arith.constant 0 : i32
          %get3A_472 = arith.index_cast %get3A_471 : i32 to index
          %get3A_473 = arith.index_cast %add3A_470 : i32 to index
          %get3A_474 = arith.constant 8 : index
          %get3A_475 = tpu.vector_load %arg23[%get3A_472, %get3A_473, %get3A_474] {strides = array<i32>} : memref<2x800x24xf32, #tpu.memory_space<vmem>>, vector<1x1x16xf32>,
          %get3A_476 = vector.shape_cast %get3A_475 : vector<1x1x16xf32> to vector<16xf32>
          %add3A_477 = arith.addf %get3A_356, %get3A_364 : vector<16xf32>
          %add3A_478 = arith.addf %get3A_372, %get3A_380 : vector<16xf32>
          %add3A_479 = arith.addf %get3A_388, %get3A_396 : vector<16xf32>
          %add3A_480 = arith.addf %get3A_404, %get3A_412 : vector<16xf32>
          %add3A_481 = arith.addf %get3A_420, %get3A_428 : vector<16xf32>
          %add3A_482 = arith.addf %get3A_436, %get3A_444 : vector<16xf32>
          %add3A_483 = arith.addf %get3A_452, %get3A_460 : vector<16xf32>
          %add3A_484 = arith.addf %get3A_468, %get3A_476 : vector<16xf32>
          %add3A_485 = arith.addf %add3A_477, %add3A_478 : vector<16xf32>
          %add3A_486 = arith.addf %add3A_479, %add3A_480 : vector<16xf32>
          %add3A_487 = arith.addf %add3A_481, %add3A_482 : vector<16xf32>
          %add3A_488 = arith.addf %add3A_483, %add3A_484 : vector<16xf32>
          %add3A_489 = arith.addf %add3A_485, %add3A_486 : vector<16xf32>
          %add3A_490 = arith.addf %scan3A_344, %add3A_489 : vector<16xf32>
          %add3A_491 = arith.addf %add3A_487, %add3A_488 : vector<16xf32>
          %add3A_492 = arith.addf %scan3A_345, %add3A_491 : vector<16xf32>
          scf.yield %add3A_490, %add3A_492 : vector<16xf32>, vector<16xf32>
        }
        %scan3A_137 = arith.constant 25 : i32
        %mul3A_138 = arith.constant 64 : i32
        %mul3A_139 = arith.muli %scan3A_67, %mul3A_138 : i32
        %mul3A_140 = arith.constant 4 : i32
        %mul3A_141 = arith.muli %add3A_90, %mul3A_140 : i32
        %add3A_142 = arith.addi %mul3A_139, %mul3A_141 : i32
        %add3A_143 = arith.constant 1 : i32
        %add3A_144 = arith.addi %add3A_142, %add3A_143 : i32
        %mul3A_145 = arith.constant 18 : i32
        %mul3A_146 = arith.muli %mul3A_145, %add3A_144 : i32
        %swap3A_147 = arith.index_cast %mul3A_146 : i32 to index
        %swap3A_148 = tpu.vector_load %arg24[%swap3A_147] {strides = array<i32>} : memref<9232xf32, #tpu.memory_space<vmem>>, vector<16xf32>,
        %swap3A_149 = vector.shape_cast %swap3A_148 : vector<16xf32> to vector<16xf32>
        %swap3A_150 = vector.shape_cast %scan3A_136#0 : vector<16xf32> to vector<16xf32>
        tpu.vector_store %arg24[%swap3A_147], %swap3A_150 {strides = array<i32>} : memref<9232xf32, #tpu.memory_space<vmem>>, vector<16xf32>,
        %mul3A_151 = arith.constant 18 : i32
        %mul3A_152 = arith.muli %mul3A_151, %add3A_144 : i32
        %add3A_153 = arith.constant 8 : i32
        %add3A_154 = arith.addi %mul3A_152, %add3A_153 : i32
        %swap3A_155 = arith.index_cast %add3A_154 : i32 to index
        %swap3A_156 = tpu.vector_load %arg24[%swap3A_155] {strides = array<i32>} : memref<9232xf32, #tpu.memory_space<vmem>>, vector<16xf32>,
        %swap3A_157 = vector.shape_cast %swap3A_156 : vector<16xf32> to vector<16xf32>
        %swap3A_158 = vector.shape_cast %scan3A_136#1 : vector<16xf32> to vector<16xf32>
        tpu.vector_store %arg24[%swap3A_155], %swap3A_158 {strides = array<i32>} : memref<9232xf32, #tpu.memory_space<vmem>>, vector<16xf32>,
        %scan3A_159 = arith.constant 0 : i32
        %scan3A_160 = arith.constant 25 : i32
        %scan3A_161 = arith.addi %scan3A_159, %scan3A_160 : i32
        %scan3A_162 = arith.constant 1 : i32
        %scan3A_163:2 = scf.for %scan3A_343 = %scan3A_159 to %scan3A_161 step %scan3A_162 iter_args(%scan3A_344 = %broadcast_in_dim3A_54, %scan3A_345 = %broadcast_in_dim3A_54) -> (vector<16xf32>, vector<16xf32>)  : i32 {
          %mul3A_346 = arith.constant 8 : i32
          %mul3A_347 = arith.muli %scan3A_343, %mul3A_346 : i32
          %add3A_348 = arith.constant 400 : i32
          %add3A_349 = arith.addi %add3A_348, %mul3A_347 : i32
          %add3A_350 = arith.constant 0 : i32
          %add3A_351 = arith.addi %add3A_349, %add3A_350 : i32
          %get3A = arith.constant 0 : i32
          %get3A_352 = arith.index_cast %get3A : i32 to index
          %get3A_353 = arith.index_cast %add3A_351 : i32 to index
          %get3A_354 = arith.constant 0 : index
          %get3A_355 = tpu.vector_load %arg23[%get3A_352, %get3A_353, %get3A_354] {strides = array<i32>} : memref<2x800x24xf32, #tpu.memory_space<vmem>>, vector<1x1x16xf32>,
          %get3A_356 = vector.shape_cast %get3A_355 : vector<1x1x16xf32> to vector<16xf32>
          %add3A_357 = arith.constant 1 : i32
          %add3A_358 = arith.addi %add3A_349, %add3A_357 : i32
          %get3A_359 = arith.constant 0 : i32
          %get3A_360 = arith.index_cast %get3A_359 : i32 to index
          %get3A_361 = arith.index_cast %add3A_358 : i32 to index
          %get3A_362 = arith.constant 0 : index
          %get3A_363 = tpu.vector_load %arg23[%get3A_360, %get3A_361, %get3A_362] {strides = array<i32>} : memref<2x800x24xf32, #tpu.memory_space<vmem>>, vector<1x1x16xf32>,
          %get3A_364 = vector.shape_cast %get3A_363 : vector<1x1x16xf32> to vector<16xf32>
          %add3A_365 = arith.constant 2 : i32
          %add3A_366 = arith.addi %add3A_349, %add3A_365 : i32
          %get3A_367 = arith.constant 0 : i32
          %get3A_368 = arith.index_cast %get3A_367 : i32 to index
          %get3A_369 = arith.index_cast %add3A_366 : i32 to index
          %get3A_370 = arith.constant 0 : index
          %get3A_371 = tpu.vector_load %arg23[%get3A_368, %get3A_369, %get3A_370] {strides = array<i32>} : memref<2x800x24xf32, #tpu.memory_space<vmem>>, vector<1x1x16xf32>,
          %get3A_372 = vector.shape_cast %get3A_371 : vector<1x1x16xf32> to vector<16xf32>
          %add3A_373 = arith.constant 3 : i32
          %add3A_374 = arith.addi %add3A_349, %add3A_373 : i32
          %get3A_375 = arith.constant 0 : i32
          %get3A_376 = arith.index_cast %get3A_375 : i32 to index
          %get3A_377 = arith.index_cast %add3A_374 : i32 to index
          %get3A_378 = arith.constant 0 : index
          %get3A_379 = tpu.vector_load %arg23[%get3A_376, %get3A_377, %get3A_378] {strides = array<i32>} : memref<2x800x24xf32, #tpu.memory_space<vmem>>, vector<1x1x16xf32>,
          %get3A_380 = vector.shape_cast %get3A_379 : vector<1x1x16xf32> to vector<16xf32>
          %add3A_381 = arith.constant 4 : i32
          %add3A_382 = arith.addi %add3A_349, %add3A_381 : i32
          %get3A_383 = arith.constant 0 : i32
          %get3A_384 = arith.index_cast %get3A_383 : i32 to index
          %get3A_385 = arith.index_cast %add3A_382 : i32 to index
          %get3A_386 = arith.constant 0 : index
          %get3A_387 = tpu.vector_load %arg23[%get3A_384, %get3A_385, %get3A_386] {strides = array<i32>} : memref<2x800x24xf32, #tpu.memory_space<vmem>>, vector<1x1x16xf32>,
          %get3A_388 = vector.shape_cast %get3A_387 : vector<1x1x16xf32> to vector<16xf32>
          %add3A_389 = arith.constant 5 : i32
          %add3A_390 = arith.addi %add3A_349, %add3A_389 : i32
          %get3A_391 = arith.constant 0 : i32
          %get3A_392 = arith.index_cast %get3A_391 : i32 to index
          %get3A_393 = arith.index_cast %add3A_390 : i32 to index
          %get3A_394 = arith.constant 0 : index
          %get3A_395 = tpu.vector_load %arg23[%get3A_392, %get3A_393, %get3A_394] {strides = array<i32>} : memref<2x800x24xf32, #tpu.memory_space<vmem>>, vector<1x1x16xf32>,
          %get3A_396 = vector.shape_cast %get3A_395 : vector<1x1x16xf32> to vector<16xf32>
          %add3A_397 = arith.constant 6 : i32
          %add3A_398 = arith.addi %add3A_349, %add3A_397 : i32
          %get3A_399 = arith.constant 0 : i32
          %get3A_400 = arith.index_cast %get3A_399 : i32 to index
          %get3A_401 = arith.index_cast %add3A_398 : i32 to index
          %get3A_402 = arith.constant 0 : index
          %get3A_403 = tpu.vector_load %arg23[%get3A_400, %get3A_401, %get3A_402] {strides = array<i32>} : memref<2x800x24xf32, #tpu.memory_space<vmem>>, vector<1x1x16xf32>,
          %get3A_404 = vector.shape_cast %get3A_403 : vector<1x1x16xf32> to vector<16xf32>
          %add3A_405 = arith.constant 7 : i32
          %add3A_406 = arith.addi %add3A_349, %add3A_405 : i32
          %get3A_407 = arith.constant 0 : i32
          %get3A_408 = arith.index_cast %get3A_407 : i32 to index
          %get3A_409 = arith.index_cast %add3A_406 : i32 to index
          %get3A_410 = arith.constant 0 : index
          %get3A_411 = tpu.vector_load %arg23[%get3A_408, %get3A_409, %get3A_410] {strides = array<i32>} : memref<2x800x24xf32, #tpu.memory_space<vmem>>, vector<1x1x16xf32>,
          %get3A_412 = vector.shape_cast %get3A_411 : vector<1x1x16xf32> to vector<16xf32>
          %add3A_413 = arith.constant 0 : i32
          %add3A_414 = arith.addi %add3A_349, %add3A_413 : i32
          %get3A_415 = arith.constant 0 : i32
          %get3A_416 = arith.index_cast %get3A_415 : i32 to index
          %get3A_417 = arith.index_cast %add3A_414 : i32 to index
          %get3A_418 = arith.constant 8 : index
          %get3A_419 = tpu.vector_load %arg23[%get3A_416, %get3A_417, %get3A_418] {strides = array<i32>} : memref<2x800x24xf32, #tpu.memory_space<vmem>>, vector<1x1x16xf32>,
          %get3A_420 = vector.shape_cast %get3A_419 : vector<1x1x16xf32> to vector<16xf32>
          %add3A_421 = arith.constant 1 : i32
          %add3A_422 = arith.addi %add3A_349, %add3A_421 : i32
          %get3A_423 = arith.constant 0 : i32
          %get3A_424 = arith.index_cast %get3A_423 : i32 to index
          %get3A_425 = arith.index_cast %add3A_422 : i32 to index
          %get3A_426 = arith.constant 8 : index
          %get3A_427 = tpu.vector_load %arg23[%get3A_424, %get3A_425, %get3A_426] {strides = array<i32>} : memref<2x800x24xf32, #tpu.memory_space<vmem>>, vector<1x1x16xf32>,
          %get3A_428 = vector.shape_cast %get3A_427 : vector<1x1x16xf32> to vector<16xf32>
          %add3A_429 = arith.constant 2 : i32
          %add3A_430 = arith.addi %add3A_349, %add3A_429 : i32
          %get3A_431 = arith.constant 0 : i32
          %get3A_432 = arith.index_cast %get3A_431 : i32 to index
          %get3A_433 = arith.index_cast %add3A_430 : i32 to index
          %get3A_434 = arith.constant 8 : index
          %get3A_435 = tpu.vector_load %arg23[%get3A_432, %get3A_433, %get3A_434] {strides = array<i32>} : memref<2x800x24xf32, #tpu.memory_space<vmem>>, vector<1x1x16xf32>,
          %get3A_436 = vector.shape_cast %get3A_435 : vector<1x1x16xf32> to vector<16xf32>
          %add3A_437 = arith.constant 3 : i32
          %add3A_438 = arith.addi %add3A_349, %add3A_437 : i32
          %get3A_439 = arith.constant 0 : i32
          %get3A_440 = arith.index_cast %get3A_439 : i32 to index
          %get3A_441 = arith.index_cast %add3A_438 : i32 to index
          %get3A_442 = arith.constant 8 : index
          %get3A_443 = tpu.vector_load %arg23[%get3A_440, %get3A_441, %get3A_442] {strides = array<i32>} : memref<2x800x24xf32, #tpu.memory_space<vmem>>, vector<1x1x16xf32>,
          %get3A_444 = vector.shape_cast %get3A_443 : vector<1x1x16xf32> to vector<16xf32>
          %add3A_445 = arith.constant 4 : i32
          %add3A_446 = arith.addi %add3A_349, %add3A_445 : i32
          %get3A_447 = arith.constant 0 : i32
          %get3A_448 = arith.index_cast %get3A_447 : i32 to index
          %get3A_449 = arith.index_cast %add3A_446 : i32 to index
          %get3A_450 = arith.constant 8 : index
          %get3A_451 = tpu.vector_load %arg23[%get3A_448, %get3A_449, %get3A_450] {strides = array<i32>} : memref<2x800x24xf32, #tpu.memory_space<vmem>>, vector<1x1x16xf32>,
          %get3A_452 = vector.shape_cast %get3A_451 : vector<1x1x16xf32> to vector<16xf32>
          %add3A_453 = arith.constant 5 : i32
          %add3A_454 = arith.addi %add3A_349, %add3A_453 : i32
          %get3A_455 = arith.constant 0 : i32
          %get3A_456 = arith.index_cast %get3A_455 : i32 to index
          %get3A_457 = arith.index_cast %add3A_454 : i32 to index
          %get3A_458 = arith.constant 8 : index
          %get3A_459 = tpu.vector_load %arg23[%get3A_456, %get3A_457, %get3A_458] {strides = array<i32>} : memref<2x800x24xf32, #tpu.memory_space<vmem>>, vector<1x1x16xf32>,
          %get3A_460 = vector.shape_cast %get3A_459 : vector<1x1x16xf32> to vector<16xf32>
          %add3A_461 = arith.constant 6 : i32
          %add3A_462 = arith.addi %add3A_349, %add3A_461 : i32
          %get3A_463 = arith.constant 0 : i32
          %get3A_464 = arith.index_cast %get3A_463 : i32 to index
          %get3A_465 = arith.index_cast %add3A_462 : i32 to index
          %get3A_466 = arith.constant 8 : index
          %get3A_467 = tpu.vector_load %arg23[%get3A_464, %get3A_465, %get3A_466] {strides = array<i32>} : memref<2x800x24xf32, #tpu.memory_space<vmem>>, vector<1x1x16xf32>,
          %get3A_468 = vector.shape_cast %get3A_467 : vector<1x1x16xf32> to vector<16xf32>
          %add3A_469 = arith.constant 7 : i32
          %add3A_470 = arith.addi %add3A_349, %add3A_469 : i32
          %get3A_471 = arith.constant 0 : i32
          %get3A_472 = arith.index_cast %get3A_471 : i32 to index
          %get3A_473 = arith.index_cast %add3A_470 : i32 to index
          %get3A_474 = arith.constant 8 : index
          %get3A_475 = tpu.vector_load %arg23[%get3A_472, %get3A_473, %get3A_474] {strides = array<i32>} : memref<2x800x24xf32, #tpu.memory_space<vmem>>, vector<1x1x16xf32>,
          %get3A_476 = vector.shape_cast %get3A_475 : vector<1x1x16xf32> to vector<16xf32>
          %add3A_477 = arith.addf %get3A_356, %get3A_364 : vector<16xf32>
          %add3A_478 = arith.addf %get3A_372, %get3A_380 : vector<16xf32>
          %add3A_479 = arith.addf %get3A_388, %get3A_396 : vector<16xf32>
          %add3A_480 = arith.addf %get3A_404, %get3A_412 : vector<16xf32>
          %add3A_481 = arith.addf %get3A_420, %get3A_428 : vector<16xf32>
          %add3A_482 = arith.addf %get3A_436, %get3A_444 : vector<16xf32>
          %add3A_483 = arith.addf %get3A_452, %get3A_460 : vector<16xf32>
          %add3A_484 = arith.addf %get3A_468, %get3A_476 : vector<16xf32>
          %add3A_485 = arith.addf %add3A_477, %add3A_478 : vector<16xf32>
          %add3A_486 = arith.addf %add3A_479, %add3A_480 : vector<16xf32>
          %add3A_487 = arith.addf %add3A_481, %add3A_482 : vector<16xf32>
          %add3A_488 = arith.addf %add3A_483, %add3A_484 : vector<16xf32>
          %add3A_489 = arith.addf %add3A_485, %add3A_486 : vector<16xf32>
          %add3A_490 = arith.addf %scan3A_344, %add3A_489 : vector<16xf32>
          %add3A_491 = arith.addf %add3A_487, %add3A_488 : vector<16xf32>
          %add3A_492 = arith.addf %scan3A_345, %add3A_491 : vector<16xf32>
          scf.yield %add3A_490, %add3A_492 : vector<16xf32>, vector<16xf32>
        }
        %scan3A_164 = arith.constant 25 : i32
        %mul3A_165 = arith.constant 64 : i32
        %mul3A_166 = arith.muli %scan3A_67, %mul3A_165 : i32
        %mul3A_167 = arith.constant 4 : i32
        %mul3A_168 = arith.muli %add3A_90, %mul3A_167 : i32
        %add3A_169 = arith.addi %mul3A_166, %mul3A_168 : i32
        %add3A_170 = arith.constant 2 : i32
        %add3A_171 = arith.addi %add3A_169, %add3A_170 : i32
        %mul3A_172 = arith.constant 18 : i32
        %mul3A_173 = arith.muli %mul3A_172, %add3A_171 : i32
        %swap3A_174 = arith.index_cast %mul3A_173 : i32 to index
        %swap3A_175 = tpu.vector_load %arg24[%swap3A_174] {strides = array<i32>} : memref<9232xf32, #tpu.memory_space<vmem>>, vector<16xf32>,
        %swap3A_176 = vector.shape_cast %swap3A_175 : vector<16xf32> to vector<16xf32>
        %swap3A_177 = vector.shape_cast %scan3A_163#0 : vector<16xf32> to vector<16xf32>
        tpu.vector_store %arg24[%swap3A_174], %swap3A_177 {strides = array<i32>} : memref<9232xf32, #tpu.memory_space<vmem>>, vector<16xf32>,
        %mul3A_178 = arith.constant 18 : i32
        %mul3A_179 = arith.muli %mul3A_178, %add3A_171 : i32
        %add3A_180 = arith.constant 8 : i32
        %add3A_181 = arith.addi %mul3A_179, %add3A_180 : i32
        %swap3A_182 = arith.index_cast %add3A_181 : i32 to index
        %swap3A_183 = tpu.vector_load %arg24[%swap3A_182] {strides = array<i32>} : memref<9232xf32, #tpu.memory_space<vmem>>, vector<16xf32>,
        %swap3A_184 = vector.shape_cast %swap3A_183 : vector<16xf32> to vector<16xf32>
        %swap3A_185 = vector.shape_cast %scan3A_163#1 : vector<16xf32> to vector<16xf32>
        tpu.vector_store %arg24[%swap3A_182], %swap3A_185 {strides = array<i32>} : memref<9232xf32, #tpu.memory_space<vmem>>, vector<16xf32>,
        %scan3A_186 = arith.constant 0 : i32
        %scan3A_187 = arith.constant 25 : i32
        %scan3A_188 = arith.addi %scan3A_186, %scan3A_187 : i32
        %scan3A_189 = arith.constant 1 : i32
        %scan3A_190:2 = scf.for %scan3A_343 = %scan3A_186 to %scan3A_188 step %scan3A_189 iter_args(%scan3A_344 = %broadcast_in_dim3A_54, %scan3A_345 = %broadcast_in_dim3A_54) -> (vector<16xf32>, vector<16xf32>)  : i32 {
          %mul3A_346 = arith.constant 8 : i32
          %mul3A_347 = arith.muli %scan3A_343, %mul3A_346 : i32
          %add3A_348 = arith.constant 600 : i32
          %add3A_349 = arith.addi %add3A_348, %mul3A_347 : i32
          %add3A_350 = arith.constant 0 : i32
          %add3A_351 = arith.addi %add3A_349, %add3A_350 : i32
          %get3A = arith.constant 0 : i32
          %get3A_352 = arith.index_cast %get3A : i32 to index
          %get3A_353 = arith.index_cast %add3A_351 : i32 to index
          %get3A_354 = arith.constant 0 : index
          %get3A_355 = tpu.vector_load %arg23[%get3A_352, %get3A_353, %get3A_354] {strides = array<i32>} : memref<2x800x24xf32, #tpu.memory_space<vmem>>, vector<1x1x16xf32>,
          %get3A_356 = vector.shape_cast %get3A_355 : vector<1x1x16xf32> to vector<16xf32>
          %add3A_357 = arith.constant 1 : i32
          %add3A_358 = arith.addi %add3A_349, %add3A_357 : i32
          %get3A_359 = arith.constant 0 : i32
          %get3A_360 = arith.index_cast %get3A_359 : i32 to index
          %get3A_361 = arith.index_cast %add3A_358 : i32 to index
          %get3A_362 = arith.constant 0 : index
          %get3A_363 = tpu.vector_load %arg23[%get3A_360, %get3A_361, %get3A_362] {strides = array<i32>} : memref<2x800x24xf32, #tpu.memory_space<vmem>>, vector<1x1x16xf32>,
          %get3A_364 = vector.shape_cast %get3A_363 : vector<1x1x16xf32> to vector<16xf32>
          %add3A_365 = arith.constant 2 : i32
          %add3A_366 = arith.addi %add3A_349, %add3A_365 : i32
          %get3A_367 = arith.constant 0 : i32
          %get3A_368 = arith.index_cast %get3A_367 : i32 to index
          %get3A_369 = arith.index_cast %add3A_366 : i32 to index
          %get3A_370 = arith.constant 0 : index
          %get3A_371 = tpu.vector_load %arg23[%get3A_368, %get3A_369, %get3A_370] {strides = array<i32>} : memref<2x800x24xf32, #tpu.memory_space<vmem>>, vector<1x1x16xf32>,
          %get3A_372 = vector.shape_cast %get3A_371 : vector<1x1x16xf32> to vector<16xf32>
          %add3A_373 = arith.constant 3 : i32
          %add3A_374 = arith.addi %add3A_349, %add3A_373 : i32
          %get3A_375 = arith.constant 0 : i32
          %get3A_376 = arith.index_cast %get3A_375 : i32 to index
          %get3A_377 = arith.index_cast %add3A_374 : i32 to index
          %get3A_378 = arith.constant 0 : index
          %get3A_379 = tpu.vector_load %arg23[%get3A_376, %get3A_377, %get3A_378] {strides = array<i32>} : memref<2x800x24xf32, #tpu.memory_space<vmem>>, vector<1x1x16xf32>,
          %get3A_380 = vector.shape_cast %get3A_379 : vector<1x1x16xf32> to vector<16xf32>
          %add3A_381 = arith.constant 4 : i32
          %add3A_382 = arith.addi %add3A_349, %add3A_381 : i32
          %get3A_383 = arith.constant 0 : i32
          %get3A_384 = arith.index_cast %get3A_383 : i32 to index
          %get3A_385 = arith.index_cast %add3A_382 : i32 to index
          %get3A_386 = arith.constant 0 : index
          %get3A_387 = tpu.vector_load %arg23[%get3A_384, %get3A_385, %get3A_386] {strides = array<i32>} : memref<2x800x24xf32, #tpu.memory_space<vmem>>, vector<1x1x16xf32>,
          %get3A_388 = vector.shape_cast %get3A_387 : vector<1x1x16xf32> to vector<16xf32>
          %add3A_389 = arith.constant 5 : i32
          %add3A_390 = arith.addi %add3A_349, %add3A_389 : i32
          %get3A_391 = arith.constant 0 : i32
          %get3A_392 = arith.index_cast %get3A_391 : i32 to index
          %get3A_393 = arith.index_cast %add3A_390 : i32 to index
          %get3A_394 = arith.constant 0 : index
          %get3A_395 = tpu.vector_load %arg23[%get3A_392, %get3A_393, %get3A_394] {strides = array<i32>} : memref<2x800x24xf32, #tpu.memory_space<vmem>>, vector<1x1x16xf32>,
          %get3A_396 = vector.shape_cast %get3A_395 : vector<1x1x16xf32> to vector<16xf32>
          %add3A_397 = arith.constant 6 : i32
          %add3A_398 = arith.addi %add3A_349, %add3A_397 : i32
          %get3A_399 = arith.constant 0 : i32
          %get3A_400 = arith.index_cast %get3A_399 : i32 to index
          %get3A_401 = arith.index_cast %add3A_398 : i32 to index
          %get3A_402 = arith.constant 0 : index
          %get3A_403 = tpu.vector_load %arg23[%get3A_400, %get3A_401, %get3A_402] {strides = array<i32>} : memref<2x800x24xf32, #tpu.memory_space<vmem>>, vector<1x1x16xf32>,
          %get3A_404 = vector.shape_cast %get3A_403 : vector<1x1x16xf32> to vector<16xf32>
          %add3A_405 = arith.constant 7 : i32
          %add3A_406 = arith.addi %add3A_349, %add3A_405 : i32
          %get3A_407 = arith.constant 0 : i32
          %get3A_408 = arith.index_cast %get3A_407 : i32 to index
          %get3A_409 = arith.index_cast %add3A_406 : i32 to index
          %get3A_410 = arith.constant 0 : index
          %get3A_411 = tpu.vector_load %arg23[%get3A_408, %get3A_409, %get3A_410] {strides = array<i32>} : memref<2x800x24xf32, #tpu.memory_space<vmem>>, vector<1x1x16xf32>,
          %get3A_412 = vector.shape_cast %get3A_411 : vector<1x1x16xf32> to vector<16xf32>
          %add3A_413 = arith.constant 0 : i32
          %add3A_414 = arith.addi %add3A_349, %add3A_413 : i32
          %get3A_415 = arith.constant 0 : i32
          %get3A_416 = arith.index_cast %get3A_415 : i32 to index
          %get3A_417 = arith.index_cast %add3A_414 : i32 to index
          %get3A_418 = arith.constant 8 : index
          %get3A_419 = tpu.vector_load %arg23[%get3A_416, %get3A_417, %get3A_418] {strides = array<i32>} : memref<2x800x24xf32, #tpu.memory_space<vmem>>, vector<1x1x16xf32>,
          %get3A_420 = vector.shape_cast %get3A_419 : vector<1x1x16xf32> to vector<16xf32>
          %add3A_421 = arith.constant 1 : i32
          %add3A_422 = arith.addi %add3A_349, %add3A_421 : i32
          %get3A_423 = arith.constant 0 : i32
          %get3A_424 = arith.index_cast %get3A_423 : i32 to index
          %get3A_425 = arith.index_cast %add3A_422 : i32 to index
          %get3A_426 = arith.constant 8 : index
          %get3A_427 = tpu.vector_load %arg23[%get3A_424, %get3A_425, %get3A_426] {strides = array<i32>} : memref<2x800x24xf32, #tpu.memory_space<vmem>>, vector<1x1x16xf32>,
          %get3A_428 = vector.shape_cast %get3A_427 : vector<1x1x16xf32> to vector<16xf32>
          %add3A_429 = arith.constant 2 : i32
          %add3A_430 = arith.addi %add3A_349, %add3A_429 : i32
          %get3A_431 = arith.constant 0 : i32
          %get3A_432 = arith.index_cast %get3A_431 : i32 to index
          %get3A_433 = arith.index_cast %add3A_430 : i32 to index
          %get3A_434 = arith.constant 8 : index
          %get3A_435 = tpu.vector_load %arg23[%get3A_432, %get3A_433, %get3A_434] {strides = array<i32>} : memref<2x800x24xf32, #tpu.memory_space<vmem>>, vector<1x1x16xf32>,
          %get3A_436 = vector.shape_cast %get3A_435 : vector<1x1x16xf32> to vector<16xf32>
          %add3A_437 = arith.constant 3 : i32
          %add3A_438 = arith.addi %add3A_349, %add3A_437 : i32
          %get3A_439 = arith.constant 0 : i32
          %get3A_440 = arith.index_cast %get3A_439 : i32 to index
          %get3A_441 = arith.index_cast %add3A_438 : i32 to index
          %get3A_442 = arith.constant 8 : index
          %get3A_443 = tpu.vector_load %arg23[%get3A_440, %get3A_441, %get3A_442] {strides = array<i32>} : memref<2x800x24xf32, #tpu.memory_space<vmem>>, vector<1x1x16xf32>,
          %get3A_444 = vector.shape_cast %get3A_443 : vector<1x1x16xf32> to vector<16xf32>
          %add3A_445 = arith.constant 4 : i32
          %add3A_446 = arith.addi %add3A_349, %add3A_445 : i32
          %get3A_447 = arith.constant 0 : i32
          %get3A_448 = arith.index_cast %get3A_447 : i32 to index
          %get3A_449 = arith.index_cast %add3A_446 : i32 to index
          %get3A_450 = arith.constant 8 : index
          %get3A_451 = tpu.vector_load %arg23[%get3A_448, %get3A_449, %get3A_450] {strides = array<i32>} : memref<2x800x24xf32, #tpu.memory_space<vmem>>, vector<1x1x16xf32>,
          %get3A_452 = vector.shape_cast %get3A_451 : vector<1x1x16xf32> to vector<16xf32>
          %add3A_453 = arith.constant 5 : i32
          %add3A_454 = arith.addi %add3A_349, %add3A_453 : i32
          %get3A_455 = arith.constant 0 : i32
          %get3A_456 = arith.index_cast %get3A_455 : i32 to index
          %get3A_457 = arith.index_cast %add3A_454 : i32 to index
          %get3A_458 = arith.constant 8 : index
          %get3A_459 = tpu.vector_load %arg23[%get3A_456, %get3A_457, %get3A_458] {strides = array<i32>} : memref<2x800x24xf32, #tpu.memory_space<vmem>>, vector<1x1x16xf32>,
          %get3A_460 = vector.shape_cast %get3A_459 : vector<1x1x16xf32> to vector<16xf32>
          %add3A_461 = arith.constant 6 : i32
          %add3A_462 = arith.addi %add3A_349, %add3A_461 : i32
          %get3A_463 = arith.constant 0 : i32
          %get3A_464 = arith.index_cast %get3A_463 : i32 to index
          %get3A_465 = arith.index_cast %add3A_462 : i32 to index
          %get3A_466 = arith.constant 8 : index
          %get3A_467 = tpu.vector_load %arg23[%get3A_464, %get3A_465, %get3A_466] {strides = array<i32>} : memref<2x800x24xf32, #tpu.memory_space<vmem>>, vector<1x1x16xf32>,
          %get3A_468 = vector.shape_cast %get3A_467 : vector<1x1x16xf32> to vector<16xf32>
          %add3A_469 = arith.constant 7 : i32
          %add3A_470 = arith.addi %add3A_349, %add3A_469 : i32
          %get3A_471 = arith.constant 0 : i32
          %get3A_472 = arith.index_cast %get3A_471 : i32 to index
          %get3A_473 = arith.index_cast %add3A_470 : i32 to index
          %get3A_474 = arith.constant 8 : index
          %get3A_475 = tpu.vector_load %arg23[%get3A_472, %get3A_473, %get3A_474] {strides = array<i32>} : memref<2x800x24xf32, #tpu.memory_space<vmem>>, vector<1x1x16xf32>,
          %get3A_476 = vector.shape_cast %get3A_475 : vector<1x1x16xf32> to vector<16xf32>
          %add3A_477 = arith.addf %get3A_356, %get3A_364 : vector<16xf32>
          %add3A_478 = arith.addf %get3A_372, %get3A_380 : vector<16xf32>
          %add3A_479 = arith.addf %get3A_388, %get3A_396 : vector<16xf32>
          %add3A_480 = arith.addf %get3A_404, %get3A_412 : vector<16xf32>
          %add3A_481 = arith.addf %get3A_420, %get3A_428 : vector<16xf32>
          %add3A_482 = arith.addf %get3A_436, %get3A_444 : vector<16xf32>
          %add3A_483 = arith.addf %get3A_452, %get3A_460 : vector<16xf32>
          %add3A_484 = arith.addf %get3A_468, %get3A_476 : vector<16xf32>
          %add3A_485 = arith.addf %add3A_477, %add3A_478 : vector<16xf32>
          %add3A_486 = arith.addf %add3A_479, %add3A_480 : vector<16xf32>
          %add3A_487 = arith.addf %add3A_481, %add3A_482 : vector<16xf32>
          %add3A_488 = arith.addf %add3A_483, %add3A_484 : vector<16xf32>
          %add3A_489 = arith.addf %add3A_485, %add3A_486 : vector<16xf32>
          %add3A_490 = arith.addf %scan3A_344, %add3A_489 : vector<16xf32>
          %add3A_491 = arith.addf %add3A_487, %add3A_488 : vector<16xf32>
          %add3A_492 = arith.addf %scan3A_345, %add3A_491 : vector<16xf32>
          scf.yield %add3A_490, %add3A_492 : vector<16xf32>, vector<16xf32>
        }
        %scan3A_191 = arith.constant 25 : i32
        %mul3A_192 = arith.constant 64 : i32
        %mul3A_193 = arith.muli %scan3A_67, %mul3A_192 : i32
        %mul3A_194 = arith.constant 4 : i32
        %mul3A_195 = arith.muli %add3A_90, %mul3A_194 : i32
        %add3A_196 = arith.addi %mul3A_193, %mul3A_195 : i32
        %add3A_197 = arith.constant 3 : i32
        %add3A_198 = arith.addi %add3A_196, %add3A_197 : i32
        %mul3A_199 = arith.constant 18 : i32
        %mul3A_200 = arith.muli %mul3A_199, %add3A_198 : i32
        %swap3A_201 = arith.index_cast %mul3A_200 : i32 to index
        %swap3A_202 = tpu.vector_load %arg24[%swap3A_201] {strides = array<i32>} : memref<9232xf32, #tpu.memory_space<vmem>>, vector<16xf32>,
        %swap3A_203 = vector.shape_cast %swap3A_202 : vector<16xf32> to vector<16xf32>
        %swap3A_204 = vector.shape_cast %scan3A_190#0 : vector<16xf32> to vector<16xf32>
        tpu.vector_store %arg24[%swap3A_201], %swap3A_204 {strides = array<i32>} : memref<9232xf32, #tpu.memory_space<vmem>>, vector<16xf32>,
        %mul3A_205 = arith.constant 18 : i32
        %mul3A_206 = arith.muli %mul3A_205, %add3A_198 : i32
        %add3A_207 = arith.constant 8 : i32
        %add3A_208 = arith.addi %mul3A_206, %add3A_207 : i32
        %swap3A_209 = arith.index_cast %add3A_208 : i32 to index
        %swap3A_210 = tpu.vector_load %arg24[%swap3A_209] {strides = array<i32>} : memref<9232xf32, #tpu.memory_space<vmem>>, vector<16xf32>,
        %swap3A_211 = vector.shape_cast %swap3A_210 : vector<16xf32> to vector<16xf32>
        %swap3A_212 = vector.shape_cast %scan3A_190#1 : vector<16xf32> to vector<16xf32>
        tpu.vector_store %arg24[%swap3A_209], %swap3A_212 {strides = array<i32>} : memref<9232xf32, #tpu.memory_space<vmem>>, vector<16xf32>,
        %mul3A_213 = arith.constant 2 : i32
        %mul3A_214 = arith.muli %mul3A_213, %scan3A_86 : i32
        %add3A_215 = arith.constant 1 : i32
        %add3A_216 = arith.addi %mul3A_214, %add3A_215 : i32
        %add3A_217 = arith.constant 1 : i32
        %add3A_218 = arith.addi %add3A_216, %add3A_217 : i32
        %lt3A_219 = arith.constant 16 : i32
        %lt3A_220 = arith.cmpi slt, %add3A_218, %lt3A_219 : i32
        %convert_element_type3A_221 = arith.extui %lt3A_220 : i1 to i32
        %cond3A_222 = arith.constant 0 : i32
        %cond3A_223 = arith.cmpi ne, %convert_element_type3A_221, %cond3A_222 : i32
        scf.if %cond3A_223 {
          %add3A_343 = arith.constant 1 : i32
          %add3A_344 = arith.addi %add3A_216, %add3A_343 : i32
          %dma_start3A_345 = arith.constant 0 : i32
          %dma_start3A_346 = arith.constant 0 : i32
          %dma_start3A_347 = arith.constant 0 : i32
          %dma_start3A_348 = tpu.memref_slice %arg23[%dma_start3A_345, %dma_start3A_346, %dma_start3A_347] : memref<2x800x24xf32, #tpu.memory_space<vmem>> -> memref<1x800x24xf32, #tpu.memory_space<vmem>>
          %dma_start3A_349 = tpu.memref_squeeze %dma_start3A_348 : memref<1x800x24xf32, #tpu.memory_space<vmem>> -> memref<800x24xf32, #tpu.memory_space<vmem>>
          %dma_start3A_350 = arith.constant 0 : i32
          %dma_start3A_351 = tpu.memref_slice %arg22[%add3A_344, %dma_start3A_350] : memref<16x800xi32, #tpu.memory_space<vmem>> -> memref<1x800xi32, #tpu.memory_space<vmem>>
          %dma_start3A_352 = tpu.memref_squeeze %dma_start3A_351 : memref<1x800xi32, #tpu.memory_space<vmem>> -> memref<800xi32, #tpu.memory_space<vmem>>
          %dma_start3A_353 = arith.constant 0 : i32
          %dma_start3A_354 = arith.constant 0 : i32
          %dma_start3A_355 = tpu.memref_slice %arg4[%dma_start3A_353, %dma_start3A_354] : memref<100000x24xf32, #tpu.memory_space<hbm>> -> memref<100000x24xf32, #tpu.memory_space<hbm>>
          tpu.enqueue_indirect_dma source(%dma_start3A_355 : memref<100000x24xf32, #tpu.memory_space<hbm>>) target(%dma_start3A_349 : memref<800x24xf32, #tpu.memory_space<vmem>>) offsets(%dma_start3A_352 : memref<800xi32, #tpu.memory_space<vmem>>) semaphore(%arg25 : memref<!tpu.dma_semaphore, #tpu.memory_space<semaphore_mem>>)
        } else {
        }
        %dma_wait3A_224 = arith.constant 1 : i32
        %dma_wait3A_225 = arith.constant 0 : i32
        %dma_wait3A_226 = arith.constant 0 : i32
        %dma_wait3A_227 = tpu.memref_slice %arg23[%dma_wait3A_224, %dma_wait3A_225, %dma_wait3A_226] : memref<2x800x24xf32, #tpu.memory_space<vmem>> -> memref<1x800x24xf32, #tpu.memory_space<vmem>>
        %dma_wait3A_228 = tpu.memref_squeeze %dma_wait3A_227 : memref<1x800x24xf32, #tpu.memory_space<vmem>> -> memref<800x24xf32, #tpu.memory_space<vmem>>
        %dma_wait3A_229 = arith.constant 0 : i32
        %dma_wait3A_230 = tpu.memref_slice %arg22[%add3A_216, %dma_wait3A_229] : memref<16x800xi32, #tpu.memory_space<vmem>> -> memref<1x800xi32, #tpu.memory_space<vmem>>
        %dma_wait3A_231 = tpu.memref_squeeze %dma_wait3A_230 : memref<1x800xi32, #tpu.memory_space<vmem>> -> memref<800xi32, #tpu.memory_space<vmem>>
        %dma_wait3A_232 = arith.constant 0 : i32
        %dma_wait3A_233 = arith.constant 0 : i32
        %dma_wait3A_234 = tpu.memref_slice %arg4[%dma_wait3A_232, %dma_wait3A_233] : memref<100000x24xf32, #tpu.memory_space<hbm>> -> memref<100000x24xf32, #tpu.memory_space<hbm>>
        tpu.wait_indirect_dma semaphore(%arg26 : memref<!tpu.dma_semaphore, #tpu.memory_space<semaphore_mem>>) src(%dma_wait3A_234 : memref<100000x24xf32, #tpu.memory_space<hbm>>) dst(%dma_wait3A_228 : memref<800x24xf32, #tpu.memory_space<vmem>>)
        %scan3A_235 = arith.constant 0 : i32
        %scan3A_236 = arith.constant 25 : i32
        %scan3A_237 = arith.addi %scan3A_235, %scan3A_236 : i32
        %scan3A_238 = arith.constant 1 : i32
        %scan3A_239:2 = scf.for %scan3A_343 = %scan3A_235 to %scan3A_237 step %scan3A_238 iter_args(%scan3A_344 = %broadcast_in_dim3A_54, %scan3A_345 = %broadcast_in_dim3A_54) -> (vector<16xf32>, vector<16xf32>)  : i32 {
          %mul3A_346 = arith.constant 8 : i32
          %mul3A_347 = arith.muli %scan3A_343, %mul3A_346 : i32
          %add3A_348 = arith.constant 0 : i32
          %add3A_349 = arith.addi %add3A_348, %mul3A_347 : i32
          %add3A_350 = arith.constant 0 : i32
          %add3A_351 = arith.addi %add3A_349, %add3A_350 : i32
          %get3A = arith.constant 1 : i32
          %get3A_352 = arith.index_cast %get3A : i32 to index
          %get3A_353 = arith.index_cast %add3A_351 : i32 to index
          %get3A_354 = arith.constant 0 : index
          %get3A_355 = tpu.vector_load %arg23[%get3A_352, %get3A_353, %get3A_354] {strides = array<i32>} : memref<2x800x24xf32, #tpu.memory_space<vmem>>, vector<1x1x16xf32>,
          %get3A_356 = vector.shape_cast %get3A_355 : vector<1x1x16xf32> to vector<16xf32>
          %add3A_357 = arith.constant 1 : i32
          %add3A_358 = arith.addi %add3A_349, %add3A_357 : i32
          %get3A_359 = arith.constant 1 : i32
          %get3A_360 = arith.index_cast %get3A_359 : i32 to index
          %get3A_361 = arith.index_cast %add3A_358 : i32 to index
          %get3A_362 = arith.constant 0 : index
          %get3A_363 = tpu.vector_load %arg23[%get3A_360, %get3A_361, %get3A_362] {strides = array<i32>} : memref<2x800x24xf32, #tpu.memory_space<vmem>>, vector<1x1x16xf32>,
          %get3A_364 = vector.shape_cast %get3A_363 : vector<1x1x16xf32> to vector<16xf32>
          %add3A_365 = arith.constant 2 : i32
          %add3A_366 = arith.addi %add3A_349, %add3A_365 : i32
          %get3A_367 = arith.constant 1 : i32
          %get3A_368 = arith.index_cast %get3A_367 : i32 to index
          %get3A_369 = arith.index_cast %add3A_366 : i32 to index
          %get3A_370 = arith.constant 0 : index
          %get3A_371 = tpu.vector_load %arg23[%get3A_368, %get3A_369, %get3A_370] {strides = array<i32>} : memref<2x800x24xf32, #tpu.memory_space<vmem>>, vector<1x1x16xf32>,
          %get3A_372 = vector.shape_cast %get3A_371 : vector<1x1x16xf32> to vector<16xf32>
          %add3A_373 = arith.constant 3 : i32
          %add3A_374 = arith.addi %add3A_349, %add3A_373 : i32
          %get3A_375 = arith.constant 1 : i32
          %get3A_376 = arith.index_cast %get3A_375 : i32 to index
          %get3A_377 = arith.index_cast %add3A_374 : i32 to index
          %get3A_378 = arith.constant 0 : index
          %get3A_379 = tpu.vector_load %arg23[%get3A_376, %get3A_377, %get3A_378] {strides = array<i32>} : memref<2x800x24xf32, #tpu.memory_space<vmem>>, vector<1x1x16xf32>,
          %get3A_380 = vector.shape_cast %get3A_379 : vector<1x1x16xf32> to vector<16xf32>
          %add3A_381 = arith.constant 4 : i32
          %add3A_382 = arith.addi %add3A_349, %add3A_381 : i32
          %get3A_383 = arith.constant 1 : i32
          %get3A_384 = arith.index_cast %get3A_383 : i32 to index
          %get3A_385 = arith.index_cast %add3A_382 : i32 to index
          %get3A_386 = arith.constant 0 : index
          %get3A_387 = tpu.vector_load %arg23[%get3A_384, %get3A_385, %get3A_386] {strides = array<i32>} : memref<2x800x24xf32, #tpu.memory_space<vmem>>, vector<1x1x16xf32>,
          %get3A_388 = vector.shape_cast %get3A_387 : vector<1x1x16xf32> to vector<16xf32>
          %add3A_389 = arith.constant 5 : i32
          %add3A_390 = arith.addi %add3A_349, %add3A_389 : i32
          %get3A_391 = arith.constant 1 : i32
          %get3A_392 = arith.index_cast %get3A_391 : i32 to index
          %get3A_393 = arith.index_cast %add3A_390 : i32 to index
          %get3A_394 = arith.constant 0 : index
          %get3A_395 = tpu.vector_load %arg23[%get3A_392, %get3A_393, %get3A_394] {strides = array<i32>} : memref<2x800x24xf32, #tpu.memory_space<vmem>>, vector<1x1x16xf32>,
          %get3A_396 = vector.shape_cast %get3A_395 : vector<1x1x16xf32> to vector<16xf32>
          %add3A_397 = arith.constant 6 : i32
          %add3A_398 = arith.addi %add3A_349, %add3A_397 : i32
          %get3A_399 = arith.constant 1 : i32
          %get3A_400 = arith.index_cast %get3A_399 : i32 to index
          %get3A_401 = arith.index_cast %add3A_398 : i32 to index
          %get3A_402 = arith.constant 0 : index
          %get3A_403 = tpu.vector_load %arg23[%get3A_400, %get3A_401, %get3A_402] {strides = array<i32>} : memref<2x800x24xf32, #tpu.memory_space<vmem>>, vector<1x1x16xf32>,
          %get3A_404 = vector.shape_cast %get3A_403 : vector<1x1x16xf32> to vector<16xf32>
          %add3A_405 = arith.constant 7 : i32
          %add3A_406 = arith.addi %add3A_349, %add3A_405 : i32
          %get3A_407 = arith.constant 1 : i32
          %get3A_408 = arith.index_cast %get3A_407 : i32 to index
          %get3A_409 = arith.index_cast %add3A_406 : i32 to index
          %get3A_410 = arith.constant 0 : index
          %get3A_411 = tpu.vector_load %arg23[%get3A_408, %get3A_409, %get3A_410] {strides = array<i32>} : memref<2x800x24xf32, #tpu.memory_space<vmem>>, vector<1x1x16xf32>,
          %get3A_412 = vector.shape_cast %get3A_411 : vector<1x1x16xf32> to vector<16xf32>
          %add3A_413 = arith.constant 0 : i32
          %add3A_414 = arith.addi %add3A_349, %add3A_413 : i32
          %get3A_415 = arith.constant 1 : i32
          %get3A_416 = arith.index_cast %get3A_415 : i32 to index
          %get3A_417 = arith.index_cast %add3A_414 : i32 to index
          %get3A_418 = arith.constant 8 : index
          %get3A_419 = tpu.vector_load %arg23[%get3A_416, %get3A_417, %get3A_418] {strides = array<i32>} : memref<2x800x24xf32, #tpu.memory_space<vmem>>, vector<1x1x16xf32>,
          %get3A_420 = vector.shape_cast %get3A_419 : vector<1x1x16xf32> to vector<16xf32>
          %add3A_421 = arith.constant 1 : i32
          %add3A_422 = arith.addi %add3A_349, %add3A_421 : i32
          %get3A_423 = arith.constant 1 : i32
          %get3A_424 = arith.index_cast %get3A_423 : i32 to index
          %get3A_425 = arith.index_cast %add3A_422 : i32 to index
          %get3A_426 = arith.constant 8 : index
          %get3A_427 = tpu.vector_load %arg23[%get3A_424, %get3A_425, %get3A_426] {strides = array<i32>} : memref<2x800x24xf32, #tpu.memory_space<vmem>>, vector<1x1x16xf32>,
          %get3A_428 = vector.shape_cast %get3A_427 : vector<1x1x16xf32> to vector<16xf32>
          %add3A_429 = arith.constant 2 : i32
          %add3A_430 = arith.addi %add3A_349, %add3A_429 : i32
          %get3A_431 = arith.constant 1 : i32
          %get3A_432 = arith.index_cast %get3A_431 : i32 to index
          %get3A_433 = arith.index_cast %add3A_430 : i32 to index
          %get3A_434 = arith.constant 8 : index
          %get3A_435 = tpu.vector_load %arg23[%get3A_432, %get3A_433, %get3A_434] {strides = array<i32>} : memref<2x800x24xf32, #tpu.memory_space<vmem>>, vector<1x1x16xf32>,
          %get3A_436 = vector.shape_cast %get3A_435 : vector<1x1x16xf32> to vector<16xf32>
          %add3A_437 = arith.constant 3 : i32
          %add3A_438 = arith.addi %add3A_349, %add3A_437 : i32
          %get3A_439 = arith.constant 1 : i32
          %get3A_440 = arith.index_cast %get3A_439 : i32 to index
          %get3A_441 = arith.index_cast %add3A_438 : i32 to index
          %get3A_442 = arith.constant 8 : index
          %get3A_443 = tpu.vector_load %arg23[%get3A_440, %get3A_441, %get3A_442] {strides = array<i32>} : memref<2x800x24xf32, #tpu.memory_space<vmem>>, vector<1x1x16xf32>,
          %get3A_444 = vector.shape_cast %get3A_443 : vector<1x1x16xf32> to vector<16xf32>
          %add3A_445 = arith.constant 4 : i32
          %add3A_446 = arith.addi %add3A_349, %add3A_445 : i32
          %get3A_447 = arith.constant 1 : i32
          %get3A_448 = arith.index_cast %get3A_447 : i32 to index
          %get3A_449 = arith.index_cast %add3A_446 : i32 to index
          %get3A_450 = arith.constant 8 : index
          %get3A_451 = tpu.vector_load %arg23[%get3A_448, %get3A_449, %get3A_450] {strides = array<i32>} : memref<2x800x24xf32, #tpu.memory_space<vmem>>, vector<1x1x16xf32>,
          %get3A_452 = vector.shape_cast %get3A_451 : vector<1x1x16xf32> to vector<16xf32>
          %add3A_453 = arith.constant 5 : i32
          %add3A_454 = arith.addi %add3A_349, %add3A_453 : i32
          %get3A_455 = arith.constant 1 : i32
          %get3A_456 = arith.index_cast %get3A_455 : i32 to index
          %get3A_457 = arith.index_cast %add3A_454 : i32 to index
          %get3A_458 = arith.constant 8 : index
          %get3A_459 = tpu.vector_load %arg23[%get3A_456, %get3A_457, %get3A_458] {strides = array<i32>} : memref<2x800x24xf32, #tpu.memory_space<vmem>>, vector<1x1x16xf32>,
          %get3A_460 = vector.shape_cast %get3A_459 : vector<1x1x16xf32> to vector<16xf32>
          %add3A_461 = arith.constant 6 : i32
          %add3A_462 = arith.addi %add3A_349, %add3A_461 : i32
          %get3A_463 = arith.constant 1 : i32
          %get3A_464 = arith.index_cast %get3A_463 : i32 to index
          %get3A_465 = arith.index_cast %add3A_462 : i32 to index
          %get3A_466 = arith.constant 8 : index
          %get3A_467 = tpu.vector_load %arg23[%get3A_464, %get3A_465, %get3A_466] {strides = array<i32>} : memref<2x800x24xf32, #tpu.memory_space<vmem>>, vector<1x1x16xf32>,
          %get3A_468 = vector.shape_cast %get3A_467 : vector<1x1x16xf32> to vector<16xf32>
          %add3A_469 = arith.constant 7 : i32
          %add3A_470 = arith.addi %add3A_349, %add3A_469 : i32
          %get3A_471 = arith.constant 1 : i32
          %get3A_472 = arith.index_cast %get3A_471 : i32 to index
          %get3A_473 = arith.index_cast %add3A_470 : i32 to index
          %get3A_474 = arith.constant 8 : index
          %get3A_475 = tpu.vector_load %arg23[%get3A_472, %get3A_473, %get3A_474] {strides = array<i32>} : memref<2x800x24xf32, #tpu.memory_space<vmem>>, vector<1x1x16xf32>,
          %get3A_476 = vector.shape_cast %get3A_475 : vector<1x1x16xf32> to vector<16xf32>
          %add3A_477 = arith.addf %get3A_356, %get3A_364 : vector<16xf32>
          %add3A_478 = arith.addf %get3A_372, %get3A_380 : vector<16xf32>
          %add3A_479 = arith.addf %get3A_388, %get3A_396 : vector<16xf32>
          %add3A_480 = arith.addf %get3A_404, %get3A_412 : vector<16xf32>
          %add3A_481 = arith.addf %get3A_420, %get3A_428 : vector<16xf32>
          %add3A_482 = arith.addf %get3A_436, %get3A_444 : vector<16xf32>
          %add3A_483 = arith.addf %get3A_452, %get3A_460 : vector<16xf32>
          %add3A_484 = arith.addf %get3A_468, %get3A_476 : vector<16xf32>
          %add3A_485 = arith.addf %add3A_477, %add3A_478 : vector<16xf32>
          %add3A_486 = arith.addf %add3A_479, %add3A_480 : vector<16xf32>
          %add3A_487 = arith.addf %add3A_481, %add3A_482 : vector<16xf32>
          %add3A_488 = arith.addf %add3A_483, %add3A_484 : vector<16xf32>
          %add3A_489 = arith.addf %add3A_485, %add3A_486 : vector<16xf32>
          %add3A_490 = arith.addf %scan3A_344, %add3A_489 : vector<16xf32>
          %add3A_491 = arith.addf %add3A_487, %add3A_488 : vector<16xf32>
          %add3A_492 = arith.addf %scan3A_345, %add3A_491 : vector<16xf32>
          scf.yield %add3A_490, %add3A_492 : vector<16xf32>, vector<16xf32>
        }
        %scan3A_240 = arith.constant 25 : i32
        %mul3A_241 = arith.constant 64 : i32
        %mul3A_242 = arith.muli %scan3A_67, %mul3A_241 : i32
        %mul3A_243 = arith.constant 4 : i32
        %mul3A_244 = arith.muli %add3A_216, %mul3A_243 : i32
        %add3A_245 = arith.addi %mul3A_242, %mul3A_244 : i32
        %add3A_246 = arith.constant 0 : i32
        %add3A_247 = arith.addi %add3A_245, %add3A_246 : i32
        %mul3A_248 = arith.constant 18 : i32
        %mul3A_249 = arith.muli %mul3A_248, %add3A_247 : i32
        %swap3A_250 = arith.index_cast %mul3A_249 : i32 to index
        %swap3A_251 = tpu.vector_load %arg24[%swap3A_250] {strides = array<i32>} : memref<9232xf32, #tpu.memory_space<vmem>>, vector<16xf32>,
        %swap3A_252 = vector.shape_cast %swap3A_251 : vector<16xf32> to vector<16xf32>
        %swap3A_253 = vector.shape_cast %scan3A_239#0 : vector<16xf32> to vector<16xf32>
        tpu.vector_store %arg24[%swap3A_250], %swap3A_253 {strides = array<i32>} : memref<9232xf32, #tpu.memory_space<vmem>>, vector<16xf32>,
        %mul3A_254 = arith.constant 18 : i32
        %mul3A_255 = arith.muli %mul3A_254, %add3A_247 : i32
        %add3A_256 = arith.constant 8 : i32
        %add3A_257 = arith.addi %mul3A_255, %add3A_256 : i32
        %swap3A_258 = arith.index_cast %add3A_257 : i32 to index
        %swap3A_259 = tpu.vector_load %arg24[%swap3A_258] {strides = array<i32>} : memref<9232xf32, #tpu.memory_space<vmem>>, vector<16xf32>,
        %swap3A_260 = vector.shape_cast %swap3A_259 : vector<16xf32> to vector<16xf32>
        %swap3A_261 = vector.shape_cast %scan3A_239#1 : vector<16xf32> to vector<16xf32>
        tpu.vector_store %arg24[%swap3A_258], %swap3A_261 {strides = array<i32>} : memref<9232xf32, #tpu.memory_space<vmem>>, vector<16xf32>,
        %scan3A_262 = arith.constant 0 : i32
        %scan3A_263 = arith.constant 25 : i32
        %scan3A_264 = arith.addi %scan3A_262, %scan3A_263 : i32
        %scan3A_265 = arith.constant 1 : i32
        %scan3A_266:2 = scf.for %scan3A_343 = %scan3A_262 to %scan3A_264 step %scan3A_265 iter_args(%scan3A_344 = %broadcast_in_dim3A_54, %scan3A_345 = %broadcast_in_dim3A_54) -> (vector<16xf32>, vector<16xf32>)  : i32 {
          %mul3A_346 = arith.constant 8 : i32
          %mul3A_347 = arith.muli %scan3A_343, %mul3A_346 : i32
          %add3A_348 = arith.constant 200 : i32
          %add3A_349 = arith.addi %add3A_348, %mul3A_347 : i32
          %add3A_350 = arith.constant 0 : i32
          %add3A_351 = arith.addi %add3A_349, %add3A_350 : i32
          %get3A = arith.constant 1 : i32
          %get3A_352 = arith.index_cast %get3A : i32 to index
          %get3A_353 = arith.index_cast %add3A_351 : i32 to index
          %get3A_354 = arith.constant 0 : index
          %get3A_355 = tpu.vector_load %arg23[%get3A_352, %get3A_353, %get3A_354] {strides = array<i32>} : memref<2x800x24xf32, #tpu.memory_space<vmem>>, vector<1x1x16xf32>,
          %get3A_356 = vector.shape_cast %get3A_355 : vector<1x1x16xf32> to vector<16xf32>
          %add3A_357 = arith.constant 1 : i32
          %add3A_358 = arith.addi %add3A_349, %add3A_357 : i32
          %get3A_359 = arith.constant 1 : i32
          %get3A_360 = arith.index_cast %get3A_359 : i32 to index
          %get3A_361 = arith.index_cast %add3A_358 : i32 to index
          %get3A_362 = arith.constant 0 : index
          %get3A_363 = tpu.vector_load %arg23[%get3A_360, %get3A_361, %get3A_362] {strides = array<i32>} : memref<2x800x24xf32, #tpu.memory_space<vmem>>, vector<1x1x16xf32>,
          %get3A_364 = vector.shape_cast %get3A_363 : vector<1x1x16xf32> to vector<16xf32>
          %add3A_365 = arith.constant 2 : i32
          %add3A_366 = arith.addi %add3A_349, %add3A_365 : i32
          %get3A_367 = arith.constant 1 : i32
          %get3A_368 = arith.index_cast %get3A_367 : i32 to index
          %get3A_369 = arith.index_cast %add3A_366 : i32 to index
          %get3A_370 = arith.constant 0 : index
          %get3A_371 = tpu.vector_load %arg23[%get3A_368, %get3A_369, %get3A_370] {strides = array<i32>} : memref<2x800x24xf32, #tpu.memory_space<vmem>>, vector<1x1x16xf32>,
          %get3A_372 = vector.shape_cast %get3A_371 : vector<1x1x16xf32> to vector<16xf32>
          %add3A_373 = arith.constant 3 : i32
          %add3A_374 = arith.addi %add3A_349, %add3A_373 : i32
          %get3A_375 = arith.constant 1 : i32
          %get3A_376 = arith.index_cast %get3A_375 : i32 to index
          %get3A_377 = arith.index_cast %add3A_374 : i32 to index
          %get3A_378 = arith.constant 0 : index
          %get3A_379 = tpu.vector_load %arg23[%get3A_376, %get3A_377, %get3A_378] {strides = array<i32>} : memref<2x800x24xf32, #tpu.memory_space<vmem>>, vector<1x1x16xf32>,
          %get3A_380 = vector.shape_cast %get3A_379 : vector<1x1x16xf32> to vector<16xf32>
          %add3A_381 = arith.constant 4 : i32
          %add3A_382 = arith.addi %add3A_349, %add3A_381 : i32
          %get3A_383 = arith.constant 1 : i32
          %get3A_384 = arith.index_cast %get3A_383 : i32 to index
          %get3A_385 = arith.index_cast %add3A_382 : i32 to index
          %get3A_386 = arith.constant 0 : index
          %get3A_387 = tpu.vector_load %arg23[%get3A_384, %get3A_385, %get3A_386] {strides = array<i32>} : memref<2x800x24xf32, #tpu.memory_space<vmem>>, vector<1x1x16xf32>,
          %get3A_388 = vector.shape_cast %get3A_387 : vector<1x1x16xf32> to vector<16xf32>
          %add3A_389 = arith.constant 5 : i32
          %add3A_390 = arith.addi %add3A_349, %add3A_389 : i32
          %get3A_391 = arith.constant 1 : i32
          %get3A_392 = arith.index_cast %get3A_391 : i32 to index
          %get3A_393 = arith.index_cast %add3A_390 : i32 to index
          %get3A_394 = arith.constant 0 : index
          %get3A_395 = tpu.vector_load %arg23[%get3A_392, %get3A_393, %get3A_394] {strides = array<i32>} : memref<2x800x24xf32, #tpu.memory_space<vmem>>, vector<1x1x16xf32>,
          %get3A_396 = vector.shape_cast %get3A_395 : vector<1x1x16xf32> to vector<16xf32>
          %add3A_397 = arith.constant 6 : i32
          %add3A_398 = arith.addi %add3A_349, %add3A_397 : i32
          %get3A_399 = arith.constant 1 : i32
          %get3A_400 = arith.index_cast %get3A_399 : i32 to index
          %get3A_401 = arith.index_cast %add3A_398 : i32 to index
          %get3A_402 = arith.constant 0 : index
          %get3A_403 = tpu.vector_load %arg23[%get3A_400, %get3A_401, %get3A_402] {strides = array<i32>} : memref<2x800x24xf32, #tpu.memory_space<vmem>>, vector<1x1x16xf32>,
          %get3A_404 = vector.shape_cast %get3A_403 : vector<1x1x16xf32> to vector<16xf32>
          %add3A_405 = arith.constant 7 : i32
          %add3A_406 = arith.addi %add3A_349, %add3A_405 : i32
          %get3A_407 = arith.constant 1 : i32
          %get3A_408 = arith.index_cast %get3A_407 : i32 to index
          %get3A_409 = arith.index_cast %add3A_406 : i32 to index
          %get3A_410 = arith.constant 0 : index
          %get3A_411 = tpu.vector_load %arg23[%get3A_408, %get3A_409, %get3A_410] {strides = array<i32>} : memref<2x800x24xf32, #tpu.memory_space<vmem>>, vector<1x1x16xf32>,
          %get3A_412 = vector.shape_cast %get3A_411 : vector<1x1x16xf32> to vector<16xf32>
          %add3A_413 = arith.constant 0 : i32
          %add3A_414 = arith.addi %add3A_349, %add3A_413 : i32
          %get3A_415 = arith.constant 1 : i32
          %get3A_416 = arith.index_cast %get3A_415 : i32 to index
          %get3A_417 = arith.index_cast %add3A_414 : i32 to index
          %get3A_418 = arith.constant 8 : index
          %get3A_419 = tpu.vector_load %arg23[%get3A_416, %get3A_417, %get3A_418] {strides = array<i32>} : memref<2x800x24xf32, #tpu.memory_space<vmem>>, vector<1x1x16xf32>,
          %get3A_420 = vector.shape_cast %get3A_419 : vector<1x1x16xf32> to vector<16xf32>
          %add3A_421 = arith.constant 1 : i32
          %add3A_422 = arith.addi %add3A_349, %add3A_421 : i32
          %get3A_423 = arith.constant 1 : i32
          %get3A_424 = arith.index_cast %get3A_423 : i32 to index
          %get3A_425 = arith.index_cast %add3A_422 : i32 to index
          %get3A_426 = arith.constant 8 : index
          %get3A_427 = tpu.vector_load %arg23[%get3A_424, %get3A_425, %get3A_426] {strides = array<i32>} : memref<2x800x24xf32, #tpu.memory_space<vmem>>, vector<1x1x16xf32>,
          %get3A_428 = vector.shape_cast %get3A_427 : vector<1x1x16xf32> to vector<16xf32>
          %add3A_429 = arith.constant 2 : i32
          %add3A_430 = arith.addi %add3A_349, %add3A_429 : i32
          %get3A_431 = arith.constant 1 : i32
          %get3A_432 = arith.index_cast %get3A_431 : i32 to index
          %get3A_433 = arith.index_cast %add3A_430 : i32 to index
          %get3A_434 = arith.constant 8 : index
          %get3A_435 = tpu.vector_load %arg23[%get3A_432, %get3A_433, %get3A_434] {strides = array<i32>} : memref<2x800x24xf32, #tpu.memory_space<vmem>>, vector<1x1x16xf32>,
          %get3A_436 = vector.shape_cast %get3A_435 : vector<1x1x16xf32> to vector<16xf32>
          %add3A_437 = arith.constant 3 : i32
          %add3A_438 = arith.addi %add3A_349, %add3A_437 : i32
          %get3A_439 = arith.constant 1 : i32
          %get3A_440 = arith.index_cast %get3A_439 : i32 to index
          %get3A_441 = arith.index_cast %add3A_438 : i32 to index
          %get3A_442 = arith.constant 8 : index
          %get3A_443 = tpu.vector_load %arg23[%get3A_440, %get3A_441, %get3A_442] {strides = array<i32>} : memref<2x800x24xf32, #tpu.memory_space<vmem>>, vector<1x1x16xf32>,
          %get3A_444 = vector.shape_cast %get3A_443 : vector<1x1x16xf32> to vector<16xf32>
          %add3A_445 = arith.constant 4 : i32
          %add3A_446 = arith.addi %add3A_349, %add3A_445 : i32
          %get3A_447 = arith.constant 1 : i32
          %get3A_448 = arith.index_cast %get3A_447 : i32 to index
          %get3A_449 = arith.index_cast %add3A_446 : i32 to index
          %get3A_450 = arith.constant 8 : index
          %get3A_451 = tpu.vector_load %arg23[%get3A_448, %get3A_449, %get3A_450] {strides = array<i32>} : memref<2x800x24xf32, #tpu.memory_space<vmem>>, vector<1x1x16xf32>,
          %get3A_452 = vector.shape_cast %get3A_451 : vector<1x1x16xf32> to vector<16xf32>
          %add3A_453 = arith.constant 5 : i32
          %add3A_454 = arith.addi %add3A_349, %add3A_453 : i32
          %get3A_455 = arith.constant 1 : i32
          %get3A_456 = arith.index_cast %get3A_455 : i32 to index
          %get3A_457 = arith.index_cast %add3A_454 : i32 to index
          %get3A_458 = arith.constant 8 : index
          %get3A_459 = tpu.vector_load %arg23[%get3A_456, %get3A_457, %get3A_458] {strides = array<i32>} : memref<2x800x24xf32, #tpu.memory_space<vmem>>, vector<1x1x16xf32>,
          %get3A_460 = vector.shape_cast %get3A_459 : vector<1x1x16xf32> to vector<16xf32>
          %add3A_461 = arith.constant 6 : i32
          %add3A_462 = arith.addi %add3A_349, %add3A_461 : i32
          %get3A_463 = arith.constant 1 : i32
          %get3A_464 = arith.index_cast %get3A_463 : i32 to index
          %get3A_465 = arith.index_cast %add3A_462 : i32 to index
          %get3A_466 = arith.constant 8 : index
          %get3A_467 = tpu.vector_load %arg23[%get3A_464, %get3A_465, %get3A_466] {strides = array<i32>} : memref<2x800x24xf32, #tpu.memory_space<vmem>>, vector<1x1x16xf32>,
          %get3A_468 = vector.shape_cast %get3A_467 : vector<1x1x16xf32> to vector<16xf32>
          %add3A_469 = arith.constant 7 : i32
          %add3A_470 = arith.addi %add3A_349, %add3A_469 : i32
          %get3A_471 = arith.constant 1 : i32
          %get3A_472 = arith.index_cast %get3A_471 : i32 to index
          %get3A_473 = arith.index_cast %add3A_470 : i32 to index
          %get3A_474 = arith.constant 8 : index
          %get3A_475 = tpu.vector_load %arg23[%get3A_472, %get3A_473, %get3A_474] {strides = array<i32>} : memref<2x800x24xf32, #tpu.memory_space<vmem>>, vector<1x1x16xf32>,
          %get3A_476 = vector.shape_cast %get3A_475 : vector<1x1x16xf32> to vector<16xf32>
          %add3A_477 = arith.addf %get3A_356, %get3A_364 : vector<16xf32>
          %add3A_478 = arith.addf %get3A_372, %get3A_380 : vector<16xf32>
          %add3A_479 = arith.addf %get3A_388, %get3A_396 : vector<16xf32>
          %add3A_480 = arith.addf %get3A_404, %get3A_412 : vector<16xf32>
          %add3A_481 = arith.addf %get3A_420, %get3A_428 : vector<16xf32>
          %add3A_482 = arith.addf %get3A_436, %get3A_444 : vector<16xf32>
          %add3A_483 = arith.addf %get3A_452, %get3A_460 : vector<16xf32>
          %add3A_484 = arith.addf %get3A_468, %get3A_476 : vector<16xf32>
          %add3A_485 = arith.addf %add3A_477, %add3A_478 : vector<16xf32>
          %add3A_486 = arith.addf %add3A_479, %add3A_480 : vector<16xf32>
          %add3A_487 = arith.addf %add3A_481, %add3A_482 : vector<16xf32>
          %add3A_488 = arith.addf %add3A_483, %add3A_484 : vector<16xf32>
          %add3A_489 = arith.addf %add3A_485, %add3A_486 : vector<16xf32>
          %add3A_490 = arith.addf %scan3A_344, %add3A_489 : vector<16xf32>
          %add3A_491 = arith.addf %add3A_487, %add3A_488 : vector<16xf32>
          %add3A_492 = arith.addf %scan3A_345, %add3A_491 : vector<16xf32>
          scf.yield %add3A_490, %add3A_492 : vector<16xf32>, vector<16xf32>
        }
        %scan3A_267 = arith.constant 25 : i32
        %mul3A_268 = arith.constant 64 : i32
        %mul3A_269 = arith.muli %scan3A_67, %mul3A_268 : i32
        %mul3A_270 = arith.constant 4 : i32
        %mul3A_271 = arith.muli %add3A_216, %mul3A_270 : i32
        %add3A_272 = arith.addi %mul3A_269, %mul3A_271 : i32
        %add3A_273 = arith.constant 1 : i32
        %add3A_274 = arith.addi %add3A_272, %add3A_273 : i32
        %mul3A_275 = arith.constant 18 : i32
        %mul3A_276 = arith.muli %mul3A_275, %add3A_274 : i32
        %swap3A_277 = arith.index_cast %mul3A_276 : i32 to index
        %swap3A_278 = tpu.vector_load %arg24[%swap3A_277] {strides = array<i32>} : memref<9232xf32, #tpu.memory_space<vmem>>, vector<16xf32>,
        %swap3A_279 = vector.shape_cast %swap3A_278 : vector<16xf32> to vector<16xf32>
        %swap3A_280 = vector.shape_cast %scan3A_266#0 : vector<16xf32> to vector<16xf32>
        tpu.vector_store %arg24[%swap3A_277], %swap3A_280 {strides = array<i32>} : memref<9232xf32, #tpu.memory_space<vmem>>, vector<16xf32>,
        %mul3A_281 = arith.constant 18 : i32
        %mul3A_282 = arith.muli %mul3A_281, %add3A_274 : i32
        %add3A_283 = arith.constant 8 : i32
        %add3A_284 = arith.addi %mul3A_282, %add3A_283 : i32
        %swap3A_285 = arith.index_cast %add3A_284 : i32 to index
        %swap3A_286 = tpu.vector_load %arg24[%swap3A_285] {strides = array<i32>} : memref<9232xf32, #tpu.memory_space<vmem>>, vector<16xf32>,
        %swap3A_287 = vector.shape_cast %swap3A_286 : vector<16xf32> to vector<16xf32>
        %swap3A_288 = vector.shape_cast %scan3A_266#1 : vector<16xf32> to vector<16xf32>
        tpu.vector_store %arg24[%swap3A_285], %swap3A_288 {strides = array<i32>} : memref<9232xf32, #tpu.memory_space<vmem>>, vector<16xf32>,
        %scan3A_289 = arith.constant 0 : i32
        %scan3A_290 = arith.constant 25 : i32
        %scan3A_291 = arith.addi %scan3A_289, %scan3A_290 : i32
        %scan3A_292 = arith.constant 1 : i32
        %scan3A_293:2 = scf.for %scan3A_343 = %scan3A_289 to %scan3A_291 step %scan3A_292 iter_args(%scan3A_344 = %broadcast_in_dim3A_54, %scan3A_345 = %broadcast_in_dim3A_54) -> (vector<16xf32>, vector<16xf32>)  : i32 {
          %mul3A_346 = arith.constant 8 : i32
          %mul3A_347 = arith.muli %scan3A_343, %mul3A_346 : i32
          %add3A_348 = arith.constant 400 : i32
          %add3A_349 = arith.addi %add3A_348, %mul3A_347 : i32
          %add3A_350 = arith.constant 0 : i32
          %add3A_351 = arith.addi %add3A_349, %add3A_350 : i32
          %get3A = arith.constant 1 : i32
          %get3A_352 = arith.index_cast %get3A : i32 to index
          %get3A_353 = arith.index_cast %add3A_351 : i32 to index
          %get3A_354 = arith.constant 0 : index
          %get3A_355 = tpu.vector_load %arg23[%get3A_352, %get3A_353, %get3A_354] {strides = array<i32>} : memref<2x800x24xf32, #tpu.memory_space<vmem>>, vector<1x1x16xf32>,
          %get3A_356 = vector.shape_cast %get3A_355 : vector<1x1x16xf32> to vector<16xf32>
          %add3A_357 = arith.constant 1 : i32
          %add3A_358 = arith.addi %add3A_349, %add3A_357 : i32
          %get3A_359 = arith.constant 1 : i32
          %get3A_360 = arith.index_cast %get3A_359 : i32 to index
          %get3A_361 = arith.index_cast %add3A_358 : i32 to index
          %get3A_362 = arith.constant 0 : index
          %get3A_363 = tpu.vector_load %arg23[%get3A_360, %get3A_361, %get3A_362] {strides = array<i32>} : memref<2x800x24xf32, #tpu.memory_space<vmem>>, vector<1x1x16xf32>,
          %get3A_364 = vector.shape_cast %get3A_363 : vector<1x1x16xf32> to vector<16xf32>
          %add3A_365 = arith.constant 2 : i32
          %add3A_366 = arith.addi %add3A_349, %add3A_365 : i32
          %get3A_367 = arith.constant 1 : i32
          %get3A_368 = arith.index_cast %get3A_367 : i32 to index
          %get3A_369 = arith.index_cast %add3A_366 : i32 to index
          %get3A_370 = arith.constant 0 : index
          %get3A_371 = tpu.vector_load %arg23[%get3A_368, %get3A_369, %get3A_370] {strides = array<i32>} : memref<2x800x24xf32, #tpu.memory_space<vmem>>, vector<1x1x16xf32>,
          %get3A_372 = vector.shape_cast %get3A_371 : vector<1x1x16xf32> to vector<16xf32>
          %add3A_373 = arith.constant 3 : i32
          %add3A_374 = arith.addi %add3A_349, %add3A_373 : i32
          %get3A_375 = arith.constant 1 : i32
          %get3A_376 = arith.index_cast %get3A_375 : i32 to index
          %get3A_377 = arith.index_cast %add3A_374 : i32 to index
          %get3A_378 = arith.constant 0 : index
          %get3A_379 = tpu.vector_load %arg23[%get3A_376, %get3A_377, %get3A_378] {strides = array<i32>} : memref<2x800x24xf32, #tpu.memory_space<vmem>>, vector<1x1x16xf32>,
          %get3A_380 = vector.shape_cast %get3A_379 : vector<1x1x16xf32> to vector<16xf32>
          %add3A_381 = arith.constant 4 : i32
          %add3A_382 = arith.addi %add3A_349, %add3A_381 : i32
          %get3A_383 = arith.constant 1 : i32
          %get3A_384 = arith.index_cast %get3A_383 : i32 to index
          %get3A_385 = arith.index_cast %add3A_382 : i32 to index
          %get3A_386 = arith.constant 0 : index
          %get3A_387 = tpu.vector_load %arg23[%get3A_384, %get3A_385, %get3A_386] {strides = array<i32>} : memref<2x800x24xf32, #tpu.memory_space<vmem>>, vector<1x1x16xf32>,
          %get3A_388 = vector.shape_cast %get3A_387 : vector<1x1x16xf32> to vector<16xf32>
          %add3A_389 = arith.constant 5 : i32
          %add3A_390 = arith.addi %add3A_349, %add3A_389 : i32
          %get3A_391 = arith.constant 1 : i32
          %get3A_392 = arith.index_cast %get3A_391 : i32 to index
          %get3A_393 = arith.index_cast %add3A_390 : i32 to index
          %get3A_394 = arith.constant 0 : index
          %get3A_395 = tpu.vector_load %arg23[%get3A_392, %get3A_393, %get3A_394] {strides = array<i32>} : memref<2x800x24xf32, #tpu.memory_space<vmem>>, vector<1x1x16xf32>,
          %get3A_396 = vector.shape_cast %get3A_395 : vector<1x1x16xf32> to vector<16xf32>
          %add3A_397 = arith.constant 6 : i32
          %add3A_398 = arith.addi %add3A_349, %add3A_397 : i32
          %get3A_399 = arith.constant 1 : i32
          %get3A_400 = arith.index_cast %get3A_399 : i32 to index
          %get3A_401 = arith.index_cast %add3A_398 : i32 to index
          %get3A_402 = arith.constant 0 : index
          %get3A_403 = tpu.vector_load %arg23[%get3A_400, %get3A_401, %get3A_402] {strides = array<i32>} : memref<2x800x24xf32, #tpu.memory_space<vmem>>, vector<1x1x16xf32>,
          %get3A_404 = vector.shape_cast %get3A_403 : vector<1x1x16xf32> to vector<16xf32>
          %add3A_405 = arith.constant 7 : i32
          %add3A_406 = arith.addi %add3A_349, %add3A_405 : i32
          %get3A_407 = arith.constant 1 : i32
          %get3A_408 = arith.index_cast %get3A_407 : i32 to index
          %get3A_409 = arith.index_cast %add3A_406 : i32 to index
          %get3A_410 = arith.constant 0 : index
          %get3A_411 = tpu.vector_load %arg23[%get3A_408, %get3A_409, %get3A_410] {strides = array<i32>} : memref<2x800x24xf32, #tpu.memory_space<vmem>>, vector<1x1x16xf32>,
          %get3A_412 = vector.shape_cast %get3A_411 : vector<1x1x16xf32> to vector<16xf32>
          %add3A_413 = arith.constant 0 : i32
          %add3A_414 = arith.addi %add3A_349, %add3A_413 : i32
          %get3A_415 = arith.constant 1 : i32
          %get3A_416 = arith.index_cast %get3A_415 : i32 to index
          %get3A_417 = arith.index_cast %add3A_414 : i32 to index
          %get3A_418 = arith.constant 8 : index
          %get3A_419 = tpu.vector_load %arg23[%get3A_416, %get3A_417, %get3A_418] {strides = array<i32>} : memref<2x800x24xf32, #tpu.memory_space<vmem>>, vector<1x1x16xf32>,
          %get3A_420 = vector.shape_cast %get3A_419 : vector<1x1x16xf32> to vector<16xf32>
          %add3A_421 = arith.constant 1 : i32
          %add3A_422 = arith.addi %add3A_349, %add3A_421 : i32
          %get3A_423 = arith.constant 1 : i32
          %get3A_424 = arith.index_cast %get3A_423 : i32 to index
          %get3A_425 = arith.index_cast %add3A_422 : i32 to index
          %get3A_426 = arith.constant 8 : index
          %get3A_427 = tpu.vector_load %arg23[%get3A_424, %get3A_425, %get3A_426] {strides = array<i32>} : memref<2x800x24xf32, #tpu.memory_space<vmem>>, vector<1x1x16xf32>,
          %get3A_428 = vector.shape_cast %get3A_427 : vector<1x1x16xf32> to vector<16xf32>
          %add3A_429 = arith.constant 2 : i32
          %add3A_430 = arith.addi %add3A_349, %add3A_429 : i32
          %get3A_431 = arith.constant 1 : i32
          %get3A_432 = arith.index_cast %get3A_431 : i32 to index
          %get3A_433 = arith.index_cast %add3A_430 : i32 to index
          %get3A_434 = arith.constant 8 : index
          %get3A_435 = tpu.vector_load %arg23[%get3A_432, %get3A_433, %get3A_434] {strides = array<i32>} : memref<2x800x24xf32, #tpu.memory_space<vmem>>, vector<1x1x16xf32>,
          %get3A_436 = vector.shape_cast %get3A_435 : vector<1x1x16xf32> to vector<16xf32>
          %add3A_437 = arith.constant 3 : i32
          %add3A_438 = arith.addi %add3A_349, %add3A_437 : i32
          %get3A_439 = arith.constant 1 : i32
          %get3A_440 = arith.index_cast %get3A_439 : i32 to index
          %get3A_441 = arith.index_cast %add3A_438 : i32 to index
          %get3A_442 = arith.constant 8 : index
          %get3A_443 = tpu.vector_load %arg23[%get3A_440, %get3A_441, %get3A_442] {strides = array<i32>} : memref<2x800x24xf32, #tpu.memory_space<vmem>>, vector<1x1x16xf32>,
          %get3A_444 = vector.shape_cast %get3A_443 : vector<1x1x16xf32> to vector<16xf32>
          %add3A_445 = arith.constant 4 : i32
          %add3A_446 = arith.addi %add3A_349, %add3A_445 : i32
          %get3A_447 = arith.constant 1 : i32
          %get3A_448 = arith.index_cast %get3A_447 : i32 to index
          %get3A_449 = arith.index_cast %add3A_446 : i32 to index
          %get3A_450 = arith.constant 8 : index
          %get3A_451 = tpu.vector_load %arg23[%get3A_448, %get3A_449, %get3A_450] {strides = array<i32>} : memref<2x800x24xf32, #tpu.memory_space<vmem>>, vector<1x1x16xf32>,
          %get3A_452 = vector.shape_cast %get3A_451 : vector<1x1x16xf32> to vector<16xf32>
          %add3A_453 = arith.constant 5 : i32
          %add3A_454 = arith.addi %add3A_349, %add3A_453 : i32
          %get3A_455 = arith.constant 1 : i32
          %get3A_456 = arith.index_cast %get3A_455 : i32 to index
          %get3A_457 = arith.index_cast %add3A_454 : i32 to index
          %get3A_458 = arith.constant 8 : index
          %get3A_459 = tpu.vector_load %arg23[%get3A_456, %get3A_457, %get3A_458] {strides = array<i32>} : memref<2x800x24xf32, #tpu.memory_space<vmem>>, vector<1x1x16xf32>,
          %get3A_460 = vector.shape_cast %get3A_459 : vector<1x1x16xf32> to vector<16xf32>
          %add3A_461 = arith.constant 6 : i32
          %add3A_462 = arith.addi %add3A_349, %add3A_461 : i32
          %get3A_463 = arith.constant 1 : i32
          %get3A_464 = arith.index_cast %get3A_463 : i32 to index
          %get3A_465 = arith.index_cast %add3A_462 : i32 to index
          %get3A_466 = arith.constant 8 : index
          %get3A_467 = tpu.vector_load %arg23[%get3A_464, %get3A_465, %get3A_466] {strides = array<i32>} : memref<2x800x24xf32, #tpu.memory_space<vmem>>, vector<1x1x16xf32>,
          %get3A_468 = vector.shape_cast %get3A_467 : vector<1x1x16xf32> to vector<16xf32>
          %add3A_469 = arith.constant 7 : i32
          %add3A_470 = arith.addi %add3A_349, %add3A_469 : i32
          %get3A_471 = arith.constant 1 : i32
          %get3A_472 = arith.index_cast %get3A_471 : i32 to index
          %get3A_473 = arith.index_cast %add3A_470 : i32 to index
          %get3A_474 = arith.constant 8 : index
          %get3A_475 = tpu.vector_load %arg23[%get3A_472, %get3A_473, %get3A_474] {strides = array<i32>} : memref<2x800x24xf32, #tpu.memory_space<vmem>>, vector<1x1x16xf32>,
          %get3A_476 = vector.shape_cast %get3A_475 : vector<1x1x16xf32> to vector<16xf32>
          %add3A_477 = arith.addf %get3A_356, %get3A_364 : vector<16xf32>
          %add3A_478 = arith.addf %get3A_372, %get3A_380 : vector<16xf32>
          %add3A_479 = arith.addf %get3A_388, %get3A_396 : vector<16xf32>
          %add3A_480 = arith.addf %get3A_404, %get3A_412 : vector<16xf32>
          %add3A_481 = arith.addf %get3A_420, %get3A_428 : vector<16xf32>
          %add3A_482 = arith.addf %get3A_436, %get3A_444 : vector<16xf32>
          %add3A_483 = arith.addf %get3A_452, %get3A_460 : vector<16xf32>
          %add3A_484 = arith.addf %get3A_468, %get3A_476 : vector<16xf32>
          %add3A_485 = arith.addf %add3A_477, %add3A_478 : vector<16xf32>
          %add3A_486 = arith.addf %add3A_479, %add3A_480 : vector<16xf32>
          %add3A_487 = arith.addf %add3A_481, %add3A_482 : vector<16xf32>
          %add3A_488 = arith.addf %add3A_483, %add3A_484 : vector<16xf32>
          %add3A_489 = arith.addf %add3A_485, %add3A_486 : vector<16xf32>
          %add3A_490 = arith.addf %scan3A_344, %add3A_489 : vector<16xf32>
          %add3A_491 = arith.addf %add3A_487, %add3A_488 : vector<16xf32>
          %add3A_492 = arith.addf %scan3A_345, %add3A_491 : vector<16xf32>
          scf.yield %add3A_490, %add3A_492 : vector<16xf32>, vector<16xf32>
        }
        %scan3A_294 = arith.constant 25 : i32
        %mul3A_295 = arith.constant 64 : i32
        %mul3A_296 = arith.muli %scan3A_67, %mul3A_295 : i32
        %mul3A_297 = arith.constant 4 : i32
        %mul3A_298 = arith.muli %add3A_216, %mul3A_297 : i32
        %add3A_299 = arith.addi %mul3A_296, %mul3A_298 : i32
        %add3A_300 = arith.constant 2 : i32
        %add3A_301 = arith.addi %add3A_299, %add3A_300 : i32
        %mul3A_302 = arith.constant 18 : i32
        %mul3A_303 = arith.muli %mul3A_302, %add3A_301 : i32
        %swap3A_304 = arith.index_cast %mul3A_303 : i32 to index
        %swap3A_305 = tpu.vector_load %arg24[%swap3A_304] {strides = array<i32>} : memref<9232xf32, #tpu.memory_space<vmem>>, vector<16xf32>,
        %swap3A_306 = vector.shape_cast %swap3A_305 : vector<16xf32> to vector<16xf32>
        %swap3A_307 = vector.shape_cast %scan3A_293#0 : vector<16xf32> to vector<16xf32>
        tpu.vector_store %arg24[%swap3A_304], %swap3A_307 {strides = array<i32>} : memref<9232xf32, #tpu.memory_space<vmem>>, vector<16xf32>,
        %mul3A_308 = arith.constant 18 : i32
        %mul3A_309 = arith.muli %mul3A_308, %add3A_301 : i32
        %add3A_310 = arith.constant 8 : i32
        %add3A_311 = arith.addi %mul3A_309, %add3A_310 : i32
        %swap3A_312 = arith.index_cast %add3A_311 : i32 to index
        %swap3A_313 = tpu.vector_load %arg24[%swap3A_312] {strides = array<i32>} : memref<9232xf32, #tpu.memory_space<vmem>>, vector<16xf32>,
        %swap3A_314 = vector.shape_cast %swap3A_313 : vector<16xf32> to vector<16xf32>
        %swap3A_315 = vector.shape_cast %scan3A_293#1 : vector<16xf32> to vector<16xf32>
        tpu.vector_store %arg24[%swap3A_312], %swap3A_315 {strides = array<i32>} : memref<9232xf32, #tpu.memory_space<vmem>>, vector<16xf32>,
        %scan3A_316 = arith.constant 0 : i32
        %scan3A_317 = arith.constant 25 : i32
        %scan3A_318 = arith.addi %scan3A_316, %scan3A_317 : i32
        %scan3A_319 = arith.constant 1 : i32
        %scan3A_320:2 = scf.for %scan3A_343 = %scan3A_316 to %scan3A_318 step %scan3A_319 iter_args(%scan3A_344 = %broadcast_in_dim3A_54, %scan3A_345 = %broadcast_in_dim3A_54) -> (vector<16xf32>, vector<16xf32>)  : i32 {
          %mul3A_346 = arith.constant 8 : i32
          %mul3A_347 = arith.muli %scan3A_343, %mul3A_346 : i32
          %add3A_348 = arith.constant 600 : i32
          %add3A_349 = arith.addi %add3A_348, %mul3A_347 : i32
          %add3A_350 = arith.constant 0 : i32
          %add3A_351 = arith.addi %add3A_349, %add3A_350 : i32
          %get3A = arith.constant 1 : i32
          %get3A_352 = arith.index_cast %get3A : i32 to index
          %get3A_353 = arith.index_cast %add3A_351 : i32 to index
          %get3A_354 = arith.constant 0 : index
          %get3A_355 = tpu.vector_load %arg23[%get3A_352, %get3A_353, %get3A_354] {strides = array<i32>} : memref<2x800x24xf32, #tpu.memory_space<vmem>>, vector<1x1x16xf32>,
          %get3A_356 = vector.shape_cast %get3A_355 : vector<1x1x16xf32> to vector<16xf32>
          %add3A_357 = arith.constant 1 : i32
          %add3A_358 = arith.addi %add3A_349, %add3A_357 : i32
          %get3A_359 = arith.constant 1 : i32
          %get3A_360 = arith.index_cast %get3A_359 : i32 to index
          %get3A_361 = arith.index_cast %add3A_358 : i32 to index
          %get3A_362 = arith.constant 0 : index
          %get3A_363 = tpu.vector_load %arg23[%get3A_360, %get3A_361, %get3A_362] {strides = array<i32>} : memref<2x800x24xf32, #tpu.memory_space<vmem>>, vector<1x1x16xf32>,
          %get3A_364 = vector.shape_cast %get3A_363 : vector<1x1x16xf32> to vector<16xf32>
          %add3A_365 = arith.constant 2 : i32
          %add3A_366 = arith.addi %add3A_349, %add3A_365 : i32
          %get3A_367 = arith.constant 1 : i32
          %get3A_368 = arith.index_cast %get3A_367 : i32 to index
          %get3A_369 = arith.index_cast %add3A_366 : i32 to index
          %get3A_370 = arith.constant 0 : index
          %get3A_371 = tpu.vector_load %arg23[%get3A_368, %get3A_369, %get3A_370] {strides = array<i32>} : memref<2x800x24xf32, #tpu.memory_space<vmem>>, vector<1x1x16xf32>,
          %get3A_372 = vector.shape_cast %get3A_371 : vector<1x1x16xf32> to vector<16xf32>
          %add3A_373 = arith.constant 3 : i32
          %add3A_374 = arith.addi %add3A_349, %add3A_373 : i32
          %get3A_375 = arith.constant 1 : i32
          %get3A_376 = arith.index_cast %get3A_375 : i32 to index
          %get3A_377 = arith.index_cast %add3A_374 : i32 to index
          %get3A_378 = arith.constant 0 : index
          %get3A_379 = tpu.vector_load %arg23[%get3A_376, %get3A_377, %get3A_378] {strides = array<i32>} : memref<2x800x24xf32, #tpu.memory_space<vmem>>, vector<1x1x16xf32>,
          %get3A_380 = vector.shape_cast %get3A_379 : vector<1x1x16xf32> to vector<16xf32>
          %add3A_381 = arith.constant 4 : i32
          %add3A_382 = arith.addi %add3A_349, %add3A_381 : i32
          %get3A_383 = arith.constant 1 : i32
          %get3A_384 = arith.index_cast %get3A_383 : i32 to index
          %get3A_385 = arith.index_cast %add3A_382 : i32 to index
          %get3A_386 = arith.constant 0 : index
          %get3A_387 = tpu.vector_load %arg23[%get3A_384, %get3A_385, %get3A_386] {strides = array<i32>} : memref<2x800x24xf32, #tpu.memory_space<vmem>>, vector<1x1x16xf32>,
          %get3A_388 = vector.shape_cast %get3A_387 : vector<1x1x16xf32> to vector<16xf32>
          %add3A_389 = arith.constant 5 : i32
          %add3A_390 = arith.addi %add3A_349, %add3A_389 : i32
          %get3A_391 = arith.constant 1 : i32
          %get3A_392 = arith.index_cast %get3A_391 : i32 to index
          %get3A_393 = arith.index_cast %add3A_390 : i32 to index
          %get3A_394 = arith.constant 0 : index
          %get3A_395 = tpu.vector_load %arg23[%get3A_392, %get3A_393, %get3A_394] {strides = array<i32>} : memref<2x800x24xf32, #tpu.memory_space<vmem>>, vector<1x1x16xf32>,
          %get3A_396 = vector.shape_cast %get3A_395 : vector<1x1x16xf32> to vector<16xf32>
          %add3A_397 = arith.constant 6 : i32
          %add3A_398 = arith.addi %add3A_349, %add3A_397 : i32
          %get3A_399 = arith.constant 1 : i32
          %get3A_400 = arith.index_cast %get3A_399 : i32 to index
          %get3A_401 = arith.index_cast %add3A_398 : i32 to index
          %get3A_402 = arith.constant 0 : index
          %get3A_403 = tpu.vector_load %arg23[%get3A_400, %get3A_401, %get3A_402] {strides = array<i32>} : memref<2x800x24xf32, #tpu.memory_space<vmem>>, vector<1x1x16xf32>,
          %get3A_404 = vector.shape_cast %get3A_403 : vector<1x1x16xf32> to vector<16xf32>
          %add3A_405 = arith.constant 7 : i32
          %add3A_406 = arith.addi %add3A_349, %add3A_405 : i32
          %get3A_407 = arith.constant 1 : i32
          %get3A_408 = arith.index_cast %get3A_407 : i32 to index
          %get3A_409 = arith.index_cast %add3A_406 : i32 to index
          %get3A_410 = arith.constant 0 : index
          %get3A_411 = tpu.vector_load %arg23[%get3A_408, %get3A_409, %get3A_410] {strides = array<i32>} : memref<2x800x24xf32, #tpu.memory_space<vmem>>, vector<1x1x16xf32>,
          %get3A_412 = vector.shape_cast %get3A_411 : vector<1x1x16xf32> to vector<16xf32>
          %add3A_413 = arith.constant 0 : i32
          %add3A_414 = arith.addi %add3A_349, %add3A_413 : i32
          %get3A_415 = arith.constant 1 : i32
          %get3A_416 = arith.index_cast %get3A_415 : i32 to index
          %get3A_417 = arith.index_cast %add3A_414 : i32 to index
          %get3A_418 = arith.constant 8 : index
          %get3A_419 = tpu.vector_load %arg23[%get3A_416, %get3A_417, %get3A_418] {strides = array<i32>} : memref<2x800x24xf32, #tpu.memory_space<vmem>>, vector<1x1x16xf32>,
          %get3A_420 = vector.shape_cast %get3A_419 : vector<1x1x16xf32> to vector<16xf32>
          %add3A_421 = arith.constant 1 : i32
          %add3A_422 = arith.addi %add3A_349, %add3A_421 : i32
          %get3A_423 = arith.constant 1 : i32
          %get3A_424 = arith.index_cast %get3A_423 : i32 to index
          %get3A_425 = arith.index_cast %add3A_422 : i32 to index
          %get3A_426 = arith.constant 8 : index
          %get3A_427 = tpu.vector_load %arg23[%get3A_424, %get3A_425, %get3A_426] {strides = array<i32>} : memref<2x800x24xf32, #tpu.memory_space<vmem>>, vector<1x1x16xf32>,
          %get3A_428 = vector.shape_cast %get3A_427 : vector<1x1x16xf32> to vector<16xf32>
          %add3A_429 = arith.constant 2 : i32
          %add3A_430 = arith.addi %add3A_349, %add3A_429 : i32
          %get3A_431 = arith.constant 1 : i32
          %get3A_432 = arith.index_cast %get3A_431 : i32 to index
          %get3A_433 = arith.index_cast %add3A_430 : i32 to index
          %get3A_434 = arith.constant 8 : index
          %get3A_435 = tpu.vector_load %arg23[%get3A_432, %get3A_433, %get3A_434] {strides = array<i32>} : memref<2x800x24xf32, #tpu.memory_space<vmem>>, vector<1x1x16xf32>,
          %get3A_436 = vector.shape_cast %get3A_435 : vector<1x1x16xf32> to vector<16xf32>
          %add3A_437 = arith.constant 3 : i32
          %add3A_438 = arith.addi %add3A_349, %add3A_437 : i32
          %get3A_439 = arith.constant 1 : i32
          %get3A_440 = arith.index_cast %get3A_439 : i32 to index
          %get3A_441 = arith.index_cast %add3A_438 : i32 to index
          %get3A_442 = arith.constant 8 : index
          %get3A_443 = tpu.vector_load %arg23[%get3A_440, %get3A_441, %get3A_442] {strides = array<i32>} : memref<2x800x24xf32, #tpu.memory_space<vmem>>, vector<1x1x16xf32>,
          %get3A_444 = vector.shape_cast %get3A_443 : vector<1x1x16xf32> to vector<16xf32>
          %add3A_445 = arith.constant 4 : i32
          %add3A_446 = arith.addi %add3A_349, %add3A_445 : i32
          %get3A_447 = arith.constant 1 : i32
          %get3A_448 = arith.index_cast %get3A_447 : i32 to index
          %get3A_449 = arith.index_cast %add3A_446 : i32 to index
          %get3A_450 = arith.constant 8 : index
          %get3A_451 = tpu.vector_load %arg23[%get3A_448, %get3A_449, %get3A_450] {strides = array<i32>} : memref<2x800x24xf32, #tpu.memory_space<vmem>>, vector<1x1x16xf32>,
          %get3A_452 = vector.shape_cast %get3A_451 : vector<1x1x16xf32> to vector<16xf32>
          %add3A_453 = arith.constant 5 : i32
          %add3A_454 = arith.addi %add3A_349, %add3A_453 : i32
          %get3A_455 = arith.constant 1 : i32
          %get3A_456 = arith.index_cast %get3A_455 : i32 to index
          %get3A_457 = arith.index_cast %add3A_454 : i32 to index
          %get3A_458 = arith.constant 8 : index
          %get3A_459 = tpu.vector_load %arg23[%get3A_456, %get3A_457, %get3A_458] {strides = array<i32>} : memref<2x800x24xf32, #tpu.memory_space<vmem>>, vector<1x1x16xf32>,
          %get3A_460 = vector.shape_cast %get3A_459 : vector<1x1x16xf32> to vector<16xf32>
          %add3A_461 = arith.constant 6 : i32
          %add3A_462 = arith.addi %add3A_349, %add3A_461 : i32
          %get3A_463 = arith.constant 1 : i32
          %get3A_464 = arith.index_cast %get3A_463 : i32 to index
          %get3A_465 = arith.index_cast %add3A_462 : i32 to index
          %get3A_466 = arith.constant 8 : index
          %get3A_467 = tpu.vector_load %arg23[%get3A_464, %get3A_465, %get3A_466] {strides = array<i32>} : memref<2x800x24xf32, #tpu.memory_space<vmem>>, vector<1x1x16xf32>,
          %get3A_468 = vector.shape_cast %get3A_467 : vector<1x1x16xf32> to vector<16xf32>
          %add3A_469 = arith.constant 7 : i32
          %add3A_470 = arith.addi %add3A_349, %add3A_469 : i32
          %get3A_471 = arith.constant 1 : i32
          %get3A_472 = arith.index_cast %get3A_471 : i32 to index
          %get3A_473 = arith.index_cast %add3A_470 : i32 to index
          %get3A_474 = arith.constant 8 : index
          %get3A_475 = tpu.vector_load %arg23[%get3A_472, %get3A_473, %get3A_474] {strides = array<i32>} : memref<2x800x24xf32, #tpu.memory_space<vmem>>, vector<1x1x16xf32>,
          %get3A_476 = vector.shape_cast %get3A_475 : vector<1x1x16xf32> to vector<16xf32>
          %add3A_477 = arith.addf %get3A_356, %get3A_364 : vector<16xf32>
          %add3A_478 = arith.addf %get3A_372, %get3A_380 : vector<16xf32>
          %add3A_479 = arith.addf %get3A_388, %get3A_396 : vector<16xf32>
          %add3A_480 = arith.addf %get3A_404, %get3A_412 : vector<16xf32>
          %add3A_481 = arith.addf %get3A_420, %get3A_428 : vector<16xf32>
          %add3A_482 = arith.addf %get3A_436, %get3A_444 : vector<16xf32>
          %add3A_483 = arith.addf %get3A_452, %get3A_460 : vector<16xf32>
          %add3A_484 = arith.addf %get3A_468, %get3A_476 : vector<16xf32>
          %add3A_485 = arith.addf %add3A_477, %add3A_478 : vector<16xf32>
          %add3A_486 = arith.addf %add3A_479, %add3A_480 : vector<16xf32>
          %add3A_487 = arith.addf %add3A_481, %add3A_482 : vector<16xf32>
          %add3A_488 = arith.addf %add3A_483, %add3A_484 : vector<16xf32>
          %add3A_489 = arith.addf %add3A_485, %add3A_486 : vector<16xf32>
          %add3A_490 = arith.addf %scan3A_344, %add3A_489 : vector<16xf32>
          %add3A_491 = arith.addf %add3A_487, %add3A_488 : vector<16xf32>
          %add3A_492 = arith.addf %scan3A_345, %add3A_491 : vector<16xf32>
          scf.yield %add3A_490, %add3A_492 : vector<16xf32>, vector<16xf32>
        }
        %scan3A_321 = arith.constant 25 : i32
        %mul3A_322 = arith.constant 64 : i32
        %mul3A_323 = arith.muli %scan3A_67, %mul3A_322 : i32
        %mul3A_324 = arith.constant 4 : i32
        %mul3A_325 = arith.muli %add3A_216, %mul3A_324 : i32
        %add3A_326 = arith.addi %mul3A_323, %mul3A_325 : i32
        %add3A_327 = arith.constant 3 : i32
        %add3A_328 = arith.addi %add3A_326, %add3A_327 : i32
        %mul3A_329 = arith.constant 18 : i32
        %mul3A_330 = arith.muli %mul3A_329, %add3A_328 : i32
        %swap3A_331 = arith.index_cast %mul3A_330 : i32 to index
        %swap3A_332 = tpu.vector_load %arg24[%swap3A_331] {strides = array<i32>} : memref<9232xf32, #tpu.memory_space<vmem>>, vector<16xf32>,
        %swap3A_333 = vector.shape_cast %swap3A_332 : vector<16xf32> to vector<16xf32>
        %swap3A_334 = vector.shape_cast %scan3A_320#0 : vector<16xf32> to vector<16xf32>
        tpu.vector_store %arg24[%swap3A_331], %swap3A_334 {strides = array<i32>} : memref<9232xf32, #tpu.memory_space<vmem>>, vector<16xf32>,
        %mul3A_335 = arith.constant 18 : i32
        %mul3A_336 = arith.muli %mul3A_335, %add3A_328 : i32
        %add3A_337 = arith.constant 8 : i32
        %add3A_338 = arith.addi %mul3A_336, %add3A_337 : i32
        %swap3A_339 = arith.index_cast %add3A_338 : i32 to index
        %swap3A_340 = tpu.vector_load %arg24[%swap3A_339] {strides = array<i32>} : memref<9232xf32, #tpu.memory_space<vmem>>, vector<16xf32>,
        %swap3A_341 = vector.shape_cast %swap3A_340 : vector<16xf32> to vector<16xf32>
        %swap3A_342 = vector.shape_cast %scan3A_320#1 : vector<16xf32> to vector<16xf32>
        tpu.vector_store %arg24[%swap3A_339], %swap3A_342 {strides = array<i32>} : memref<9232xf32, #tpu.memory_space<vmem>>, vector<16xf32>,
      }
      %scan3A_85 = arith.constant 8 : i32
    }
    %scan3A_66 = arith.constant 8 : i32
    "tpu.region"() ({
      %run_scoped3A_67 = tpu.sem_alloc : memref<!tpu.dma_semaphore, #tpu.memory_space<semaphore_mem>>
      %dma_start3A_68 = arith.constant 0 : i32
      %dma_start3A_69 = tpu.memref_slice %arg24[%dma_start3A_68] : memref<9232xf32, #tpu.memory_space<vmem>> -> memref<9216xf32, #tpu.memory_space<vmem>>
      %dma_start3A_70 = arith.constant 0 : i32
      %dma_start3A_71 = tpu.memref_slice %arg17[%add3A, %dma_start3A_70] : memref<32x9216xf32, #tpu.memory_space<hbm>> -> memref<1x9216xf32, #tpu.memory_space<hbm>>
      %dma_start3A_72 = tpu.memref_squeeze %dma_start3A_71 : memref<1x9216xf32, #tpu.memory_space<hbm>> -> memref<9216xf32, #tpu.memory_space<hbm>>
      %dma_start3A_73 = arith.constant 0 : i32
      %dma_start3A_74 = tpu.memref_slice %arg17[%add3A, %dma_start3A_73] : memref<32x9216xf32, #tpu.memory_space<hbm>> -> memref<1x9216xf32, #tpu.memory_space<hbm>>
      %dma_start3A_75 = tpu.memref_squeeze %dma_start3A_74 : memref<1x9216xf32, #tpu.memory_space<hbm>> -> memref<9216xf32, #tpu.memory_space<hbm>>
      %dma_start3A_76 = arith.constant 0 : i32
      %dma_start3A_77 = tpu.memref_slice %arg24[%dma_start3A_76] : memref<9232xf32, #tpu.memory_space<vmem>> -> memref<9216xf32, #tpu.memory_space<vmem>>
      tpu.enqueue_dma source(%dma_start3A_77 : memref<9216xf32, #tpu.memory_space<vmem>>) target(%dma_start3A_75 : memref<9216xf32, #tpu.memory_space<hbm>>) target_semaphore(%run_scoped3A_67 : memref<!tpu.dma_semaphore, #tpu.memory_space<semaphore_mem>>)
      %dma_wait3A_78 = arith.constant 0 : i32
      %dma_wait3A_79 = tpu.memref_slice %arg24[%dma_wait3A_78] : memref<9232xf32, #tpu.memory_space<vmem>> -> memref<9216xf32, #tpu.memory_space<vmem>>
      %dma_wait3A_80 = arith.constant 0 : i32
      %dma_wait3A_81 = tpu.memref_slice %arg17[%add3A, %dma_wait3A_80] : memref<32x9216xf32, #tpu.memory_space<hbm>> -> memref<1x9216xf32, #tpu.memory_space<hbm>>
      %dma_wait3A_82 = tpu.memref_squeeze %dma_wait3A_81 : memref<1x9216xf32, #tpu.memory_space<hbm>> -> memref<9216xf32, #tpu.memory_space<hbm>>
      %dma_wait3A_83 = arith.constant 0 : i32
      %dma_wait3A_84 = tpu.memref_slice %arg17[%add3A, %dma_wait3A_83] : memref<32x9216xf32, #tpu.memory_space<hbm>> -> memref<1x9216xf32, #tpu.memory_space<hbm>>
      %dma_wait3A_85 = tpu.memref_squeeze %dma_wait3A_84 : memref<1x9216xf32, #tpu.memory_space<hbm>> -> memref<9216xf32, #tpu.memory_space<hbm>>
      %dma_wait3A_86 = arith.constant 0 : i32
      %dma_wait3A_87 = tpu.memref_slice %arg24[%dma_wait3A_86] : memref<9232xf32, #tpu.memory_space<vmem>> -> memref<9216xf32, #tpu.memory_space<vmem>>
      tpu.wait_dma2 semaphore(%run_scoped3A_67 : memref<!tpu.dma_semaphore, #tpu.memory_space<semaphore_mem>>) src(%dma_wait3A_87 : memref<9216xf32, #tpu.memory_space<vmem>>) dst(%dma_wait3A_85 : memref<9216xf32, #tpu.memory_space<hbm>>)
      tpu.yield
    }) : () -> ()
    return
  }
}

module attributes {stable_mosaic.version = 14 : i64} {
  func.func @_mlp_body(%arg0: i32, %arg1: memref<2048x72xf32, #tpu.memory_space<vmem>>, %arg2: memref<2048x1xi32, #tpu.memory_space<vmem>>, %arg3: memref<2048x18xf32, #tpu.memory_space<vmem>>, %arg4: memref<2048x18xf32, #tpu.memory_space<vmem>>, %arg5: memref<2048x18xf32, #tpu.memory_space<vmem>>, %arg6: memref<2048x18xf32, #tpu.memory_space<vmem>>, %arg7: memref<18x200xf32, #tpu.memory_space<vmem>>, %arg8: memref<18x200xf32, #tpu.memory_space<vmem>>, %arg9: memref<18x200xf32, #tpu.memory_space<vmem>>, %arg10: memref<18x200xf32, #tpu.memory_space<vmem>>, %arg11: memref<18x200xf32, #tpu.memory_space<vmem>>, %arg12: memref<1x200xf32, #tpu.memory_space<vmem>>, %arg13: memref<200x80xf32, #tpu.memory_space<vmem>>, %arg14: memref<1x80xf32, #tpu.memory_space<vmem>>, %arg15: memref<80x1xf32, #tpu.memory_space<vmem>>, %arg16: memref<1x1xf32, #tpu.memory_space<vmem>>, %arg17: memref<2048x1xf32, #tpu.memory_space<vmem>>) attributes {dimension_semantics = [#tpu.dimension_semantics<arbitrary>], iteration_bounds = array<i64: 8>, scalar_prefetch = 0 : i64, scratch_operands = 0 : i64, tpu.core_type = #tpu.core_type<tc>, window_params = [{transform_indices = @transform_0, window_bounds = array<i64: 2048, 72>}, {transform_indices = @transform_1, window_bounds = array<i64: 2048, 1>}, {transform_indices = @transform_2, window_bounds = array<i64: 2048, 18>}, {transform_indices = @transform_3, window_bounds = array<i64: 2048, 18>}, {transform_indices = @transform_4, window_bounds = array<i64: 2048, 18>}, {transform_indices = @transform_5, window_bounds = array<i64: 2048, 18>}, {pipeline_mode = #tpu.pipeline_mode<synchronous>, transform_indices = @transform_6, window_bounds = array<i64: 18, 200>}, {pipeline_mode = #tpu.pipeline_mode<synchronous>, transform_indices = @transform_7, window_bounds = array<i64: 18, 200>}, {pipeline_mode = #tpu.pipeline_mode<synchronous>, transform_indices = @transform_8, window_bounds = array<i64: 18, 200>}, {pipeline_mode = #tpu.pipeline_mode<synchronous>, transform_indices = @transform_9, window_bounds = array<i64: 18, 200>}, {pipeline_mode = #tpu.pipeline_mode<synchronous>, transform_indices = @transform_10, window_bounds = array<i64: 18, 200>}, {pipeline_mode = #tpu.pipeline_mode<synchronous>, transform_indices = @transform_11, window_bounds = array<i64: 1, 200>}, {pipeline_mode = #tpu.pipeline_mode<synchronous>, transform_indices = @transform_12, window_bounds = array<i64: 200, 80>}, {pipeline_mode = #tpu.pipeline_mode<synchronous>, transform_indices = @transform_13, window_bounds = array<i64: 1, 80>}, {pipeline_mode = #tpu.pipeline_mode<synchronous>, transform_indices = @transform_14, window_bounds = array<i64: 80, 1>}, {pipeline_mode = #tpu.pipeline_mode<synchronous>, transform_indices = @transform_15, window_bounds = array<i64: 1, 1>}, {transform_indices = @transform_16, window_bounds = array<i64: 2048, 1>}]} {
    %get3A = arith.constant 0 : index
    %get3A_0 = arith.constant 0 : index
    %get3A_1 = vector.load %arg1[%get3A, %get3A_0] : memref<2048x72xf32, #tpu.memory_space<vmem>>, vector<2048x72xf32>
    %get3A_2 = arith.constant 0 : index
    %get3A_3 = arith.constant 0 : index
    %get3A_4 = vector.load %arg2[%get3A_2, %get3A_3] : memref<2048x1xi32, #tpu.memory_space<vmem>>, vector<2048x1xi32>
    %slice3A = vector.extract_strided_slice %get3A_1 {offsets = [0, 0], sizes = [2048, 18], strides = [1, 1]} : vector<2048x72xf32> to vector<2048x18xf32>
    %eq3A = arith.constant 18 : i32
    %eq3A_5 = vector.broadcast %eq3A : i32 to vector<2048x1xi32>
    %eq3A_6 = arith.cmpi eq, %get3A_4, %eq3A_5 : vector<2048x1xi32>
    %slice3A_7 = vector.extract_strided_slice %get3A_1 {offsets = [0, 18], sizes = [2048, 18], strides = [1, 1]} : vector<2048x72xf32> to vector<2048x18xf32>
    %broadcast_in_dim3A = vector.shape_cast %eq3A_6 : vector<2048x1xi1> to vector<2048x1xi1>
    %broadcast_in_dim3A_8 = vector.broadcast %broadcast_in_dim3A : vector<2048x1xi1> to vector<2048x18xi1>
    %select_n3A = arith.select %broadcast_in_dim3A_8, %slice3A_7, %slice3A : vector<2048x18xi1>, vector<2048x18xf32>
    %eq3A_9 = arith.constant 36 : i32
    %eq3A_10 = vector.broadcast %eq3A_9 : i32 to vector<2048x1xi32>
    %eq3A_11 = arith.cmpi eq, %get3A_4, %eq3A_10 : vector<2048x1xi32>
    %slice3A_12 = vector.extract_strided_slice %get3A_1 {offsets = [0, 36], sizes = [2048, 18], strides = [1, 1]} : vector<2048x72xf32> to vector<2048x18xf32>
    %broadcast_in_dim3A_13 = vector.shape_cast %eq3A_11 : vector<2048x1xi1> to vector<2048x1xi1>
    %broadcast_in_dim3A_14 = vector.broadcast %broadcast_in_dim3A_13 : vector<2048x1xi1> to vector<2048x18xi1>
    %select_n3A_15 = arith.select %broadcast_in_dim3A_14, %slice3A_12, %select_n3A : vector<2048x18xi1>, vector<2048x18xf32>
    %eq3A_16 = arith.constant 54 : i32
    %eq3A_17 = vector.broadcast %eq3A_16 : i32 to vector<2048x1xi32>
    %eq3A_18 = arith.cmpi eq, %get3A_4, %eq3A_17 : vector<2048x1xi32>
    %slice3A_19 = vector.extract_strided_slice %get3A_1 {offsets = [0, 54], sizes = [2048, 18], strides = [1, 1]} : vector<2048x72xf32> to vector<2048x18xf32>
    %broadcast_in_dim3A_20 = vector.shape_cast %eq3A_18 : vector<2048x1xi1> to vector<2048x1xi1>
    %broadcast_in_dim3A_21 = vector.broadcast %broadcast_in_dim3A_20 : vector<2048x1xi1> to vector<2048x18xi1>
    %select_n3A_22 = arith.select %broadcast_in_dim3A_21, %slice3A_19, %select_n3A_15 : vector<2048x18xi1>, vector<2048x18xf32>
    %get3A_23 = arith.constant 0 : index
    %get3A_24 = arith.constant 0 : index
    %get3A_25 = vector.load %arg7[%get3A_23, %get3A_24] : memref<18x200xf32, #tpu.memory_space<vmem>>, vector<18x200xf32>
    %dot_general3A = arith.constant dense<0.000000e+00> : vector<2048x200xf32>
    %dot_general3A_26 = tpu.matmul %select_n3A_22, %get3A_25, %dot_general3A {dimension_numbers = #tpu.dot_dimension_numbers<[1], [0], [0], [1], [0, 0, 1, 1], [], []>, transpose_lhs_hint = false} : vector<2048x18xf32>, vector<18x200xf32>, vector<2048x200xf32> -> vector<2048x200xf32>
    %get3A_27 = arith.constant 0 : index
    %get3A_28 = arith.constant 0 : index
    %get3A_29 = vector.load %arg3[%get3A_27, %get3A_28] : memref<2048x18xf32, #tpu.memory_space<vmem>>, vector<2048x18xf32>
    %get3A_30 = arith.constant 0 : index
    %get3A_31 = arith.constant 0 : index
    %get3A_32 = vector.load %arg8[%get3A_30, %get3A_31] : memref<18x200xf32, #tpu.memory_space<vmem>>, vector<18x200xf32>
    %dot_general3A_33 = arith.constant dense<0.000000e+00> : vector<2048x200xf32>
    %dot_general3A_34 = tpu.matmul %get3A_29, %get3A_32, %dot_general3A_33 {dimension_numbers = #tpu.dot_dimension_numbers<[1], [0], [0], [1], [0, 0, 1, 1], [], []>, transpose_lhs_hint = false} : vector<2048x18xf32>, vector<18x200xf32>, vector<2048x200xf32> -> vector<2048x200xf32>
    %add3A = arith.addf %dot_general3A_26, %dot_general3A_34 : vector<2048x200xf32>
    %get3A_35 = arith.constant 0 : index
    %get3A_36 = arith.constant 0 : index
    %get3A_37 = vector.load %arg4[%get3A_35, %get3A_36] : memref<2048x18xf32, #tpu.memory_space<vmem>>, vector<2048x18xf32>
    %get3A_38 = arith.constant 0 : index
    %get3A_39 = arith.constant 0 : index
    %get3A_40 = vector.load %arg9[%get3A_38, %get3A_39] : memref<18x200xf32, #tpu.memory_space<vmem>>, vector<18x200xf32>
    %dot_general3A_41 = arith.constant dense<0.000000e+00> : vector<2048x200xf32>
    %dot_general3A_42 = tpu.matmul %get3A_37, %get3A_40, %dot_general3A_41 {dimension_numbers = #tpu.dot_dimension_numbers<[1], [0], [0], [1], [0, 0, 1, 1], [], []>, transpose_lhs_hint = false} : vector<2048x18xf32>, vector<18x200xf32>, vector<2048x200xf32> -> vector<2048x200xf32>
    %add3A_43 = arith.addf %add3A, %dot_general3A_42 : vector<2048x200xf32>
    %get3A_44 = arith.constant 0 : index
    %get3A_45 = arith.constant 0 : index
    %get3A_46 = vector.load %arg5[%get3A_44, %get3A_45] : memref<2048x18xf32, #tpu.memory_space<vmem>>, vector<2048x18xf32>
    %get3A_47 = arith.constant 0 : index
    %get3A_48 = arith.constant 0 : index
    %get3A_49 = vector.load %arg10[%get3A_47, %get3A_48] : memref<18x200xf32, #tpu.memory_space<vmem>>, vector<18x200xf32>
    %dot_general3A_50 = arith.constant dense<0.000000e+00> : vector<2048x200xf32>
    %dot_general3A_51 = tpu.matmul %get3A_46, %get3A_49, %dot_general3A_50 {dimension_numbers = #tpu.dot_dimension_numbers<[1], [0], [0], [1], [0, 0, 1, 1], [], []>, transpose_lhs_hint = false} : vector<2048x18xf32>, vector<18x200xf32>, vector<2048x200xf32> -> vector<2048x200xf32>
    %add3A_52 = arith.addf %add3A_43, %dot_general3A_51 : vector<2048x200xf32>
    %get3A_53 = arith.constant 0 : index
    %get3A_54 = arith.constant 0 : index
    %get3A_55 = vector.load %arg6[%get3A_53, %get3A_54] : memref<2048x18xf32, #tpu.memory_space<vmem>>, vector<2048x18xf32>
    %get3A_56 = arith.constant 0 : index
    %get3A_57 = arith.constant 0 : index
    %get3A_58 = vector.load %arg11[%get3A_56, %get3A_57] : memref<18x200xf32, #tpu.memory_space<vmem>>, vector<18x200xf32>
    %dot_general3A_59 = arith.constant dense<0.000000e+00> : vector<2048x200xf32>
    %dot_general3A_60 = tpu.matmul %get3A_55, %get3A_58, %dot_general3A_59 {dimension_numbers = #tpu.dot_dimension_numbers<[1], [0], [0], [1], [0, 0, 1, 1], [], []>, transpose_lhs_hint = false} : vector<2048x18xf32>, vector<18x200xf32>, vector<2048x200xf32> -> vector<2048x200xf32>
    %add3A_61 = arith.addf %add3A_52, %dot_general3A_60 : vector<2048x200xf32>
    %get3A_62 = arith.constant 0 : index
    %get3A_63 = arith.constant 0 : index
    %get3A_64 = vector.load %arg12[%get3A_62, %get3A_63] : memref<1x200xf32, #tpu.memory_space<vmem>>, vector<1x200xf32>
    %add3A_65 = vector.broadcast %get3A_64 : vector<1x200xf32> to vector<2048x200xf32>
    %add3A_66 = arith.addf %add3A_61, %add3A_65 : vector<2048x200xf32>
    %max3A = arith.constant 0.000000e+00 : f32
    %max3A_67 = vector.broadcast %max3A : f32 to vector<2048x200xf32>
    %max3A_68 = arith.maximumf %add3A_66, %max3A_67 : vector<2048x200xf32>
    %get3A_69 = arith.constant 0 : index
    %get3A_70 = arith.constant 0 : index
    %get3A_71 = vector.load %arg13[%get3A_69, %get3A_70] : memref<200x80xf32, #tpu.memory_space<vmem>>, vector<200x80xf32>
    %dot_general3A_72 = arith.constant dense<0.000000e+00> : vector<2048x80xf32>
    %dot_general3A_73 = tpu.matmul %max3A_68, %get3A_71, %dot_general3A_72 {dimension_numbers = #tpu.dot_dimension_numbers<[1], [0], [0], [1], [0, 0, 1, 1], [], []>, transpose_lhs_hint = false} : vector<2048x200xf32>, vector<200x80xf32>, vector<2048x80xf32> -> vector<2048x80xf32>
    %get3A_74 = arith.constant 0 : index
    %get3A_75 = arith.constant 0 : index
    %get3A_76 = vector.load %arg14[%get3A_74, %get3A_75] : memref<1x80xf32, #tpu.memory_space<vmem>>, vector<1x80xf32>
    %add3A_77 = vector.broadcast %get3A_76 : vector<1x80xf32> to vector<2048x80xf32>
    %add3A_78 = arith.addf %dot_general3A_73, %add3A_77 : vector<2048x80xf32>
    %max3A_79 = arith.constant 0.000000e+00 : f32
    %max3A_80 = vector.broadcast %max3A_79 : f32 to vector<2048x80xf32>
    %max3A_81 = arith.maximumf %add3A_78, %max3A_80 : vector<2048x80xf32>
    %get3A_82 = arith.constant 0 : index
    %get3A_83 = arith.constant 0 : index
    %get3A_84 = vector.load %arg15[%get3A_82, %get3A_83] : memref<80x1xf32, #tpu.memory_space<vmem>>, vector<80x1xf32>
    %dot_general3A_85 = arith.constant dense<0.000000e+00> : vector<2048x1xf32>
    %dot_general3A_86 = tpu.matmul %max3A_81, %get3A_84, %dot_general3A_85 {dimension_numbers = #tpu.dot_dimension_numbers<[1], [0], [0], [1], [0, 0, 1, 1], [], []>, transpose_lhs_hint = false} : vector<2048x80xf32>, vector<80x1xf32>, vector<2048x1xf32> -> vector<2048x1xf32>
    %get3A_87 = arith.constant 0 : index
    %get3A_88 = arith.constant 0 : index
    %get3A_89 = vector.load %arg16[%get3A_87, %get3A_88] : memref<1x1xf32, #tpu.memory_space<vmem>>, vector<1x1xf32>
    %add3A_90 = vector.broadcast %get3A_89 : vector<1x1xf32> to vector<2048x1xf32>
    %add3A_91 = arith.addf %dot_general3A_86, %add3A_90 : vector<2048x1xf32>
    %swap3A = arith.constant 0 : index
    %swap3A_92 = arith.constant 0 : index
    %swap3A_93 = vector.load %arg17[%swap3A, %swap3A_92] : memref<2048x1xf32, #tpu.memory_space<vmem>>, vector<2048x1xf32>
    tpu.vector_store %arg17[%swap3A, %swap3A_92], %add3A_91 {strides = array<i32>} : memref<2048x1xf32, #tpu.memory_space<vmem>>, vector<2048x1xf32>,
    return
  }
  func.func @transform_0(%arg0: i32) -> (i32, i32) {
    %c0_i32 = arith.constant 0 : i32
    %c0_i32_0 = arith.constant 0 : i32
    return %arg0, %c0_i32 : i32, i32
  }
  func.func @transform_1(%arg0: i32) -> (i32, i32) {
    %c0_i32 = arith.constant 0 : i32
    %c0_i32_0 = arith.constant 0 : i32
    return %arg0, %c0_i32 : i32, i32
  }
  func.func @transform_2(%arg0: i32) -> (i32, i32) {
    %c0_i32 = arith.constant 0 : i32
    %c0_i32_0 = arith.constant 0 : i32
    return %arg0, %c0_i32 : i32, i32
  }
  func.func @transform_3(%arg0: i32) -> (i32, i32) {
    %c0_i32 = arith.constant 0 : i32
    %c0_i32_0 = arith.constant 0 : i32
    return %arg0, %c0_i32 : i32, i32
  }
  func.func @transform_4(%arg0: i32) -> (i32, i32) {
    %c0_i32 = arith.constant 0 : i32
    %c0_i32_0 = arith.constant 0 : i32
    return %arg0, %c0_i32 : i32, i32
  }
  func.func @transform_5(%arg0: i32) -> (i32, i32) {
    %c0_i32 = arith.constant 0 : i32
    %c0_i32_0 = arith.constant 0 : i32
    return %arg0, %c0_i32 : i32, i32
  }
  func.func @transform_6(%arg0: i32) -> (i32, i32) {
    %c0_i32 = arith.constant 0 : i32
    %c0_i32_0 = arith.constant 0 : i32
    %c0_i32_1 = arith.constant 0 : i32
    return %c0_i32, %c0_i32_0 : i32, i32
  }
  func.func @transform_7(%arg0: i32) -> (i32, i32) {
    %c0_i32 = arith.constant 0 : i32
    %c0_i32_0 = arith.constant 0 : i32
    %c0_i32_1 = arith.constant 0 : i32
    return %c0_i32, %c0_i32_0 : i32, i32
  }
  func.func @transform_8(%arg0: i32) -> (i32, i32) {
    %c0_i32 = arith.constant 0 : i32
    %c0_i32_0 = arith.constant 0 : i32
    %c0_i32_1 = arith.constant 0 : i32
    return %c0_i32, %c0_i32_0 : i32, i32
  }
  func.func @transform_9(%arg0: i32) -> (i32, i32) {
    %c0_i32 = arith.constant 0 : i32
    %c0_i32_0 = arith.constant 0 : i32
    %c0_i32_1 = arith.constant 0 : i32
    return %c0_i32, %c0_i32_0 : i32, i32
  }
  func.func @transform_10(%arg0: i32) -> (i32, i32) {
    %c0_i32 = arith.constant 0 : i32
    %c0_i32_0 = arith.constant 0 : i32
    %c0_i32_1 = arith.constant 0 : i32
    return %c0_i32, %c0_i32_0 : i32, i32
  }
  func.func @transform_11(%arg0: i32) -> (i32, i32) {
    %c0_i32 = arith.constant 0 : i32
    %c0_i32_0 = arith.constant 0 : i32
    %c0_i32_1 = arith.constant 0 : i32
    return %c0_i32, %c0_i32_0 : i32, i32
  }
  func.func @transform_12(%arg0: i32) -> (i32, i32) {
    %c0_i32 = arith.constant 0 : i32
    %c0_i32_0 = arith.constant 0 : i32
    %c0_i32_1 = arith.constant 0 : i32
    return %c0_i32, %c0_i32_0 : i32, i32
  }
  func.func @transform_13(%arg0: i32) -> (i32, i32) {
    %c0_i32 = arith.constant 0 : i32
    %c0_i32_0 = arith.constant 0 : i32
    %c0_i32_1 = arith.constant 0 : i32
    return %c0_i32, %c0_i32_0 : i32, i32
  }
  func.func @transform_14(%arg0: i32) -> (i32, i32) {
    %c0_i32 = arith.constant 0 : i32
    %c0_i32_0 = arith.constant 0 : i32
    %c0_i32_1 = arith.constant 0 : i32
    return %c0_i32, %c0_i32_0 : i32, i32
  }
  func.func @transform_15(%arg0: i32) -> (i32, i32) {
    %c0_i32 = arith.constant 0 : i32
    %c0_i32_0 = arith.constant 0 : i32
    %c0_i32_1 = arith.constant 0 : i32
    return %c0_i32, %c0_i32_0 : i32, i32
  }
  func.func @transform_16(%arg0: i32) -> (i32, i32) {
    %c0_i32 = arith.constant 0 : i32
    %c0_i32_0 = arith.constant 0 : i32
    return %arg0, %c0_i32 : i32, i32
  }
}

</mosaic_0001>

<sc_bundles>
// kernel: kernel.4.cloned.1.call-start
scs
__scs_entry_jumppad:
0x0: {  	(pc) =	sbr.rel $0x88, $3  }
0x1: {  	(tag) =	ssettag $0x0;
	lr =	simm.s32 $0x1  }
0x2: {  	[smem:$0x3F91] =	sst lr;
	_ =	strace $0xD0000000  }
0x3: {  	_ = 	snop  }
0x4: {  	_ = 	snop  }
0x5: {  	_ = 	snop  }
0x6: {  	_ = 	snop  }
0x7: {  	_ = 	snop  }
__scs_overlays_trampoline_lowered:
0x8: {  	[smem:$0x3FA0] =	sst s0  }
0x9: {  	[smem:$0x3FA1] =	sst s1  }
0xa: {  	[smem:$0x3FA2] =	sst s2  }
0xb: {  	[smem:$0x3FA3] =	sst s3  }
0xc: {  	[smem:$0x3FA4] =	sst s4  }
0xd: {  	[smem:$0x3FA5] =	sst s5  }
0xe: {  	[smem:$0x3FA6] =	sst s6  }
0xf: {  	[smem:$0x3FA7] =	sst s7  }
0x10: {  	[smem:$0x3FA8] =	sst s8  }
0x11: {  	[smem:$0x3FA9] =	sst s9;
	s0 =	simm.s32 @!p0 $0x0  }
0x12: {  	s1 =	sld [smem:$0x3F8F];
	s0 =	simm.s32 @p0 $0x1  }
0x13: {  	[smem:$0x3FAA] =	sst s0;
	s0 =	simm.s32 @!p1 $0x0  }
0x14: {  	s2 =	sld [smem:$0x3F8E];
	s0 =	simm.s32 @p1 $0x1  }
0x15: {  	[smem:$0x3FAB] =	sst s0;
	s0 =	simm.s32 @!p2 $0x0  }
0x16: {  	s3 =	sld [smem:$0x3FDB];
	s0 =	simm.s32 @p2 $0x1  }
0x17: {  	s4 =	simm.s32 $0x1BF5;
	[smem:$0x3FAD] =	sst s0  }
0x18: {  	s0 =	sld [smem:$0x3F90];
	_ =	swait.ge [sflag:s4], $0x0  }
0x19: {  	s7 =	sld [smem:$0x3F91]  }
0x1a: {  	s8 =	sadd.s32 $0xFFFFE003, lr  }
0x1b: {  	s9 =	sadd.s32 $0xFFFFFEF7, lr;
	s5 =	simm.s32 $0xFFFFFFFF;
	p2 =	slt.u32 s8, $0xFFFFF086  }
0x1c: {  	p1 =	slt.u32 s9, $0xF7A;
	s5 =	simm.s32 @!p2 $0x0  }
0x1d: {  	s5 =	simm.s32 @p1 $0x1;
	p0 =	seq.s32 s7, s2  }
0x1e: {  	s7 =	smul.u32 @!p0 $0xF7A, s2;
	p2 =	seq.s32 @!p0 s5, $0x0  }
0x1f: {  	s9 =	smul.u32 $0xF7A, s1;
	s8 =	simm.s32 @!p0 $0x1BF5;
	p2 =	por !p2, p0  }
0x20: {  	[sflag:s8] =	ssyncset.s32 @!p0 $0xFFFFF086;
	s6 =	sadd.s32 @!p0 s3, s7;
	s7 =	simm.s32 @!p0 $0x108  }
0x21: {  	s3 =	sadd.s32 s3, s9;
	s6 =	sadd.s32 @!p0 $0x88, s6;
	s7 =	simm.s32 @p2 $0x1082  }
0x22: {  	[simem:s7], [sflag:s8] =	dma.local @!p0 [hbm:s6], $0xF7A  }
0x23: {  	s9 =	sor.u32 $0xD0000000, s2;
	s6 =	simm.s32 $0x108;
	_ =	swait.ge @!p0 [sflag:s8], $0x0  }
0x24: {  	s3 =	sadd.s32 $0x88, s3;
	s6 =	simm.s32 @!p1 $0x1082;
	[sflag:s4] =	ssyncset.s32 $0xFFFFF086  }
0x25: {  	[simem:s6], [sflag:s4] =	dma.local [hbm:s3], $0xF7A  }
0x26: {  	[smem:$0x3F91] =	sst s1;
	(tag) =	ssettag s2;
	_ =	strace s9  }
0x27: {  	s1 =	sld [smem:$0x3FA1]  }
0x28: {  	s2 =	sld [smem:$0x3FA2]  }
0x29: {  	s4 =	sld [smem:$0x3FA4]  }
0x2a: {  	p0 =	seq.s32 s5, $0x0;
	s5 =	sld [smem:$0x3FA5]  }
0x2b: {  	s6 =	sld [smem:$0x3FA6]  }
0x2c: {  	s7 =	sld [smem:$0x3FA7]  }
0x2d: {  	s3 =	simm.s32 $0x108;
	s8 =	sld [smem:$0x3FA8]  }
0x2e: {  	s3 =	simm.s32 @!p0 $0x1082;
	s9 =	sld [smem:$0x3FA9]  }
0x2f: {  	lr =	sadd.s32 s0, s3;
	s0 =	sld [smem:$0x3FA0]  }
0x30: {  	s3 =	sld [smem:$0x3FA3]  }
0x31: {  	[smem:$0x3FAC] =	sst s10  }
0x32: {  	s10 =	sld [smem:$0x3FAA];
	_ =	sdelay $0x3  }
0x33: {  	p0 =	seq.s32 s10, $0x1;
	s10 =	sld [smem:$0x3FAC];
	_ =	sdelay $0x3  }
0x34: {  	[smem:$0x3FAC] =	sst s10  }
0x35: {  	s10 =	sld [smem:$0x3FAB];
	_ =	sdelay $0x3  }
0x36: {  	p1 =	seq.s32 s10, $0x1;
	s10 =	sld [smem:$0x3FAC];
	_ =	sdelay $0x3  }
0x37: {  	[smem:$0x3FAC] =	sst s10  }
0x38: {  	s10 =	sld [smem:$0x3FAD]  }
0x39: {  	_ = 	snop;
	(pc) =	sbr.ind lr, $3  }
0x3a: {  	_ = 	snop  }
0x3b: {  	_ = 	snop  }
0x3c: {  	p2 =	seq.s32 s10, $0x1;
	s10 =	sld [smem:$0x3FAC]  }
0x3d: {  	_ =	shalt  }
0x3e: {  	_ =	shalt  }
0x3f: {  	_ =	shalt  }
0x40: {  	_ =	shalt  }
0x41: {  	_ =	shalt  }
0x42: {  	_ =	shalt  }
0x43: {  	_ =	shalt  }
0x44: {  	_ =	shalt  }
0x45: {  	_ =	shalt  }
0x46: {  	_ =	shalt  }
0x47: {  	_ =	shalt  }
0x48: {  	_ =	shalt  }
0x49: {  	_ =	shalt  }
0x4a: {  	_ =	shalt  }
0x4b: {  	_ =	shalt  }
0x4c: {  	_ =	shalt  }
0x4d: {  	_ =	shalt  }
0x4e: {  	_ =	shalt  }
0x4f: {  	_ =	shalt  }
0x50: {  	_ =	shalt  }
0x51: {  	_ =	shalt  }
0x52: {  	_ =	shalt  }
0x53: {  	_ =	shalt  }
0x54: {  	_ =	shalt  }
0x55: {  	_ =	shalt  }
0x56: {  	_ =	shalt  }
0x57: {  	_ =	shalt  }
0x58: {  	_ =	shalt  }
0x59: {  	_ =	shalt  }
0x5a: {  	_ =	shalt  }
0x5b: {  	_ =	shalt  }
0x5c: {  	_ =	shalt  }
0x5d: {  	_ =	shalt  }
0x5e: {  	_ =	shalt  }
0x5f: {  	_ =	shalt  }
0x60: {  	_ =	shalt  }
0x61: {  	_ =	shalt  }
0x62: {  	_ =	shalt  }
0x63: {  	_ =	shalt  }
0x64: {  	_ =	shalt  }
0x65: {  	_ =	shalt  }
0x66: {  	_ =	shalt  }
0x67: {  	_ =	shalt  }
0x68: {  	_ =	shalt  }
0x69: {  	_ =	shalt  }
0x6a: {  	_ =	shalt  }
0x6b: {  	_ =	shalt  }
0x6c: {  	_ =	shalt  }
0x6d: {  	_ =	shalt  }
0x6e: {  	_ =	shalt  }
0x6f: {  	_ =	shalt  }
0x70: {  	_ =	shalt  }
0x71: {  	_ =	shalt  }
0x72: {  	_ =	shalt  }
0x73: {  	_ =	shalt  }
0x74: {  	_ =	shalt  }
0x75: {  	_ =	shalt  }
0x76: {  	_ =	shalt  }
0x77: {  	_ =	shalt  }
0x78: {  	_ =	shalt  }
0x79: {  	_ =	shalt  }
0x7a: {  	_ =	shalt  }
0x7b: {  	_ =	shalt  }
0x7c: {  	_ =	shalt  }
0x7d: {  	_ =	shalt  }
0x7e: {  	_ =	shalt  }
0x7f: {  	_ =	shalt  }
0x80: {  	_ =	shalt  }
0x81: {  	_ =	shalt  }
0x82: {  	_ =	shalt  }
0x83: {  	_ =	shalt  }
0x84: {  	_ =	shalt  }
0x85: {  	_ =	shalt  }
0x86: {  	_ =	shalt  }
0x87: {  	_ =	shalt  }
.Lfunc_end0:
.L_simem_size_0:
called_computation_lowered:
.L_overlay_start_0:
0x88: {  	s2 =	sld [smem:$0x3FD9]  }
0x89: {  	s3 =	sld [smem:$0x3FFE];
	_ =	sdelay $0x1  }
0x8a: {  	s1 =	srdreg.scid  }
0x8b: {  	s0 =	sand.u32 $0x1, s1  }
0x8c: {  	s14 =	sshll.u32 s0, $0xA;
	s2 =	sadd.s32 s3, s2  }
0x8d: {  	s2 =	sadd.s32 s2, s14  }
0x8e: {  	[smem:$0x3FB8] =	sst s2  }
0x8f: {  	_ = 	snop  }
0x90: {  	s2 =	sld [smem:$0x3FC8]  }
0x91: {  	s15 =	sld [smem:$0x3FD0]  }
0x92: {  	s4 =	sld [smem:$0x3FC6]  }
0x93: {  	s5 =	sld [smem:$0x3FC4]  }
0x94: {  	s7 =	simm.s32 $0xA;
	s8 =	simm.s32 $0x10;
	s6 =	sld [smem:$0x3FC3]  }
0x95: {  	[smem:s8], [sflag:s7] =	dma.local [hbm:s15], $0x1  }
0x96: {  	_ =	swait.eq [sflag:s7], $0x1  }
0x97: {  	[sflag:s7] =	ssyncset.done $0x0  }
0x98: {  	[sflag:s7] =	ssyncadd.s32 $0xFFFFFFFF  }
0x99: {  	s16 =	sld [smem:$0x11];
	(tm) =	ssettm $0x1  }
0x9a: {  	s17 =	sld [smem:$0x3FFB];
	_ =	sdelay $0x3  }
0x9b: {  	_ =	strace s17  }
0x9c: {  	s7 =	sld [smem:$0x3FFC];
	_ =	sdelay $0x3  }
0x9d: {  	_ =	strace s7  }
0x9e: {  	s7 =	sld [smem:$0x3FFD];
	_ =	sdelay $0x3  }
0x9f: {  	_ =	strace s7  }
0xa0: {  	_ =	strace $0x8FFFFFFF  }
0xa1: {  	s18 =	sld [smem:$0x3FDB];
	_ =	sdelay $0x1  }
0xa2: {  	s19 =	simm.s32 $_scs_section_size  }
0xa3: {  	s9 =	simm.s32 $_size__tile_overlayer_lowered;
	s10 =	simm.s32 $_tile_overlayer_lowered  }
0xa4: {  	s22 =	simm.s32 $0x1BFF;
	s21 =	sshll.u32 s10, $0x1;
	s7 =	sadd.s32 s19, s18  }
0xa5: {  	s11 =	simm.s32 $0x0;
	s20 =	sshll.u32 s9, $0x1;
	s9 =	sadd.s32 s21, s7  }
0xa6: {  	[timem:s11], [sflag:s22] =	dma.local [hbm:s9], s20  }
0xa7: {  	_ =	swait.ge [sflag:s22], s20  }
0xa8: {  	s8 =	ssub.s32 $0x0, s20;
	[sflag:s22] =	ssyncset.done $0x0  }
0xa9: {  	[sflag:s22] =	ssyncadd.s32 s8;
	_ =	sdelay $0x1  }
0xaa: {  	s23 =	simm.s32 $0x1B8B  }
0xab: {  	_ =	swait.ge [sflag:s23], $0x1  }
0xac: {  	[sflag:s23] =	ssyncset.done $0x0  }
0xad: {  	s25 =	simm.s32 $0x1B8E;
	s24 =	sld [smem:$0x3FFE];
	[sflag:s23] =	ssyncadd.s32 $0xFFFFFFFF  }
0xae: {  	s26 =	simm.s32 $execute0_lowered;
	[smem:$0x3FD2] =	sst s25  }
0xaf: {  	s9 =	sshll.u32 s26, $0x1;
	_ =	strace $0x80000046;
	[dreg:$0x1] =	wrdreg $0xFFFFFFFF  }
0xb0: {  	s28 =	simm.s32 $_size_execute0_lowered;
	s7 =	sadd.s32 s7, s9;
	[dreg:$0x0] =	wrdreg $0x0  }
0xb1: {  	s9 =	sshll.u32 s28, $0x1;
	[dreg:$0x2] =	wrdreg s7  }
0xb2: {  	[dreg:$0x3] =	wrdreg s9  }
0xb3: {  	[dreg:$0x4] =	wrdreg $0xC0  }
0xb4: {  	_ =	task [dreg:s11], $0x5FFFF  }
0xb5: {  	[dreg:$0x1] =	wrdreg $0xFFFFFFFF  }
0xb6: {  	[dreg:$0x0] =	wrdreg $0x60  }
0xb7: {  	[dreg:$0x2] =	wrdreg s24  }
0xb8: {  	[dreg:$0x3] =	wrdreg s2  }
0xb9: {  	[dreg:$0x4] =	wrdreg s4  }
0xba: {  	[dreg:$0x5] =	wrdreg s5  }
0xbb: {  	[dreg:$0x6] =	wrdreg s6  }
0xbc: {  	[dreg:$0x7] =	wrdreg s16  }
0xbd: {  	[dreg:$0x8] =	wrdreg $0x9  }
0xbe: {  	_ =	task.clear_ibuf [dreg:s11], $0x9FFFF;
	_ =	strace $0x90000046  }
0xbf: {  	s29 =	simm.s32 $0x9;
	_ =	strace $0x80000048  }
0xc0: {  	_ =	swait.ge [sflag:s29], $0x1  }
0xc1: {  	[sflag:s29] =	ssyncadd.s32 $0xFFFFFFFF  }
0xc2: {  	_ =	strace $0x90000048  }
0xc3: {  	_ =	sfence  }
0xc4: {  	s30 =	sld [smem:$0x0];
	_ =	sdelay $0x2  }
0xc5: {  	s31 =	sshll.u32 s1, $0xD;
	s1 =	sshrl.u32 s1, $0x2  }
0xc6: {  	s3 =	sand.u32 $0x4000, s31;
	s1 =	sadd.s32 s1, s30  }
0xc7: {  	s0 =	sor.u32 s3, s0;
	s1 =	sshll.u32 s1, $0x11  }
0xc8: {  	s0 =	sor.u32 s1, s0  }
0xc9: {  	s0 =	sadd.s32 $0x8F2B, s0  }
0xca: {  	[sflag:s0] =	ssyncadd.remote.s32 $0x1  }
0xcb: {  	_ =	sfence.sel $0xFFFF  }
0xcc: {  	[dreg:$0x0] =	wrdreg $0xFFFFFFFF;
	(pc) =	sbr.abs _section_cstart, $3  }
0xcd: {  	[dreg:$0x1] =	wrdreg $0xFFFFFFFF  }
0xce: {  	_ =	task.clear_ibuf [dreg:s11], $0x2FFFF;
	_ =	strace $0x9FFFFFFF  }
0xcf: {  	(tm) =	ssettm $0x7FFFFFFF  }
tec
execute0_lowered:
.L_overlay_start_1:
0x0: {  	(tag) =	ssettag $0x1  }
0x1: {  	s0 =	rddreg [dreg:$0x0]  }
0x2: {  	s1 =	rddreg [dreg:$0x1]  }
0x3: {  	s3 =	rddreg [dreg:$0x2]  }
0x4: {  	s8 =	rddreg [dreg:$0x3]  }
0x5: {  	s9 =	rddreg [dreg:$0x4]  }
0x6: {  	s10 =	rddreg [dreg:$0x5];
	s2 =	simm.s32 $0x0  }
0x7: {  	s4 =	srdreg.scid;
	s5 =	stileid.u32;
	s28 =	simm.s32 $0xF200  }
0x8: {  	s30 =	simm.s32 $0x320;
	s31 =	simm.s32 $0x12400;
	[smem:$0x7FF] =	sst s2  }
0x9: {  	s11 =	sand.u32 $0x1, s4;
	s22 =	sadd.s32 $0x1222800, s0;
	s4 =	sadd.s32 $0x3C00, s0  }
0xa: {  	s21 =	sshll.u32 s5, $0x1;
	s5 =	sadd.s32 $0x2E0400, s0;
	s6 =	sadd.s32 $0x38D800, s0  }
0xb: {  	s29 =	simm.s32 $0x0;
	s7 =	sadd.s32 $0x329800, s0;
	_ =	strace $0x80000047  }
0xc: {  	[dreg:$0x7] =	wrdreg s22;
	s12 =	sor.u32 s11, s21;
	s11 =	ssub.s32 $0x2, s11  }
0xd: {  	s21 =	simm.s32 $0xF000;
	s22 =	simm.s32 $0x3;
	s14 =	smul.u32 $0x1200, s12  }
0xe: {  	s13 =	sshll.u32 s12, $0x6;
	s16 =	smul.u32 $0x480, s12;
	s17 =	sshrl.u32 s11, $0x1  }
0xf: {  	s15 =	sadd.s32 s13, s0;
	s11 =	ssub.s32 s11, s17;
	s1 =	sadd.s32 s1, s13  }
0x10: {  	s24 =	sadd.s32 s3, s13;
	s26 =	sadd.s32 s8, s13;
	s17 =	smul.u32 $0x19000, s12  }
0x11: {  	s14 =	sadd.s32 s14, s0;
	s0 =	sadd.s32 s16, s0;
	[dreg:$0xa] =	wrdreg s1  }
0x12: {  	s15 =	sadd.s32 $0x3400, s15;
	s23 =	sadd.s32 s10, s16;
	[dreg:$0xc] =	wrdreg s24  }
0x13: {  	[dreg:$0xe] =	wrdreg s26;
	s16 =	sadd.s32 s9, s13;
	s20 =	smax.u32 s11, $0x1  }
0x14: {  	s24 =	simm.s32 $0x1;
	s26 =	simm.s32 $0x1BA00;
	s1 =	simm.s32 $0x2  }
0x15: {  	[dreg:$0x8] =	wrdreg s15;
	s14 =	sadd.s32 $0x3F1800, s14;
	s25 =	sadd.s32 $0x415800, s0  }
0x16: {  	[dreg:$0xb] =	wrdreg s23;
	s15 =	sadd.s32 $0x430800, s0;
	s18 =	sadd.s32 $0x41E800, s0  }
0x17: {  	s19 =	sadd.s32 $0x427800, s0;
	s23 =	simm.s32 $0x200;
	[dreg:$0x9] =	wrdreg s14  }
0x18: {  	s0 =	simm.s32 $0x16F00;
	[dreg:$0xd] =	wrdreg s25;
	s25 =	simm.s32 $0x9000  }
.LBB2_1:
0x19: {  	s3 =	rddreg [dreg:$0x8]  }
0x1a: {  	[tilespmem:s21], [sflag:$0x3] =	stream.linear.gather [hbm4b:s3+s2], $0x200, $0x38;
	[tilespmem:$0x1DE10] =	vst v63  }
0x1b: {  	_ =	swait.ge [sflag:s22], $0x200  }
0x1c: {  	[sflag:s22] =	ssyncset.done $0x0  }
0x1d: {  	s12 =	rddreg [dreg:$0x7];
	[sflag:s22] =	ssyncadd.s32 $0xFFFFFE00  }
0x1e: {  	[tilespmem:s2], [sflag:$0x1] =	stream.indirect.gather [hbm4b:s12+s23], $0x48, s21, s23, $0xb8;
	[tilespmem:$0x1DE10] =	vst v63  }
0x1f: {  	_ =	swait.ge [sflag:s24], $0x9000  }
0x20: {  	[sflag:s24] =	ssyncset.done $0x0  }
0x21: {  	s13 =	rddreg [dreg:$0x9];
	[sflag:s24] =	ssyncadd.s32 $0xFFFF7000  }
0x22: {  	[hbm4b:s13+s2] =	stream.linear.scatter [tilespmem:s2], [sflag:$0x3], $0x9000, $0x38;
	[tilespmem:$0x1DE10] =	vst v63  }
0x23: {  	_ =	swait.ge [sflag:s22], $0x9000  }
0x24: {  	[sflag:s22] =	ssyncset.done $0x0  }
0x25: {  	s14 =	rddreg [dreg:$0xa];
	[sflag:s22] =	ssyncadd.s32 $0xFFFF7000  }
0x26: {  	[tilespmem:s21], [sflag:$0x3] =	stream.linear.gather [hbm4b:s14+s2], $0x200, $0x38;
	[tilespmem:$0x1DE10] =	vst v63  }
0x27: {  	_ =	swait.ge [sflag:s22], $0x200  }
0x28: {  	[sflag:s22] =	ssyncset.done $0x0  }
0x29: {  	[sflag:s22] =	ssyncadd.s32 $0xFFFFFE00  }
0x2a: {  	[tilespmem:s25], [sflag:$0x1] =	stream.indirect.gather [hbm4b:s4+s23], $0x18, s21, s23, $0xb8;
	[tilespmem:$0x1DE10] =	vst v63  }
0x2b: {  	_ =	swait.ge [sflag:s24], $0x3000  }
0x2c: {  	[sflag:s24] =	ssyncset.done $0x0  }
0x2d: {  	s3 =	simm.s32 $0x9002;
	[sflag:s24] =	ssyncadd.s32 $0xFFFFD000  }
0x2e: {  	v0 =	vld [tilespmem:s3+$0xFFFFFFFE]  }
0x2f: {  	s8 =	simm.s32 $0x48;
	s9 =	simm.s32 $0x0;
	v1 =	vld [tilespmem:s3+$0x0]  }
.LBB2_2:
0x30: {  	p0 =	sne.s32 s8, $0x8FB8;
	_ =	sdelay $0x1  }
.Ltmp0:
0x31: {  	s10 =	sshra.s32 s9, $0x2;
	s9 =	smov.u32 s8;
	(pc) =	sbr.rel @p0 .LBB2_2-.Ltmp0, $4  }
0x32: {  	[tilespmem:s10+$0x1BA00] =	vst v0  }
0x33: {  	s3 =	sadd.s32 $0x18, s3;
	[tilespmem:s10+$0x1BA02] =	vst v1  }
0x34: {  	v0 =	vld [tilespmem:s3+$0xFFFFFFFE]  }
0x35: {  	s8 =	sadd.s32 $0x48, s8;
	v1 =	vld [tilespmem:s3+$0x0]  }
0x36: {  	_ =	sdelay $0x1  }
0x37: {  	s3 =	sshra.s32 s9, $0x2  }
0x38: {  	[tilespmem:s3+$0x1BA00] =	vst v0  }
0x39: {  	s8 =	rddreg [dreg:$0xb];
	[tilespmem:s3+$0x1BA02] =	vst v1;
	s3 =	simm.s32 $0x0  }
0x3a: {  	[hbm4b:s8+s3] =	stream.linear.scatter [tilespmem:s26], [sflag:$0x3], $0x2400, $0x38;
	[tilespmem:$0x1DE10] =	vst v63  }
0x3b: {  	_ =	swait.ge [sflag:s22], $0x2400  }
0x3c: {  	[sflag:s22] =	ssyncset.done $0x0  }
0x3d: {  	s14 =	rddreg [dreg:$0xc];
	[sflag:s22] =	ssyncadd.s32 $0xFFFFDC00  }
0x3e: {  	[tilespmem:s21], [sflag:$0x3] =	stream.linear.gather [hbm4b:s14+s3], $0x200, $0x38;
	[tilespmem:$0x1DE10] =	vst v63  }
0x3f: {  	_ =	swait.ge [sflag:s22], $0x200  }
0x40: {  	[sflag:s22] =	ssyncset.done $0x0  }
0x41: {  	[sflag:s22] =	ssyncadd.s32 $0xFFFFFE00  }
0x42: {  	[tilespmem:s25], [sflag:$0x1] =	stream.indirect.gather [hbm4b:s5+s23], $0x18, s21, s23, $0xb8;
	[tilespmem:$0x1DE10] =	vst v63  }
0x43: {  	_ =	swait.ge [sflag:s24], $0x3000  }
0x44: {  	[sflag:s24] =	ssyncset.done $0x0  }
0x45: {  	s8 =	simm.s32 $0x9002;
	[sflag:s24] =	ssyncadd.s32 $0xFFFFD000  }
0x46: {  	v0 =	vld [tilespmem:s8+$0xFFFFFFFE]  }
0x47: {  	s9 =	simm.s32 $0x48;
	v1 =	vld [tilespmem:s8+$0x0]  }
.LBB2_4:
0x48: {  	p0 =	sne.s32 s9, $0x8FB8;
	_ =	sdelay $0x1  }
.Ltmp1:
0x49: {  	s10 =	sshra.s32 s3, $0x2;
	s3 =	smov.u32 s9;
	(pc) =	sbr.rel @p0 .LBB2_4-.Ltmp1, $4  }
0x4a: {  	[tilespmem:s10+$0x1BA00] =	vst v0  }
0x4b: {  	s8 =	sadd.s32 $0x18, s8;
	[tilespmem:s10+$0x1BA02] =	vst v1  }
0x4c: {  	v0 =	vld [tilespmem:s8+$0xFFFFFFFE]  }
0x4d: {  	s9 =	sadd.s32 $0x48, s9;
	v1 =	vld [tilespmem:s8+$0x0]  }
0x4e: {  	_ =	sdelay $0x1  }
0x4f: {  	s3 =	sshra.s32 s3, $0x2  }
0x50: {  	[tilespmem:s3+$0x1BA00] =	vst v0  }
0x51: {  	s11 =	simm.s32 $0x0;
	s8 =	rddreg [dreg:$0xd];
	[tilespmem:s3+$0x1BA02] =	vst v1  }
0x52: {  	[hbm4b:s8+s11] =	stream.linear.scatter [tilespmem:s26], [sflag:$0x3], $0x2400, $0x38;
	[tilespmem:$0x1DE10] =	vst v63  }
0x53: {  	_ =	swait.ge [sflag:s22], $0x2400  }
0x54: {  	[sflag:s22] =	ssyncset.done $0x0  }
0x55: {  	s12 =	rddreg [dreg:$0xe];
	[sflag:s22] =	ssyncadd.s32 $0xFFFFDC00  }
0x56: {  	[tilespmem:s21], [sflag:$0x3] =	stream.linear.gather [hbm4b:s12+s11], $0x200, $0x38;
	[tilespmem:$0x1DE10] =	vst v63  }
0x57: {  	_ =	swait.ge [sflag:s22], $0x200  }
0x58: {  	[sflag:s22] =	ssyncset.done $0x0  }
0x59: {  	[sflag:s22] =	ssyncadd.s32 $0xFFFFFE00  }
0x5a: {  	[tilespmem:s25], [sflag:$0x1] =	stream.indirect.gather [hbm4b:s5+s23], $0x18, s21, s23, $0xb8;
	[tilespmem:$0x1DE10] =	vst v63  }
0x5b: {  	_ = 	snop  }
0x5c: {  	[tilespmem:s28], [sflag:$0x3] =	stream.linear.gather [hbm4b:s16+s11], $0x200, $0x38;
	[tilespmem:$0x1DE10] =	vst v63  }
0x5d: {  	_ =	swait.ge [sflag:s22], $0x200  }
0x5e: {  	[sflag:s22] =	ssyncset.done $0x0  }
0x5f: {  	s13 =	simm.s32 $0xC000;
	[sflag:s22] =	ssyncadd.s32 $0xFFFFFE00  }
0x60: {  	[tilespmem:s13], [sflag:$0x1] =	stream.indirect.gather [hbm4b:s5+s23], $0x18, s28, s23, $0xb8;
	[tilespmem:$0x1DE10] =	vst v63  }
0x61: {  	_ =	swait.ge [sflag:s24], $0x3000  }
0x62: {  	[sflag:s24] =	ssyncset.done $0x0  }
0x63: {  	[sflag:s24] =	ssyncadd.s32 $0xFFFFD000  }
0x64: {  	_ =	swait.ge [sflag:s24], $0x3000  }
0x65: {  	[sflag:s24] =	ssyncset.done $0x0  }
0x66: {  	s14 =	simm.s32 $0x0;
	[sflag:s24] =	ssyncadd.s32 $0xFFFFD000  }
0x67: {  	v3 =	vld [tilespmem:s14+$0xC002]  }
0x68: {  	v4 =	vld [tilespmem:s14+$0x9002]  }
0x69: {  	v0 =	vld [tilespmem:s14+$0x9000]  }
0x6a: {  	v1 =	vld [tilespmem:s14+$0xC000];
	_ =	sdelay $0x2  }
0x6b: {  	s9 =	simm.s32 $0x60;
	s3 =	simm.s32 $0x1BA02;
	s8 =	simm.s32 $0x1BA02;
	v2 =	vadd.f32 v3, v4;
	v3 =	vmul.f32 v3, v4  }
.LBB2_6:
0x6c: {  	p0 =	sne.s32 s9, $0xBFA0  }
0x6d: {  	v4 =	vadd.f32 v1, v0;
	v0 =	vmul.f32 v1, v0;
	s8 =	sadd.s32 $0x12, s8;
	s10 =	smov.u32 s9;
	s9 =	sadd.s32 $0x60, s9  }
0x6e: {  	v1 =	vadd.f32 v3, v2  }
0x6f: {  	v0 =	vadd.f32 v0, v4  }
0x70: {  	s10 =	sshra.s32 s10, $0x2;
	[tilespmem:s3+$0x0] =	vst v1  }
0x71: {  	[tilespmem:s3+$0xFFFFFFFE] =	vst v0;
	s3 =	smov.u32 s8  }
0x72: {  	v3 =	vld [tilespmem:s10+$0xC002]  }
0x73: {  	v0 =	vld [tilespmem:s10+$0x9000]  }
0x74: {  	v4 =	vld [tilespmem:s10+$0x9002]  }
.Ltmp2:
0x75: {  	v1 =	vld [tilespmem:s10+$0xC000];
	(pc) =	sbr.rel @p0 .LBB2_6-.Ltmp2, $2  }
0x76: {  	_ =	sdelay $0x2  }
0x77: {  	v2 =	vadd.f32 v3, v4;
	v3 =	vmul.f32 v3, v4  }
0x78: {  	v4 =	vadd.f32 v1, v0;
	v62 =	vmul.f32 v1, v0  }
0x79: {  	v63 =	vadd.f32 v3, v2  }
0x7a: {  	v0 =	vadd.f32 v62, v4  }
0x7b: {  	[tilespmem:s3+$0x0] =	vst v63  }
0x7c: {  	[tilespmem:s3+$0xFFFFFFFE] =	vst v0;
	s3 =	simm.s32 $0x0  }
0x7d: {  	[hbm4b:s15+s3] =	stream.linear.scatter [tilespmem:s26], [sflag:$0x3], $0x2400, $0x38;
	[tilespmem:$0x1DE10] =	vst v63  }
0x7e: {  	_ =	swait.ge [sflag:s22], $0x2400  }
0x7f: {  	[sflag:s22] =	ssyncset.done $0x0  }
0x80: {  	s8 =	simm.s32 $0x0;
	[sflag:s22] =	ssyncadd.s32 $0xFFFFDC00  }
.LBB2_8:
0x81: {  	s9 =	smul.u32 $0x3200, s8;
	_ =	sdelay $0x1  }
0x82: {  	s9 =	sadd.s32 s17, s9  }
0x83: {  	s9 =	sshrl.u32 s9, $0x3  }
0x84: {  	s9 =	sadd.s32 s6, s9  }
0x85: {  	[tilespmem:s28], [sflag:$0x3] =	stream.linear.gather [hbm4b:s9+s3], $0x3200, $0x38;
	[tilespmem:$0x1DE10] =	vst v63  }
0x86: {  	_ =	swait.ge [sflag:s22], $0x3200  }
0x87: {  	[sflag:s22] =	ssyncset.done $0x0  }
0x88: {  	s10 =	simm.s32 $0x0;
	s9 =	sshll.u32 s8, $0x6;
	[sflag:s22] =	ssyncadd.s32 $0xFFFFCE00  }
0x89: {  	[tilespmem:s31], [sflag:$0x1] =	stream.indirect.gather [hbm4b:s4+s30], $0x18, s28, s30, $0xb8;
	[tilespmem:$0x1DE10] =	vst v63  }
.LBB2_9:
0x8a: {  	s11 =	sshllo.u32 s10, $0x1  }
0x8b: {  	s12 =	smul.u32 $0xC80, s11;
	_ =	sdelay $0x1  }
0x8c: {  	s12 =	sshra.s32 s12, $0x2  }
0x8d: {  	s12 =	sadd.s32 $0xF200, s12  }
0x8e: {  	[tilespmem:s0], [sflag:$0x2] =	stream.indirect.gather [hbm4b:s4+s30], $0x18, s12, s30, $0xb8;
	[tilespmem:$0x1DE10] =	vst v63  }
0x8f: {  	_ =	swait.ge [sflag:s24], $0x4B00  }
0x90: {  	[sflag:s24] =	ssyncset.done $0x0  }
0x91: {  	s13 =	simm.s32 $0x0;
	[sflag:s24] =	ssyncadd.s32 $0xFFFFB500  }
0x92: {  	v0 =	vld [tilespmem:s13+$0x12408]  }
0x93: {  	v1 =	vld [tilespmem:s13+$0x12420]  }
0x94: {  	v2 =	vld [tilespmem:s13+$0x12438]  }
0x95: {  	v3 =	vld [tilespmem:s13+$0x12450]  }
0x96: {  	v4 =	vld [tilespmem:s13+$0x12468]  }
0x97: {  	v5 =	vld [tilespmem:s13+$0x12480]  }
0x98: {  	v6 =	vld [tilespmem:s13+$0x12498]  }
0x99: {  	v7 =	vld [tilespmem:s13+$0x124B0]  }
0x9a: {  	v8 =	vld [tilespmem:s13+$0x12400]  }
0x9b: {  	v9 =	vld [tilespmem:s13+$0x12418]  }
0x9c: {  	v10 =	vld [tilespmem:s13+$0x12430]  }
0x9d: {  	v11 =	vld [tilespmem:s13+$0x12448]  }
0x9e: {  	v12 =	vld [tilespmem:s13+$0x12460]  }
0x9f: {  	v13 =	vld [tilespmem:s13+$0x12478]  }
0xa0: {  	v14 =	vld [tilespmem:s13+$0x12490];
	v0 =	vadd.f32 v1, v0;
	v1 =	vadd.f32 v3, v2  }
0xa1: {  	s12 =	simm.s32 $0xC0;
	v3 =	vadd.f32 v5, v4;
	v4 =	vadd.f32 v7, v6;
	v7 =	vld [tilespmem:s13+$0x124A8]  }
0xa2: {  	v2 =	vld [tilespmem:s12+$0x12408]  }
0xa3: {  	v8 =	vadd.f32 v9, v8;
	v6 =	vld [tilespmem:s12+$0x12450]  }
0xa4: {  	v5 =	vld [tilespmem:s12+$0x12468];
	v0 =	vadd.f32 v1, v0;
	v1 =	vadd.f32 v4, v3  }
0xa5: {  	v9 =	vadd.f32 v11, v10;
	v10 =	vadd.f32 v13, v12;
	v3 =	vld [tilespmem:s12+$0x12420]  }
0xa6: {  	v4 =	vld [tilespmem:s12+$0x12438];
	v0 =	vadd.f32 v1, v0;
	v11 =	vadd.f32 v7, v14  }
0xa7: {  	v9 =	vadd.f32 v9, v8;
	v8 =	vld [tilespmem:s12+$0x12498];
	v1 =	vimm.f32 $0.0e+00  }
0xa8: {  	s13 =	simm.s32 $0x600;
	v7 =	vld [tilespmem:s12+$0x12480];
	v0 =	vadd.f32 v0, v1;
	v10 =	vadd.f32 v11, v10  }
.LBB2_10:
0xa9: {  	p0 =	sne.s32 s13, $0x4800;
	v11 =	vld [tilespmem:s12+$0x124B0]  }
0xaa: {  	v12 =	vld [tilespmem:s12+$0x12400];
	v9 =	vadd.f32 v10, v9  }
0xab: {  	v10 =	vld [tilespmem:s12+$0x12418]  }
0xac: {  	v13 =	vld [tilespmem:s12+$0x12430];
	v1 =	vadd.f32 v9, v1  }
0xad: {  	v2 =	vadd.f32 v3, v2;
	v3 =	vadd.f32 v6, v4;
	v9 =	vld [tilespmem:s12+$0x12448]  }
0xae: {  	v4 =	vadd.f32 v7, v5;
	v6 =	vld [tilespmem:s12+$0x12460];
	v5 =	vadd.f32 v11, v8  }
0xaf: {  	v7 =	vld [tilespmem:s12+$0x12478]  }
0xb0: {  	v3 =	vadd.f32 v3, v2;
	v8 =	vld [tilespmem:s12+$0x12490];
	v4 =	vadd.f32 v5, v4  }
0xb1: {  	v5 =	vadd.f32 v10, v12;
	v11 =	vld [tilespmem:s12+$0x124A8];
	s12 =	sshra.s32 s13, $0x2  }
0xb2: {  	v2 =	vld [tilespmem:s12+$0x12408];
	v9 =	vadd.f32 v9, v13;
	v10 =	vadd.f32 v4, v3  }
0xb3: {  	v3 =	vld [tilespmem:s12+$0x12420]  }
.Ltmp3:
0xb4: {  	v4 =	vld [tilespmem:s12+$0x12438];
	v12 =	vadd.f32 v7, v6;
	v0 =	vadd.f32 v10, v0;
	(pc) =	sbr.rel @p0 .LBB2_10-.Ltmp3, $4  }
0xb5: {  	v9 =	vadd.f32 v9, v5;
	v6 =	vld [tilespmem:s12+$0x12450]  }
0xb6: {  	v5 =	vld [tilespmem:s12+$0x12468];
	v10 =	vadd.f32 v11, v8  }
0xb7: {  	v7 =	vld [tilespmem:s12+$0x12480]  }
0xb8: {  	s13 =	sadd.s32 $0x300, s13;
	v8 =	vld [tilespmem:s12+$0x12498];
	v10 =	vadd.f32 v10, v12  }
0xb9: {  	v11 =	vld [tilespmem:s12+$0x12400]  }
0xba: {  	v12 =	vld [tilespmem:s12+$0x12418]  }
0xbb: {  	v13 =	vld [tilespmem:s12+$0x12430]  }
0xbc: {  	v14 =	vld [tilespmem:s12+$0x12448]  }
0xbd: {  	v15 =	vld [tilespmem:s12+$0x12460]  }
0xbe: {  	v16 =	vld [tilespmem:s12+$0x12478]  }
0xbf: {  	v17 =	vld [tilespmem:s12+$0x12490]  }
0xc0: {  	v18 =	vld [tilespmem:s12+$0x124A8]  }
0xc1: {  	v19 =	vld [tilespmem:s12+$0x124B0]  }
0xc2: {  	v2 =	vadd.f32 v3, v2  }
0xc3: {  	v9 =	vadd.f32 v10, v9;
	v3 =	vadd.f32 v6, v4  }
0xc4: {  	v4 =	vadd.f32 v12, v11;
	v6 =	vadd.f32 v14, v13  }
0xc5: {  	v10 =	vadd.f32 v16, v15;
	v11 =	vadd.f32 v18, v17  }
0xc6: {  	v5 =	vadd.f32 v7, v5;
	v7 =	vadd.f32 v19, v8  }
0xc7: {  	v4 =	vadd.f32 v6, v4;
	v6 =	vadd.f32 v11, v10  }
0xc8: {  	s14 =	sshll.u32 s10, $0x3;
	v2 =	vadd.f32 v3, v2;
	v3 =	vadd.f32 v7, v5  }
0xc9: {  	s12 =	sadd.s32 s9, s14;
	v1 =	vadd.f32 v9, v1;
	v4 =	vadd.f32 v6, v4  }
0xca: {  	s12 =	smul.u32 $0x48, s12;
	v2 =	vadd.f32 v3, v2  }
0xcb: {  	v1 =	vadd.f32 v4, v1  }
0xcc: {  	s12 =	sshra.s32 s12, $0x2;
	v0 =	vadd.f32 v2, v0  }
0xcd: {  	[tilespmem:s12+$0x1BA00] =	vst v1  }
0xce: {  	s14 =	simm.s32 $0x0;
	[tilespmem:s12+$0x1BA08] =	vst v0  }
0xcf: {  	v0 =	vld [tilespmem:s14+$0x136C8]  }
0xd0: {  	v1 =	vld [tilespmem:s14+$0x136E0]  }
0xd1: {  	v2 =	vld [tilespmem:s14+$0x136F8]  }
0xd2: {  	v3 =	vld [tilespmem:s14+$0x13710]  }
0xd3: {  	v4 =	vld [tilespmem:s14+$0x13728]  }
0xd4: {  	v5 =	vld [tilespmem:s14+$0x13740]  }
0xd5: {  	v6 =	vld [tilespmem:s14+$0x13758]  }
0xd6: {  	v7 =	vld [tilespmem:s14+$0x13770]  }
0xd7: {  	v8 =	vld [tilespmem:s14+$0x136C0]  }
0xd8: {  	v9 =	vld [tilespmem:s14+$0x136D8]  }
0xd9: {  	v10 =	vld [tilespmem:s14+$0x136F0]  }
0xda: {  	v11 =	vld [tilespmem:s14+$0x13708]  }
0xdb: {  	v61 =	vld [tilespmem:s14+$0x13720]  }
0xdc: {  	v62 =	vld [tilespmem:s14+$0x13738]  }
0xdd: {  	v63 =	vld [tilespmem:s14+$0x13750];
	v0 =	vadd.f32 v1, v0;
	v1 =	vadd.f32 v3, v2  }
0xde: {  	s13 =	simm.s32 $0xC0;
	v3 =	vadd.f32 v5, v4;
	v4 =	vadd.f32 v7, v6;
	v7 =	vld [tilespmem:s14+$0x13768]  }
0xdf: {  	v2 =	vld [tilespmem:s13+$0x136C8]  }
0xe0: {  	v8 =	vadd.f32 v9, v8;
	v6 =	vld [tilespmem:s13+$0x13710]  }
0xe1: {  	v5 =	vld [tilespmem:s13+$0x13728];
	v0 =	vadd.f32 v1, v0;
	v1 =	vadd.f32 v4, v3  }
0xe2: {  	v9 =	vadd.f32 v11, v10;
	v10 =	vadd.f32 v62, v61;
	v3 =	vld [tilespmem:s13+$0x136E0]  }
0xe3: {  	v4 =	vld [tilespmem:s13+$0x136F8];
	v1 =	vadd.f32 v1, v0;
	v11 =	vadd.f32 v7, v63  }
0xe4: {  	v9 =	vadd.f32 v9, v8;
	v8 =	vld [tilespmem:s13+$0x13758];
	v0 =	vimm.f32 $0.0e+00  }
0xe5: {  	s14 =	simm.s32 $0x600;
	v7 =	vld [tilespmem:s13+$0x13740];
	v1 =	vadd.f32 v1, v0;
	v10 =	vadd.f32 v11, v10  }
.LBB2_12:
0xe6: {  	p0 =	sne.s32 s14, $0x4800;
	v11 =	vld [tilespmem:s13+$0x13770]  }
0xe7: {  	v12 =	vld [tilespmem:s13+$0x136C0];
	v9 =	vadd.f32 v10, v9  }
0xe8: {  	v10 =	vld [tilespmem:s13+$0x136D8]  }
0xe9: {  	v13 =	vld [tilespmem:s13+$0x136F0];
	v0 =	vadd.f32 v9, v0  }
0xea: {  	v2 =	vadd.f32 v3, v2;
	v3 =	vadd.f32 v6, v4;
	v9 =	vld [tilespmem:s13+$0x13708]  }
0xeb: {  	v4 =	vadd.f32 v7, v5;
	v6 =	vld [tilespmem:s13+$0x13720];
	v5 =	vadd.f32 v11, v8  }
0xec: {  	v7 =	vld [tilespmem:s13+$0x13738]  }
0xed: {  	v3 =	vadd.f32 v3, v2;
	v8 =	vld [tilespmem:s13+$0x13750];
	v4 =	vadd.f32 v5, v4  }
0xee: {  	v5 =	vadd.f32 v10, v12;
	v11 =	vld [tilespmem:s13+$0x13768];
	s13 =	sshra.s32 s14, $0x2  }
0xef: {  	v2 =	vld [tilespmem:s13+$0x136C8];
	v9 =	vadd.f32 v9, v13;
	v10 =	vadd.f32 v4, v3  }
0xf0: {  	v3 =	vld [tilespmem:s13+$0x136E0]  }
.Ltmp4:
0xf1: {  	v4 =	vld [tilespmem:s13+$0x136F8];
	v12 =	vadd.f32 v7, v6;
	v1 =	vadd.f32 v10, v1;
	(pc) =	sbr.rel @p0 .LBB2_12-.Ltmp4, $4  }
0xf2: {  	v9 =	vadd.f32 v9, v5;
	v6 =	vld [tilespmem:s13+$0x13710]  }
0xf3: {  	v5 =	vld [tilespmem:s13+$0x13728];
	v10 =	vadd.f32 v11, v8  }
0xf4: {  	v7 =	vld [tilespmem:s13+$0x13740]  }
0xf5: {  	s14 =	sadd.s32 $0x300, s14;
	v8 =	vld [tilespmem:s13+$0x13758];
	v10 =	vadd.f32 v10, v12  }
0xf6: {  	v11 =	vld [tilespmem:s13+$0x136C0]  }
0xf7: {  	v12 =	vld [tilespmem:s13+$0x136D8]  }
0xf8: {  	v13 =	vld [tilespmem:s13+$0x136F0]  }
0xf9: {  	v14 =	vld [tilespmem:s13+$0x13708]  }
0xfa: {  	v15 =	vld [tilespmem:s13+$0x13720]  }
0xfb: {  	v16 =	vld [tilespmem:s13+$0x13738]  }
0xfc: {  	v17 =	vld [tilespmem:s13+$0x13750]  }
0xfd: {  	v18 =	vld [tilespmem:s13+$0x13768]  }
0xfe: {  	v19 =	vld [tilespmem:s13+$0x13770]  }
0xff: {  	v2 =	vadd.f32 v3, v2  }
0x100: {  	v9 =	vadd.f32 v10, v9;
	v3 =	vadd.f32 v6, v4  }
0x101: {  	v4 =	vadd.f32 v12, v11;
	v6 =	vadd.f32 v14, v13  }
0x102: {  	v10 =	vadd.f32 v16, v15;
	v11 =	vadd.f32 v18, v17  }
0x103: {  	v5 =	vadd.f32 v7, v5;
	v7 =	vadd.f32 v19, v8  }
0x104: {  	v4 =	vadd.f32 v6, v4;
	v6 =	vadd.f32 v11, v10  }
0x105: {  	v2 =	vadd.f32 v3, v2;
	v3 =	vadd.f32 v7, v5  }
0x106: {  	v0 =	vadd.f32 v9, v0;
	v4 =	vadd.f32 v6, v4  }
0x107: {  	v2 =	vadd.f32 v3, v2  }
0x108: {  	v0 =	vadd.f32 v4, v0  }
0x109: {  	v1 =	vadd.f32 v2, v1  }
0x10a: {  	[tilespmem:s12+$0x1BA12] =	vst v0  }
0x10b: {  	s14 =	simm.s32 $0x0;
	[tilespmem:s12+$0x1BA1A] =	vst v1  }
0x10c: {  	v0 =	vld [tilespmem:s14+$0x14988]  }
0x10d: {  	v1 =	vld [tilespmem:s14+$0x149A0]  }
0x10e: {  	v2 =	vld [tilespmem:s14+$0x149B8]  }
0x10f: {  	v3 =	vld [tilespmem:s14+$0x149D0]  }
0x110: {  	v4 =	vld [tilespmem:s14+$0x149E8]  }
0x111: {  	v5 =	vld [tilespmem:s14+$0x14A00]  }
0x112: {  	v6 =	vld [tilespmem:s14+$0x14A18]  }
0x113: {  	v7 =	vld [tilespmem:s14+$0x14A30]  }
0x114: {  	v8 =	vld [tilespmem:s14+$0x14980]  }
0x115: {  	v9 =	vld [tilespmem:s14+$0x14998]  }
0x116: {  	v10 =	vld [tilespmem:s14+$0x149B0]  }
0x117: {  	v11 =	vld [tilespmem:s14+$0x149C8]  }
0x118: {  	v61 =	vld [tilespmem:s14+$0x149E0]  }
0x119: {  	v62 =	vld [tilespmem:s14+$0x149F8]  }
0x11a: {  	v63 =	vld [tilespmem:s14+$0x14A10];
	v0 =	vadd.f32 v1, v0;
	v1 =	vadd.f32 v3, v2  }
0x11b: {  	s13 =	simm.s32 $0xC0;
	v3 =	vadd.f32 v5, v4;
	v4 =	vadd.f32 v7, v6;
	v7 =	vld [tilespmem:s14+$0x14A28]  }
0x11c: {  	v2 =	vld [tilespmem:s13+$0x14988]  }
0x11d: {  	v8 =	vadd.f32 v9, v8;
	v6 =	vld [tilespmem:s13+$0x149D0]  }
0x11e: {  	v5 =	vld [tilespmem:s13+$0x149E8];
	v0 =	vadd.f32 v1, v0;
	v1 =	vadd.f32 v4, v3  }
0x11f: {  	v9 =	vadd.f32 v11, v10;
	v10 =	vadd.f32 v62, v61;
	v3 =	vld [tilespmem:s13+$0x149A0]  }
0x120: {  	v4 =	vld [tilespmem:s13+$0x149B8];
	v1 =	vadd.f32 v1, v0;
	v11 =	vadd.f32 v7, v63  }
0x121: {  	v9 =	vadd.f32 v9, v8;
	v8 =	vld [tilespmem:s13+$0x14A18];
	v0 =	vimm.f32 $0.0e+00  }
0x122: {  	s14 =	simm.s32 $0x600;
	v7 =	vld [tilespmem:s13+$0x14A00];
	v1 =	vadd.f32 v1, v0;
	v10 =	vadd.f32 v11, v10  }
.LBB2_14:
0x123: {  	p0 =	sne.s32 s14, $0x4800;
	v11 =	vld [tilespmem:s13+$0x14A30]  }
0x124: {  	v12 =	vld [tilespmem:s13+$0x14980];
	v9 =	vadd.f32 v10, v9  }
0x125: {  	v10 =	vld [tilespmem:s13+$0x14998]  }
0x126: {  	v13 =	vld [tilespmem:s13+$0x149B0];
	v0 =	vadd.f32 v9, v0  }
0x127: {  	v2 =	vadd.f32 v3, v2;
	v3 =	vadd.f32 v6, v4;
	v9 =	vld [tilespmem:s13+$0x149C8]  }
0x128: {  	v4 =	vadd.f32 v7, v5;
	v6 =	vld [tilespmem:s13+$0x149E0];
	v5 =	vadd.f32 v11, v8  }
0x129: {  	v7 =	vld [tilespmem:s13+$0x149F8]  }
0x12a: {  	v3 =	vadd.f32 v3, v2;
	v8 =	vld [tilespmem:s13+$0x14A10];
	v4 =	vadd.f32 v5, v4  }
0x12b: {  	v5 =	vadd.f32 v10, v12;
	v11 =	vld [tilespmem:s13+$0x14A28];
	s13 =	sshra.s32 s14, $0x2  }
0x12c: {  	v2 =	vld [tilespmem:s13+$0x14988];
	v9 =	vadd.f32 v9, v13;
	v10 =	vadd.f32 v4, v3  }
0x12d: {  	v3 =	vld [tilespmem:s13+$0x149A0]  }
.Ltmp5:
0x12e: {  	v4 =	vld [tilespmem:s13+$0x149B8];
	v12 =	vadd.f32 v7, v6;
	v1 =	vadd.f32 v10, v1;
	(pc) =	sbr.rel @p0 .LBB2_14-.Ltmp5, $4  }
0x12f: {  	v9 =	vadd.f32 v9, v5;
	v6 =	vld [tilespmem:s13+$0x149D0]  }
0x130: {  	v5 =	vld [tilespmem:s13+$0x149E8];
	v10 =	vadd.f32 v11, v8  }
0x131: {  	v7 =	vld [tilespmem:s13+$0x14A00]  }
0x132: {  	s14 =	sadd.s32 $0x300, s14;
	v8 =	vld [tilespmem:s13+$0x14A18];
	v10 =	vadd.f32 v10, v12  }
0x133: {  	v11 =	vld [tilespmem:s13+$0x14980]  }
0x134: {  	v12 =	vld [tilespmem:s13+$0x14998]  }
0x135: {  	v13 =	vld [tilespmem:s13+$0x149B0]  }
0x136: {  	v14 =	vld [tilespmem:s13+$0x149C8]  }
0x137: {  	v15 =	vld [tilespmem:s13+$0x149E0]  }
0x138: {  	v16 =	vld [tilespmem:s13+$0x149F8]  }
0x139: {  	v17 =	vld [tilespmem:s13+$0x14A10]  }
0x13a: {  	v18 =	vld [tilespmem:s13+$0x14A28]  }
0x13b: {  	v19 =	vld [tilespmem:s13+$0x14A30]  }
0x13c: {  	v2 =	vadd.f32 v3, v2  }
0x13d: {  	v9 =	vadd.f32 v10, v9;
	v3 =	vadd.f32 v6, v4  }
0x13e: {  	v4 =	vadd.f32 v12, v11;
	v6 =	vadd.f32 v14, v13  }
0x13f: {  	v10 =	vadd.f32 v16, v15;
	v11 =	vadd.f32 v18, v17  }
0x140: {  	v5 =	vadd.f32 v7, v5;
	v7 =	vadd.f32 v19, v8  }
0x141: {  	v4 =	vadd.f32 v6, v4;
	v6 =	vadd.f32 v11, v10  }
0x142: {  	v2 =	vadd.f32 v3, v2;
	v3 =	vadd.f32 v7, v5  }
0x143: {  	v0 =	vadd.f32 v9, v0;
	v4 =	vadd.f32 v6, v4  }
0x144: {  	v2 =	vadd.f32 v3, v2  }
0x145: {  	v0 =	vadd.f32 v4, v0  }
0x146: {  	v1 =	vadd.f32 v2, v1  }
0x147: {  	[tilespmem:s12+$0x1BA24] =	vst v0  }
0x148: {  	s14 =	simm.s32 $0x0;
	[tilespmem:s12+$0x1BA2C] =	vst v1  }
0x149: {  	v0 =	vld [tilespmem:s14+$0x15C48]  }
0x14a: {  	v1 =	vld [tilespmem:s14+$0x15C60]  }
0x14b: {  	v2 =	vld [tilespmem:s14+$0x15C78]  }
0x14c: {  	v3 =	vld [tilespmem:s14+$0x15C90]  }
0x14d: {  	v4 =	vld [tilespmem:s14+$0x15CA8]  }
0x14e: {  	v5 =	vld [tilespmem:s14+$0x15CC0]  }
0x14f: {  	v6 =	vld [tilespmem:s14+$0x15CD8]  }
0x150: {  	v7 =	vld [tilespmem:s14+$0x15CF0]  }
0x151: {  	v8 =	vld [tilespmem:s14+$0x15C40]  }
0x152: {  	v9 =	vld [tilespmem:s14+$0x15C58]  }
0x153: {  	v10 =	vld [tilespmem:s14+$0x15C70]  }
0x154: {  	v11 =	vld [tilespmem:s14+$0x15C88]  }
0x155: {  	v61 =	vld [tilespmem:s14+$0x15CA0]  }
0x156: {  	v62 =	vld [tilespmem:s14+$0x15CB8]  }
0x157: {  	v63 =	vld [tilespmem:s14+$0x15CD0];
	v0 =	vadd.f32 v1, v0;
	v1 =	vadd.f32 v3, v2  }
0x158: {  	s13 =	simm.s32 $0xC0;
	v3 =	vadd.f32 v5, v4;
	v4 =	vadd.f32 v7, v6;
	v7 =	vld [tilespmem:s14+$0x15CE8]  }
0x159: {  	v2 =	vld [tilespmem:s13+$0x15C48]  }
0x15a: {  	v8 =	vadd.f32 v9, v8;
	v6 =	vld [tilespmem:s13+$0x15C90]  }
0x15b: {  	v5 =	vld [tilespmem:s13+$0x15CA8];
	v0 =	vadd.f32 v1, v0;
	v1 =	vadd.f32 v4, v3  }
0x15c: {  	v9 =	vadd.f32 v11, v10;
	v10 =	vadd.f32 v62, v61;
	v3 =	vld [tilespmem:s13+$0x15C60]  }
0x15d: {  	v4 =	vld [tilespmem:s13+$0x15C78];
	v0 =	vadd.f32 v1, v0;
	v11 =	vadd.f32 v7, v63  }
0x15e: {  	v9 =	vadd.f32 v9, v8;
	v8 =	vld [tilespmem:s13+$0x15CD8];
	v1 =	vimm.f32 $0.0e+00  }
0x15f: {  	s14 =	simm.s32 $0x600;
	v7 =	vld [tilespmem:s13+$0x15CC0];
	v0 =	vadd.f32 v0, v1;
	v10 =	vadd.f32 v11, v10  }
.LBB2_16:
0x160: {  	p0 =	sne.s32 s14, $0x4800;
	v11 =	vld [tilespmem:s13+$0x15CF0]  }
0x161: {  	v12 =	vld [tilespmem:s13+$0x15C40];
	v9 =	vadd.f32 v10, v9  }
0x162: {  	v10 =	vld [tilespmem:s13+$0x15C58]  }
0x163: {  	v13 =	vld [tilespmem:s13+$0x15C70];
	v1 =	vadd.f32 v9, v1  }
0x164: {  	v2 =	vadd.f32 v3, v2;
	v3 =	vadd.f32 v6, v4;
	v9 =	vld [tilespmem:s13+$0x15C88]  }
0x165: {  	v4 =	vadd.f32 v7, v5;
	v6 =	vld [tilespmem:s13+$0x15CA0];
	v5 =	vadd.f32 v11, v8  }
0x166: {  	v7 =	vld [tilespmem:s13+$0x15CB8]  }
0x167: {  	v3 =	vadd.f32 v3, v2;
	v8 =	vld [tilespmem:s13+$0x15CD0];
	v4 =	vadd.f32 v5, v4  }
0x168: {  	v5 =	vadd.f32 v10, v12;
	v11 =	vld [tilespmem:s13+$0x15CE8];
	s13 =	sshra.s32 s14, $0x2  }
0x169: {  	v2 =	vld [tilespmem:s13+$0x15C48];
	v9 =	vadd.f32 v9, v13;
	v10 =	vadd.f32 v4, v3  }
0x16a: {  	v3 =	vld [tilespmem:s13+$0x15C60]  }
.Ltmp6:
0x16b: {  	v4 =	vld [tilespmem:s13+$0x15C78];
	v12 =	vadd.f32 v7, v6;
	v0 =	vadd.f32 v10, v0;
	(pc) =	sbr.rel @p0 .LBB2_16-.Ltmp6, $4  }
0x16c: {  	v9 =	vadd.f32 v9, v5;
	v6 =	vld [tilespmem:s13+$0x15C90]  }
0x16d: {  	v5 =	vld [tilespmem:s13+$0x15CA8];
	v10 =	vadd.f32 v11, v8  }
0x16e: {  	v7 =	vld [tilespmem:s13+$0x15CC0]  }
0x16f: {  	s14 =	sadd.s32 $0x300, s14;
	v8 =	vld [tilespmem:s13+$0x15CD8];
	v10 =	vadd.f32 v10, v12  }
0x170: {  	v11 =	vld [tilespmem:s13+$0x15C40]  }
0x171: {  	v12 =	vld [tilespmem:s13+$0x15C58]  }
0x172: {  	v13 =	vld [tilespmem:s13+$0x15C70]  }
0x173: {  	v14 =	vld [tilespmem:s13+$0x15C88]  }
0x174: {  	v15 =	vld [tilespmem:s13+$0x15CA0]  }
0x175: {  	v16 =	vld [tilespmem:s13+$0x15CB8]  }
0x176: {  	v17 =	vld [tilespmem:s13+$0x15CD0]  }
0x177: {  	v18 =	vld [tilespmem:s13+$0x15CE8]  }
0x178: {  	v19 =	vld [tilespmem:s13+$0x15CF0]  }
0x179: {  	v2 =	vadd.f32 v3, v2  }
0x17a: {  	v9 =	vadd.f32 v10, v9;
	v3 =	vadd.f32 v6, v4  }
0x17b: {  	v4 =	vadd.f32 v12, v11;
	v6 =	vadd.f32 v14, v13  }
0x17c: {  	v10 =	vadd.f32 v16, v15;
	v11 =	vadd.f32 v18, v17  }
0x17d: {  	v5 =	vadd.f32 v7, v5;
	v7 =	vadd.f32 v19, v8  }
0x17e: {  	v4 =	vadd.f32 v6, v4;
	v6 =	vadd.f32 v11, v10  }
0x17f: {  	v2 =	vadd.f32 v3, v2;
	v3 =	vadd.f32 v7, v5  }
0x180: {  	v1 =	vadd.f32 v9, v1;
	v4 =	vadd.f32 v6, v4  }
0x181: {  	p0 =	seq.s32 s10, $0x7;
	v2 =	vadd.f32 v3, v2  }
0x182: {  	s13 =	smul.u32 @!p0 $0x1900, s10;
	v1 =	vadd.f32 v4, v1  }
0x183: {  	v0 =	vadd.f32 v2, v0  }
0x184: {  	s13 =	sshra.s32 @!p0 s13, $0x2;
	[tilespmem:s12+$0x1BA36] =	vst v1  }
0x185: {  	s14 =	simm.s32 @!p0 $0x12400;
	[tilespmem:s12+$0x1BA3E] =	vst v0;
	s12 =	sadd.s32 @!p0 $0xF840, s13;
	s13 =	simm.s32 @!p0 $0x320  }
0x186: {  	[tilespmem:s14], [sflag:$0x1] =	stream.indirect.gather @!p0 [hbm4b:s4+s13], $0x18, s12, s13, $0xb8;
	[tilespmem:$0x1DE10] =	vst v63  }
0x187: {  	_ =	swait.ge [sflag:s1], $0x4B00  }
0x188: {  	[sflag:s1] =	ssyncset.done $0x0  }
0x189: {  	s14 =	simm.s32 $0x0;
	[sflag:s1] =	ssyncadd.s32 $0xFFFFB500  }
0x18a: {  	v0 =	vld [tilespmem:s14+$0x16F08]  }
0x18b: {  	v1 =	vld [tilespmem:s14+$0x16F20]  }
0x18c: {  	v2 =	vld [tilespmem:s14+$0x16F38]  }
0x18d: {  	v3 =	vld [tilespmem:s14+$0x16F50]  }
0x18e: {  	v4 =	vld [tilespmem:s14+$0x16F68]  }
0x18f: {  	v5 =	vld [tilespmem:s14+$0x16F80]  }
0x190: {  	v6 =	vld [tilespmem:s14+$0x16F98]  }
0x191: {  	v7 =	vld [tilespmem:s14+$0x16FB0]  }
0x192: {  	v8 =	vld [tilespmem:s14+$0x16F00]  }
0x193: {  	v9 =	vld [tilespmem:s14+$0x16F18]  }
0x194: {  	v10 =	vld [tilespmem:s14+$0x16F30]  }
0x195: {  	v11 =	vld [tilespmem:s14+$0x16F48]  }
0x196: {  	v61 =	vld [tilespmem:s14+$0x16F60]  }
0x197: {  	v62 =	vld [tilespmem:s14+$0x16F78]  }
0x198: {  	v63 =	vld [tilespmem:s14+$0x16F90];
	v0 =	vadd.f32 v1, v0;
	v1 =	vadd.f32 v3, v2  }
0x199: {  	s12 =	simm.s32 $0xC0;
	v3 =	vadd.f32 v5, v4;
	v4 =	vadd.f32 v7, v6;
	v7 =	vld [tilespmem:s14+$0x16FA8]  }
0x19a: {  	v2 =	vld [tilespmem:s12+$0x16F08]  }
0x19b: {  	v8 =	vadd.f32 v9, v8;
	v6 =	vld [tilespmem:s12+$0x16F50]  }
0x19c: {  	v5 =	vld [tilespmem:s12+$0x16F68];
	v0 =	vadd.f32 v1, v0;
	v1 =	vadd.f32 v4, v3  }
0x19d: {  	v9 =	vadd.f32 v11, v10;
	v10 =	vadd.f32 v62, v61;
	v3 =	vld [tilespmem:s12+$0x16F20]  }
0x19e: {  	v4 =	vld [tilespmem:s12+$0x16F38];
	v0 =	vadd.f32 v1, v0;
	v11 =	vadd.f32 v7, v63  }
0x19f: {  	v9 =	vadd.f32 v9, v8;
	v8 =	vld [tilespmem:s12+$0x16F98];
	v1 =	vimm.f32 $0.0e+00  }
0x1a0: {  	s13 =	simm.s32 $0x600;
	v7 =	vld [tilespmem:s12+$0x16F80];
	v0 =	vadd.f32 v0, v1;
	v10 =	vadd.f32 v11, v10  }
.LBB2_18:
0x1a1: {  	p0 =	sne.s32 s13, $0x4800;
	v11 =	vld [tilespmem:s12+$0x16FB0]  }
0x1a2: {  	v12 =	vld [tilespmem:s12+$0x16F00];
	v9 =	vadd.f32 v10, v9  }
0x1a3: {  	v10 =	vld [tilespmem:s12+$0x16F18]  }
0x1a4: {  	v13 =	vld [tilespmem:s12+$0x16F30];
	v1 =	vadd.f32 v9, v1  }
0x1a5: {  	v2 =	vadd.f32 v3, v2;
	v3 =	vadd.f32 v6, v4;
	v9 =	vld [tilespmem:s12+$0x16F48]  }
0x1a6: {  	v4 =	vadd.f32 v7, v5;
	v6 =	vld [tilespmem:s12+$0x16F60];
	v5 =	vadd.f32 v11, v8  }
0x1a7: {  	v7 =	vld [tilespmem:s12+$0x16F78]  }
0x1a8: {  	v3 =	vadd.f32 v3, v2;
	v8 =	vld [tilespmem:s12+$0x16F90];
	v4 =	vadd.f32 v5, v4  }
0x1a9: {  	v5 =	vadd.f32 v10, v12;
	v11 =	vld [tilespmem:s12+$0x16FA8];
	s12 =	sshra.s32 s13, $0x2  }
0x1aa: {  	v2 =	vld [tilespmem:s12+$0x16F08];
	v9 =	vadd.f32 v9, v13;
	v10 =	vadd.f32 v4, v3  }
0x1ab: {  	v3 =	vld [tilespmem:s12+$0x16F20]  }
.Ltmp7:
0x1ac: {  	v4 =	vld [tilespmem:s12+$0x16F38];
	v12 =	vadd.f32 v7, v6;
	v0 =	vadd.f32 v10, v0;
	(pc) =	sbr.rel @p0 .LBB2_18-.Ltmp7, $4  }
0x1ad: {  	v9 =	vadd.f32 v9, v5;
	v6 =	vld [tilespmem:s12+$0x16F50]  }
0x1ae: {  	v5 =	vld [tilespmem:s12+$0x16F68];
	v10 =	vadd.f32 v11, v8  }
0x1af: {  	v7 =	vld [tilespmem:s12+$0x16F80]  }
0x1b0: {  	s13 =	sadd.s32 $0x300, s13;
	v8 =	vld [tilespmem:s12+$0x16F98];
	v10 =	vadd.f32 v10, v12  }
0x1b1: {  	v11 =	vld [tilespmem:s12+$0x16F00]  }
0x1b2: {  	v12 =	vld [tilespmem:s12+$0x16F18]  }
0x1b3: {  	v13 =	vld [tilespmem:s12+$0x16F30]  }
0x1b4: {  	v14 =	vld [tilespmem:s12+$0x16F48]  }
0x1b5: {  	v15 =	vld [tilespmem:s12+$0x16F60]  }
0x1b6: {  	v16 =	vld [tilespmem:s12+$0x16F78]  }
0x1b7: {  	v17 =	vld [tilespmem:s12+$0x16F90]  }
0x1b8: {  	v18 =	vld [tilespmem:s12+$0x16FA8]  }
0x1b9: {  	v19 =	vld [tilespmem:s12+$0x16FB0]  }
0x1ba: {  	v2 =	vadd.f32 v3, v2  }
0x1bb: {  	v9 =	vadd.f32 v10, v9;
	v3 =	vadd.f32 v6, v4  }
0x1bc: {  	v4 =	vadd.f32 v12, v11;
	v6 =	vadd.f32 v14, v13  }
0x1bd: {  	v10 =	vadd.f32 v16, v15;
	v11 =	vadd.f32 v18, v17  }
0x1be: {  	v5 =	vadd.f32 v7, v5;
	v7 =	vadd.f32 v19, v8  }
0x1bf: {  	v4 =	vadd.f32 v6, v4;
	v6 =	vadd.f32 v11, v10  }
0x1c0: {  	s11 =	sshll.u32 s11, $0x2;
	v2 =	vadd.f32 v3, v2;
	v3 =	vadd.f32 v7, v5  }
0x1c1: {  	s11 =	sadd.s32 s9, s11;
	v1 =	vadd.f32 v9, v1;
	v4 =	vadd.f32 v6, v4  }
0x1c2: {  	s11 =	smul.u32 $0x48, s11;
	v2 =	vadd.f32 v3, v2  }
0x1c3: {  	v1 =	vadd.f32 v4, v1  }
0x1c4: {  	s11 =	sshra.s32 s11, $0x2;
	v0 =	vadd.f32 v2, v0  }
0x1c5: {  	[tilespmem:s11+$0x1BA00] =	vst v1  }
0x1c6: {  	s13 =	simm.s32 $0x0;
	[tilespmem:s11+$0x1BA08] =	vst v0  }
0x1c7: {  	v0 =	vld [tilespmem:s13+$0x181C8]  }
0x1c8: {  	v1 =	vld [tilespmem:s13+$0x181E0]  }
0x1c9: {  	v2 =	vld [tilespmem:s13+$0x181F8]  }
0x1ca: {  	v3 =	vld [tilespmem:s13+$0x18210]  }
0x1cb: {  	v4 =	vld [tilespmem:s13+$0x18228]  }
0x1cc: {  	v5 =	vld [tilespmem:s13+$0x18240]  }
0x1cd: {  	v6 =	vld [tilespmem:s13+$0x18258]  }
0x1ce: {  	v7 =	vld [tilespmem:s13+$0x18270]  }
0x1cf: {  	v8 =	vld [tilespmem:s13+$0x181C0]  }
0x1d0: {  	v9 =	vld [tilespmem:s13+$0x181D8]  }
0x1d1: {  	v10 =	vld [tilespmem:s13+$0x181F0]  }
0x1d2: {  	v11 =	vld [tilespmem:s13+$0x18208]  }
0x1d3: {  	v61 =	vld [tilespmem:s13+$0x18220]  }
0x1d4: {  	v62 =	vld [tilespmem:s13+$0x18238]  }
0x1d5: {  	v63 =	vld [tilespmem:s13+$0x18250];
	v0 =	vadd.f32 v1, v0;
	v1 =	vadd.f32 v3, v2  }
0x1d6: {  	s12 =	simm.s32 $0xC0;
	v3 =	vadd.f32 v5, v4;
	v4 =	vadd.f32 v7, v6;
	v7 =	vld [tilespmem:s13+$0x18268]  }
0x1d7: {  	v2 =	vld [tilespmem:s12+$0x181C8]  }
0x1d8: {  	v8 =	vadd.f32 v9, v8;
	v6 =	vld [tilespmem:s12+$0x18210]  }
0x1d9: {  	v5 =	vld [tilespmem:s12+$0x18228];
	v0 =	vadd.f32 v1, v0;
	v1 =	vadd.f32 v4, v3  }
0x1da: {  	v9 =	vadd.f32 v11, v10;
	v10 =	vadd.f32 v62, v61;
	v3 =	vld [tilespmem:s12+$0x181E0]  }
0x1db: {  	v4 =	vld [tilespmem:s12+$0x181F8];
	v1 =	vadd.f32 v1, v0;
	v11 =	vadd.f32 v7, v63  }
0x1dc: {  	v9 =	vadd.f32 v9, v8;
	v8 =	vld [tilespmem:s12+$0x18258];
	v0 =	vimm.f32 $0.0e+00  }
0x1dd: {  	s13 =	simm.s32 $0x600;
	v7 =	vld [tilespmem:s12+$0x18240];
	v1 =	vadd.f32 v1, v0;
	v10 =	vadd.f32 v11, v10  }
.LBB2_20:
0x1de: {  	p0 =	sne.s32 s13, $0x4800;
	v11 =	vld [tilespmem:s12+$0x18270]  }
0x1df: {  	v12 =	vld [tilespmem:s12+$0x181C0];
	v9 =	vadd.f32 v10, v9  }
0x1e0: {  	v10 =	vld [tilespmem:s12+$0x181D8]  }
0x1e1: {  	v13 =	vld [tilespmem:s12+$0x181F0];
	v0 =	vadd.f32 v9, v0  }
0x1e2: {  	v2 =	vadd.f32 v3, v2;
	v3 =	vadd.f32 v6, v4;
	v9 =	vld [tilespmem:s12+$0x18208]  }
0x1e3: {  	v4 =	vadd.f32 v7, v5;
	v6 =	vld [tilespmem:s12+$0x18220];
	v5 =	vadd.f32 v11, v8  }
0x1e4: {  	v7 =	vld [tilespmem:s12+$0x18238]  }
0x1e5: {  	v3 =	vadd.f32 v3, v2;
	v8 =	vld [tilespmem:s12+$0x18250];
	v4 =	vadd.f32 v5, v4  }
0x1e6: {  	v5 =	vadd.f32 v10, v12;
	v11 =	vld [tilespmem:s12+$0x18268];
	s12 =	sshra.s32 s13, $0x2  }
0x1e7: {  	v2 =	vld [tilespmem:s12+$0x181C8];
	v9 =	vadd.f32 v9, v13;
	v10 =	vadd.f32 v4, v3  }
0x1e8: {  	v3 =	vld [tilespmem:s12+$0x181E0]  }
.Ltmp8:
0x1e9: {  	v4 =	vld [tilespmem:s12+$0x181F8];
	v12 =	vadd.f32 v7, v6;
	v1 =	vadd.f32 v10, v1;
	(pc) =	sbr.rel @p0 .LBB2_20-.Ltmp8, $4  }
0x1ea: {  	v9 =	vadd.f32 v9, v5;
	v6 =	vld [tilespmem:s12+$0x18210]  }
0x1eb: {  	v5 =	vld [tilespmem:s12+$0x18228];
	v10 =	vadd.f32 v11, v8  }
0x1ec: {  	v7 =	vld [tilespmem:s12+$0x18240]  }
0x1ed: {  	s13 =	sadd.s32 $0x300, s13;
	v8 =	vld [tilespmem:s12+$0x18258];
	v10 =	vadd.f32 v10, v12  }
0x1ee: {  	v11 =	vld [tilespmem:s12+$0x181C0]  }
0x1ef: {  	v12 =	vld [tilespmem:s12+$0x181D8]  }
0x1f0: {  	v13 =	vld [tilespmem:s12+$0x181F0]  }
0x1f1: {  	v14 =	vld [tilespmem:s12+$0x18208]  }
0x1f2: {  	v15 =	vld [tilespmem:s12+$0x18220]  }
0x1f3: {  	v16 =	vld [tilespmem:s12+$0x18238]  }
0x1f4: {  	v17 =	vld [tilespmem:s12+$0x18250]  }
0x1f5: {  	v18 =	vld [tilespmem:s12+$0x18268]  }
0x1f6: {  	v19 =	vld [tilespmem:s12+$0x18270]  }
0x1f7: {  	v2 =	vadd.f32 v3, v2  }
0x1f8: {  	v9 =	vadd.f32 v10, v9;
	v3 =	vadd.f32 v6, v4  }
0x1f9: {  	v4 =	vadd.f32 v12, v11;
	v6 =	vadd.f32 v14, v13  }
0x1fa: {  	v10 =	vadd.f32 v16, v15;
	v11 =	vadd.f32 v18, v17  }
0x1fb: {  	v5 =	vadd.f32 v7, v5;
	v7 =	vadd.f32 v19, v8  }
0x1fc: {  	v4 =	vadd.f32 v6, v4;
	v6 =	vadd.f32 v11, v10  }
0x1fd: {  	v2 =	vadd.f32 v3, v2;
	v3 =	vadd.f32 v7, v5  }
0x1fe: {  	v0 =	vadd.f32 v9, v0;
	v4 =	vadd.f32 v6, v4  }
0x1ff: {  	v2 =	vadd.f32 v3, v2  }
0x200: {  	v0 =	vadd.f32 v4, v0  }
0x201: {  	v1 =	vadd.f32 v2, v1  }
0x202: {  	[tilespmem:s11+$0x1BA12] =	vst v0  }
0x203: {  	s13 =	simm.s32 $0x0;
	[tilespmem:s11+$0x1BA1A] =	vst v1  }
0x204: {  	v0 =	vld [tilespmem:s13+$0x19488]  }
0x205: {  	v1 =	vld [tilespmem:s13+$0x194A0]  }
0x206: {  	v2 =	vld [tilespmem:s13+$0x194B8]  }
0x207: {  	v3 =	vld [tilespmem:s13+$0x194D0]  }
0x208: {  	v4 =	vld [tilespmem:s13+$0x194E8]  }
0x209: {  	v5 =	vld [tilespmem:s13+$0x19500]  }
0x20a: {  	v6 =	vld [tilespmem:s13+$0x19518]  }
0x20b: {  	v7 =	vld [tilespmem:s13+$0x19530]  }
0x20c: {  	v8 =	vld [tilespmem:s13+$0x19480]  }
0x20d: {  	v9 =	vld [tilespmem:s13+$0x19498]  }
0x20e: {  	v10 =	vld [tilespmem:s13+$0x194B0]  }
0x20f: {  	v11 =	vld [tilespmem:s13+$0x194C8]  }
0x210: {  	v61 =	vld [tilespmem:s13+$0x194E0]  }
0x211: {  	v62 =	vld [tilespmem:s13+$0x194F8]  }
0x212: {  	v63 =	vld [tilespmem:s13+$0x19510];
	v0 =	vadd.f32 v1, v0;
	v1 =	vadd.f32 v3, v2  }
0x213: {  	s12 =	simm.s32 $0xC0;
	v3 =	vadd.f32 v5, v4;
	v4 =	vadd.f32 v7, v6;
	v7 =	vld [tilespmem:s13+$0x19528]  }
0x214: {  	v2 =	vld [tilespmem:s12+$0x19488]  }
0x215: {  	v8 =	vadd.f32 v9, v8;
	v6 =	vld [tilespmem:s12+$0x194D0]  }
0x216: {  	v5 =	vld [tilespmem:s12+$0x194E8];
	v0 =	vadd.f32 v1, v0;
	v1 =	vadd.f32 v4, v3  }
0x217: {  	v9 =	vadd.f32 v11, v10;
	v10 =	vadd.f32 v62, v61;
	v3 =	vld [tilespmem:s12+$0x194A0]  }
0x218: {  	v4 =	vld [tilespmem:s12+$0x194B8];
	v1 =	vadd.f32 v1, v0;
	v11 =	vadd.f32 v7, v63  }
0x219: {  	v9 =	vadd.f32 v9, v8;
	v8 =	vld [tilespmem:s12+$0x19518];
	v0 =	vimm.f32 $0.0e+00  }
0x21a: {  	s13 =	simm.s32 $0x600;
	v7 =	vld [tilespmem:s12+$0x19500];
	v1 =	vadd.f32 v1, v0;
	v10 =	vadd.f32 v11, v10  }
.LBB2_22:
0x21b: {  	p0 =	sne.s32 s13, $0x4800;
	v11 =	vld [tilespmem:s12+$0x19530]  }
0x21c: {  	v12 =	vld [tilespmem:s12+$0x19480];
	v9 =	vadd.f32 v10, v9  }
0x21d: {  	v10 =	vld [tilespmem:s12+$0x19498]  }
0x21e: {  	v13 =	vld [tilespmem:s12+$0x194B0];
	v0 =	vadd.f32 v9, v0  }
0x21f: {  	v2 =	vadd.f32 v3, v2;
	v3 =	vadd.f32 v6, v4;
	v9 =	vld [tilespmem:s12+$0x194C8]  }
0x220: {  	v4 =	vadd.f32 v7, v5;
	v6 =	vld [tilespmem:s12+$0x194E0];
	v5 =	vadd.f32 v11, v8  }
0x221: {  	v7 =	vld [tilespmem:s12+$0x194F8]  }
0x222: {  	v3 =	vadd.f32 v3, v2;
	v8 =	vld [tilespmem:s12+$0x19510];
	v4 =	vadd.f32 v5, v4  }
0x223: {  	v5 =	vadd.f32 v10, v12;
	v11 =	vld [tilespmem:s12+$0x19528];
	s12 =	sshra.s32 s13, $0x2  }
0x224: {  	v2 =	vld [tilespmem:s12+$0x19488];
	v9 =	vadd.f32 v9, v13;
	v10 =	vadd.f32 v4, v3  }
0x225: {  	v3 =	vld [tilespmem:s12+$0x194A0]  }
.Ltmp9:
0x226: {  	v4 =	vld [tilespmem:s12+$0x194B8];
	v12 =	vadd.f32 v7, v6;
	v1 =	vadd.f32 v10, v1;
	(pc) =	sbr.rel @p0 .LBB2_22-.Ltmp9, $4  }
0x227: {  	v9 =	vadd.f32 v9, v5;
	v6 =	vld [tilespmem:s12+$0x194D0]  }
0x228: {  	v5 =	vld [tilespmem:s12+$0x194E8];
	v10 =	vadd.f32 v11, v8  }
0x229: {  	v7 =	vld [tilespmem:s12+$0x19500]  }
0x22a: {  	s13 =	sadd.s32 $0x300, s13;
	v8 =	vld [tilespmem:s12+$0x19518];
	v10 =	vadd.f32 v10, v12  }
0x22b: {  	v11 =	vld [tilespmem:s12+$0x19480]  }
0x22c: {  	v12 =	vld [tilespmem:s12+$0x19498]  }
0x22d: {  	v13 =	vld [tilespmem:s12+$0x194B0]  }
0x22e: {  	v14 =	vld [tilespmem:s12+$0x194C8]  }
0x22f: {  	v15 =	vld [tilespmem:s12+$0x194E0]  }
0x230: {  	v16 =	vld [tilespmem:s12+$0x194F8]  }
0x231: {  	v17 =	vld [tilespmem:s12+$0x19510]  }
0x232: {  	v18 =	vld [tilespmem:s12+$0x19528]  }
0x233: {  	v19 =	vld [tilespmem:s12+$0x19530]  }
0x234: {  	v2 =	vadd.f32 v3, v2  }
0x235: {  	v9 =	vadd.f32 v10, v9;
	v3 =	vadd.f32 v6, v4  }
0x236: {  	v4 =	vadd.f32 v12, v11;
	v6 =	vadd.f32 v14, v13  }
0x237: {  	v10 =	vadd.f32 v16, v15;
	v11 =	vadd.f32 v18, v17  }
0x238: {  	v5 =	vadd.f32 v7, v5;
	v7 =	vadd.f32 v19, v8  }
0x239: {  	v4 =	vadd.f32 v6, v4;
	v6 =	vadd.f32 v11, v10  }
0x23a: {  	v2 =	vadd.f32 v3, v2;
	v3 =	vadd.f32 v7, v5  }
0x23b: {  	v0 =	vadd.f32 v9, v0;
	v4 =	vadd.f32 v6, v4  }
0x23c: {  	v2 =	vadd.f32 v3, v2  }
0x23d: {  	v0 =	vadd.f32 v4, v0  }
0x23e: {  	v1 =	vadd.f32 v2, v1  }
0x23f: {  	[tilespmem:s11+$0x1BA24] =	vst v0  }
0x240: {  	s13 =	simm.s32 $0x0;
	[tilespmem:s11+$0x1BA2C] =	vst v1  }
0x241: {  	v0 =	vld [tilespmem:s13+$0x1A748]  }
0x242: {  	v1 =	vld [tilespmem:s13+$0x1A760]  }
0x243: {  	v2 =	vld [tilespmem:s13+$0x1A778]  }
0x244: {  	v3 =	vld [tilespmem:s13+$0x1A790]  }
0x245: {  	v4 =	vld [tilespmem:s13+$0x1A7A8]  }
0x246: {  	v5 =	vld [tilespmem:s13+$0x1A7C0]  }
0x247: {  	v6 =	vld [tilespmem:s13+$0x1A7D8]  }
0x248: {  	v7 =	vld [tilespmem:s13+$0x1A7F0]  }
0x249: {  	v8 =	vld [tilespmem:s13+$0x1A740]  }
0x24a: {  	v9 =	vld [tilespmem:s13+$0x1A758]  }
0x24b: {  	v10 =	vld [tilespmem:s13+$0x1A770]  }
0x24c: {  	v11 =	vld [tilespmem:s13+$0x1A788]  }
0x24d: {  	v61 =	vld [tilespmem:s13+$0x1A7A0]  }
0x24e: {  	v62 =	vld [tilespmem:s13+$0x1A7B8]  }
0x24f: {  	v63 =	vld [tilespmem:s13+$0x1A7D0];
	v0 =	vadd.f32 v1, v0;
	v1 =	vadd.f32 v3, v2  }
0x250: {  	s12 =	simm.s32 $0xC0;
	v3 =	vadd.f32 v5, v4;
	v4 =	vadd.f32 v7, v6;
	v7 =	vld [tilespmem:s13+$0x1A7E8]  }
0x251: {  	v2 =	vld [tilespmem:s12+$0x1A748]  }
0x252: {  	v8 =	vadd.f32 v9, v8;
	v6 =	vld [tilespmem:s12+$0x1A790]  }
0x253: {  	v5 =	vld [tilespmem:s12+$0x1A7A8];
	v0 =	vadd.f32 v1, v0;
	v1 =	vadd.f32 v4, v3  }
0x254: {  	v9 =	vadd.f32 v11, v10;
	v10 =	vadd.f32 v62, v61;
	v3 =	vld [tilespmem:s12+$0x1A760]  }
0x255: {  	v4 =	vld [tilespmem:s12+$0x1A778];
	v1 =	vadd.f32 v1, v0;
	v11 =	vadd.f32 v7, v63  }
0x256: {  	v9 =	vadd.f32 v9, v8;
	v8 =	vld [tilespmem:s12+$0x1A7D8];
	v0 =	vimm.f32 $0.0e+00  }
0x257: {  	s13 =	simm.s32 $0x600;
	v7 =	vld [tilespmem:s12+$0x1A7C0];
	v1 =	vadd.f32 v1, v0;
	v10 =	vadd.f32 v11, v10  }
.LBB2_24:
0x258: {  	p0 =	sne.s32 s13, $0x4800;
	v11 =	vld [tilespmem:s12+$0x1A7F0]  }
0x259: {  	v12 =	vld [tilespmem:s12+$0x1A740];
	v9 =	vadd.f32 v10, v9  }
0x25a: {  	v10 =	vld [tilespmem:s12+$0x1A758]  }
0x25b: {  	v13 =	vld [tilespmem:s12+$0x1A770];
	v0 =	vadd.f32 v9, v0  }
0x25c: {  	v2 =	vadd.f32 v3, v2;
	v3 =	vadd.f32 v6, v4;
	v9 =	vld [tilespmem:s12+$0x1A788]  }
0x25d: {  	v4 =	vadd.f32 v7, v5;
	v6 =	vld [tilespmem:s12+$0x1A7A0];
	v5 =	vadd.f32 v11, v8  }
0x25e: {  	v7 =	vld [tilespmem:s12+$0x1A7B8]  }
0x25f: {  	v3 =	vadd.f32 v3, v2;
	v8 =	vld [tilespmem:s12+$0x1A7D0];
	v4 =	vadd.f32 v5, v4  }
0x260: {  	v5 =	vadd.f32 v10, v12;
	v11 =	vld [tilespmem:s12+$0x1A7E8];
	s12 =	sshra.s32 s13, $0x2  }
0x261: {  	v2 =	vld [tilespmem:s12+$0x1A748];
	v9 =	vadd.f32 v9, v13;
	v10 =	vadd.f32 v4, v3  }
0x262: {  	v3 =	vld [tilespmem:s12+$0x1A760]  }
.Ltmp10:
0x263: {  	v4 =	vld [tilespmem:s12+$0x1A778];
	v12 =	vadd.f32 v7, v6;
	v1 =	vadd.f32 v10, v1;
	(pc) =	sbr.rel @p0 .LBB2_24-.Ltmp10, $4  }
0x264: {  	v9 =	vadd.f32 v9, v5;
	v6 =	vld [tilespmem:s12+$0x1A790]  }
0x265: {  	v5 =	vld [tilespmem:s12+$0x1A7A8];
	v10 =	vadd.f32 v11, v8  }
0x266: {  	v7 =	vld [tilespmem:s12+$0x1A7C0]  }
0x267: {  	s13 =	sadd.s32 $0x300, s13;
	v8 =	vld [tilespmem:s12+$0x1A7D8];
	v10 =	vadd.f32 v10, v12  }
0x268: {  	v11 =	vld [tilespmem:s12+$0x1A740]  }
0x269: {  	v12 =	vld [tilespmem:s12+$0x1A758]  }
0x26a: {  	v13 =	vld [tilespmem:s12+$0x1A770]  }
0x26b: {  	v14 =	vld [tilespmem:s12+$0x1A788]  }
0x26c: {  	v15 =	vld [tilespmem:s12+$0x1A7A0]  }
0x26d: {  	v16 =	vld [tilespmem:s12+$0x1A7B8]  }
0x26e: {  	v17 =	vld [tilespmem:s12+$0x1A7D0]  }
0x26f: {  	v18 =	vld [tilespmem:s12+$0x1A7E8]  }
0x270: {  	v19 =	vld [tilespmem:s12+$0x1A7F0]  }
0x271: {  	v2 =	vadd.f32 v3, v2  }
0x272: {  	v9 =	vadd.f32 v10, v9;
	v56 =	vadd.f32 v6, v4  }
0x273: {  	v57 =	vadd.f32 v12, v11;
	v58 =	vadd.f32 v14, v13  }
0x274: {  	v59 =	vadd.f32 v16, v15;
	v60 =	vadd.f32 v18, v17  }
0x275: {  	v5 =	vadd.f32 v7, v5;
	v61 =	vadd.f32 v19, v8  }
0x276: {  	v4 =	vadd.f32 v58, v57;
	v62 =	vadd.f32 v60, v59  }
0x277: {  	s10 =	sadd.s32 $0x1, s10;
	v2 =	vadd.f32 v56, v2;
	v63 =	vadd.f32 v61, v5  }
0x278: {  	p0 =	sne.s32 s10, $0x8;
	v0 =	vadd.f32 v9, v0;
	v4 =	vadd.f32 v62, v4  }
.Ltmp11:
0x279: {  	v2 =	vadd.f32 v63, v2;
	(pc) =	sbr.rel @p0 .LBB2_9-.Ltmp11, $4  }
0x27a: {  	v0 =	vadd.f32 v4, v0  }
0x27b: {  	v1 =	vadd.f32 v2, v1  }
0x27c: {  	[tilespmem:s11+$0x1BA36] =	vst v0  }
0x27d: {  	[tilespmem:s11+$0x1BA3E] =	vst v1  }
0x27e: {  	s8 =	sadd.s32 $0x1, s8  }
0x27f: {  	p0 =	sne.s32 s8, $0x8  }
.Ltmp12:
0x280: {  	_ = 	snop;
	(pc) =	sbr.rel @p0 .LBB2_8-.Ltmp12, $1  }
0x281: {  	_ =	sdelay $0x3  }
0x282: {  	s3 =	simm.s32 $0x0  }
0x283: {  	[hbm4b:s18+s3] =	stream.linear.scatter [tilespmem:s26], [sflag:$0x3], $0x2400, $0x38;
	[tilespmem:$0x1DE10] =	vst v63  }
0x284: {  	_ =	swait.ge [sflag:s22], $0x2400  }
0x285: {  	[sflag:s22] =	ssyncset.done $0x0  }
0x286: {  	s8 =	simm.s32 $0x0;
	[sflag:s22] =	ssyncadd.s32 $0xFFFFDC00  }
.LBB2_28:
0x287: {  	s9 =	smul.u32 $0x3200, s8;
	_ =	sdelay $0x1  }
0x288: {  	s9 =	sadd.s32 s17, s9  }
0x289: {  	s9 =	sshrl.u32 s9, $0x3  }
0x28a: {  	s9 =	sadd.s32 s7, s9  }
0x28b: {  	[tilespmem:s28], [sflag:$0x3] =	stream.linear.gather [hbm4b:s9+s3], $0x3200, $0x38;
	[tilespmem:$0x1DE10] =	vst v63  }
0x28c: {  	_ =	swait.ge [sflag:s22], $0x3200  }
0x28d: {  	[sflag:s22] =	ssyncset.done $0x0  }
0x28e: {  	s10 =	simm.s32 $0x0;
	s9 =	sshll.u32 s8, $0x6;
	[sflag:s22] =	ssyncadd.s32 $0xFFFFCE00  }
0x28f: {  	[tilespmem:s31], [sflag:$0x1] =	stream.indirect.gather [hbm4b:s5+s30], $0x18, s28, s30, $0xb8;
	[tilespmem:$0x1DE10] =	vst v63  }
.LBB2_29:
0x290: {  	s11 =	sshllo.u32 s10, $0x1  }
0x291: {  	s12 =	smul.u32 $0xC80, s11;
	_ =	sdelay $0x1  }
0x292: {  	s12 =	sshra.s32 s12, $0x2  }
0x293: {  	s12 =	sadd.s32 $0xF200, s12  }
0x294: {  	[tilespmem:s0], [sflag:$0x2] =	stream.indirect.gather [hbm4b:s5+s30], $0x18, s12, s30, $0xb8;
	[tilespmem:$0x1DE10] =	vst v63  }
0x295: {  	_ =	swait.ge [sflag:s24], $0x4B00  }
0x296: {  	[sflag:s24] =	ssyncset.done $0x0  }
0x297: {  	s13 =	simm.s32 $0x0;
	[sflag:s24] =	ssyncadd.s32 $0xFFFFB500  }
0x298: {  	v0 =	vld [tilespmem:s13+$0x12408]  }
0x299: {  	v1 =	vld [tilespmem:s13+$0x12420]  }
0x29a: {  	v2 =	vld [tilespmem:s13+$0x12438]  }
0x29b: {  	v3 =	vld [tilespmem:s13+$0x12450]  }
0x29c: {  	v4 =	vld [tilespmem:s13+$0x12468]  }
0x29d: {  	v5 =	vld [tilespmem:s13+$0x12480]  }
0x29e: {  	v6 =	vld [tilespmem:s13+$0x12498]  }
0x29f: {  	v7 =	vld [tilespmem:s13+$0x124B0]  }
0x2a0: {  	v8 =	vld [tilespmem:s13+$0x12400]  }
0x2a1: {  	v9 =	vld [tilespmem:s13+$0x12418]  }
0x2a2: {  	v10 =	vld [tilespmem:s13+$0x12430]  }
0x2a3: {  	v11 =	vld [tilespmem:s13+$0x12448]  }
0x2a4: {  	v12 =	vld [tilespmem:s13+$0x12460]  }
0x2a5: {  	v13 =	vld [tilespmem:s13+$0x12478]  }
0x2a6: {  	v14 =	vld [tilespmem:s13+$0x12490];
	v0 =	vadd.f32 v1, v0;
	v1 =	vadd.f32 v3, v2  }
0x2a7: {  	s12 =	simm.s32 $0xC0;
	v3 =	vadd.f32 v5, v4;
	v4 =	vadd.f32 v7, v6;
	v7 =	vld [tilespmem:s13+$0x124A8]  }
0x2a8: {  	v2 =	vld [tilespmem:s12+$0x12408]  }
0x2a9: {  	v8 =	vadd.f32 v9, v8;
	v6 =	vld [tilespmem:s12+$0x12450]  }
0x2aa: {  	v5 =	vld [tilespmem:s12+$0x12468];
	v0 =	vadd.f32 v1, v0;
	v1 =	vadd.f32 v4, v3  }
0x2ab: {  	v9 =	vadd.f32 v11, v10;
	v10 =	vadd.f32 v13, v12;
	v3 =	vld [tilespmem:s12+$0x12420]  }
0x2ac: {  	v4 =	vld [tilespmem:s12+$0x12438];
	v0 =	vadd.f32 v1, v0;
	v11 =	vadd.f32 v7, v14  }
0x2ad: {  	v9 =	vadd.f32 v9, v8;
	v8 =	vld [tilespmem:s12+$0x12498];
	v1 =	vimm.f32 $0.0e+00  }
0x2ae: {  	s13 =	simm.s32 $0x600;
	v7 =	vld [tilespmem:s12+$0x12480];
	v0 =	vadd.f32 v0, v1;
	v10 =	vadd.f32 v11, v10  }
.LBB2_30:
0x2af: {  	p0 =	sne.s32 s13, $0x4800;
	v11 =	vld [tilespmem:s12+$0x124B0]  }
0x2b0: {  	v12 =	vld [tilespmem:s12+$0x12400];
	v9 =	vadd.f32 v10, v9  }
0x2b1: {  	v10 =	vld [tilespmem:s12+$0x12418]  }
0x2b2: {  	v13 =	vld [tilespmem:s12+$0x12430];
	v1 =	vadd.f32 v9, v1  }
0x2b3: {  	v2 =	vadd.f32 v3, v2;
	v3 =	vadd.f32 v6, v4;
	v9 =	vld [tilespmem:s12+$0x12448]  }
0x2b4: {  	v4 =	vadd.f32 v7, v5;
	v6 =	vld [tilespmem:s12+$0x12460];
	v5 =	vadd.f32 v11, v8  }
0x2b5: {  	v7 =	vld [tilespmem:s12+$0x12478]  }
0x2b6: {  	v3 =	vadd.f32 v3, v2;
	v8 =	vld [tilespmem:s12+$0x12490];
	v4 =	vadd.f32 v5, v4  }
0x2b7: {  	v5 =	vadd.f32 v10, v12;
	v11 =	vld [tilespmem:s12+$0x124A8];
	s12 =	sshra.s32 s13, $0x2  }
0x2b8: {  	v2 =	vld [tilespmem:s12+$0x12408];
	v9 =	vadd.f32 v9, v13;
	v10 =	vadd.f32 v4, v3  }
0x2b9: {  	v3 =	vld [tilespmem:s12+$0x12420]  }
.Ltmp13:
0x2ba: {  	v4 =	vld [tilespmem:s12+$0x12438];
	v12 =	vadd.f32 v7, v6;
	v0 =	vadd.f32 v10, v0;
	(pc) =	sbr.rel @p0 .LBB2_30-.Ltmp13, $4  }
0x2bb: {  	v9 =	vadd.f32 v9, v5;
	v6 =	vld [tilespmem:s12+$0x12450]  }
0x2bc: {  	v5 =	vld [tilespmem:s12+$0x12468];
	v10 =	vadd.f32 v11, v8  }
0x2bd: {  	v7 =	vld [tilespmem:s12+$0x12480]  }
0x2be: {  	s13 =	sadd.s32 $0x300, s13;
	v8 =	vld [tilespmem:s12+$0x12498];
	v10 =	vadd.f32 v10, v12  }
0x2bf: {  	v11 =	vld [tilespmem:s12+$0x12400]  }
0x2c0: {  	v12 =	vld [tilespmem:s12+$0x12418]  }
0x2c1: {  	v13 =	vld [tilespmem:s12+$0x12430]  }
0x2c2: {  	v14 =	vld [tilespmem:s12+$0x12448]  }
0x2c3: {  	v15 =	vld [tilespmem:s12+$0x12460]  }
0x2c4: {  	v16 =	vld [tilespmem:s12+$0x12478]  }
0x2c5: {  	v17 =	vld [tilespmem:s12+$0x12490]  }
0x2c6: {  	v18 =	vld [tilespmem:s12+$0x124A8]  }
0x2c7: {  	v19 =	vld [tilespmem:s12+$0x124B0]  }
0x2c8: {  	v2 =	vadd.f32 v3, v2  }
0x2c9: {  	v9 =	vadd.f32 v10, v9;
	v3 =	vadd.f32 v6, v4  }
0x2ca: {  	v4 =	vadd.f32 v12, v11;
	v6 =	vadd.f32 v14, v13  }
0x2cb: {  	v10 =	vadd.f32 v16, v15;
	v11 =	vadd.f32 v18, v17  }
0x2cc: {  	v5 =	vadd.f32 v7, v5;
	v7 =	vadd.f32 v19, v8  }
0x2cd: {  	v4 =	vadd.f32 v6, v4;
	v6 =	vadd.f32 v11, v10  }
0x2ce: {  	s14 =	sshll.u32 s10, $0x3;
	v2 =	vadd.f32 v3, v2;
	v3 =	vadd.f32 v7, v5  }
0x2cf: {  	s12 =	sadd.s32 s9, s14;
	v1 =	vadd.f32 v9, v1;
	v4 =	vadd.f32 v6, v4  }
0x2d0: {  	s12 =	smul.u32 $0x48, s12;
	v2 =	vadd.f32 v3, v2  }
0x2d1: {  	v1 =	vadd.f32 v4, v1  }
0x2d2: {  	s12 =	sshra.s32 s12, $0x2;
	v0 =	vadd.f32 v2, v0  }
0x2d3: {  	[tilespmem:s12+$0x1BA00] =	vst v1  }
0x2d4: {  	s14 =	simm.s32 $0x0;
	[tilespmem:s12+$0x1BA08] =	vst v0  }
0x2d5: {  	v0 =	vld [tilespmem:s14+$0x136C8]  }
0x2d6: {  	v1 =	vld [tilespmem:s14+$0x136E0]  }
0x2d7: {  	v2 =	vld [tilespmem:s14+$0x136F8]  }
0x2d8: {  	v3 =	vld [tilespmem:s14+$0x13710]  }
0x2d9: {  	v4 =	vld [tilespmem:s14+$0x13728]  }
0x2da: {  	v5 =	vld [tilespmem:s14+$0x13740]  }
0x2db: {  	v6 =	vld [tilespmem:s14+$0x13758]  }
0x2dc: {  	v7 =	vld [tilespmem:s14+$0x13770]  }
0x2dd: {  	v8 =	vld [tilespmem:s14+$0x136C0]  }
0x2de: {  	v9 =	vld [tilespmem:s14+$0x136D8]  }
0x2df: {  	v10 =	vld [tilespmem:s14+$0x136F0]  }
0x2e0: {  	v11 =	vld [tilespmem:s14+$0x13708]  }
0x2e1: {  	v61 =	vld [tilespmem:s14+$0x13720]  }
0x2e2: {  	v62 =	vld [tilespmem:s14+$0x13738]  }
0x2e3: {  	v63 =	vld [tilespmem:s14+$0x13750];
	v0 =	vadd.f32 v1, v0;
	v1 =	vadd.f32 v3, v2  }
0x2e4: {  	s13 =	simm.s32 $0xC0;
	v3 =	vadd.f32 v5, v4;
	v4 =	vadd.f32 v7, v6;
	v7 =	vld [tilespmem:s14+$0x13768]  }
0x2e5: {  	v2 =	vld [tilespmem:s13+$0x136C8]  }
0x2e6: {  	v8 =	vadd.f32 v9, v8;
	v6 =	vld [tilespmem:s13+$0x13710]  }
0x2e7: {  	v5 =	vld [tilespmem:s13+$0x13728];
	v0 =	vadd.f32 v1, v0;
	v1 =	vadd.f32 v4, v3  }
0x2e8: {  	v9 =	vadd.f32 v11, v10;
	v10 =	vadd.f32 v62, v61;
	v3 =	vld [tilespmem:s13+$0x136E0]  }
0x2e9: {  	v4 =	vld [tilespmem:s13+$0x136F8];
	v1 =	vadd.f32 v1, v0;
	v11 =	vadd.f32 v7, v63  }
0x2ea: {  	v9 =	vadd.f32 v9, v8;
	v8 =	vld [tilespmem:s13+$0x13758];
	v0 =	vimm.f32 $0.0e+00  }
0x2eb: {  	s14 =	simm.s32 $0x600;
	v7 =	vld [tilespmem:s13+$0x13740];
	v1 =	vadd.f32 v1, v0;
	v10 =	vadd.f32 v11, v10  }
.LBB2_32:
0x2ec: {  	p0 =	sne.s32 s14, $0x4800;
	v11 =	vld [tilespmem:s13+$0x13770]  }
0x2ed: {  	v12 =	vld [tilespmem:s13+$0x136C0];
	v9 =	vadd.f32 v10, v9  }
0x2ee: {  	v10 =	vld [tilespmem:s13+$0x136D8]  }
0x2ef: {  	v13 =	vld [tilespmem:s13+$0x136F0];
	v0 =	vadd.f32 v9, v0  }
0x2f0: {  	v2 =	vadd.f32 v3, v2;
	v3 =	vadd.f32 v6, v4;
	v9 =	vld [tilespmem:s13+$0x13708]  }
0x2f1: {  	v4 =	vadd.f32 v7, v5;
	v6 =	vld [tilespmem:s13+$0x13720];
	v5 =	vadd.f32 v11, v8  }
0x2f2: {  	v7 =	vld [tilespmem:s13+$0x13738]  }
0x2f3: {  	v3 =	vadd.f32 v3, v2;
	v8 =	vld [tilespmem:s13+$0x13750];
	v4 =	vadd.f32 v5, v4  }
0x2f4: {  	v5 =	vadd.f32 v10, v12;
	v11 =	vld [tilespmem:s13+$0x13768];
	s13 =	sshra.s32 s14, $0x2  }
0x2f5: {  	v2 =	vld [tilespmem:s13+$0x136C8];
	v9 =	vadd.f32 v9, v13;
	v10 =	vadd.f32 v4, v3  }
0x2f6: {  	v3 =	vld [tilespmem:s13+$0x136E0]  }
.Ltmp14:
0x2f7: {  	v4 =	vld [tilespmem:s13+$0x136F8];
	v12 =	vadd.f32 v7, v6;
	v1 =	vadd.f32 v10, v1;
	(pc) =	sbr.rel @p0 .LBB2_32-.Ltmp14, $4  }
0x2f8: {  	v9 =	vadd.f32 v9, v5;
	v6 =	vld [tilespmem:s13+$0x13710]  }
0x2f9: {  	v5 =	vld [tilespmem:s13+$0x13728];
	v10 =	vadd.f32 v11, v8  }
0x2fa: {  	v7 =	vld [tilespmem:s13+$0x13740]  }
0x2fb: {  	s14 =	sadd.s32 $0x300, s14;
	v8 =	vld [tilespmem:s13+$0x13758];
	v10 =	vadd.f32 v10, v12  }
0x2fc: {  	v11 =	vld [tilespmem:s13+$0x136C0]  }
0x2fd: {  	v12 =	vld [tilespmem:s13+$0x136D8]  }
0x2fe: {  	v13 =	vld [tilespmem:s13+$0x136F0]  }
0x2ff: {  	v14 =	vld [tilespmem:s13+$0x13708]  }
0x300: {  	v15 =	vld [tilespmem:s13+$0x13720]  }
0x301: {  	v16 =	vld [tilespmem:s13+$0x13738]  }
0x302: {  	v17 =	vld [tilespmem:s13+$0x13750]  }
0x303: {  	v18 =	vld [tilespmem:s13+$0x13768]  }
0x304: {  	v19 =	vld [tilespmem:s13+$0x13770]  }
0x305: {  	v2 =	vadd.f32 v3, v2  }
0x306: {  	v9 =	vadd.f32 v10, v9;
	v3 =	vadd.f32 v6, v4  }
0x307: {  	v4 =	vadd.f32 v12, v11;
	v6 =	vadd.f32 v14, v13  }
0x308: {  	v10 =	vadd.f32 v16, v15;
	v11 =	vadd.f32 v18, v17  }
0x309: {  	v5 =	vadd.f32 v7, v5;
	v7 =	vadd.f32 v19, v8  }
0x30a: {  	v4 =	vadd.f32 v6, v4;
	v6 =	vadd.f32 v11, v10  }
0x30b: {  	v2 =	vadd.f32 v3, v2;
	v3 =	vadd.f32 v7, v5  }
0x30c: {  	v0 =	vadd.f32 v9, v0;
	v4 =	vadd.f32 v6, v4  }
0x30d: {  	v2 =	vadd.f32 v3, v2  }
0x30e: {  	v0 =	vadd.f32 v4, v0  }
0x30f: {  	v1 =	vadd.f32 v2, v1  }
0x310: {  	[tilespmem:s12+$0x1BA12] =	vst v0  }
0x311: {  	s14 =	simm.s32 $0x0;
	[tilespmem:s12+$0x1BA1A] =	vst v1  }
0x312: {  	v0 =	vld [tilespmem:s14+$0x14988]  }
0x313: {  	v1 =	vld [tilespmem:s14+$0x149A0]  }
0x314: {  	v2 =	vld [tilespmem:s14+$0x149B8]  }
0x315: {  	v3 =	vld [tilespmem:s14+$0x149D0]  }
0x316: {  	v4 =	vld [tilespmem:s14+$0x149E8]  }
0x317: {  	v5 =	vld [tilespmem:s14+$0x14A00]  }
0x318: {  	v6 =	vld [tilespmem:s14+$0x14A18]  }
0x319: {  	v7 =	vld [tilespmem:s14+$0x14A30]  }
0x31a: {  	v8 =	vld [tilespmem:s14+$0x14980]  }
0x31b: {  	v9 =	vld [tilespmem:s14+$0x14998]  }
0x31c: {  	v10 =	vld [tilespmem:s14+$0x149B0]  }
0x31d: {  	v11 =	vld [tilespmem:s14+$0x149C8]  }
0x31e: {  	v61 =	vld [tilespmem:s14+$0x149E0]  }
0x31f: {  	v62 =	vld [tilespmem:s14+$0x149F8]  }
0x320: {  	v63 =	vld [tilespmem:s14+$0x14A10];
	v0 =	vadd.f32 v1, v0;
	v1 =	vadd.f32 v3, v2  }
0x321: {  	s13 =	simm.s32 $0xC0;
	v3 =	vadd.f32 v5, v4;
	v4 =	vadd.f32 v7, v6;
	v7 =	vld [tilespmem:s14+$0x14A28]  }
0x322: {  	v2 =	vld [tilespmem:s13+$0x14988]  }
0x323: {  	v8 =	vadd.f32 v9, v8;
	v6 =	vld [tilespmem:s13+$0x149D0]  }
0x324: {  	v5 =	vld [tilespmem:s13+$0x149E8];
	v0 =	vadd.f32 v1, v0;
	v1 =	vadd.f32 v4, v3  }
0x325: {  	v9 =	vadd.f32 v11, v10;
	v10 =	vadd.f32 v62, v61;
	v3 =	vld [tilespmem:s13+$0x149A0]  }
0x326: {  	v4 =	vld [tilespmem:s13+$0x149B8];
	v1 =	vadd.f32 v1, v0;
	v11 =	vadd.f32 v7, v63  }
0x327: {  	v9 =	vadd.f32 v9, v8;
	v8 =	vld [tilespmem:s13+$0x14A18];
	v0 =	vimm.f32 $0.0e+00  }
0x328: {  	s14 =	simm.s32 $0x600;
	v7 =	vld [tilespmem:s13+$0x14A00];
	v1 =	vadd.f32 v1, v0;
	v10 =	vadd.f32 v11, v10  }
.LBB2_34:
0x329: {  	p0 =	sne.s32 s14, $0x4800;
	v11 =	vld [tilespmem:s13+$0x14A30]  }
0x32a: {  	v12 =	vld [tilespmem:s13+$0x14980];
	v9 =	vadd.f32 v10, v9  }
0x32b: {  	v10 =	vld [tilespmem:s13+$0x14998]  }
0x32c: {  	v13 =	vld [tilespmem:s13+$0x149B0];
	v0 =	vadd.f32 v9, v0  }
0x32d: {  	v2 =	vadd.f32 v3, v2;
	v3 =	vadd.f32 v6, v4;
	v9 =	vld [tilespmem:s13+$0x149C8]  }
0x32e: {  	v4 =	vadd.f32 v7, v5;
	v6 =	vld [tilespmem:s13+$0x149E0];
	v5 =	vadd.f32 v11, v8  }
0x32f: {  	v7 =	vld [tilespmem:s13+$0x149F8]  }
0x330: {  	v3 =	vadd.f32 v3, v2;
	v8 =	vld [tilespmem:s13+$0x14A10];
	v4 =	vadd.f32 v5, v4  }
0x331: {  	v5 =	vadd.f32 v10, v12;
	v11 =	vld [tilespmem:s13+$0x14A28];
	s13 =	sshra.s32 s14, $0x2  }
0x332: {  	v2 =	vld [tilespmem:s13+$0x14988];
	v9 =	vadd.f32 v9, v13;
	v10 =	vadd.f32 v4, v3  }
0x333: {  	v3 =	vld [tilespmem:s13+$0x149A0]  }
.Ltmp15:
0x334: {  	v4 =	vld [tilespmem:s13+$0x149B8];
	v12 =	vadd.f32 v7, v6;
	v1 =	vadd.f32 v10, v1;
	(pc) =	sbr.rel @p0 .LBB2_34-.Ltmp15, $4  }
0x335: {  	v9 =	vadd.f32 v9, v5;
	v6 =	vld [tilespmem:s13+$0x149D0]  }
0x336: {  	v5 =	vld [tilespmem:s13+$0x149E8];
	v10 =	vadd.f32 v11, v8  }
0x337: {  	v7 =	vld [tilespmem:s13+$0x14A00]  }
0x338: {  	s14 =	sadd.s32 $0x300, s14;
	v8 =	vld [tilespmem:s13+$0x14A18];
	v10 =	vadd.f32 v10, v12  }
0x339: {  	v11 =	vld [tilespmem:s13+$0x14980]  }
0x33a: {  	v12 =	vld [tilespmem:s13+$0x14998]  }
0x33b: {  	v13 =	vld [tilespmem:s13+$0x149B0]  }
0x33c: {  	v14 =	vld [tilespmem:s13+$0x149C8]  }
0x33d: {  	v15 =	vld [tilespmem:s13+$0x149E0]  }
0x33e: {  	v16 =	vld [tilespmem:s13+$0x149F8]  }
0x33f: {  	v17 =	vld [tilespmem:s13+$0x14A10]  }
0x340: {  	v18 =	vld [tilespmem:s13+$0x14A28]  }
0x341: {  	v19 =	vld [tilespmem:s13+$0x14A30]  }
0x342: {  	v2 =	vadd.f32 v3, v2  }
0x343: {  	v9 =	vadd.f32 v10, v9;
	v3 =	vadd.f32 v6, v4  }
0x344: {  	v4 =	vadd.f32 v12, v11;
	v6 =	vadd.f32 v14, v13  }
0x345: {  	v10 =	vadd.f32 v16, v15;
	v11 =	vadd.f32 v18, v17  }
0x346: {  	v5 =	vadd.f32 v7, v5;
	v7 =	vadd.f32 v19, v8  }
0x347: {  	v4 =	vadd.f32 v6, v4;
	v6 =	vadd.f32 v11, v10  }
0x348: {  	v2 =	vadd.f32 v3, v2;
	v3 =	vadd.f32 v7, v5  }
0x349: {  	v0 =	vadd.f32 v9, v0;
	v4 =	vadd.f32 v6, v4  }
0x34a: {  	v2 =	vadd.f32 v3, v2  }
0x34b: {  	v0 =	vadd.f32 v4, v0  }
0x34c: {  	v1 =	vadd.f32 v2, v1  }
0x34d: {  	[tilespmem:s12+$0x1BA24] =	vst v0  }
0x34e: {  	s14 =	simm.s32 $0x0;
	[tilespmem:s12+$0x1BA2C] =	vst v1  }
0x34f: {  	v0 =	vld [tilespmem:s14+$0x15C48]  }
0x350: {  	v1 =	vld [tilespmem:s14+$0x15C60]  }
0x351: {  	v2 =	vld [tilespmem:s14+$0x15C78]  }
0x352: {  	v3 =	vld [tilespmem:s14+$0x15C90]  }
0x353: {  	v4 =	vld [tilespmem:s14+$0x15CA8]  }
0x354: {  	v5 =	vld [tilespmem:s14+$0x15CC0]  }
0x355: {  	v6 =	vld [tilespmem:s14+$0x15CD8]  }
0x356: {  	v7 =	vld [tilespmem:s14+$0x15CF0]  }
0x357: {  	v8 =	vld [tilespmem:s14+$0x15C40]  }
0x358: {  	v9 =	vld [tilespmem:s14+$0x15C58]  }
0x359: {  	v10 =	vld [tilespmem:s14+$0x15C70]  }
0x35a: {  	v11 =	vld [tilespmem:s14+$0x15C88]  }
0x35b: {  	v61 =	vld [tilespmem:s14+$0x15CA0]  }
0x35c: {  	v62 =	vld [tilespmem:s14+$0x15CB8]  }
0x35d: {  	v63 =	vld [tilespmem:s14+$0x15CD0];
	v0 =	vadd.f32 v1, v0;
	v1 =	vadd.f32 v3, v2  }
0x35e: {  	s13 =	simm.s32 $0xC0;
	v3 =	vadd.f32 v5, v4;
	v4 =	vadd.f32 v7, v6;
	v7 =	vld [tilespmem:s14+$0x15CE8]  }
0x35f: {  	v2 =	vld [tilespmem:s13+$0x15C48]  }
0x360: {  	v8 =	vadd.f32 v9, v8;
	v6 =	vld [tilespmem:s13+$0x15C90]  }
0x361: {  	v5 =	vld [tilespmem:s13+$0x15CA8];
	v0 =	vadd.f32 v1, v0;
	v1 =	vadd.f32 v4, v3  }
0x362: {  	v9 =	vadd.f32 v11, v10;
	v10 =	vadd.f32 v62, v61;
	v3 =	vld [tilespmem:s13+$0x15C60]  }
0x363: {  	v4 =	vld [tilespmem:s13+$0x15C78];
	v0 =	vadd.f32 v1, v0;
	v11 =	vadd.f32 v7, v63  }
0x364: {  	v9 =	vadd.f32 v9, v8;
	v8 =	vld [tilespmem:s13+$0x15CD8];
	v1 =	vimm.f32 $0.0e+00  }
0x365: {  	s14 =	simm.s32 $0x600;
	v7 =	vld [tilespmem:s13+$0x15CC0];
	v0 =	vadd.f32 v0, v1;
	v10 =	vadd.f32 v11, v10  }
.LBB2_36:
0x366: {  	p0 =	sne.s32 s14, $0x4800;
	v11 =	vld [tilespmem:s13+$0x15CF0]  }
0x367: {  	v12 =	vld [tilespmem:s13+$0x15C40];
	v9 =	vadd.f32 v10, v9  }
0x368: {  	v10 =	vld [tilespmem:s13+$0x15C58]  }
0x369: {  	v13 =	vld [tilespmem:s13+$0x15C70];
	v1 =	vadd.f32 v9, v1  }
0x36a: {  	v2 =	vadd.f32 v3, v2;
	v3 =	vadd.f32 v6, v4;
	v9 =	vld [tilespmem:s13+$0x15C88]  }
0x36b: {  	v4 =	vadd.f32 v7, v5;
	v6 =	vld [tilespmem:s13+$0x15CA0];
	v5 =	vadd.f32 v11, v8  }
0x36c: {  	v7 =	vld [tilespmem:s13+$0x15CB8]  }
0x36d: {  	v3 =	vadd.f32 v3, v2;
	v8 =	vld [tilespmem:s13+$0x15CD0];
	v4 =	vadd.f32 v5, v4  }
0x36e: {  	v5 =	vadd.f32 v10, v12;
	v11 =	vld [tilespmem:s13+$0x15CE8];
	s13 =	sshra.s32 s14, $0x2  }
0x36f: {  	v2 =	vld [tilespmem:s13+$0x15C48];
	v9 =	vadd.f32 v9, v13;
	v10 =	vadd.f32 v4, v3  }
0x370: {  	v3 =	vld [tilespmem:s13+$0x15C60]  }
.Ltmp16:
0x371: {  	v4 =	vld [tilespmem:s13+$0x15C78];
	v12 =	vadd.f32 v7, v6;
	v0 =	vadd.f32 v10, v0;
	(pc) =	sbr.rel @p0 .LBB2_36-.Ltmp16, $4  }
0x372: {  	v9 =	vadd.f32 v9, v5;
	v6 =	vld [tilespmem:s13+$0x15C90]  }
0x373: {  	v5 =	vld [tilespmem:s13+$0x15CA8];
	v10 =	vadd.f32 v11, v8  }
0x374: {  	v7 =	vld [tilespmem:s13+$0x15CC0]  }
0x375: {  	s14 =	sadd.s32 $0x300, s14;
	v8 =	vld [tilespmem:s13+$0x15CD8];
	v10 =	vadd.f32 v10, v12  }
0x376: {  	v11 =	vld [tilespmem:s13+$0x15C40]  }
0x377: {  	v12 =	vld [tilespmem:s13+$0x15C58]  }
0x378: {  	v13 =	vld [tilespmem:s13+$0x15C70]  }
0x379: {  	v14 =	vld [tilespmem:s13+$0x15C88]  }
0x37a: {  	v15 =	vld [tilespmem:s13+$0x15CA0]  }
0x37b: {  	v16 =	vld [tilespmem:s13+$0x15CB8]  }
0x37c: {  	v17 =	vld [tilespmem:s13+$0x15CD0]  }
0x37d: {  	v18 =	vld [tilespmem:s13+$0x15CE8]  }
0x37e: {  	v19 =	vld [tilespmem:s13+$0x15CF0]  }
0x37f: {  	v2 =	vadd.f32 v3, v2  }
0x380: {  	v9 =	vadd.f32 v10, v9;
	v3 =	vadd.f32 v6, v4  }
0x381: {  	v4 =	vadd.f32 v12, v11;
	v6 =	vadd.f32 v14, v13  }
0x382: {  	v10 =	vadd.f32 v16, v15;
	v11 =	vadd.f32 v18, v17  }
0x383: {  	v5 =	vadd.f32 v7, v5;
	v7 =	vadd.f32 v19, v8  }
0x384: {  	v4 =	vadd.f32 v6, v4;
	v6 =	vadd.f32 v11, v10  }
0x385: {  	v2 =	vadd.f32 v3, v2;
	v3 =	vadd.f32 v7, v5  }
0x386: {  	v1 =	vadd.f32 v9, v1;
	v4 =	vadd.f32 v6, v4  }
0x387: {  	p0 =	seq.s32 s10, $0x7;
	v2 =	vadd.f32 v3, v2  }
0x388: {  	s13 =	smul.u32 @!p0 $0x1900, s10;
	v1 =	vadd.f32 v4, v1  }
0x389: {  	v0 =	vadd.f32 v2, v0  }
0x38a: {  	s13 =	sshra.s32 @!p0 s13, $0x2;
	[tilespmem:s12+$0x1BA36] =	vst v1  }
0x38b: {  	s14 =	simm.s32 @!p0 $0x12400;
	[tilespmem:s12+$0x1BA3E] =	vst v0;
	s12 =	sadd.s32 @!p0 $0xF840, s13;
	s13 =	simm.s32 @!p0 $0x320  }
0x38c: {  	[tilespmem:s14], [sflag:$0x1] =	stream.indirect.gather @!p0 [hbm4b:s5+s13], $0x18, s12, s13, $0xb8;
	[tilespmem:$0x1DE10] =	vst v63  }
0x38d: {  	_ =	swait.ge [sflag:s1], $0x4B00  }
0x38e: {  	[sflag:s1] =	ssyncset.done $0x0  }
0x38f: {  	s14 =	simm.s32 $0x0;
	[sflag:s1] =	ssyncadd.s32 $0xFFFFB500  }
0x390: {  	v0 =	vld [tilespmem:s14+$0x16F08]  }
0x391: {  	v1 =	vld [tilespmem:s14+$0x16F20]  }
0x392: {  	v2 =	vld [tilespmem:s14+$0x16F38]  }
0x393: {  	v3 =	vld [tilespmem:s14+$0x16F50]  }
0x394: {  	v4 =	vld [tilespmem:s14+$0x16F68]  }
0x395: {  	v5 =	vld [tilespmem:s14+$0x16F80]  }
0x396: {  	v6 =	vld [tilespmem:s14+$0x16F98]  }
0x397: {  	v7 =	vld [tilespmem:s14+$0x16FB0]  }
0x398: {  	v8 =	vld [tilespmem:s14+$0x16F00]  }
0x399: {  	v9 =	vld [tilespmem:s14+$0x16F18]  }
0x39a: {  	v10 =	vld [tilespmem:s14+$0x16F30]  }
0x39b: {  	v11 =	vld [tilespmem:s14+$0x16F48]  }
0x39c: {  	v61 =	vld [tilespmem:s14+$0x16F60]  }
0x39d: {  	v62 =	vld [tilespmem:s14+$0x16F78]  }
0x39e: {  	v63 =	vld [tilespmem:s14+$0x16F90];
	v0 =	vadd.f32 v1, v0;
	v1 =	vadd.f32 v3, v2  }
0x39f: {  	s12 =	simm.s32 $0xC0;
	v3 =	vadd.f32 v5, v4;
	v4 =	vadd.f32 v7, v6;
	v7 =	vld [tilespmem:s14+$0x16FA8]  }
0x3a0: {  	v2 =	vld [tilespmem:s12+$0x16F08]  }
0x3a1: {  	v8 =	vadd.f32 v9, v8;
	v6 =	vld [tilespmem:s12+$0x16F50]  }
0x3a2: {  	v5 =	vld [tilespmem:s12+$0x16F68];
	v0 =	vadd.f32 v1, v0;
	v1 =	vadd.f32 v4, v3  }
0x3a3: {  	v9 =	vadd.f32 v11, v10;
	v10 =	vadd.f32 v62, v61;
	v3 =	vld [tilespmem:s12+$0x16F20]  }
0x3a4: {  	v4 =	vld [tilespmem:s12+$0x16F38];
	v0 =	vadd.f32 v1, v0;
	v11 =	vadd.f32 v7, v63  }
0x3a5: {  	v9 =	vadd.f32 v9, v8;
	v8 =	vld [tilespmem:s12+$0x16F98];
	v1 =	vimm.f32 $0.0e+00  }
0x3a6: {  	s13 =	simm.s32 $0x600;
	v7 =	vld [tilespmem:s12+$0x16F80];
	v0 =	vadd.f32 v0, v1;
	v10 =	vadd.f32 v11, v10  }
.LBB2_38:
0x3a7: {  	p0 =	sne.s32 s13, $0x4800;
	v11 =	vld [tilespmem:s12+$0x16FB0]  }
0x3a8: {  	v12 =	vld [tilespmem:s12+$0x16F00];
	v9 =	vadd.f32 v10, v9  }
0x3a9: {  	v10 =	vld [tilespmem:s12+$0x16F18]  }
0x3aa: {  	v13 =	vld [tilespmem:s12+$0x16F30];
	v1 =	vadd.f32 v9, v1  }
0x3ab: {  	v2 =	vadd.f32 v3, v2;
	v3 =	vadd.f32 v6, v4;
	v9 =	vld [tilespmem:s12+$0x16F48]  }
0x3ac: {  	v4 =	vadd.f32 v7, v5;
	v6 =	vld [tilespmem:s12+$0x16F60];
	v5 =	vadd.f32 v11, v8  }
0x3ad: {  	v7 =	vld [tilespmem:s12+$0x16F78]  }
0x3ae: {  	v3 =	vadd.f32 v3, v2;
	v8 =	vld [tilespmem:s12+$0x16F90];
	v4 =	vadd.f32 v5, v4  }
0x3af: {  	v5 =	vadd.f32 v10, v12;
	v11 =	vld [tilespmem:s12+$0x16FA8];
	s12 =	sshra.s32 s13, $0x2  }
0x3b0: {  	v2 =	vld [tilespmem:s12+$0x16F08];
	v9 =	vadd.f32 v9, v13;
	v10 =	vadd.f32 v4, v3  }
0x3b1: {  	v3 =	vld [tilespmem:s12+$0x16F20]  }
.Ltmp17:
0x3b2: {  	v4 =	vld [tilespmem:s12+$0x16F38];
	v12 =	vadd.f32 v7, v6;
	v0 =	vadd.f32 v10, v0;
	(pc) =	sbr.rel @p0 .LBB2_38-.Ltmp17, $4  }
0x3b3: {  	v9 =	vadd.f32 v9, v5;
	v6 =	vld [tilespmem:s12+$0x16F50]  }
0x3b4: {  	v5 =	vld [tilespmem:s12+$0x16F68];
	v10 =	vadd.f32 v11, v8  }
0x3b5: {  	v7 =	vld [tilespmem:s12+$0x16F80]  }
0x3b6: {  	s13 =	sadd.s32 $0x300, s13;
	v8 =	vld [tilespmem:s12+$0x16F98];
	v10 =	vadd.f32 v10, v12  }
0x3b7: {  	v11 =	vld [tilespmem:s12+$0x16F00]  }
0x3b8: {  	v12 =	vld [tilespmem:s12+$0x16F18]  }
0x3b9: {  	v13 =	vld [tilespmem:s12+$0x16F30]  }
0x3ba: {  	v14 =	vld [tilespmem:s12+$0x16F48]  }
0x3bb: {  	v15 =	vld [tilespmem:s12+$0x16F60]  }
0x3bc: {  	v16 =	vld [tilespmem:s12+$0x16F78]  }
0x3bd: {  	v17 =	vld [tilespmem:s12+$0x16F90]  }
0x3be: {  	v18 =	vld [tilespmem:s12+$0x16FA8]  }
0x3bf: {  	v19 =	vld [tilespmem:s12+$0x16FB0]  }
0x3c0: {  	v2 =	vadd.f32 v3, v2  }
0x3c1: {  	v9 =	vadd.f32 v10, v9;
	v3 =	vadd.f32 v6, v4  }
0x3c2: {  	v4 =	vadd.f32 v12, v11;
	v6 =	vadd.f32 v14, v13  }
0x3c3: {  	v10 =	vadd.f32 v16, v15;
	v11 =	vadd.f32 v18, v17  }
0x3c4: {  	v5 =	vadd.f32 v7, v5;
	v7 =	vadd.f32 v19, v8  }
0x3c5: {  	v4 =	vadd.f32 v6, v4;
	v6 =	vadd.f32 v11, v10  }
0x3c6: {  	s11 =	sshll.u32 s11, $0x2;
	v2 =	vadd.f32 v3, v2;
	v3 =	vadd.f32 v7, v5  }
0x3c7: {  	s11 =	sadd.s32 s9, s11;
	v1 =	vadd.f32 v9, v1;
	v4 =	vadd.f32 v6, v4  }
0x3c8: {  	s11 =	smul.u32 $0x48, s11;
	v2 =	vadd.f32 v3, v2  }
0x3c9: {  	v1 =	vadd.f32 v4, v1  }
0x3ca: {  	s11 =	sshra.s32 s11, $0x2;
	v0 =	vadd.f32 v2, v0  }
0x3cb: {  	[tilespmem:s11+$0x1BA00] =	vst v1  }
0x3cc: {  	s13 =	simm.s32 $0x0;
	[tilespmem:s11+$0x1BA08] =	vst v0  }
0x3cd: {  	v0 =	vld [tilespmem:s13+$0x181C8]  }
0x3ce: {  	v1 =	vld [tilespmem:s13+$0x181E0]  }
0x3cf: {  	v2 =	vld [tilespmem:s13+$0x181F8]  }
0x3d0: {  	v3 =	vld [tilespmem:s13+$0x18210]  }
0x3d1: {  	v4 =	vld [tilespmem:s13+$0x18228]  }
0x3d2: {  	v5 =	vld [tilespmem:s13+$0x18240]  }
0x3d3: {  	v6 =	vld [tilespmem:s13+$0x18258]  }
0x3d4: {  	v7 =	vld [tilespmem:s13+$0x18270]  }
0x3d5: {  	v8 =	vld [tilespmem:s13+$0x181C0]  }
0x3d6: {  	v9 =	vld [tilespmem:s13+$0x181D8]  }
0x3d7: {  	v10 =	vld [tilespmem:s13+$0x181F0]  }
0x3d8: {  	v11 =	vld [tilespmem:s13+$0x18208]  }
0x3d9: {  	v61 =	vld [tilespmem:s13+$0x18220]  }
0x3da: {  	v62 =	vld [tilespmem:s13+$0x18238]  }
0x3db: {  	v63 =	vld [tilespmem:s13+$0x18250];
	v0 =	vadd.f32 v1, v0;
	v1 =	vadd.f32 v3, v2  }
0x3dc: {  	s12 =	simm.s32 $0xC0;
	v3 =	vadd.f32 v5, v4;
	v4 =	vadd.f32 v7, v6;
	v7 =	vld [tilespmem:s13+$0x18268]  }
0x3dd: {  	v2 =	vld [tilespmem:s12+$0x181C8]  }
0x3de: {  	v8 =	vadd.f32 v9, v8;
	v6 =	vld [tilespmem:s12+$0x18210]  }
0x3df: {  	v5 =	vld [tilespmem:s12+$0x18228];
	v0 =	vadd.f32 v1, v0;
	v1 =	vadd.f32 v4, v3  }
0x3e0: {  	v9 =	vadd.f32 v11, v10;
	v10 =	vadd.f32 v62, v61;
	v3 =	vld [tilespmem:s12+$0x181E0]  }
0x3e1: {  	v4 =	vld [tilespmem:s12+$0x181F8];
	v1 =	vadd.f32 v1, v0;
	v11 =	vadd.f32 v7, v63  }
0x3e2: {  	v9 =	vadd.f32 v9, v8;
	v8 =	vld [tilespmem:s12+$0x18258];
	v0 =	vimm.f32 $0.0e+00  }
0x3e3: {  	s13 =	simm.s32 $0x600;
	v7 =	vld [tilespmem:s12+$0x18240];
	v1 =	vadd.f32 v1, v0;
	v10 =	vadd.f32 v11, v10  }
.LBB2_40:
0x3e4: {  	p0 =	sne.s32 s13, $0x4800;
	v11 =	vld [tilespmem:s12+$0x18270]  }
0x3e5: {  	v12 =	vld [tilespmem:s12+$0x181C0];
	v9 =	vadd.f32 v10, v9  }
0x3e6: {  	v10 =	vld [tilespmem:s12+$0x181D8]  }
0x3e7: {  	v13 =	vld [tilespmem:s12+$0x181F0];
	v0 =	vadd.f32 v9, v0  }
0x3e8: {  	v2 =	vadd.f32 v3, v2;
	v3 =	vadd.f32 v6, v4;
	v9 =	vld [tilespmem:s12+$0x18208]  }
0x3e9: {  	v4 =	vadd.f32 v7, v5;
	v6 =	vld [tilespmem:s12+$0x18220];
	v5 =	vadd.f32 v11, v8  }
0x3ea: {  	v7 =	vld [tilespmem:s12+$0x18238]  }
0x3eb: {  	v3 =	vadd.f32 v3, v2;
	v8 =	vld [tilespmem:s12+$0x18250];
	v4 =	vadd.f32 v5, v4  }
0x3ec: {  	v5 =	vadd.f32 v10, v12;
	v11 =	vld [tilespmem:s12+$0x18268];
	s12 =	sshra.s32 s13, $0x2  }
0x3ed: {  	v2 =	vld [tilespmem:s12+$0x181C8];
	v9 =	vadd.f32 v9, v13;
	v10 =	vadd.f32 v4, v3  }
0x3ee: {  	v3 =	vld [tilespmem:s12+$0x181E0]  }
.Ltmp18:
0x3ef: {  	v4 =	vld [tilespmem:s12+$0x181F8];
	v12 =	vadd.f32 v7, v6;
	v1 =	vadd.f32 v10, v1;
	(pc) =	sbr.rel @p0 .LBB2_40-.Ltmp18, $4  }
0x3f0: {  	v9 =	vadd.f32 v9, v5;
	v6 =	vld [tilespmem:s12+$0x18210]  }
0x3f1: {  	v5 =	vld [tilespmem:s12+$0x18228];
	v10 =	vadd.f32 v11, v8  }
0x3f2: {  	v7 =	vld [tilespmem:s12+$0x18240]  }
0x3f3: {  	s13 =	sadd.s32 $0x300, s13;
	v8 =	vld [tilespmem:s12+$0x18258];
	v10 =	vadd.f32 v10, v12  }
0x3f4: {  	v11 =	vld [tilespmem:s12+$0x181C0]  }
0x3f5: {  	v12 =	vld [tilespmem:s12+$0x181D8]  }
0x3f6: {  	v13 =	vld [tilespmem:s12+$0x181F0]  }
0x3f7: {  	v14 =	vld [tilespmem:s12+$0x18208]  }
0x3f8: {  	v15 =	vld [tilespmem:s12+$0x18220]  }
0x3f9: {  	v16 =	vld [tilespmem:s12+$0x18238]  }
0x3fa: {  	v17 =	vld [tilespmem:s12+$0x18250]  }
0x3fb: {  	v18 =	vld [tilespmem:s12+$0x18268]  }
0x3fc: {  	v19 =	vld [tilespmem:s12+$0x18270]  }
0x3fd: {  	v2 =	vadd.f32 v3, v2  }
0x3fe: {  	v9 =	vadd.f32 v10, v9;
	v3 =	vadd.f32 v6, v4  }
0x3ff: {  	v4 =	vadd.f32 v12, v11;
	v6 =	vadd.f32 v14, v13  }
0x400: {  	v10 =	vadd.f32 v16, v15;
	v11 =	vadd.f32 v18, v17  }
0x401: {  	v5 =	vadd.f32 v7, v5;
	v7 =	vadd.f32 v19, v8  }
0x402: {  	v4 =	vadd.f32 v6, v4;
	v6 =	vadd.f32 v11, v10  }
0x403: {  	v2 =	vadd.f32 v3, v2;
	v3 =	vadd.f32 v7, v5  }
0x404: {  	v0 =	vadd.f32 v9, v0;
	v4 =	vadd.f32 v6, v4  }
0x405: {  	v2 =	vadd.f32 v3, v2  }
0x406: {  	v0 =	vadd.f32 v4, v0  }
0x407: {  	v1 =	vadd.f32 v2, v1  }
0x408: {  	[tilespmem:s11+$0x1BA12] =	vst v0  }
0x409: {  	s13 =	simm.s32 $0x0;
	[tilespmem:s11+$0x1BA1A] =	vst v1  }
0x40a: {  	v0 =	vld [tilespmem:s13+$0x19488]  }
0x40b: {  	v1 =	vld [tilespmem:s13+$0x194A0]  }
0x40c: {  	v2 =	vld [tilespmem:s13+$0x194B8]  }
0x40d: {  	v3 =	vld [tilespmem:s13+$0x194D0]  }
0x40e: {  	v4 =	vld [tilespmem:s13+$0x194E8]  }
0x40f: {  	v5 =	vld [tilespmem:s13+$0x19500]  }
0x410: {  	v6 =	vld [tilespmem:s13+$0x19518]  }
0x411: {  	v7 =	vld [tilespmem:s13+$0x19530]  }
0x412: {  	v8 =	vld [tilespmem:s13+$0x19480]  }
0x413: {  	v9 =	vld [tilespmem:s13+$0x19498]  }
0x414: {  	v10 =	vld [tilespmem:s13+$0x194B0]  }
0x415: {  	v11 =	vld [tilespmem:s13+$0x194C8]  }
0x416: {  	v61 =	vld [tilespmem:s13+$0x194E0]  }
0x417: {  	v62 =	vld [tilespmem:s13+$0x194F8]  }
0x418: {  	v63 =	vld [tilespmem:s13+$0x19510];
	v0 =	vadd.f32 v1, v0;
	v1 =	vadd.f32 v3, v2  }
0x419: {  	s12 =	simm.s32 $0xC0;
	v3 =	vadd.f32 v5, v4;
	v4 =	vadd.f32 v7, v6;
	v7 =	vld [tilespmem:s13+$0x19528]  }
0x41a: {  	v2 =	vld [tilespmem:s12+$0x19488]  }
0x41b: {  	v8 =	vadd.f32 v9, v8;
	v6 =	vld [tilespmem:s12+$0x194D0]  }
0x41c: {  	v5 =	vld [tilespmem:s12+$0x194E8];
	v0 =	vadd.f32 v1, v0;
	v1 =	vadd.f32 v4, v3  }
0x41d: {  	v9 =	vadd.f32 v11, v10;
	v10 =	vadd.f32 v62, v61;
	v3 =	vld [tilespmem:s12+$0x194A0]  }
0x41e: {  	v4 =	vld [tilespmem:s12+$0x194B8];
	v1 =	vadd.f32 v1, v0;
	v11 =	vadd.f32 v7, v63  }
0x41f: {  	v9 =	vadd.f32 v9, v8;
	v8 =	vld [tilespmem:s12+$0x19518];
	v0 =	vimm.f32 $0.0e+00  }
0x420: {  	s13 =	simm.s32 $0x600;
	v7 =	vld [tilespmem:s12+$0x19500];
	v1 =	vadd.f32 v1, v0;
	v10 =	vadd.f32 v11, v10  }
.LBB2_42:
0x421: {  	p0 =	sne.s32 s13, $0x4800;
	v11 =	vld [tilespmem:s12+$0x19530]  }
0x422: {  	v12 =	vld [tilespmem:s12+$0x19480];
	v9 =	vadd.f32 v10, v9  }
0x423: {  	v10 =	vld [tilespmem:s12+$0x19498]  }
0x424: {  	v13 =	vld [tilespmem:s12+$0x194B0];
	v0 =	vadd.f32 v9, v0  }
0x425: {  	v2 =	vadd.f32 v3, v2;
	v3 =	vadd.f32 v6, v4;
	v9 =	vld [tilespmem:s12+$0x194C8]  }
0x426: {  	v4 =	vadd.f32 v7, v5;
	v6 =	vld [tilespmem:s12+$0x194E0];
	v5 =	vadd.f32 v11, v8  }
0x427: {  	v7 =	vld [tilespmem:s12+$0x194F8]  }
0x428: {  	v3 =	vadd.f32 v3, v2;
	v8 =	vld [tilespmem:s12+$0x19510];
	v4 =	vadd.f32 v5, v4  }
0x429: {  	v5 =	vadd.f32 v10, v12;
	v11 =	vld [tilespmem:s12+$0x19528];
	s12 =	sshra.s32 s13, $0x2  }
0x42a: {  	v2 =	vld [tilespmem:s12+$0x19488];
	v9 =	vadd.f32 v9, v13;
	v10 =	vadd.f32 v4, v3  }
0x42b: {  	v3 =	vld [tilespmem:s12+$0x194A0]  }
.Ltmp19:
0x42c: {  	v4 =	vld [tilespmem:s12+$0x194B8];
	v12 =	vadd.f32 v7, v6;
	v1 =	vadd.f32 v10, v1;
	(pc) =	sbr.rel @p0 .LBB2_42-.Ltmp19, $4  }
0x42d: {  	v9 =	vadd.f32 v9, v5;
	v6 =	vld [tilespmem:s12+$0x194D0]  }
0x42e: {  	v5 =	vld [tilespmem:s12+$0x194E8];
	v10 =	vadd.f32 v11, v8  }
0x42f: {  	v7 =	vld [tilespmem:s12+$0x19500]  }
0x430: {  	s13 =	sadd.s32 $0x300, s13;
	v8 =	vld [tilespmem:s12+$0x19518];
	v10 =	vadd.f32 v10, v12  }
0x431: {  	v11 =	vld [tilespmem:s12+$0x19480]  }
0x432: {  	v12 =	vld [tilespmem:s12+$0x19498]  }
0x433: {  	v13 =	vld [tilespmem:s12+$0x194B0]  }
0x434: {  	v14 =	vld [tilespmem:s12+$0x194C8]  }
0x435: {  	v15 =	vld [tilespmem:s12+$0x194E0]  }
0x436: {  	v16 =	vld [tilespmem:s12+$0x194F8]  }
0x437: {  	v17 =	vld [tilespmem:s12+$0x19510]  }
0x438: {  	v18 =	vld [tilespmem:s12+$0x19528]  }
0x439: {  	v19 =	vld [tilespmem:s12+$0x19530]  }
0x43a: {  	v2 =	vadd.f32 v3, v2  }
0x43b: {  	v9 =	vadd.f32 v10, v9;
	v3 =	vadd.f32 v6, v4  }
0x43c: {  	v4 =	vadd.f32 v12, v11;
	v6 =	vadd.f32 v14, v13  }
0x43d: {  	v10 =	vadd.f32 v16, v15;
	v11 =	vadd.f32 v18, v17  }
0x43e: {  	v5 =	vadd.f32 v7, v5;
	v7 =	vadd.f32 v19, v8  }
0x43f: {  	v4 =	vadd.f32 v6, v4;
	v6 =	vadd.f32 v11, v10  }
0x440: {  	v2 =	vadd.f32 v3, v2;
	v3 =	vadd.f32 v7, v5  }
0x441: {  	v0 =	vadd.f32 v9, v0;
	v4 =	vadd.f32 v6, v4  }
0x442: {  	v2 =	vadd.f32 v3, v2  }
0x443: {  	v0 =	vadd.f32 v4, v0  }
0x444: {  	v1 =	vadd.f32 v2, v1  }
0x445: {  	[tilespmem:s11+$0x1BA24] =	vst v0  }
0x446: {  	s13 =	simm.s32 $0x0;
	[tilespmem:s11+$0x1BA2C] =	vst v1  }
0x447: {  	v0 =	vld [tilespmem:s13+$0x1A748]  }
0x448: {  	v1 =	vld [tilespmem:s13+$0x1A760]  }
0x449: {  	v2 =	vld [tilespmem:s13+$0x1A778]  }
0x44a: {  	v3 =	vld [tilespmem:s13+$0x1A790]  }
0x44b: {  	v4 =	vld [tilespmem:s13+$0x1A7A8]  }
0x44c: {  	v5 =	vld [tilespmem:s13+$0x1A7C0]  }
0x44d: {  	v6 =	vld [tilespmem:s13+$0x1A7D8]  }
0x44e: {  	v7 =	vld [tilespmem:s13+$0x1A7F0]  }
0x44f: {  	v8 =	vld [tilespmem:s13+$0x1A740]  }
0x450: {  	v9 =	vld [tilespmem:s13+$0x1A758]  }
0x451: {  	v10 =	vld [tilespmem:s13+$0x1A770]  }
0x452: {  	v11 =	vld [tilespmem:s13+$0x1A788]  }
0x453: {  	v61 =	vld [tilespmem:s13+$0x1A7A0]  }
0x454: {  	v62 =	vld [tilespmem:s13+$0x1A7B8]  }
0x455: {  	v63 =	vld [tilespmem:s13+$0x1A7D0];
	v0 =	vadd.f32 v1, v0;
	v1 =	vadd.f32 v3, v2  }
0x456: {  	s12 =	simm.s32 $0xC0;
	v3 =	vadd.f32 v5, v4;
	v4 =	vadd.f32 v7, v6;
	v7 =	vld [tilespmem:s13+$0x1A7E8]  }
0x457: {  	v2 =	vld [tilespmem:s12+$0x1A748]  }
0x458: {  	v8 =	vadd.f32 v9, v8;
	v6 =	vld [tilespmem:s12+$0x1A790]  }
0x459: {  	v5 =	vld [tilespmem:s12+$0x1A7A8];
	v0 =	vadd.f32 v1, v0;
	v1 =	vadd.f32 v4, v3  }
0x45a: {  	v9 =	vadd.f32 v11, v10;
	v10 =	vadd.f32 v62, v61;
	v3 =	vld [tilespmem:s12+$0x1A760]  }
0x45b: {  	v4 =	vld [tilespmem:s12+$0x1A778];
	v1 =	vadd.f32 v1, v0;
	v11 =	vadd.f32 v7, v63  }
0x45c: {  	v9 =	vadd.f32 v9, v8;
	v8 =	vld [tilespmem:s12+$0x1A7D8];
	v0 =	vimm.f32 $0.0e+00  }
0x45d: {  	s13 =	simm.s32 $0x600;
	v7 =	vld [tilespmem:s12+$0x1A7C0];
	v1 =	vadd.f32 v1, v0;
	v10 =	vadd.f32 v11, v10  }
.LBB2_44:
0x45e: {  	p0 =	sne.s32 s13, $0x4800;
	v11 =	vld [tilespmem:s12+$0x1A7F0]  }
0x45f: {  	v12 =	vld [tilespmem:s12+$0x1A740];
	v9 =	vadd.f32 v10, v9  }
0x460: {  	v10 =	vld [tilespmem:s12+$0x1A758]  }
0x461: {  	v13 =	vld [tilespmem:s12+$0x1A770];
	v0 =	vadd.f32 v9, v0  }
0x462: {  	v2 =	vadd.f32 v3, v2;
	v3 =	vadd.f32 v6, v4;
	v9 =	vld [tilespmem:s12+$0x1A788]  }
0x463: {  	v4 =	vadd.f32 v7, v5;
	v6 =	vld [tilespmem:s12+$0x1A7A0];
	v5 =	vadd.f32 v11, v8  }
0x464: {  	v7 =	vld [tilespmem:s12+$0x1A7B8]  }
0x465: {  	v3 =	vadd.f32 v3, v2;
	v8 =	vld [tilespmem:s12+$0x1A7D0];
	v4 =	vadd.f32 v5, v4  }
0x466: {  	v5 =	vadd.f32 v10, v12;
	v11 =	vld [tilespmem:s12+$0x1A7E8];
	s12 =	sshra.s32 s13, $0x2  }
0x467: {  	v2 =	vld [tilespmem:s12+$0x1A748];
	v9 =	vadd.f32 v9, v13;
	v10 =	vadd.f32 v4, v3  }
0x468: {  	v3 =	vld [tilespmem:s12+$0x1A760]  }
.Ltmp20:
0x469: {  	v4 =	vld [tilespmem:s12+$0x1A778];
	v12 =	vadd.f32 v7, v6;
	v1 =	vadd.f32 v10, v1;
	(pc) =	sbr.rel @p0 .LBB2_44-.Ltmp20, $4  }
0x46a: {  	v9 =	vadd.f32 v9, v5;
	v6 =	vld [tilespmem:s12+$0x1A790]  }
0x46b: {  	v5 =	vld [tilespmem:s12+$0x1A7A8];
	v10 =	vadd.f32 v11, v8  }
0x46c: {  	v7 =	vld [tilespmem:s12+$0x1A7C0]  }
0x46d: {  	s13 =	sadd.s32 $0x300, s13;
	v8 =	vld [tilespmem:s12+$0x1A7D8];
	v10 =	vadd.f32 v10, v12  }
0x46e: {  	v11 =	vld [tilespmem:s12+$0x1A740]  }
0x46f: {  	v12 =	vld [tilespmem:s12+$0x1A758]  }
0x470: {  	v13 =	vld [tilespmem:s12+$0x1A770]  }
0x471: {  	v14 =	vld [tilespmem:s12+$0x1A788]  }
0x472: {  	v15 =	vld [tilespmem:s12+$0x1A7A0]  }
0x473: {  	v16 =	vld [tilespmem:s12+$0x1A7B8]  }
0x474: {  	v17 =	vld [tilespmem:s12+$0x1A7D0]  }
0x475: {  	v18 =	vld [tilespmem:s12+$0x1A7E8]  }
0x476: {  	v19 =	vld [tilespmem:s12+$0x1A7F0]  }
0x477: {  	v2 =	vadd.f32 v3, v2  }
0x478: {  	v9 =	vadd.f32 v10, v9;
	v56 =	vadd.f32 v6, v4  }
0x479: {  	v57 =	vadd.f32 v12, v11;
	v58 =	vadd.f32 v14, v13  }
0x47a: {  	v59 =	vadd.f32 v16, v15;
	v60 =	vadd.f32 v18, v17  }
0x47b: {  	v5 =	vadd.f32 v7, v5;
	v61 =	vadd.f32 v19, v8  }
0x47c: {  	v4 =	vadd.f32 v58, v57;
	v62 =	vadd.f32 v60, v59  }
0x47d: {  	s10 =	sadd.s32 $0x1, s10;
	v2 =	vadd.f32 v56, v2;
	v63 =	vadd.f32 v61, v5  }
0x47e: {  	p0 =	sne.s32 s10, $0x8;
	v0 =	vadd.f32 v9, v0;
	v4 =	vadd.f32 v62, v4  }
.Ltmp21:
0x47f: {  	v2 =	vadd.f32 v63, v2;
	(pc) =	sbr.rel @p0 .LBB2_29-.Ltmp21, $4  }
0x480: {  	v0 =	vadd.f32 v4, v0  }
0x481: {  	v1 =	vadd.f32 v2, v1  }
0x482: {  	[tilespmem:s11+$0x1BA36] =	vst v0  }
0x483: {  	[tilespmem:s11+$0x1BA3E] =	vst v1  }
0x484: {  	s8 =	sadd.s32 $0x1, s8  }
0x485: {  	p0 =	sne.s32 s8, $0x8  }
.Ltmp22:
0x486: {  	_ = 	snop;
	(pc) =	sbr.rel @p0 .LBB2_28-.Ltmp22, $1  }
0x487: {  	_ =	sdelay $0x3  }
0x488: {  	s29 =	sadd.s32 $0x1, s29  }
0x489: {  	p0 =	sne.s32 s29, s20  }
.Ltmp23:
0x48a: {  	_ = 	snop;
	(pc) =	sbr.rel @p0 .LBB2_1-.Ltmp23, $4  }
0x48b: {  	[hbm4b:s19+s2] =	stream.linear.scatter [tilespmem:s26], [sflag:$0x3], $0x2400, $0x38;
	[tilespmem:$0x1DE10] =	vst v63  }
0x48c: {  	_ =	swait.ge [sflag:s22], $0x2400  }
0x48d: {  	[sflag:s22] =	ssyncset.done $0x0  }
0x48e: {  	[sflag:s22] =	ssyncadd.s32 $0xFFFFDC00  }
0x48f: {  	_ =	sfence.sel $0x180000  }
0x490: {  	[bflag:$0x0] =	sbarrier.arrive $0xFFFF  }
0x491: {  	_ =	strace $0x90000047  }
0x492: {  	s0 =	stileid.u32;
	[bflag:$0x2] =	sbarrier.arrive $0xFFFF  }
0x493: {  	p0 =	sne.s32 s0, $0x0;
	s0 =	rddreg [dreg:$0x6]  }
0x494: {  	s0 =	sadd.s32 @!p0 $0x100000, s0  }
0x495: {  	[sflag:s0] =	ssyncadd.tile.s32 @!p0 $0x1;
	_ =	shalt  }
.Lfunc_end2:
_tile_overlayer_lowered:
.L_overlay_start_2:
0x496: {  	(tag) =	ssettag $0x2  }
0x497: {  	s0 =	rddreg [dreg:$0x0];
	s2 =	stileid.u32  }
0x498: {  	s1 =	rddreg [dreg:$0x1];
	p0 =	sne.s32 s2, $0x0  }
0x499: {  	s3 =	rddreg [dreg:$0x2];
	[bflag:$0x3] =	sbarrier.arrive $0xFFFF;
	s2 =	simm.s32 @!p0 $0x1C03  }
0x49a: {  	[timem:s3], [sflag:s2] =	dma.local @!p0 [hbm:s0], s1  }
0x49b: {  	s0 =	simm.s32 @!p0 $0x3  }
0x49c: {  	_ =	swait.ge @!p0 [sflag:s0], s1  }
0x49d: {  	s1 =	ssub.s32 @!p0 $0x0, s1;
	[sflag:s0] =	ssyncset.done @!p0 $0x0  }
0x49e: {  	[sflag:s0] =	ssyncadd.s32 @!p0 s1  }
0x49f: {  	[bflag:$0x3] =	sbarrier.arrive $0xFFFF  }
0x4a0: {  	_ =	shalt  }

</sc_bundles>
